<compile_context>
chip_gen: v7x
topology: tpu7x:2x2x1
jax: 0.10.2.dev20260603
libtpu: 0.0.44.dev20260713+nightly
codegen_flags: <defaults>
</compile_context>

<pallas_src>
import functools

import numpy as np

import jax
import jax.numpy as jnp
from jax import lax
from jax.experimental import pallas as pl
from jax.experimental.pallas import tpu as pltpu
from jax.experimental.pallas import tpu_sc as plsc

NUM_EXPERT = 16
D_MODEL = 2048
T_TOKENS = 8192
CAP = T_TOKENS // NUM_EXPERT
ROW_BLK = 1024
L = 16
STEPS = T_TOKENS // L
NBUCKET = 256
MININT = np.int32(-(2**31))
NEG1 = np.int32(-1)


def _affin_body(c_ref, x_ref, o_ref):
    o_ref[...] = jax.lax.dot_general(
        c_ref[...], x_ref[...],
        dimension_numbers=(((1,), (1,)), ((), ())),
        preferred_element_type=jnp.float32,
    )


def _affinities_t(centroids, features):
    return pl.pallas_call(
        _affin_body,
        grid=(T_TOKENS // ROW_BLK,),
        in_specs=[
            pl.BlockSpec((NUM_EXPERT, D_MODEL), lambda i: (0, 0)),
            pl.BlockSpec((ROW_BLK, D_MODEL), lambda i: (i, 0)),
        ],
        out_specs=pl.BlockSpec((NUM_EXPERT, ROW_BLK), lambda i: (0, i)),
        out_shape=jax.ShapeDtypeStruct((NUM_EXPERT, T_TOKENS), jnp.float32),
    )(centroids, features)


def _assign_body(affin_hbm, idx_out, val_out, col_raw, key0, key1, pay0, pay1,
                 hist, totbuf, assigned, cbuf, cbuf2, row_i, fbuf, pbuf,
                 tbuf, ebuf, obuf, vrow, semA, semB, s_idx, s_out):
    cid = lax.axis_index("c")
    sid = lax.axis_index("s")
    lane = lax.iota(jnp.int32, L)
    on_core0 = cid == 0
    ones = jnp.ones((L,), jnp.int32)
    zeros = jnp.zeros((L,), jnp.int32)
    lane_eq15 = lane == 15

    UNROLL = 4
    UNROLL2 = 8

    @pl.when(on_core0)
    def _sort():
      with jax.named_scope("phase_sort"):
        w = sid
        pltpu.sync_copy(affin_hbm.at[w], col_raw)

        def kprep(i, _):
            for u in range(UNROLL):
                o = (i * UNROLL + u) * L
                v = col_raw[pl.ds(o, L)]
                b = lax.bitcast_convert_type(v, jnp.int32)
                m = b >> 31
                asc = b ^ (m | MININT)
                key0[pl.ds(o + (o >> 9), L)] = asc ^ NEG1
            return 0

        lax.fori_loop(0, STEPS // UNROLL, kprep, 0)

        lane_base = lane * (STEPS + 1)
        lane_logical = lane * STEPS

        def radix_pass(shift, srck, srcp, dstk, dstp, first, last=False):
            def zh(i, _):
                for u in range(UNROLL):
                    hist[pl.ds((i * UNROLL + u) * L, L)] = zeros
                return 0

            lax.fori_loop(0, NBUCKET // UNROLL, zh, 0)

            def ha(s, _):
                for u in range(UNROLL2):
                    kk = plsc.load_gather(srck, [lane_base + (s * UNROLL2 + u)])
                    d = lax.shift_right_logical(kk, shift) & 255
                    plsc.addupdate_scatter(hist, [d * L + lane], ones)
                return 0

            lax.fori_loop(0, STEPS // UNROLL2, ha, 0)

            def sc(i, carry):
                h = hist[pl.ds(i * L, L)]
                inc = plsc.cumsum(h)
                tot = jnp.sum(h)
                hist[pl.ds(i * L, L)] = inc - h + carry
                return carry + tot

            lax.fori_loop(0, NBUCKET, sc, jnp.int32(0))

            def pb(s, _):
                for u in range(UNROLL2):
                    su = s * UNROLL2 + u
                    gidx = lane_base + su
                    kk = plsc.load_gather(srck, [gidx])
                    if first:
                        pay = lane_logical + su
                    else:
                        pay = plsc.load_gather(srcp, [gidx])
                    d = lax.shift_right_logical(kk, shift) & 255
                    addr = d * L + lane
                    pos = plsc.load_gather(hist, [addr])
                    if last:
                        ppos = pos
                    else:
                        ppos = pos + (pos >> 9)
                    plsc.store_scatter(dstk, [ppos], kk)
                    plsc.store_scatter(dstp, [ppos], pay)
                    plsc.store_scatter(hist, [addr], pos + 1)
                return 0

            lax.fori_loop(0, STEPS // UNROLL2, pb, 0)

        radix_pass(0, key0, pay0, key1, pay1, True)
        radix_pass(8, key1, pay1, key0, pay0, False)
        radix_pass(16, key0, pay0, key1, pay1, False)
        radix_pass(24, key1, pay1, key0, pay0, False, last=True)
        pltpu.sync_copy(pay0.at[pl.ds(0, T_TOKENS)],
                        s_idx.at[pl.ds(sid * T_TOKENS, T_TOKENS)])

    plsc.subcore_barrier()

    CHUNK = 512
    CHUNK_V = CHUNK // L

    @pl.when(jnp.logical_and(on_core0, sid == 0))
    def _walk():
      with jax.named_scope("phase_walk"):
        def za(i, _):
            for u in range(UNROLL):
                assigned[pl.ds((i * UNROLL + u) * L, L)] = zeros
            return 0

        lax.fori_loop(0, STEPS // UNROLL, za, 0)

        def process(e, buf):
            def wcond(c):
                ci, cnt = c
                return jnp.logical_and(cnt < CAP, ci < NUM_EXPERT)

            def wbody(c):
                ci, cnt = c
                base = ci * CHUNK

                def c1(j, _):
                    for u in range(UNROLL):
                        jj = j * UNROLL + u
                        ids = buf[pl.ds(base + jj * L, L)]
                        fl = plsc.load_gather(assigned, [ids])
                        free = fl == 0
                        fbuf[pl.ds(jj * L, L)] = jnp.where(free, 1, 0)
                        t = plsc.all_reduce_population_count(free)
                        plsc.store_scatter(tbuf, [lane * 0 + jj], t,
                                           mask=lane_eq15)
                    return 0

                lax.fori_loop(0, CHUNK_V // UNROLL, c1, 0)

                t0 = tbuf[pl.ds(0, L)]
                t1 = tbuf[pl.ds(L, L)]
                s0 = jnp.sum(t0)
                ebuf[pl.ds(0, L)] = plsc.cumsum(t0) - t0
                ebuf[pl.ds(L, L)] = plsc.cumsum(t1) - t1 + s0
                ctot = s0 + jnp.sum(t1)

                def c3(j, _):
                    for u in range(UNROLL):
                        jj = j * UNROLL + u
                        ids = buf[pl.ds(base + jj * L, L)]
                        freei = fbuf[pl.ds(jj * L, L)]
                        pv = plsc.cumsum(freei)
                        eoff = plsc.load_gather(ebuf, [lane * 0 + jj])
                        pos = cnt + eoff + pv - 1
                        take = jnp.logical_and(freei == 1, pos < CAP)
                        plsc.store_scatter(row_i, [pos], ids, mask=take)
                        plsc.store_scatter(assigned, [ids], ones, mask=take)
                    return 0

                lax.fori_loop(0, CHUNK_V // UNROLL, c3, 0)
                return (ci + 1, jnp.minimum(cnt + ctot, CAP))

            lax.while_loop(wcond, wbody, (jnp.int32(0), jnp.int32(0)))
            pltpu.sync_copy(row_i, idx_out.at[e])
            pltpu.sync_copy(row_i, s_out.at[pl.ds(e * CAP, CAP)])

        pltpu.async_copy(s_idx.at[pl.ds(0, T_TOKENS)], cbuf, semA)

        def expert2(i, _):
            e0 = 2 * i
            pltpu.make_async_copy(
                s_idx.at[pl.ds(0, T_TOKENS)], cbuf, semA).wait()
            pltpu.async_copy(
                s_idx.at[pl.ds((e0 + 1) * T_TOKENS, T_TOKENS)], cbuf2, semB)
            process(e0, cbuf)

            pltpu.make_async_copy(
                s_idx.at[pl.ds(0, T_TOKENS)], cbuf2, semB).wait()

            @pl.when(i < NUM_EXPERT // 2 - 1)
            def _pf():
                pltpu.async_copy(
                    s_idx.at[pl.ds((e0 + 2) * T_TOKENS, T_TOKENS)], cbuf,
                    semA)

            process(e0 + 1, cbuf2)
            return 0

        lax.fori_loop(0, NUM_EXPERT // 2, expert2, 0)

    plsc.subcore_barrier()

    @pl.when(on_core0)
    def _emit():
      with jax.named_scope("phase_emit"):
        pltpu.sync_copy(s_out.at[pl.ds(sid * CAP, CAP)], obuf)

        def ev(i, _):
            for u in range(UNROLL):
                o = (i * UNROLL + u) * L
                idsv = obuf[pl.ds(o, L)]
                vrow[pl.ds(o, L)] = plsc.load_gather(col_raw, [idsv])
            return 0

        lax.fori_loop(0, CAP // L // UNROLL, ev, 0)
        pltpu.sync_copy(vrow, val_out.at[sid])


def _assign_sc(affin_t):
    mesh = plsc.VectorSubcoreMesh(core_axis_name="c", subcore_axis_name="s")
    f = functools.partial(
        pl.kernel,
        mesh=mesh,
        compiler_params=pltpu.CompilerParams(needs_layout_passes=False),
        out_type=[
            jax.ShapeDtypeStruct((NUM_EXPERT, CAP), jnp.int32),
            jax.ShapeDtypeStruct((NUM_EXPERT, CAP), jnp.float32),
        ],
        scratch_types=[
            pltpu.VMEM((T_TOKENS,), jnp.float32),
            pltpu.VMEM((T_TOKENS + L,), jnp.int32),
            pltpu.VMEM((T_TOKENS + L,), jnp.int32),
            pltpu.VMEM((T_TOKENS + L,), jnp.int32),
            pltpu.VMEM((T_TOKENS + L,), jnp.int32),
            pltpu.VMEM((NBUCKET * L,), jnp.int32),
            pltpu.VMEM((NBUCKET + L,), jnp.int32),
            pltpu.VMEM((T_TOKENS,), jnp.int32),
            pltpu.VMEM((T_TOKENS,), jnp.int32),
            pltpu.VMEM((T_TOKENS,), jnp.int32),
            pltpu.VMEM((CAP,), jnp.int32),
            pltpu.VMEM((512,), jnp.int32),
            pltpu.VMEM((512,), jnp.int32),
            pltpu.VMEM((32,), jnp.int32),
            pltpu.VMEM((32 + L,), jnp.int32),
            pltpu.VMEM((CAP,), jnp.int32),
            pltpu.VMEM((CAP,), jnp.float32),
            pltpu.SemaphoreType.DMA,
            pltpu.SemaphoreType.DMA,
            pltpu.VMEM_SHARED((NUM_EXPERT * T_TOKENS,), jnp.int32),
            pltpu.VMEM_SHARED((NUM_EXPERT * CAP,), jnp.int32),
        ],
    )(_assign_body)
    return f(affin_t)


def kernel(input_features, expert_centroids):
    features = input_features.reshape(-1, input_features.shape[-1])
    affin_t = _affinities_t(expert_centroids, features)
    top_idx, top_value = _assign_sc(affin_t)
    return top_idx, top_value

# --- scband reference (transcript-rebuilt; emitter-appended) ---
"""Pipeline reference for scband-base-layer-gate-20925080666297 (READ-ONLY COPY).

The authoritative reference and input builder live on the scoring server;
editing this copy changes nothing except your own understanding.
"""

import jax, jax.numpy as jnp
import numpy as np

NUM_EXPERT = 16
D_MODEL = 2048


def setup_inputs(seed: int = 0) -> dict:
    key = jax.random.key(seed)
    k1, k2 = jax.random.split(key)
    input_features = jax.random.normal(k1, (4, 2048, D_MODEL), dtype=jnp.float32)
    # expert_centroids parameter: orthogonal_(gain=0.1) approximated by small gaussian
    expert_centroids = jax.random.normal(k2, (NUM_EXPERT, D_MODEL), dtype=jnp.float32) * 0.1
    return {"input_features": input_features, "expert_centroids": expert_centroids}


def _balanced_assignment(scores, num_expert):
    # Greedy balanced assignment: each expert receives exactly T // num_expert tokens,
    # experts pick their top-capacity tokens in order, masking already-assigned tokens.
    T = scores.shape[0]
    cap = T // num_expert
    assigned = jnp.zeros((T,), dtype=bool)
    rows = []
    for e in range(num_expert):
        col = jnp.where(assigned, -jnp.inf, scores[:, e])
        _, idx = jax.lax.top_k(col, cap)
        assigned = assigned.at[idx].set(True)
        rows.append(idx)
    return jnp.stack(rows, axis=0)  # [E, cap] int32


def reference(input_features, expert_centroids):
    num_expert = expert_centroids.shape[0]
    features = input_features.reshape(-1, input_features.shape[-1])  # [T, d]
    # inference path: no shuffle / All2All (identity on a single worker)
    # affinities computed under no_grad in the torch module
    affin = jax.lax.stop_gradient(features @ expert_centroids.T)  # [T, E]
    ok = jnp.isfinite(affin)
    finite_min = jnp.min(jnp.where(ok, affin, jnp.inf))
    affin = jnp.where(ok, affin, finite_min)
    top_idx = _balanced_assignment(affin, num_expert)  # [E, cap]
    cols = jnp.broadcast_to(jnp.arange(num_expert)[:, None], top_idx.shape)
    top_value = affin[top_idx, cols]  # [E, cap]
    return top_idx, top_value

if __name__ == "__main__":
    import jax
    _d = setup_inputs()
    print(jax.jit(kernel)(*tuple(_d.values())))

</pallas_src>

<mosaic_0001>
#map = affine_map<(d0, d1) -> (0, 0)>
module attributes {stable_mosaic.version = 14 : i64} {
  func.func @_assign_body(%arg0: i32, %arg1: i32, %arg2: memref<16x8192xf32, #tpu.memory_space<hbm>>, %arg3: memref<16x512xi32, #tpu.memory_space<hbm>>, %arg4: memref<16x512xf32, #tpu.memory_space<hbm>>, %arg5: memref<8192xf32, #tpu.memory_space<vmem>>, %arg6: memref<8208xi32, #tpu.memory_space<vmem>>, %arg7: memref<8208xi32, #tpu.memory_space<vmem>>, %arg8: memref<8208xi32, #tpu.memory_space<vmem>>, %arg9: memref<8208xi32, #tpu.memory_space<vmem>>, %arg10: memref<4096xi32, #tpu.memory_space<vmem>>, %arg11: memref<272xi32, #tpu.memory_space<vmem>>, %arg12: memref<8192xi32, #tpu.memory_space<vmem>>, %arg13: memref<8192xi32, #tpu.memory_space<vmem>>, %arg14: memref<8192xi32, #tpu.memory_space<vmem>>, %arg15: memref<512xi32, #tpu.memory_space<vmem>>, %arg16: memref<512xi32, #tpu.memory_space<vmem>>, %arg17: memref<512xi32, #tpu.memory_space<vmem>>, %arg18: memref<32xi32, #tpu.memory_space<vmem>>, %arg19: memref<48xi32, #tpu.memory_space<vmem>>, %arg20: memref<512xi32, #tpu.memory_space<vmem>>, %arg21: memref<512xf32, #tpu.memory_space<vmem>>, %arg22: memref<!tpu.dma_semaphore, #tpu.memory_space<semaphore_mem>>, %arg23: memref<!tpu.dma_semaphore, #tpu.memory_space<semaphore_mem>>, %arg24: memref<131072xi32, #tpu.memory_space<vmem_shared>>, %arg25: memref<8192xi32, #tpu.memory_space<vmem_shared>>) attributes {dimension_semantics = [#tpu.dimension_semantics<core_parallel>, #tpu.dimension_semantics<subcore_parallel>], iteration_bounds = array<i64: 2, 16>, scalar_prefetch = 0 : i64, scratch_operands = 21 : i64, tpu.core_type = #tpu.core_type<sc_vector_subcore>, window_params = [{transform_indices = #map}, {transform_indices = #map}, {transform_indices = #map}]} {
    %iota3A = tpu.iota {dimensions = array<i32: 0>} : vector<16xi32>
    %eq3A = arith.constant 0 : i32
    %eq3A_0 = arith.cmpi eq, %arg0, %eq3A : i32
    %broadcast_in_dim3A = arith.constant 1 : i32
    %broadcast_in_dim3A_1 = vector.broadcast %broadcast_in_dim3A : i32 to vector<16xi32>
    %broadcast_in_dim3A_2 = arith.constant 0 : i32
    %broadcast_in_dim3A_3 = vector.broadcast %broadcast_in_dim3A_2 : i32 to vector<16xi32>
    %eq3A_4 = arith.constant 15 : i32
    %eq3A_5 = vector.broadcast %eq3A_4 : i32 to vector<16xi32>
    %eq3A_6 = arith.cmpi eq, %iota3A, %eq3A_5 : vector<16xi32>
    %convert_element_type3A = arith.extui %eq3A_0 : i1 to i32
    %cond3A = arith.constant 0 : i32
    %cond3A_7 = arith.cmpi ne, %convert_element_type3A, %cond3A : i32
    scf.if %cond3A_7 {
      "tpu.trace_start"() <{level = 10 : i32, message = "phase_sort"}> : () -> ()
      "tpu.region"() ({
        %run_scoped3A = tpu.sem_alloc : memref<!tpu.dma_semaphore, #tpu.memory_space<semaphore_mem>>
        %dma_start3A = arith.constant 0 : i32
        %dma_start3A_142 = tpu.memref_slice %arg2[%arg1, %dma_start3A] : memref<16x8192xf32, #tpu.memory_space<hbm>> -> memref<1x8192xf32, #tpu.memory_space<hbm>>
        %dma_start3A_143 = tpu.memref_squeeze %dma_start3A_142 : memref<1x8192xf32, #tpu.memory_space<hbm>> -> memref<8192xf32, #tpu.memory_space<hbm>>
        %dma_start3A_144 = arith.constant 0 : i32
        %dma_start3A_145 = tpu.memref_slice %arg2[%arg1, %dma_start3A_144] : memref<16x8192xf32, #tpu.memory_space<hbm>> -> memref<1x8192xf32, #tpu.memory_space<hbm>>
        %dma_start3A_146 = tpu.memref_squeeze %dma_start3A_145 : memref<1x8192xf32, #tpu.memory_space<hbm>> -> memref<8192xf32, #tpu.memory_space<hbm>>
        tpu.enqueue_dma source(%dma_start3A_146 : memref<8192xf32, #tpu.memory_space<hbm>>) target(%arg5 : memref<8192xf32, #tpu.memory_space<vmem>>) target_semaphore(%run_scoped3A : memref<!tpu.dma_semaphore, #tpu.memory_space<semaphore_mem>>)
        %dma_wait3A = arith.constant 0 : i32
        %dma_wait3A_147 = tpu.memref_slice %arg2[%arg1, %dma_wait3A] : memref<16x8192xf32, #tpu.memory_space<hbm>> -> memref<1x8192xf32, #tpu.memory_space<hbm>>
        %dma_wait3A_148 = tpu.memref_squeeze %dma_wait3A_147 : memref<1x8192xf32, #tpu.memory_space<hbm>> -> memref<8192xf32, #tpu.memory_space<hbm>>
        %dma_wait3A_149 = arith.constant 0 : i32
        %dma_wait3A_150 = tpu.memref_slice %arg2[%arg1, %dma_wait3A_149] : memref<16x8192xf32, #tpu.memory_space<hbm>> -> memref<1x8192xf32, #tpu.memory_space<hbm>>
        %dma_wait3A_151 = tpu.memref_squeeze %dma_wait3A_150 : memref<1x8192xf32, #tpu.memory_space<hbm>> -> memref<8192xf32, #tpu.memory_space<hbm>>
        tpu.wait_dma2 semaphore(%run_scoped3A : memref<!tpu.dma_semaphore, #tpu.memory_space<semaphore_mem>>) src(%dma_wait3A_151 : memref<8192xf32, #tpu.memory_space<hbm>>) dst(%arg5 : memref<8192xf32, #tpu.memory_space<vmem>>)
        tpu.yield
      }) : () -> ()
      %scan3A = arith.constant 0 : i32
      %scan3A_17 = arith.constant 0 : i32
      %scan3A_18 = arith.constant 128 : i32
      %scan3A_19 = arith.addi %scan3A_17, %scan3A_18 : i32
      %scan3A_20 = arith.constant 1 : i32
      %scan3A_21 = scf.for %scan3A_142 = %scan3A_17 to %scan3A_19 step %scan3A_20 iter_args(%scan3A_143 = %scan3A) -> (i32)  : i32 {
        %mul3A_144 = arith.constant 4 : i32
        %mul3A_145 = arith.muli %scan3A_142, %mul3A_144 : i32
        %add3A = arith.constant 0 : i32
        %add3A_146 = arith.addi %mul3A_145, %add3A : i32
        %mul3A_147 = arith.constant 16 : i32
        %mul3A_148 = arith.muli %add3A_146, %mul3A_147 : i32
        %get3A = arith.index_cast %mul3A_148 : i32 to index
        %get3A_149 = tpu.vector_load %arg5[%get3A] {strides = array<i32>} : memref<8192xf32, #tpu.memory_space<vmem>>, vector<16xf32>,
        %bitcast_convert_type3A = tpu.bitcast %get3A_149 : vector<16xf32> -> vector<16xi32>
        %shift_right_arithmetic3A = arith.constant 31 : i32
        %shift_right_arithmetic3A_150 = vector.broadcast %shift_right_arithmetic3A : i32 to vector<16xi32>
        %shift_right_arithmetic3A_151 = arith.shrsi %bitcast_convert_type3A, %shift_right_arithmetic3A_150 : vector<16xi32>
        %or3A = arith.constant -2147483648 : i32
        %or3A_152 = vector.broadcast %or3A : i32 to vector<16xi32>
        %or3A_153 = arith.ori %shift_right_arithmetic3A_151, %or3A_152 : vector<16xi32>
        %xor3A = arith.xori %bitcast_convert_type3A, %or3A_153 : vector<16xi32>
        %xor3A_154 = arith.constant -1 : i32
        %xor3A_155 = vector.broadcast %xor3A_154 : i32 to vector<16xi32>
        %xor3A_156 = arith.xori %xor3A, %xor3A_155 : vector<16xi32>
        %shift_right_arithmetic3A_157 = arith.constant 9 : i32
        %shift_right_arithmetic3A_158 = arith.shrsi %mul3A_148, %shift_right_arithmetic3A_157 : i32
        %add3A_159 = arith.addi %mul3A_148, %shift_right_arithmetic3A_158 : i32
        %swap3A = arith.index_cast %add3A_159 : i32 to index
        %swap3A_160 = tpu.vector_load %arg6[%swap3A] {strides = array<i32>} : memref<8208xi32, #tpu.memory_space<vmem>>, vector<16xi32>,
        tpu.vector_store %arg6[%swap3A], %xor3A_156 {strides = array<i32>} : memref<8208xi32, #tpu.memory_space<vmem>>, vector<16xi32>,
        %mul3A_161 = arith.constant 4 : i32
        %mul3A_162 = arith.muli %scan3A_142, %mul3A_161 : i32
        %add3A_163 = arith.constant 1 : i32
        %add3A_164 = arith.addi %mul3A_162, %add3A_163 : i32
        %mul3A_165 = arith.constant 16 : i32
        %mul3A_166 = arith.muli %add3A_164, %mul3A_165 : i32
        %get3A_167 = arith.index_cast %mul3A_166 : i32 to index
        %get3A_168 = tpu.vector_load %arg5[%get3A_167] {strides = array<i32>} : memref<8192xf32, #tpu.memory_space<vmem>>, vector<16xf32>,
        %bitcast_convert_type3A_169 = tpu.bitcast %get3A_168 : vector<16xf32> -> vector<16xi32>
        %shift_right_arithmetic3A_170 = arith.constant 31 : i32
        %shift_right_arithmetic3A_171 = vector.broadcast %shift_right_arithmetic3A_170 : i32 to vector<16xi32>
        %shift_right_arithmetic3A_172 = arith.shrsi %bitcast_convert_type3A_169, %shift_right_arithmetic3A_171 : vector<16xi32>
        %or3A_173 = arith.constant -2147483648 : i32
        %or3A_174 = vector.broadcast %or3A_173 : i32 to vector<16xi32>
        %or3A_175 = arith.ori %shift_right_arithmetic3A_172, %or3A_174 : vector<16xi32>
        %xor3A_176 = arith.xori %bitcast_convert_type3A_169, %or3A_175 : vector<16xi32>
        %xor3A_177 = arith.constant -1 : i32
        %xor3A_178 = vector.broadcast %xor3A_177 : i32 to vector<16xi32>
        %xor3A_179 = arith.xori %xor3A_176, %xor3A_178 : vector<16xi32>
        %shift_right_arithmetic3A_180 = arith.constant 9 : i32
        %shift_right_arithmetic3A_181 = arith.shrsi %mul3A_166, %shift_right_arithmetic3A_180 : i32
        %add3A_182 = arith.addi %mul3A_166, %shift_right_arithmetic3A_181 : i32
        %swap3A_183 = arith.index_cast %add3A_182 : i32 to index
        %swap3A_184 = tpu.vector_load %arg6[%swap3A_183] {strides = array<i32>} : memref<8208xi32, #tpu.memory_space<vmem>>, vector<16xi32>,
        tpu.vector_store %arg6[%swap3A_183], %xor3A_179 {strides = array<i32>} : memref<8208xi32, #tpu.memory_space<vmem>>, vector<16xi32>,
        %mul3A_185 = arith.constant 4 : i32
        %mul3A_186 = arith.muli %scan3A_142, %mul3A_185 : i32
        %add3A_187 = arith.constant 2 : i32
        %add3A_188 = arith.addi %mul3A_186, %add3A_187 : i32
        %mul3A_189 = arith.constant 16 : i32
        %mul3A_190 = arith.muli %add3A_188, %mul3A_189 : i32
        %get3A_191 = arith.index_cast %mul3A_190 : i32 to index
        %get3A_192 = tpu.vector_load %arg5[%get3A_191] {strides = array<i32>} : memref<8192xf32, #tpu.memory_space<vmem>>, vector<16xf32>,
        %bitcast_convert_type3A_193 = tpu.bitcast %get3A_192 : vector<16xf32> -> vector<16xi32>
        %shift_right_arithmetic3A_194 = arith.constant 31 : i32
        %shift_right_arithmetic3A_195 = vector.broadcast %shift_right_arithmetic3A_194 : i32 to vector<16xi32>
        %shift_right_arithmetic3A_196 = arith.shrsi %bitcast_convert_type3A_193, %shift_right_arithmetic3A_195 : vector<16xi32>
        %or3A_197 = arith.constant -2147483648 : i32
        %or3A_198 = vector.broadcast %or3A_197 : i32 to vector<16xi32>
        %or3A_199 = arith.ori %shift_right_arithmetic3A_196, %or3A_198 : vector<16xi32>
        %xor3A_200 = arith.xori %bitcast_convert_type3A_193, %or3A_199 : vector<16xi32>
        %xor3A_201 = arith.constant -1 : i32
        %xor3A_202 = vector.broadcast %xor3A_201 : i32 to vector<16xi32>
        %xor3A_203 = arith.xori %xor3A_200, %xor3A_202 : vector<16xi32>
        %shift_right_arithmetic3A_204 = arith.constant 9 : i32
        %shift_right_arithmetic3A_205 = arith.shrsi %mul3A_190, %shift_right_arithmetic3A_204 : i32
        %add3A_206 = arith.addi %mul3A_190, %shift_right_arithmetic3A_205 : i32
        %swap3A_207 = arith.index_cast %add3A_206 : i32 to index
        %swap3A_208 = tpu.vector_load %arg6[%swap3A_207] {strides = array<i32>} : memref<8208xi32, #tpu.memory_space<vmem>>, vector<16xi32>,
        tpu.vector_store %arg6[%swap3A_207], %xor3A_203 {strides = array<i32>} : memref<8208xi32, #tpu.memory_space<vmem>>, vector<16xi32>,
        %mul3A_209 = arith.constant 4 : i32
        %mul3A_210 = arith.muli %scan3A_142, %mul3A_209 : i32
        %add3A_211 = arith.constant 3 : i32
        %add3A_212 = arith.addi %mul3A_210, %add3A_211 : i32
        %mul3A_213 = arith.constant 16 : i32
        %mul3A_214 = arith.muli %add3A_212, %mul3A_213 : i32
        %get3A_215 = arith.index_cast %mul3A_214 : i32 to index
        %get3A_216 = tpu.vector_load %arg5[%get3A_215] {strides = array<i32>} : memref<8192xf32, #tpu.memory_space<vmem>>, vector<16xf32>,
        %bitcast_convert_type3A_217 = tpu.bitcast %get3A_216 : vector<16xf32> -> vector<16xi32>
        %shift_right_arithmetic3A_218 = arith.constant 31 : i32
        %shift_right_arithmetic3A_219 = vector.broadcast %shift_right_arithmetic3A_218 : i32 to vector<16xi32>
        %shift_right_arithmetic3A_220 = arith.shrsi %bitcast_convert_type3A_217, %shift_right_arithmetic3A_219 : vector<16xi32>
        %or3A_221 = arith.constant -2147483648 : i32
        %or3A_222 = vector.broadcast %or3A_221 : i32 to vector<16xi32>
        %or3A_223 = arith.ori %shift_right_arithmetic3A_220, %or3A_222 : vector<16xi32>
        %xor3A_224 = arith.xori %bitcast_convert_type3A_217, %or3A_223 : vector<16xi32>
        %xor3A_225 = arith.constant -1 : i32
        %xor3A_226 = vector.broadcast %xor3A_225 : i32 to vector<16xi32>
        %xor3A_227 = arith.xori %xor3A_224, %xor3A_226 : vector<16xi32>
        %shift_right_arithmetic3A_228 = arith.constant 9 : i32
        %shift_right_arithmetic3A_229 = arith.shrsi %mul3A_214, %shift_right_arithmetic3A_228 : i32
        %add3A_230 = arith.addi %mul3A_214, %shift_right_arithmetic3A_229 : i32
        %swap3A_231 = arith.index_cast %add3A_230 : i32 to index
        %swap3A_232 = tpu.vector_load %arg6[%swap3A_231] {strides = array<i32>} : memref<8208xi32, #tpu.memory_space<vmem>>, vector<16xi32>,
        tpu.vector_store %arg6[%swap3A_231], %xor3A_227 {strides = array<i32>} : memref<8208xi32, #tpu.memory_space<vmem>>, vector<16xi32>,
        %scan3A_233 = arith.constant 0 : i32
        scf.yield %scan3A_233 : i32
      }
      %scan3A_22 = arith.constant 128 : i32
      %mul3A = arith.constant 513 : i32
      %mul3A_23 = vector.broadcast %mul3A : i32 to vector<16xi32>
      %mul3A_24 = arith.muli %iota3A, %mul3A_23 : vector<16xi32>
      %mul3A_25 = arith.constant 512 : i32
      %mul3A_26 = vector.broadcast %mul3A_25 : i32 to vector<16xi32>
      %mul3A_27 = arith.muli %iota3A, %mul3A_26 : vector<16xi32>
      %scan3A_28 = arith.constant 0 : i32
      %scan3A_29 = arith.constant 0 : i32
      %scan3A_30 = arith.constant 64 : i32
      %scan3A_31 = arith.addi %scan3A_29, %scan3A_30 : i32
      %scan3A_32 = arith.constant 1 : i32
      %scan3A_33 = scf.for %scan3A_142 = %scan3A_29 to %scan3A_31 step %scan3A_32 iter_args(%scan3A_143 = %scan3A_28) -> (i32)  : i32 {
        %mul3A_144 = arith.constant 4 : i32
        %mul3A_145 = arith.muli %scan3A_142, %mul3A_144 : i32
        %add3A = arith.constant 0 : i32
        %add3A_146 = arith.addi %mul3A_145, %add3A : i32
        %mul3A_147 = arith.constant 16 : i32
        %mul3A_148 = arith.muli %add3A_146, %mul3A_147 : i32
        %swap3A = arith.index_cast %mul3A_148 : i32 to index
        %swap3A_149 = tpu.vector_load %arg10[%swap3A] {strides = array<i32>} : memref<4096xi32, #tpu.memory_space<vmem>>, vector<16xi32>,
        tpu.vector_store %arg10[%swap3A], %broadcast_in_dim3A_3 {strides = array<i32>} : memref<4096xi32, #tpu.memory_space<vmem>>, vector<16xi32>,
        %mul3A_150 = arith.constant 4 : i32
        %mul3A_151 = arith.muli %scan3A_142, %mul3A_150 : i32
        %add3A_152 = arith.constant 1 : i32
        %add3A_153 = arith.addi %mul3A_151, %add3A_152 : i32
        %mul3A_154 = arith.constant 16 : i32
        %mul3A_155 = arith.muli %add3A_153, %mul3A_154 : i32
        %swap3A_156 = arith.index_cast %mul3A_155 : i32 to index
        %swap3A_157 = tpu.vector_load %arg10[%swap3A_156] {strides = array<i32>} : memref<4096xi32, #tpu.memory_space<vmem>>, vector<16xi32>,
        tpu.vector_store %arg10[%swap3A_156], %broadcast_in_dim3A_3 {strides = array<i32>} : memref<4096xi32, #tpu.memory_space<vmem>>, vector<16xi32>,
        %mul3A_158 = arith.constant 4 : i32
        %mul3A_159 = arith.muli %scan3A_142, %mul3A_158 : i32
        %add3A_160 = arith.constant 2 : i32
        %add3A_161 = arith.addi %mul3A_159, %add3A_160 : i32
        %mul3A_162 = arith.constant 16 : i32
        %mul3A_163 = arith.muli %add3A_161, %mul3A_162 : i32
        %swap3A_164 = arith.index_cast %mul3A_163 : i32 to index
        %swap3A_165 = tpu.vector_load %arg10[%swap3A_164] {strides = array<i32>} : memref<4096xi32, #tpu.memory_space<vmem>>, vector<16xi32>,
        tpu.vector_store %arg10[%swap3A_164], %broadcast_in_dim3A_3 {strides = array<i32>} : memref<4096xi32, #tpu.memory_space<vmem>>, vector<16xi32>,
        %mul3A_166 = arith.constant 4 : i32
        %mul3A_167 = arith.muli %scan3A_142, %mul3A_166 : i32
        %add3A_168 = arith.constant 3 : i32
        %add3A_169 = arith.addi %mul3A_167, %add3A_168 : i32
        %mul3A_170 = arith.constant 16 : i32
        %mul3A_171 = arith.muli %add3A_169, %mul3A_170 : i32
        %swap3A_172 = arith.index_cast %mul3A_171 : i32 to index
        %swap3A_173 = tpu.vector_load %arg10[%swap3A_172] {strides = array<i32>} : memref<4096xi32, #tpu.memory_space<vmem>>, vector<16xi32>,
        tpu.vector_store %arg10[%swap3A_172], %broadcast_in_dim3A_3 {strides = array<i32>} : memref<4096xi32, #tpu.memory_space<vmem>>, vector<16xi32>,
        %scan3A_174 = arith.constant 0 : i32
        scf.yield %scan3A_174 : i32
      }
      %scan3A_34 = arith.constant 64 : i32
      %scan3A_35 = arith.constant 0 : i32
      %scan3A_36 = arith.constant 0 : i32
      %scan3A_37 = arith.constant 64 : i32
      %scan3A_38 = arith.addi %scan3A_36, %scan3A_37 : i32
      %scan3A_39 = arith.constant 1 : i32
      %scan3A_40 = scf.for %scan3A_142 = %scan3A_36 to %scan3A_38 step %scan3A_39 iter_args(%scan3A_143 = %scan3A_35) -> (i32)  : i32 {
        %mul3A_144 = arith.constant 8 : i32
        %mul3A_145 = arith.muli %scan3A_142, %mul3A_144 : i32
        %add3A = arith.constant 0 : i32
        %add3A_146 = arith.addi %mul3A_145, %add3A : i32
        %add3A_147 = vector.broadcast %add3A_146 : i32 to vector<16xi32>
        %add3A_148 = arith.addi %mul3A_24, %add3A_147 : vector<16xi32>
        %gather3A = tpu.vector_load_idx %arg6[%add3A_148] : memref<8208xi32, #tpu.memory_space<vmem>>[vector<16xi32>], vector<16xi32>,
        %shift_right_logical3A = arith.constant 0 : i32
        %shift_right_logical3A_149 = vector.broadcast %shift_right_logical3A : i32 to vector<16xi32>
        %shift_right_logical3A_150 = arith.shrui %gather3A, %shift_right_logical3A_149 : vector<16xi32>
        %and3A_151 = arith.constant 255 : i32
        %and3A_152 = vector.broadcast %and3A_151 : i32 to vector<16xi32>
        %and3A_153 = arith.andi %shift_right_logical3A_150, %and3A_152 : vector<16xi32>
        %mul3A_154 = arith.constant 16 : i32
        %mul3A_155 = vector.broadcast %mul3A_154 : i32 to vector<16xi32>
        %mul3A_156 = arith.muli %and3A_153, %mul3A_155 : vector<16xi32>
        %add3A_157 = arith.addi %mul3A_156, %iota3A : vector<16xi32>
        tpu.vector_store_idx %arg10[%add3A_157], %broadcast_in_dim3A_1 {add = true} : memref<4096xi32, #tpu.memory_space<vmem>>[vector<16xi32>], vector<16xi32>,
        %mul3A_158 = arith.constant 8 : i32
        %mul3A_159 = arith.muli %scan3A_142, %mul3A_158 : i32
        %add3A_160 = arith.constant 1 : i32
        %add3A_161 = arith.addi %mul3A_159, %add3A_160 : i32
        %add3A_162 = vector.broadcast %add3A_161 : i32 to vector<16xi32>
        %add3A_163 = arith.addi %mul3A_24, %add3A_162 : vector<16xi32>
        %gather3A_164 = tpu.vector_load_idx %arg6[%add3A_163] : memref<8208xi32, #tpu.memory_space<vmem>>[vector<16xi32>], vector<16xi32>,
        %shift_right_logical3A_165 = arith.constant 0 : i32
        %shift_right_logical3A_166 = vector.broadcast %shift_right_logical3A_165 : i32 to vector<16xi32>
        %shift_right_logical3A_167 = arith.shrui %gather3A_164, %shift_right_logical3A_166 : vector<16xi32>
        %and3A_168 = arith.constant 255 : i32
        %and3A_169 = vector.broadcast %and3A_168 : i32 to vector<16xi32>
        %and3A_170 = arith.andi %shift_right_logical3A_167, %and3A_169 : vector<16xi32>
        %mul3A_171 = arith.constant 16 : i32
        %mul3A_172 = vector.broadcast %mul3A_171 : i32 to vector<16xi32>
        %mul3A_173 = arith.muli %and3A_170, %mul3A_172 : vector<16xi32>
        %add3A_174 = arith.addi %mul3A_173, %iota3A : vector<16xi32>
        tpu.vector_store_idx %arg10[%add3A_174], %broadcast_in_dim3A_1 {add = true} : memref<4096xi32, #tpu.memory_space<vmem>>[vector<16xi32>], vector<16xi32>,
        %mul3A_175 = arith.constant 8 : i32
        %mul3A_176 = arith.muli %scan3A_142, %mul3A_175 : i32
        %add3A_177 = arith.constant 2 : i32
        %add3A_178 = arith.addi %mul3A_176, %add3A_177 : i32
        %add3A_179 = vector.broadcast %add3A_178 : i32 to vector<16xi32>
        %add3A_180 = arith.addi %mul3A_24, %add3A_179 : vector<16xi32>
        %gather3A_181 = tpu.vector_load_idx %arg6[%add3A_180] : memref<8208xi32, #tpu.memory_space<vmem>>[vector<16xi32>], vector<16xi32>,
        %shift_right_logical3A_182 = arith.constant 0 : i32
        %shift_right_logical3A_183 = vector.broadcast %shift_right_logical3A_182 : i32 to vector<16xi32>
        %shift_right_logical3A_184 = arith.shrui %gather3A_181, %shift_right_logical3A_183 : vector<16xi32>
        %and3A_185 = arith.constant 255 : i32
        %and3A_186 = vector.broadcast %and3A_185 : i32 to vector<16xi32>
        %and3A_187 = arith.andi %shift_right_logical3A_184, %and3A_186 : vector<16xi32>
        %mul3A_188 = arith.constant 16 : i32
        %mul3A_189 = vector.broadcast %mul3A_188 : i32 to vector<16xi32>
        %mul3A_190 = arith.muli %and3A_187, %mul3A_189 : vector<16xi32>
        %add3A_191 = arith.addi %mul3A_190, %iota3A : vector<16xi32>
        tpu.vector_store_idx %arg10[%add3A_191], %broadcast_in_dim3A_1 {add = true} : memref<4096xi32, #tpu.memory_space<vmem>>[vector<16xi32>], vector<16xi32>,
        %mul3A_192 = arith.constant 8 : i32
        %mul3A_193 = arith.muli %scan3A_142, %mul3A_192 : i32
        %add3A_194 = arith.constant 3 : i32
        %add3A_195 = arith.addi %mul3A_193, %add3A_194 : i32
        %add3A_196 = vector.broadcast %add3A_195 : i32 to vector<16xi32>
        %add3A_197 = arith.addi %mul3A_24, %add3A_196 : vector<16xi32>
        %gather3A_198 = tpu.vector_load_idx %arg6[%add3A_197] : memref<8208xi32, #tpu.memory_space<vmem>>[vector<16xi32>], vector<16xi32>,
        %shift_right_logical3A_199 = arith.constant 0 : i32
        %shift_right_logical3A_200 = vector.broadcast %shift_right_logical3A_199 : i32 to vector<16xi32>
        %shift_right_logical3A_201 = arith.shrui %gather3A_198, %shift_right_logical3A_200 : vector<16xi32>
        %and3A_202 = arith.constant 255 : i32
        %and3A_203 = vector.broadcast %and3A_202 : i32 to vector<16xi32>
        %and3A_204 = arith.andi %shift_right_logical3A_201, %and3A_203 : vector<16xi32>
        %mul3A_205 = arith.constant 16 : i32
        %mul3A_206 = vector.broadcast %mul3A_205 : i32 to vector<16xi32>
        %mul3A_207 = arith.muli %and3A_204, %mul3A_206 : vector<16xi32>
        %add3A_208 = arith.addi %mul3A_207, %iota3A : vector<16xi32>
        tpu.vector_store_idx %arg10[%add3A_208], %broadcast_in_dim3A_1 {add = true} : memref<4096xi32, #tpu.memory_space<vmem>>[vector<16xi32>], vector<16xi32>,
        %mul3A_209 = arith.constant 8 : i32
        %mul3A_210 = arith.muli %scan3A_142, %mul3A_209 : i32
        %add3A_211 = arith.constant 4 : i32
        %add3A_212 = arith.addi %mul3A_210, %add3A_211 : i32
        %add3A_213 = vector.broadcast %add3A_212 : i32 to vector<16xi32>
        %add3A_214 = arith.addi %mul3A_24, %add3A_213 : vector<16xi32>
        %gather3A_215 = tpu.vector_load_idx %arg6[%add3A_214] : memref<8208xi32, #tpu.memory_space<vmem>>[vector<16xi32>], vector<16xi32>,
        %shift_right_logical3A_216 = arith.constant 0 : i32
        %shift_right_logical3A_217 = vector.broadcast %shift_right_logical3A_216 : i32 to vector<16xi32>
        %shift_right_logical3A_218 = arith.shrui %gather3A_215, %shift_right_logical3A_217 : vector<16xi32>
        %and3A_219 = arith.constant 255 : i32
        %and3A_220 = vector.broadcast %and3A_219 : i32 to vector<16xi32>
        %and3A_221 = arith.andi %shift_right_logical3A_218, %and3A_220 : vector<16xi32>
        %mul3A_222 = arith.constant 16 : i32
        %mul3A_223 = vector.broadcast %mul3A_222 : i32 to vector<16xi32>
        %mul3A_224 = arith.muli %and3A_221, %mul3A_223 : vector<16xi32>
        %add3A_225 = arith.addi %mul3A_224, %iota3A : vector<16xi32>
        tpu.vector_store_idx %arg10[%add3A_225], %broadcast_in_dim3A_1 {add = true} : memref<4096xi32, #tpu.memory_space<vmem>>[vector<16xi32>], vector<16xi32>,
        %mul3A_226 = arith.constant 8 : i32
        %mul3A_227 = arith.muli %scan3A_142, %mul3A_226 : i32
        %add3A_228 = arith.constant 5 : i32
        %add3A_229 = arith.addi %mul3A_227, %add3A_228 : i32
        %add3A_230 = vector.broadcast %add3A_229 : i32 to vector<16xi32>
        %add3A_231 = arith.addi %mul3A_24, %add3A_230 : vector<16xi32>
        %gather3A_232 = tpu.vector_load_idx %arg6[%add3A_231] : memref<8208xi32, #tpu.memory_space<vmem>>[vector<16xi32>], vector<16xi32>,
        %shift_right_logical3A_233 = arith.constant 0 : i32
        %shift_right_logical3A_234 = vector.broadcast %shift_right_logical3A_233 : i32 to vector<16xi32>
        %shift_right_logical3A_235 = arith.shrui %gather3A_232, %shift_right_logical3A_234 : vector<16xi32>
        %and3A_236 = arith.constant 255 : i32
        %and3A_237 = vector.broadcast %and3A_236 : i32 to vector<16xi32>
        %and3A_238 = arith.andi %shift_right_logical3A_235, %and3A_237 : vector<16xi32>
        %mul3A_239 = arith.constant 16 : i32
        %mul3A_240 = vector.broadcast %mul3A_239 : i32 to vector<16xi32>
        %mul3A_241 = arith.muli %and3A_238, %mul3A_240 : vector<16xi32>
        %add3A_242 = arith.addi %mul3A_241, %iota3A : vector<16xi32>
        tpu.vector_store_idx %arg10[%add3A_242], %broadcast_in_dim3A_1 {add = true} : memref<4096xi32, #tpu.memory_space<vmem>>[vector<16xi32>], vector<16xi32>,
        %mul3A_243 = arith.constant 8 : i32
        %mul3A_244 = arith.muli %scan3A_142, %mul3A_243 : i32
        %add3A_245 = arith.constant 6 : i32
        %add3A_246 = arith.addi %mul3A_244, %add3A_245 : i32
        %add3A_247 = vector.broadcast %add3A_246 : i32 to vector<16xi32>
        %add3A_248 = arith.addi %mul3A_24, %add3A_247 : vector<16xi32>
        %gather3A_249 = tpu.vector_load_idx %arg6[%add3A_248] : memref<8208xi32, #tpu.memory_space<vmem>>[vector<16xi32>], vector<16xi32>,
        %shift_right_logical3A_250 = arith.constant 0 : i32
        %shift_right_logical3A_251 = vector.broadcast %shift_right_logical3A_250 : i32 to vector<16xi32>
        %shift_right_logical3A_252 = arith.shrui %gather3A_249, %shift_right_logical3A_251 : vector<16xi32>
        %and3A_253 = arith.constant 255 : i32
        %and3A_254 = vector.broadcast %and3A_253 : i32 to vector<16xi32>
        %and3A_255 = arith.andi %shift_right_logical3A_252, %and3A_254 : vector<16xi32>
        %mul3A_256 = arith.constant 16 : i32
        %mul3A_257 = vector.broadcast %mul3A_256 : i32 to vector<16xi32>
        %mul3A_258 = arith.muli %and3A_255, %mul3A_257 : vector<16xi32>
        %add3A_259 = arith.addi %mul3A_258, %iota3A : vector<16xi32>
        tpu.vector_store_idx %arg10[%add3A_259], %broadcast_in_dim3A_1 {add = true} : memref<4096xi32, #tpu.memory_space<vmem>>[vector<16xi32>], vector<16xi32>,
        %mul3A_260 = arith.constant 8 : i32
        %mul3A_261 = arith.muli %scan3A_142, %mul3A_260 : i32
        %add3A_262 = arith.constant 7 : i32
        %add3A_263 = arith.addi %mul3A_261, %add3A_262 : i32
        %add3A_264 = vector.broadcast %add3A_263 : i32 to vector<16xi32>
        %add3A_265 = arith.addi %mul3A_24, %add3A_264 : vector<16xi32>
        %gather3A_266 = tpu.vector_load_idx %arg6[%add3A_265] : memref<8208xi32, #tpu.memory_space<vmem>>[vector<16xi32>], vector<16xi32>,
        %shift_right_logical3A_267 = arith.constant 0 : i32
        %shift_right_logical3A_268 = vector.broadcast %shift_right_logical3A_267 : i32 to vector<16xi32>
        %shift_right_logical3A_269 = arith.shrui %gather3A_266, %shift_right_logical3A_268 : vector<16xi32>
        %and3A_270 = arith.constant 255 : i32
        %and3A_271 = vector.broadcast %and3A_270 : i32 to vector<16xi32>
        %and3A_272 = arith.andi %shift_right_logical3A_269, %and3A_271 : vector<16xi32>
        %mul3A_273 = arith.constant 16 : i32
        %mul3A_274 = vector.broadcast %mul3A_273 : i32 to vector<16xi32>
        %mul3A_275 = arith.muli %and3A_272, %mul3A_274 : vector<16xi32>
        %add3A_276 = arith.addi %mul3A_275, %iota3A : vector<16xi32>
        tpu.vector_store_idx %arg10[%add3A_276], %broadcast_in_dim3A_1 {add = true} : memref<4096xi32, #tpu.memory_space<vmem>>[vector<16xi32>], vector<16xi32>,
        %scan3A_277 = arith.constant 0 : i32
        scf.yield %scan3A_277 : i32
      }
      %scan3A_41 = arith.constant 64 : i32
      %scan3A_42 = arith.constant 0 : i32
      %scan3A_43 = arith.constant 0 : i32
      %scan3A_44 = arith.constant 256 : i32
      %scan3A_45 = arith.addi %scan3A_43, %scan3A_44 : i32
      %scan3A_46 = arith.constant 1 : i32
      %scan3A_47 = scf.for %scan3A_142 = %scan3A_43 to %scan3A_45 step %scan3A_46 iter_args(%scan3A_143 = %scan3A_42) -> (i32)  : i32 {
        %mul3A_144 = arith.constant 16 : i32
        %mul3A_145 = arith.muli %scan3A_142, %mul3A_144 : i32
        %get3A = arith.index_cast %mul3A_145 : i32 to index
        %get3A_146 = tpu.vector_load %arg10[%get3A] {strides = array<i32>} : memref<4096xi32, #tpu.memory_space<vmem>>, vector<16xi32>,
        %broadcast_in_dim3A_147 = arith.constant true
        %broadcast_in_dim3A_148 = vector.broadcast %broadcast_in_dim3A_147 : i1 to vector<16xi1>
        %masked_cumsum3A = tpu.scan <sum>, %get3A_146 masked %broadcast_in_dim3A_148 : vector<16xi32>, vector<16xi1> -> vector<16xi32>
        %reduce_sum3A = arith.constant true
        %reduce_sum3A_149 = vector.broadcast %reduce_sum3A : i1 to vector<16xi1>
        %reduce_sum3A_150 = tpu.scan <sum>, %get3A_146 masked %reduce_sum3A_149 : vector<16xi32>, vector<16xi1> -> vector<16xi32>
        %reduce_sum3A_151 = vector.extract %reduce_sum3A_150[15] : i32 from vector<16xi32>
        %sub3A = arith.subi %masked_cumsum3A, %get3A_146 : vector<16xi32>
        %add3A = vector.broadcast %scan3A_143 : i32 to vector<16xi32>
        %add3A_152 = arith.addi %sub3A, %add3A : vector<16xi32>
        %mul3A_153 = arith.constant 16 : i32
        %mul3A_154 = arith.muli %scan3A_142, %mul3A_153 : i32
        %swap3A = arith.index_cast %mul3A_154 : i32 to index
        %swap3A_155 = tpu.vector_load %arg10[%swap3A] {strides = array<i32>} : memref<4096xi32, #tpu.memory_space<vmem>>, vector<16xi32>,
        tpu.vector_store %arg10[%swap3A], %add3A_152 {strides = array<i32>} : memref<4096xi32, #tpu.memory_space<vmem>>, vector<16xi32>,
        %add3A_156 = arith.addi %scan3A_143, %reduce_sum3A_151 : i32
        scf.yield %add3A_156 : i32
      }
      %scan3A_48 = arith.constant 256 : i32
      %scan3A_49 = arith.constant 0 : i32
      %scan3A_50 = arith.constant 0 : i32
      %scan3A_51 = arith.constant 64 : i32
      %scan3A_52 = arith.addi %scan3A_50, %scan3A_51 : i32
      %scan3A_53 = arith.constant 1 : i32
      %scan3A_54 = scf.for %scan3A_142 = %scan3A_50 to %scan3A_52 step %scan3A_53 iter_args(%scan3A_143 = %scan3A_49) -> (i32)  : i32 {
        %mul3A_144 = arith.constant 8 : i32
        %mul3A_145 = arith.muli %scan3A_142, %mul3A_144 : i32
        %add3A = arith.constant 0 : i32
        %add3A_146 = arith.addi %mul3A_145, %add3A : i32
        %add3A_147 = vector.broadcast %add3A_146 : i32 to vector<16xi32>
        %add3A_148 = arith.addi %mul3A_24, %add3A_147 : vector<16xi32>
        %gather3A = tpu.vector_load_idx %arg6[%add3A_148] : memref<8208xi32, #tpu.memory_space<vmem>>[vector<16xi32>], vector<16xi32>,
        %add3A_149 = vector.broadcast %add3A_146 : i32 to vector<16xi32>
        %add3A_150 = arith.addi %mul3A_27, %add3A_149 : vector<16xi32>
        %shift_right_logical3A = arith.constant 0 : i32
        %shift_right_logical3A_151 = vector.broadcast %shift_right_logical3A : i32 to vector<16xi32>
        %shift_right_logical3A_152 = arith.shrui %gather3A, %shift_right_logical3A_151 : vector<16xi32>
        %and3A_153 = arith.constant 255 : i32
        %and3A_154 = vector.broadcast %and3A_153 : i32 to vector<16xi32>
        %and3A_155 = arith.andi %shift_right_logical3A_152, %and3A_154 : vector<16xi32>
        %mul3A_156 = arith.constant 16 : i32
        %mul3A_157 = vector.broadcast %mul3A_156 : i32 to vector<16xi32>
        %mul3A_158 = arith.muli %and3A_155, %mul3A_157 : vector<16xi32>
        %add3A_159 = arith.addi %mul3A_158, %iota3A : vector<16xi32>
        %gather3A_160 = tpu.vector_load_idx %arg10[%add3A_159] : memref<4096xi32, #tpu.memory_space<vmem>>[vector<16xi32>], vector<16xi32>,
        %shift_right_arithmetic3A = arith.constant 9 : i32
        %shift_right_arithmetic3A_161 = vector.broadcast %shift_right_arithmetic3A : i32 to vector<16xi32>
        %shift_right_arithmetic3A_162 = arith.shrsi %gather3A_160, %shift_right_arithmetic3A_161 : vector<16xi32>
        %add3A_163 = arith.addi %gather3A_160, %shift_right_arithmetic3A_162 : vector<16xi32>
        tpu.vector_store_idx %arg7[%add3A_163], %gather3A : memref<8208xi32, #tpu.memory_space<vmem>>[vector<16xi32>], vector<16xi32>,
        tpu.vector_store_idx %arg9[%add3A_163], %add3A_150 : memref<8208xi32, #tpu.memory_space<vmem>>[vector<16xi32>], vector<16xi32>,
        %add3A_164 = arith.constant 1 : i32
        %add3A_165 = vector.broadcast %add3A_164 : i32 to vector<16xi32>
        %add3A_166 = arith.addi %gather3A_160, %add3A_165 : vector<16xi32>
        tpu.vector_store_idx %arg10[%add3A_159], %add3A_166 : memref<4096xi32, #tpu.memory_space<vmem>>[vector<16xi32>], vector<16xi32>,
        %mul3A_167 = arith.constant 8 : i32
        %mul3A_168 = arith.muli %scan3A_142, %mul3A_167 : i32
        %add3A_169 = arith.constant 1 : i32
        %add3A_170 = arith.addi %mul3A_168, %add3A_169 : i32
        %add3A_171 = vector.broadcast %add3A_170 : i32 to vector<16xi32>
        %add3A_172 = arith.addi %mul3A_24, %add3A_171 : vector<16xi32>
        %gather3A_173 = tpu.vector_load_idx %arg6[%add3A_172] : memref<8208xi32, #tpu.memory_space<vmem>>[vector<16xi32>], vector<16xi32>,
        %add3A_174 = vector.broadcast %add3A_170 : i32 to vector<16xi32>
        %add3A_175 = arith.addi %mul3A_27, %add3A_174 : vector<16xi32>
        %shift_right_logical3A_176 = arith.constant 0 : i32
        %shift_right_logical3A_177 = vector.broadcast %shift_right_logical3A_176 : i32 to vector<16xi32>
        %shift_right_logical3A_178 = arith.shrui %gather3A_173, %shift_right_logical3A_177 : vector<16xi32>
        %and3A_179 = arith.constant 255 : i32
        %and3A_180 = vector.broadcast %and3A_179 : i32 to vector<16xi32>
        %and3A_181 = arith.andi %shift_right_logical3A_178, %and3A_180 : vector<16xi32>
        %mul3A_182 = arith.constant 16 : i32
        %mul3A_183 = vector.broadcast %mul3A_182 : i32 to vector<16xi32>
        %mul3A_184 = arith.muli %and3A_181, %mul3A_183 : vector<16xi32>
        %add3A_185 = arith.addi %mul3A_184, %iota3A : vector<16xi32>
        %gather3A_186 = tpu.vector_load_idx %arg10[%add3A_185] : memref<4096xi32, #tpu.memory_space<vmem>>[vector<16xi32>], vector<16xi32>,
        %shift_right_arithmetic3A_187 = arith.constant 9 : i32
        %shift_right_arithmetic3A_188 = vector.broadcast %shift_right_arithmetic3A_187 : i32 to vector<16xi32>
        %shift_right_arithmetic3A_189 = arith.shrsi %gather3A_186, %shift_right_arithmetic3A_188 : vector<16xi32>
        %add3A_190 = arith.addi %gather3A_186, %shift_right_arithmetic3A_189 : vector<16xi32>
        tpu.vector_store_idx %arg7[%add3A_190], %gather3A_173 : memref<8208xi32, #tpu.memory_space<vmem>>[vector<16xi32>], vector<16xi32>,
        tpu.vector_store_idx %arg9[%add3A_190], %add3A_175 : memref<8208xi32, #tpu.memory_space<vmem>>[vector<16xi32>], vector<16xi32>,
        %add3A_191 = arith.constant 1 : i32
        %add3A_192 = vector.broadcast %add3A_191 : i32 to vector<16xi32>
        %add3A_193 = arith.addi %gather3A_186, %add3A_192 : vector<16xi32>
        tpu.vector_store_idx %arg10[%add3A_185], %add3A_193 : memref<4096xi32, #tpu.memory_space<vmem>>[vector<16xi32>], vector<16xi32>,
        %mul3A_194 = arith.constant 8 : i32
        %mul3A_195 = arith.muli %scan3A_142, %mul3A_194 : i32
        %add3A_196 = arith.constant 2 : i32
        %add3A_197 = arith.addi %mul3A_195, %add3A_196 : i32
        %add3A_198 = vector.broadcast %add3A_197 : i32 to vector<16xi32>
        %add3A_199 = arith.addi %mul3A_24, %add3A_198 : vector<16xi32>
        %gather3A_200 = tpu.vector_load_idx %arg6[%add3A_199] : memref<8208xi32, #tpu.memory_space<vmem>>[vector<16xi32>], vector<16xi32>,
        %add3A_201 = vector.broadcast %add3A_197 : i32 to vector<16xi32>
        %add3A_202 = arith.addi %mul3A_27, %add3A_201 : vector<16xi32>
        %shift_right_logical3A_203 = arith.constant 0 : i32
        %shift_right_logical3A_204 = vector.broadcast %shift_right_logical3A_203 : i32 to vector<16xi32>
        %shift_right_logical3A_205 = arith.shrui %gather3A_200, %shift_right_logical3A_204 : vector<16xi32>
        %and3A_206 = arith.constant 255 : i32
        %and3A_207 = vector.broadcast %and3A_206 : i32 to vector<16xi32>
        %and3A_208 = arith.andi %shift_right_logical3A_205, %and3A_207 : vector<16xi32>
        %mul3A_209 = arith.constant 16 : i32
        %mul3A_210 = vector.broadcast %mul3A_209 : i32 to vector<16xi32>
        %mul3A_211 = arith.muli %and3A_208, %mul3A_210 : vector<16xi32>
        %add3A_212 = arith.addi %mul3A_211, %iota3A : vector<16xi32>
        %gather3A_213 = tpu.vector_load_idx %arg10[%add3A_212] : memref<4096xi32, #tpu.memory_space<vmem>>[vector<16xi32>], vector<16xi32>,
        %shift_right_arithmetic3A_214 = arith.constant 9 : i32
        %shift_right_arithmetic3A_215 = vector.broadcast %shift_right_arithmetic3A_214 : i32 to vector<16xi32>
        %shift_right_arithmetic3A_216 = arith.shrsi %gather3A_213, %shift_right_arithmetic3A_215 : vector<16xi32>
        %add3A_217 = arith.addi %gather3A_213, %shift_right_arithmetic3A_216 : vector<16xi32>
        tpu.vector_store_idx %arg7[%add3A_217], %gather3A_200 : memref<8208xi32, #tpu.memory_space<vmem>>[vector<16xi32>], vector<16xi32>,
        tpu.vector_store_idx %arg9[%add3A_217], %add3A_202 : memref<8208xi32, #tpu.memory_space<vmem>>[vector<16xi32>], vector<16xi32>,
        %add3A_218 = arith.constant 1 : i32
        %add3A_219 = vector.broadcast %add3A_218 : i32 to vector<16xi32>
        %add3A_220 = arith.addi %gather3A_213, %add3A_219 : vector<16xi32>
        tpu.vector_store_idx %arg10[%add3A_212], %add3A_220 : memref<4096xi32, #tpu.memory_space<vmem>>[vector<16xi32>], vector<16xi32>,
        %mul3A_221 = arith.constant 8 : i32
        %mul3A_222 = arith.muli %scan3A_142, %mul3A_221 : i32
        %add3A_223 = arith.constant 3 : i32
        %add3A_224 = arith.addi %mul3A_222, %add3A_223 : i32
        %add3A_225 = vector.broadcast %add3A_224 : i32 to vector<16xi32>
        %add3A_226 = arith.addi %mul3A_24, %add3A_225 : vector<16xi32>
        %gather3A_227 = tpu.vector_load_idx %arg6[%add3A_226] : memref<8208xi32, #tpu.memory_space<vmem>>[vector<16xi32>], vector<16xi32>,
        %add3A_228 = vector.broadcast %add3A_224 : i32 to vector<16xi32>
        %add3A_229 = arith.addi %mul3A_27, %add3A_228 : vector<16xi32>
        %shift_right_logical3A_230 = arith.constant 0 : i32
        %shift_right_logical3A_231 = vector.broadcast %shift_right_logical3A_230 : i32 to vector<16xi32>
        %shift_right_logical3A_232 = arith.shrui %gather3A_227, %shift_right_logical3A_231 : vector<16xi32>
        %and3A_233 = arith.constant 255 : i32
        %and3A_234 = vector.broadcast %and3A_233 : i32 to vector<16xi32>
        %and3A_235 = arith.andi %shift_right_logical3A_232, %and3A_234 : vector<16xi32>
        %mul3A_236 = arith.constant 16 : i32
        %mul3A_237 = vector.broadcast %mul3A_236 : i32 to vector<16xi32>
        %mul3A_238 = arith.muli %and3A_235, %mul3A_237 : vector<16xi32>
        %add3A_239 = arith.addi %mul3A_238, %iota3A : vector<16xi32>
        %gather3A_240 = tpu.vector_load_idx %arg10[%add3A_239] : memref<4096xi32, #tpu.memory_space<vmem>>[vector<16xi32>], vector<16xi32>,
        %shift_right_arithmetic3A_241 = arith.constant 9 : i32
        %shift_right_arithmetic3A_242 = vector.broadcast %shift_right_arithmetic3A_241 : i32 to vector<16xi32>
        %shift_right_arithmetic3A_243 = arith.shrsi %gather3A_240, %shift_right_arithmetic3A_242 : vector<16xi32>
        %add3A_244 = arith.addi %gather3A_240, %shift_right_arithmetic3A_243 : vector<16xi32>
        tpu.vector_store_idx %arg7[%add3A_244], %gather3A_227 : memref<8208xi32, #tpu.memory_space<vmem>>[vector<16xi32>], vector<16xi32>,
        tpu.vector_store_idx %arg9[%add3A_244], %add3A_229 : memref<8208xi32, #tpu.memory_space<vmem>>[vector<16xi32>], vector<16xi32>,
        %add3A_245 = arith.constant 1 : i32
        %add3A_246 = vector.broadcast %add3A_245 : i32 to vector<16xi32>
        %add3A_247 = arith.addi %gather3A_240, %add3A_246 : vector<16xi32>
        tpu.vector_store_idx %arg10[%add3A_239], %add3A_247 : memref<4096xi32, #tpu.memory_space<vmem>>[vector<16xi32>], vector<16xi32>,
        %mul3A_248 = arith.constant 8 : i32
        %mul3A_249 = arith.muli %scan3A_142, %mul3A_248 : i32
        %add3A_250 = arith.constant 4 : i32
        %add3A_251 = arith.addi %mul3A_249, %add3A_250 : i32
        %add3A_252 = vector.broadcast %add3A_251 : i32 to vector<16xi32>
        %add3A_253 = arith.addi %mul3A_24, %add3A_252 : vector<16xi32>
        %gather3A_254 = tpu.vector_load_idx %arg6[%add3A_253] : memref<8208xi32, #tpu.memory_space<vmem>>[vector<16xi32>], vector<16xi32>,
        %add3A_255 = vector.broadcast %add3A_251 : i32 to vector<16xi32>
        %add3A_256 = arith.addi %mul3A_27, %add3A_255 : vector<16xi32>
        %shift_right_logical3A_257 = arith.constant 0 : i32
        %shift_right_logical3A_258 = vector.broadcast %shift_right_logical3A_257 : i32 to vector<16xi32>
        %shift_right_logical3A_259 = arith.shrui %gather3A_254, %shift_right_logical3A_258 : vector<16xi32>
        %and3A_260 = arith.constant 255 : i32
        %and3A_261 = vector.broadcast %and3A_260 : i32 to vector<16xi32>
        %and3A_262 = arith.andi %shift_right_logical3A_259, %and3A_261 : vector<16xi32>
        %mul3A_263 = arith.constant 16 : i32
        %mul3A_264 = vector.broadcast %mul3A_263 : i32 to vector<16xi32>
        %mul3A_265 = arith.muli %and3A_262, %mul3A_264 : vector<16xi32>
        %add3A_266 = arith.addi %mul3A_265, %iota3A : vector<16xi32>
        %gather3A_267 = tpu.vector_load_idx %arg10[%add3A_266] : memref<4096xi32, #tpu.memory_space<vmem>>[vector<16xi32>], vector<16xi32>,
        %shift_right_arithmetic3A_268 = arith.constant 9 : i32
        %shift_right_arithmetic3A_269 = vector.broadcast %shift_right_arithmetic3A_268 : i32 to vector<16xi32>
        %shift_right_arithmetic3A_270 = arith.shrsi %gather3A_267, %shift_right_arithmetic3A_269 : vector<16xi32>
        %add3A_271 = arith.addi %gather3A_267, %shift_right_arithmetic3A_270 : vector<16xi32>
        tpu.vector_store_idx %arg7[%add3A_271], %gather3A_254 : memref<8208xi32, #tpu.memory_space<vmem>>[vector<16xi32>], vector<16xi32>,
        tpu.vector_store_idx %arg9[%add3A_271], %add3A_256 : memref<8208xi32, #tpu.memory_space<vmem>>[vector<16xi32>], vector<16xi32>,
        %add3A_272 = arith.constant 1 : i32
        %add3A_273 = vector.broadcast %add3A_272 : i32 to vector<16xi32>
        %add3A_274 = arith.addi %gather3A_267, %add3A_273 : vector<16xi32>
        tpu.vector_store_idx %arg10[%add3A_266], %add3A_274 : memref<4096xi32, #tpu.memory_space<vmem>>[vector<16xi32>], vector<16xi32>,
        %mul3A_275 = arith.constant 8 : i32
        %mul3A_276 = arith.muli %scan3A_142, %mul3A_275 : i32
        %add3A_277 = arith.constant 5 : i32
        %add3A_278 = arith.addi %mul3A_276, %add3A_277 : i32
        %add3A_279 = vector.broadcast %add3A_278 : i32 to vector<16xi32>
        %add3A_280 = arith.addi %mul3A_24, %add3A_279 : vector<16xi32>
        %gather3A_281 = tpu.vector_load_idx %arg6[%add3A_280] : memref<8208xi32, #tpu.memory_space<vmem>>[vector<16xi32>], vector<16xi32>,
        %add3A_282 = vector.broadcast %add3A_278 : i32 to vector<16xi32>
        %add3A_283 = arith.addi %mul3A_27, %add3A_282 : vector<16xi32>
        %shift_right_logical3A_284 = arith.constant 0 : i32
        %shift_right_logical3A_285 = vector.broadcast %shift_right_logical3A_284 : i32 to vector<16xi32>
        %shift_right_logical3A_286 = arith.shrui %gather3A_281, %shift_right_logical3A_285 : vector<16xi32>
        %and3A_287 = arith.constant 255 : i32
        %and3A_288 = vector.broadcast %and3A_287 : i32 to vector<16xi32>
        %and3A_289 = arith.andi %shift_right_logical3A_286, %and3A_288 : vector<16xi32>
        %mul3A_290 = arith.constant 16 : i32
        %mul3A_291 = vector.broadcast %mul3A_290 : i32 to vector<16xi32>
        %mul3A_292 = arith.muli %and3A_289, %mul3A_291 : vector<16xi32>
        %add3A_293 = arith.addi %mul3A_292, %iota3A : vector<16xi32>
        %gather3A_294 = tpu.vector_load_idx %arg10[%add3A_293] : memref<4096xi32, #tpu.memory_space<vmem>>[vector<16xi32>], vector<16xi32>,
        %shift_right_arithmetic3A_295 = arith.constant 9 : i32
        %shift_right_arithmetic3A_296 = vector.broadcast %shift_right_arithmetic3A_295 : i32 to vector<16xi32>
        %shift_right_arithmetic3A_297 = arith.shrsi %gather3A_294, %shift_right_arithmetic3A_296 : vector<16xi32>
        %add3A_298 = arith.addi %gather3A_294, %shift_right_arithmetic3A_297 : vector<16xi32>
        tpu.vector_store_idx %arg7[%add3A_298], %gather3A_281 : memref<8208xi32, #tpu.memory_space<vmem>>[vector<16xi32>], vector<16xi32>,
        tpu.vector_store_idx %arg9[%add3A_298], %add3A_283 : memref<8208xi32, #tpu.memory_space<vmem>>[vector<16xi32>], vector<16xi32>,
        %add3A_299 = arith.constant 1 : i32
        %add3A_300 = vector.broadcast %add3A_299 : i32 to vector<16xi32>
        %add3A_301 = arith.addi %gather3A_294, %add3A_300 : vector<16xi32>
        tpu.vector_store_idx %arg10[%add3A_293], %add3A_301 : memref<4096xi32, #tpu.memory_space<vmem>>[vector<16xi32>], vector<16xi32>,
        %mul3A_302 = arith.constant 8 : i32
        %mul3A_303 = arith.muli %scan3A_142, %mul3A_302 : i32
        %add3A_304 = arith.constant 6 : i32
        %add3A_305 = arith.addi %mul3A_303, %add3A_304 : i32
        %add3A_306 = vector.broadcast %add3A_305 : i32 to vector<16xi32>
        %add3A_307 = arith.addi %mul3A_24, %add3A_306 : vector<16xi32>
        %gather3A_308 = tpu.vector_load_idx %arg6[%add3A_307] : memref<8208xi32, #tpu.memory_space<vmem>>[vector<16xi32>], vector<16xi32>,
        %add3A_309 = vector.broadcast %add3A_305 : i32 to vector<16xi32>
        %add3A_310 = arith.addi %mul3A_27, %add3A_309 : vector<16xi32>
        %shift_right_logical3A_311 = arith.constant 0 : i32
        %shift_right_logical3A_312 = vector.broadcast %shift_right_logical3A_311 : i32 to vector<16xi32>
        %shift_right_logical3A_313 = arith.shrui %gather3A_308, %shift_right_logical3A_312 : vector<16xi32>
        %and3A_314 = arith.constant 255 : i32
        %and3A_315 = vector.broadcast %and3A_314 : i32 to vector<16xi32>
        %and3A_316 = arith.andi %shift_right_logical3A_313, %and3A_315 : vector<16xi32>
        %mul3A_317 = arith.constant 16 : i32
        %mul3A_318 = vector.broadcast %mul3A_317 : i32 to vector<16xi32>
        %mul3A_319 = arith.muli %and3A_316, %mul3A_318 : vector<16xi32>
        %add3A_320 = arith.addi %mul3A_319, %iota3A : vector<16xi32>
        %gather3A_321 = tpu.vector_load_idx %arg10[%add3A_320] : memref<4096xi32, #tpu.memory_space<vmem>>[vector<16xi32>], vector<16xi32>,
        %shift_right_arithmetic3A_322 = arith.constant 9 : i32
        %shift_right_arithmetic3A_323 = vector.broadcast %shift_right_arithmetic3A_322 : i32 to vector<16xi32>
        %shift_right_arithmetic3A_324 = arith.shrsi %gather3A_321, %shift_right_arithmetic3A_323 : vector<16xi32>
        %add3A_325 = arith.addi %gather3A_321, %shift_right_arithmetic3A_324 : vector<16xi32>
        tpu.vector_store_idx %arg7[%add3A_325], %gather3A_308 : memref<8208xi32, #tpu.memory_space<vmem>>[vector<16xi32>], vector<16xi32>,
        tpu.vector_store_idx %arg9[%add3A_325], %add3A_310 : memref<8208xi32, #tpu.memory_space<vmem>>[vector<16xi32>], vector<16xi32>,
        %add3A_326 = arith.constant 1 : i32
        %add3A_327 = vector.broadcast %add3A_326 : i32 to vector<16xi32>
        %add3A_328 = arith.addi %gather3A_321, %add3A_327 : vector<16xi32>
        tpu.vector_store_idx %arg10[%add3A_320], %add3A_328 : memref<4096xi32, #tpu.memory_space<vmem>>[vector<16xi32>], vector<16xi32>,
        %mul3A_329 = arith.constant 8 : i32
        %mul3A_330 = arith.muli %scan3A_142, %mul3A_329 : i32
        %add3A_331 = arith.constant 7 : i32
        %add3A_332 = arith.addi %mul3A_330, %add3A_331 : i32
        %add3A_333 = vector.broadcast %add3A_332 : i32 to vector<16xi32>
        %add3A_334 = arith.addi %mul3A_24, %add3A_333 : vector<16xi32>
        %gather3A_335 = tpu.vector_load_idx %arg6[%add3A_334] : memref<8208xi32, #tpu.memory_space<vmem>>[vector<16xi32>], vector<16xi32>,
        %add3A_336 = vector.broadcast %add3A_332 : i32 to vector<16xi32>
        %add3A_337 = arith.addi %mul3A_27, %add3A_336 : vector<16xi32>
        %shift_right_logical3A_338 = arith.constant 0 : i32
        %shift_right_logical3A_339 = vector.broadcast %shift_right_logical3A_338 : i32 to vector<16xi32>
        %shift_right_logical3A_340 = arith.shrui %gather3A_335, %shift_right_logical3A_339 : vector<16xi32>
        %and3A_341 = arith.constant 255 : i32
        %and3A_342 = vector.broadcast %and3A_341 : i32 to vector<16xi32>
        %and3A_343 = arith.andi %shift_right_logical3A_340, %and3A_342 : vector<16xi32>
        %mul3A_344 = arith.constant 16 : i32
        %mul3A_345 = vector.broadcast %mul3A_344 : i32 to vector<16xi32>
        %mul3A_346 = arith.muli %and3A_343, %mul3A_345 : vector<16xi32>
        %add3A_347 = arith.addi %mul3A_346, %iota3A : vector<16xi32>
        %gather3A_348 = tpu.vector_load_idx %arg10[%add3A_347] : memref<4096xi32, #tpu.memory_space<vmem>>[vector<16xi32>], vector<16xi32>,
        %shift_right_arithmetic3A_349 = arith.constant 9 : i32
        %shift_right_arithmetic3A_350 = vector.broadcast %shift_right_arithmetic3A_349 : i32 to vector<16xi32>
        %shift_right_arithmetic3A_351 = arith.shrsi %gather3A_348, %shift_right_arithmetic3A_350 : vector<16xi32>
        %add3A_352 = arith.addi %gather3A_348, %shift_right_arithmetic3A_351 : vector<16xi32>
        tpu.vector_store_idx %arg7[%add3A_352], %gather3A_335 : memref<8208xi32, #tpu.memory_space<vmem>>[vector<16xi32>], vector<16xi32>,
        tpu.vector_store_idx %arg9[%add3A_352], %add3A_337 : memref<8208xi32, #tpu.memory_space<vmem>>[vector<16xi32>], vector<16xi32>,
        %add3A_353 = arith.constant 1 : i32
        %add3A_354 = vector.broadcast %add3A_353 : i32 to vector<16xi32>
        %add3A_355 = arith.addi %gather3A_348, %add3A_354 : vector<16xi32>
        tpu.vector_store_idx %arg10[%add3A_347], %add3A_355 : memref<4096xi32, #tpu.memory_space<vmem>>[vector<16xi32>], vector<16xi32>,
        %scan3A_356 = arith.constant 0 : i32
        scf.yield %scan3A_356 : i32
      }
      %scan3A_55 = arith.constant 64 : i32
      %scan3A_56 = arith.constant 0 : i32
      %scan3A_57 = arith.constant 0 : i32
      %scan3A_58 = arith.constant 64 : i32
      %scan3A_59 = arith.addi %scan3A_57, %scan3A_58 : i32
      %scan3A_60 = arith.constant 1 : i32
      %scan3A_61 = scf.for %scan3A_142 = %scan3A_57 to %scan3A_59 step %scan3A_60 iter_args(%scan3A_143 = %scan3A_56) -> (i32)  : i32 {
        %mul3A_144 = arith.constant 4 : i32
        %mul3A_145 = arith.muli %scan3A_142, %mul3A_144 : i32
        %add3A = arith.constant 0 : i32
        %add3A_146 = arith.addi %mul3A_145, %add3A : i32
        %mul3A_147 = arith.constant 16 : i32
        %mul3A_148 = arith.muli %add3A_146, %mul3A_147 : i32
        %swap3A = arith.index_cast %mul3A_148 : i32 to index
        %swap3A_149 = tpu.vector_load %arg10[%swap3A] {strides = array<i32>} : memref<4096xi32, #tpu.memory_space<vmem>>, vector<16xi32>,
        tpu.vector_store %arg10[%swap3A], %broadcast_in_dim3A_3 {strides = array<i32>} : memref<4096xi32, #tpu.memory_space<vmem>>, vector<16xi32>,
        %mul3A_150 = arith.constant 4 : i32
        %mul3A_151 = arith.muli %scan3A_142, %mul3A_150 : i32
        %add3A_152 = arith.constant 1 : i32
        %add3A_153 = arith.addi %mul3A_151, %add3A_152 : i32
        %mul3A_154 = arith.constant 16 : i32
        %mul3A_155 = arith.muli %add3A_153, %mul3A_154 : i32
        %swap3A_156 = arith.index_cast %mul3A_155 : i32 to index
        %swap3A_157 = tpu.vector_load %arg10[%swap3A_156] {strides = array<i32>} : memref<4096xi32, #tpu.memory_space<vmem>>, vector<16xi32>,
        tpu.vector_store %arg10[%swap3A_156], %broadcast_in_dim3A_3 {strides = array<i32>} : memref<4096xi32, #tpu.memory_space<vmem>>, vector<16xi32>,
        %mul3A_158 = arith.constant 4 : i32
        %mul3A_159 = arith.muli %scan3A_142, %mul3A_158 : i32
        %add3A_160 = arith.constant 2 : i32
        %add3A_161 = arith.addi %mul3A_159, %add3A_160 : i32
        %mul3A_162 = arith.constant 16 : i32
        %mul3A_163 = arith.muli %add3A_161, %mul3A_162 : i32
        %swap3A_164 = arith.index_cast %mul3A_163 : i32 to index
        %swap3A_165 = tpu.vector_load %arg10[%swap3A_164] {strides = array<i32>} : memref<4096xi32, #tpu.memory_space<vmem>>, vector<16xi32>,
        tpu.vector_store %arg10[%swap3A_164], %broadcast_in_dim3A_3 {strides = array<i32>} : memref<4096xi32, #tpu.memory_space<vmem>>, vector<16xi32>,
        %mul3A_166 = arith.constant 4 : i32
        %mul3A_167 = arith.muli %scan3A_142, %mul3A_166 : i32
        %add3A_168 = arith.constant 3 : i32
        %add3A_169 = arith.addi %mul3A_167, %add3A_168 : i32
        %mul3A_170 = arith.constant 16 : i32
        %mul3A_171 = arith.muli %add3A_169, %mul3A_170 : i32
        %swap3A_172 = arith.index_cast %mul3A_171 : i32 to index
        %swap3A_173 = tpu.vector_load %arg10[%swap3A_172] {strides = array<i32>} : memref<4096xi32, #tpu.memory_space<vmem>>, vector<16xi32>,
        tpu.vector_store %arg10[%swap3A_172], %broadcast_in_dim3A_3 {strides = array<i32>} : memref<4096xi32, #tpu.memory_space<vmem>>, vector<16xi32>,
        %scan3A_174 = arith.constant 0 : i32
        scf.yield %scan3A_174 : i32
      }
      %scan3A_62 = arith.constant 64 : i32
      %scan3A_63 = arith.constant 0 : i32
      %scan3A_64 = arith.constant 0 : i32
      %scan3A_65 = arith.constant 64 : i32
      %scan3A_66 = arith.addi %scan3A_64, %scan3A_65 : i32
      %scan3A_67 = arith.constant 1 : i32
      %scan3A_68 = scf.for %scan3A_142 = %scan3A_64 to %scan3A_66 step %scan3A_67 iter_args(%scan3A_143 = %scan3A_63) -> (i32)  : i32 {
        %mul3A_144 = arith.constant 8 : i32
        %mul3A_145 = arith.muli %scan3A_142, %mul3A_144 : i32
        %add3A = arith.constant 0 : i32
        %add3A_146 = arith.addi %mul3A_145, %add3A : i32
        %add3A_147 = vector.broadcast %add3A_146 : i32 to vector<16xi32>
        %add3A_148 = arith.addi %mul3A_24, %add3A_147 : vector<16xi32>
        %gather3A = tpu.vector_load_idx %arg7[%add3A_148] : memref<8208xi32, #tpu.memory_space<vmem>>[vector<16xi32>], vector<16xi32>,
        %shift_right_logical3A = arith.constant 8 : i32
        %shift_right_logical3A_149 = vector.broadcast %shift_right_logical3A : i32 to vector<16xi32>
        %shift_right_logical3A_150 = arith.shrui %gather3A, %shift_right_logical3A_149 : vector<16xi32>
        %and3A_151 = arith.constant 255 : i32
        %and3A_152 = vector.broadcast %and3A_151 : i32 to vector<16xi32>
        %and3A_153 = arith.andi %shift_right_logical3A_150, %and3A_152 : vector<16xi32>
        %mul3A_154 = arith.constant 16 : i32
        %mul3A_155 = vector.broadcast %mul3A_154 : i32 to vector<16xi32>
        %mul3A_156 = arith.muli %and3A_153, %mul3A_155 : vector<16xi32>
        %add3A_157 = arith.addi %mul3A_156, %iota3A : vector<16xi32>
        tpu.vector_store_idx %arg10[%add3A_157], %broadcast_in_dim3A_1 {add = true} : memref<4096xi32, #tpu.memory_space<vmem>>[vector<16xi32>], vector<16xi32>,
        %mul3A_158 = arith.constant 8 : i32
        %mul3A_159 = arith.muli %scan3A_142, %mul3A_158 : i32
        %add3A_160 = arith.constant 1 : i32
        %add3A_161 = arith.addi %mul3A_159, %add3A_160 : i32
        %add3A_162 = vector.broadcast %add3A_161 : i32 to vector<16xi32>
        %add3A_163 = arith.addi %mul3A_24, %add3A_162 : vector<16xi32>
        %gather3A_164 = tpu.vector_load_idx %arg7[%add3A_163] : memref<8208xi32, #tpu.memory_space<vmem>>[vector<16xi32>], vector<16xi32>,
        %shift_right_logical3A_165 = arith.constant 8 : i32
        %shift_right_logical3A_166 = vector.broadcast %shift_right_logical3A_165 : i32 to vector<16xi32>
        %shift_right_logical3A_167 = arith.shrui %gather3A_164, %shift_right_logical3A_166 : vector<16xi32>
        %and3A_168 = arith.constant 255 : i32
        %and3A_169 = vector.broadcast %and3A_168 : i32 to vector<16xi32>
        %and3A_170 = arith.andi %shift_right_logical3A_167, %and3A_169 : vector<16xi32>
        %mul3A_171 = arith.constant 16 : i32
        %mul3A_172 = vector.broadcast %mul3A_171 : i32 to vector<16xi32>
        %mul3A_173 = arith.muli %and3A_170, %mul3A_172 : vector<16xi32>
        %add3A_174 = arith.addi %mul3A_173, %iota3A : vector<16xi32>
        tpu.vector_store_idx %arg10[%add3A_174], %broadcast_in_dim3A_1 {add = true} : memref<4096xi32, #tpu.memory_space<vmem>>[vector<16xi32>], vector<16xi32>,
        %mul3A_175 = arith.constant 8 : i32
        %mul3A_176 = arith.muli %scan3A_142, %mul3A_175 : i32
        %add3A_177 = arith.constant 2 : i32
        %add3A_178 = arith.addi %mul3A_176, %add3A_177 : i32
        %add3A_179 = vector.broadcast %add3A_178 : i32 to vector<16xi32>
        %add3A_180 = arith.addi %mul3A_24, %add3A_179 : vector<16xi32>
        %gather3A_181 = tpu.vector_load_idx %arg7[%add3A_180] : memref<8208xi32, #tpu.memory_space<vmem>>[vector<16xi32>], vector<16xi32>,
        %shift_right_logical3A_182 = arith.constant 8 : i32
        %shift_right_logical3A_183 = vector.broadcast %shift_right_logical3A_182 : i32 to vector<16xi32>
        %shift_right_logical3A_184 = arith.shrui %gather3A_181, %shift_right_logical3A_183 : vector<16xi32>
        %and3A_185 = arith.constant 255 : i32
        %and3A_186 = vector.broadcast %and3A_185 : i32 to vector<16xi32>
        %and3A_187 = arith.andi %shift_right_logical3A_184, %and3A_186 : vector<16xi32>
        %mul3A_188 = arith.constant 16 : i32
        %mul3A_189 = vector.broadcast %mul3A_188 : i32 to vector<16xi32>
        %mul3A_190 = arith.muli %and3A_187, %mul3A_189 : vector<16xi32>
        %add3A_191 = arith.addi %mul3A_190, %iota3A : vector<16xi32>
        tpu.vector_store_idx %arg10[%add3A_191], %broadcast_in_dim3A_1 {add = true} : memref<4096xi32, #tpu.memory_space<vmem>>[vector<16xi32>], vector<16xi32>,
        %mul3A_192 = arith.constant 8 : i32
        %mul3A_193 = arith.muli %scan3A_142, %mul3A_192 : i32
        %add3A_194 = arith.constant 3 : i32
        %add3A_195 = arith.addi %mul3A_193, %add3A_194 : i32
        %add3A_196 = vector.broadcast %add3A_195 : i32 to vector<16xi32>
        %add3A_197 = arith.addi %mul3A_24, %add3A_196 : vector<16xi32>
        %gather3A_198 = tpu.vector_load_idx %arg7[%add3A_197] : memref<8208xi32, #tpu.memory_space<vmem>>[vector<16xi32>], vector<16xi32>,
        %shift_right_logical3A_199 = arith.constant 8 : i32
        %shift_right_logical3A_200 = vector.broadcast %shift_right_logical3A_199 : i32 to vector<16xi32>
        %shift_right_logical3A_201 = arith.shrui %gather3A_198, %shift_right_logical3A_200 : vector<16xi32>
        %and3A_202 = arith.constant 255 : i32
        %and3A_203 = vector.broadcast %and3A_202 : i32 to vector<16xi32>
        %and3A_204 = arith.andi %shift_right_logical3A_201, %and3A_203 : vector<16xi32>
        %mul3A_205 = arith.constant 16 : i32
        %mul3A_206 = vector.broadcast %mul3A_205 : i32 to vector<16xi32>
        %mul3A_207 = arith.muli %and3A_204, %mul3A_206 : vector<16xi32>
        %add3A_208 = arith.addi %mul3A_207, %iota3A : vector<16xi32>
        tpu.vector_store_idx %arg10[%add3A_208], %broadcast_in_dim3A_1 {add = true} : memref<4096xi32, #tpu.memory_space<vmem>>[vector<16xi32>], vector<16xi32>,
        %mul3A_209 = arith.constant 8 : i32
        %mul3A_210 = arith.muli %scan3A_142, %mul3A_209 : i32
        %add3A_211 = arith.constant 4 : i32
        %add3A_212 = arith.addi %mul3A_210, %add3A_211 : i32
        %add3A_213 = vector.broadcast %add3A_212 : i32 to vector<16xi32>
        %add3A_214 = arith.addi %mul3A_24, %add3A_213 : vector<16xi32>
        %gather3A_215 = tpu.vector_load_idx %arg7[%add3A_214] : memref<8208xi32, #tpu.memory_space<vmem>>[vector<16xi32>], vector<16xi32>,
        %shift_right_logical3A_216 = arith.constant 8 : i32
        %shift_right_logical3A_217 = vector.broadcast %shift_right_logical3A_216 : i32 to vector<16xi32>
        %shift_right_logical3A_218 = arith.shrui %gather3A_215, %shift_right_logical3A_217 : vector<16xi32>
        %and3A_219 = arith.constant 255 : i32
        %and3A_220 = vector.broadcast %and3A_219 : i32 to vector<16xi32>
        %and3A_221 = arith.andi %shift_right_logical3A_218, %and3A_220 : vector<16xi32>
        %mul3A_222 = arith.constant 16 : i32
        %mul3A_223 = vector.broadcast %mul3A_222 : i32 to vector<16xi32>
        %mul3A_224 = arith.muli %and3A_221, %mul3A_223 : vector<16xi32>
        %add3A_225 = arith.addi %mul3A_224, %iota3A : vector<16xi32>
        tpu.vector_store_idx %arg10[%add3A_225], %broadcast_in_dim3A_1 {add = true} : memref<4096xi32, #tpu.memory_space<vmem>>[vector<16xi32>], vector<16xi32>,
        %mul3A_226 = arith.constant 8 : i32
        %mul3A_227 = arith.muli %scan3A_142, %mul3A_226 : i32
        %add3A_228 = arith.constant 5 : i32
        %add3A_229 = arith.addi %mul3A_227, %add3A_228 : i32
        %add3A_230 = vector.broadcast %add3A_229 : i32 to vector<16xi32>
        %add3A_231 = arith.addi %mul3A_24, %add3A_230 : vector<16xi32>
        %gather3A_232 = tpu.vector_load_idx %arg7[%add3A_231] : memref<8208xi32, #tpu.memory_space<vmem>>[vector<16xi32>], vector<16xi32>,
        %shift_right_logical3A_233 = arith.constant 8 : i32
        %shift_right_logical3A_234 = vector.broadcast %shift_right_logical3A_233 : i32 to vector<16xi32>
        %shift_right_logical3A_235 = arith.shrui %gather3A_232, %shift_right_logical3A_234 : vector<16xi32>
        %and3A_236 = arith.constant 255 : i32
        %and3A_237 = vector.broadcast %and3A_236 : i32 to vector<16xi32>
        %and3A_238 = arith.andi %shift_right_logical3A_235, %and3A_237 : vector<16xi32>
        %mul3A_239 = arith.constant 16 : i32
        %mul3A_240 = vector.broadcast %mul3A_239 : i32 to vector<16xi32>
        %mul3A_241 = arith.muli %and3A_238, %mul3A_240 : vector<16xi32>
        %add3A_242 = arith.addi %mul3A_241, %iota3A : vector<16xi32>
        tpu.vector_store_idx %arg10[%add3A_242], %broadcast_in_dim3A_1 {add = true} : memref<4096xi32, #tpu.memory_space<vmem>>[vector<16xi32>], vector<16xi32>,
        %mul3A_243 = arith.constant 8 : i32
        %mul3A_244 = arith.muli %scan3A_142, %mul3A_243 : i32
        %add3A_245 = arith.constant 6 : i32
        %add3A_246 = arith.addi %mul3A_244, %add3A_245 : i32
        %add3A_247 = vector.broadcast %add3A_246 : i32 to vector<16xi32>
        %add3A_248 = arith.addi %mul3A_24, %add3A_247 : vector<16xi32>
        %gather3A_249 = tpu.vector_load_idx %arg7[%add3A_248] : memref<8208xi32, #tpu.memory_space<vmem>>[vector<16xi32>], vector<16xi32>,
        %shift_right_logical3A_250 = arith.constant 8 : i32
        %shift_right_logical3A_251 = vector.broadcast %shift_right_logical3A_250 : i32 to vector<16xi32>
        %shift_right_logical3A_252 = arith.shrui %gather3A_249, %shift_right_logical3A_251 : vector<16xi32>
        %and3A_253 = arith.constant 255 : i32
        %and3A_254 = vector.broadcast %and3A_253 : i32 to vector<16xi32>
        %and3A_255 = arith.andi %shift_right_logical3A_252, %and3A_254 : vector<16xi32>
        %mul3A_256 = arith.constant 16 : i32
        %mul3A_257 = vector.broadcast %mul3A_256 : i32 to vector<16xi32>
        %mul3A_258 = arith.muli %and3A_255, %mul3A_257 : vector<16xi32>
        %add3A_259 = arith.addi %mul3A_258, %iota3A : vector<16xi32>
        tpu.vector_store_idx %arg10[%add3A_259], %broadcast_in_dim3A_1 {add = true} : memref<4096xi32, #tpu.memory_space<vmem>>[vector<16xi32>], vector<16xi32>,
        %mul3A_260 = arith.constant 8 : i32
        %mul3A_261 = arith.muli %scan3A_142, %mul3A_260 : i32
        %add3A_262 = arith.constant 7 : i32
        %add3A_263 = arith.addi %mul3A_261, %add3A_262 : i32
        %add3A_264 = vector.broadcast %add3A_263 : i32 to vector<16xi32>
        %add3A_265 = arith.addi %mul3A_24, %add3A_264 : vector<16xi32>
        %gather3A_266 = tpu.vector_load_idx %arg7[%add3A_265] : memref<8208xi32, #tpu.memory_space<vmem>>[vector<16xi32>], vector<16xi32>,
        %shift_right_logical3A_267 = arith.constant 8 : i32
        %shift_right_logical3A_268 = vector.broadcast %shift_right_logical3A_267 : i32 to vector<16xi32>
        %shift_right_logical3A_269 = arith.shrui %gather3A_266, %shift_right_logical3A_268 : vector<16xi32>
        %and3A_270 = arith.constant 255 : i32
        %and3A_271 = vector.broadcast %and3A_270 : i32 to vector<16xi32>
        %and3A_272 = arith.andi %shift_right_logical3A_269, %and3A_271 : vector<16xi32>
        %mul3A_273 = arith.constant 16 : i32
        %mul3A_274 = vector.broadcast %mul3A_273 : i32 to vector<16xi32>
        %mul3A_275 = arith.muli %and3A_272, %mul3A_274 : vector<16xi32>
        %add3A_276 = arith.addi %mul3A_275, %iota3A : vector<16xi32>
        tpu.vector_store_idx %arg10[%add3A_276], %broadcast_in_dim3A_1 {add = true} : memref<4096xi32, #tpu.memory_space<vmem>>[vector<16xi32>], vector<16xi32>,
        %scan3A_277 = arith.constant 0 : i32
        scf.yield %scan3A_277 : i32
      }
      %scan3A_69 = arith.constant 64 : i32
      %scan3A_70 = arith.constant 0 : i32
      %scan3A_71 = arith.constant 0 : i32
      %scan3A_72 = arith.constant 256 : i32
      %scan3A_73 = arith.addi %scan3A_71, %scan3A_72 : i32
      %scan3A_74 = arith.constant 1 : i32
      %scan3A_75 = scf.for %scan3A_142 = %scan3A_71 to %scan3A_73 step %scan3A_74 iter_args(%scan3A_143 = %scan3A_70) -> (i32)  : i32 {
        %mul3A_144 = arith.constant 16 : i32
        %mul3A_145 = arith.muli %scan3A_142, %mul3A_144 : i32
        %get3A = arith.index_cast %mul3A_145 : i32 to index
        %get3A_146 = tpu.vector_load %arg10[%get3A] {strides = array<i32>} : memref<4096xi32, #tpu.memory_space<vmem>>, vector<16xi32>,
        %broadcast_in_dim3A_147 = arith.constant true
        %broadcast_in_dim3A_148 = vector.broadcast %broadcast_in_dim3A_147 : i1 to vector<16xi1>
        %masked_cumsum3A = tpu.scan <sum>, %get3A_146 masked %broadcast_in_dim3A_148 : vector<16xi32>, vector<16xi1> -> vector<16xi32>
        %reduce_sum3A = arith.constant true
        %reduce_sum3A_149 = vector.broadcast %reduce_sum3A : i1 to vector<16xi1>
        %reduce_sum3A_150 = tpu.scan <sum>, %get3A_146 masked %reduce_sum3A_149 : vector<16xi32>, vector<16xi1> -> vector<16xi32>
        %reduce_sum3A_151 = vector.extract %reduce_sum3A_150[15] : i32 from vector<16xi32>
        %sub3A = arith.subi %masked_cumsum3A, %get3A_146 : vector<16xi32>
        %add3A = vector.broadcast %scan3A_143 : i32 to vector<16xi32>
        %add3A_152 = arith.addi %sub3A, %add3A : vector<16xi32>
        %mul3A_153 = arith.constant 16 : i32
        %mul3A_154 = arith.muli %scan3A_142, %mul3A_153 : i32
        %swap3A = arith.index_cast %mul3A_154 : i32 to index
        %swap3A_155 = tpu.vector_load %arg10[%swap3A] {strides = array<i32>} : memref<4096xi32, #tpu.memory_space<vmem>>, vector<16xi32>,
        tpu.vector_store %arg10[%swap3A], %add3A_152 {strides = array<i32>} : memref<4096xi32, #tpu.memory_space<vmem>>, vector<16xi32>,
        %add3A_156 = arith.addi %scan3A_143, %reduce_sum3A_151 : i32
        scf.yield %add3A_156 : i32
      }
      %scan3A_76 = arith.constant 256 : i32
      %scan3A_77 = arith.constant 0 : i32
      %scan3A_78 = arith.constant 0 : i32
      %scan3A_79 = arith.constant 64 : i32
      %scan3A_80 = arith.addi %scan3A_78, %scan3A_79 : i32
      %scan3A_81 = arith.constant 1 : i32
      %scan3A_82 = scf.for %scan3A_142 = %scan3A_78 to %scan3A_80 step %scan3A_81 iter_args(%scan3A_143 = %scan3A_77) -> (i32)  : i32 {
        %mul3A_144 = arith.constant 8 : i32
        %mul3A_145 = arith.muli %scan3A_142, %mul3A_144 : i32
        %add3A = arith.constant 0 : i32
        %add3A_146 = arith.addi %mul3A_145, %add3A : i32
        %add3A_147 = vector.broadcast %add3A_146 : i32 to vector<16xi32>
        %add3A_148 = arith.addi %mul3A_24, %add3A_147 : vector<16xi32>
        %gather3A = tpu.vector_load_idx %arg7[%add3A_148] : memref<8208xi32, #tpu.memory_space<vmem>>[vector<16xi32>], vector<16xi32>,
        %gather3A_149 = tpu.vector_load_idx %arg9[%add3A_148] : memref<8208xi32, #tpu.memory_space<vmem>>[vector<16xi32>], vector<16xi32>,
        %shift_right_logical3A = arith.constant 8 : i32
        %shift_right_logical3A_150 = vector.broadcast %shift_right_logical3A : i32 to vector<16xi32>
        %shift_right_logical3A_151 = arith.shrui %gather3A, %shift_right_logical3A_150 : vector<16xi32>
        %and3A_152 = arith.constant 255 : i32
        %and3A_153 = vector.broadcast %and3A_152 : i32 to vector<16xi32>
        %and3A_154 = arith.andi %shift_right_logical3A_151, %and3A_153 : vector<16xi32>
        %mul3A_155 = arith.constant 16 : i32
        %mul3A_156 = vector.broadcast %mul3A_155 : i32 to vector<16xi32>
        %mul3A_157 = arith.muli %and3A_154, %mul3A_156 : vector<16xi32>
        %add3A_158 = arith.addi %mul3A_157, %iota3A : vector<16xi32>
        %gather3A_159 = tpu.vector_load_idx %arg10[%add3A_158] : memref<4096xi32, #tpu.memory_space<vmem>>[vector<16xi32>], vector<16xi32>,
        %shift_right_arithmetic3A = arith.constant 9 : i32
        %shift_right_arithmetic3A_160 = vector.broadcast %shift_right_arithmetic3A : i32 to vector<16xi32>
        %shift_right_arithmetic3A_161 = arith.shrsi %gather3A_159, %shift_right_arithmetic3A_160 : vector<16xi32>
        %add3A_162 = arith.addi %gather3A_159, %shift_right_arithmetic3A_161 : vector<16xi32>
        tpu.vector_store_idx %arg6[%add3A_162], %gather3A : memref<8208xi32, #tpu.memory_space<vmem>>[vector<16xi32>], vector<16xi32>,
        tpu.vector_store_idx %arg8[%add3A_162], %gather3A_149 : memref<8208xi32, #tpu.memory_space<vmem>>[vector<16xi32>], vector<16xi32>,
        %add3A_163 = arith.constant 1 : i32
        %add3A_164 = vector.broadcast %add3A_163 : i32 to vector<16xi32>
        %add3A_165 = arith.addi %gather3A_159, %add3A_164 : vector<16xi32>
        tpu.vector_store_idx %arg10[%add3A_158], %add3A_165 : memref<4096xi32, #tpu.memory_space<vmem>>[vector<16xi32>], vector<16xi32>,
        %mul3A_166 = arith.constant 8 : i32
        %mul3A_167 = arith.muli %scan3A_142, %mul3A_166 : i32
        %add3A_168 = arith.constant 1 : i32
        %add3A_169 = arith.addi %mul3A_167, %add3A_168 : i32
        %add3A_170 = vector.broadcast %add3A_169 : i32 to vector<16xi32>
        %add3A_171 = arith.addi %mul3A_24, %add3A_170 : vector<16xi32>
        %gather3A_172 = tpu.vector_load_idx %arg7[%add3A_171] : memref<8208xi32, #tpu.memory_space<vmem>>[vector<16xi32>], vector<16xi32>,
        %gather3A_173 = tpu.vector_load_idx %arg9[%add3A_171] : memref<8208xi32, #tpu.memory_space<vmem>>[vector<16xi32>], vector<16xi32>,
        %shift_right_logical3A_174 = arith.constant 8 : i32
        %shift_right_logical3A_175 = vector.broadcast %shift_right_logical3A_174 : i32 to vector<16xi32>
        %shift_right_logical3A_176 = arith.shrui %gather3A_172, %shift_right_logical3A_175 : vector<16xi32>
        %and3A_177 = arith.constant 255 : i32
        %and3A_178 = vector.broadcast %and3A_177 : i32 to vector<16xi32>
        %and3A_179 = arith.andi %shift_right_logical3A_176, %and3A_178 : vector<16xi32>
        %mul3A_180 = arith.constant 16 : i32
        %mul3A_181 = vector.broadcast %mul3A_180 : i32 to vector<16xi32>
        %mul3A_182 = arith.muli %and3A_179, %mul3A_181 : vector<16xi32>
        %add3A_183 = arith.addi %mul3A_182, %iota3A : vector<16xi32>
        %gather3A_184 = tpu.vector_load_idx %arg10[%add3A_183] : memref<4096xi32, #tpu.memory_space<vmem>>[vector<16xi32>], vector<16xi32>,
        %shift_right_arithmetic3A_185 = arith.constant 9 : i32
        %shift_right_arithmetic3A_186 = vector.broadcast %shift_right_arithmetic3A_185 : i32 to vector<16xi32>
        %shift_right_arithmetic3A_187 = arith.shrsi %gather3A_184, %shift_right_arithmetic3A_186 : vector<16xi32>
        %add3A_188 = arith.addi %gather3A_184, %shift_right_arithmetic3A_187 : vector<16xi32>
        tpu.vector_store_idx %arg6[%add3A_188], %gather3A_172 : memref<8208xi32, #tpu.memory_space<vmem>>[vector<16xi32>], vector<16xi32>,
        tpu.vector_store_idx %arg8[%add3A_188], %gather3A_173 : memref<8208xi32, #tpu.memory_space<vmem>>[vector<16xi32>], vector<16xi32>,
        %add3A_189 = arith.constant 1 : i32
        %add3A_190 = vector.broadcast %add3A_189 : i32 to vector<16xi32>
        %add3A_191 = arith.addi %gather3A_184, %add3A_190 : vector<16xi32>
        tpu.vector_store_idx %arg10[%add3A_183], %add3A_191 : memref<4096xi32, #tpu.memory_space<vmem>>[vector<16xi32>], vector<16xi32>,
        %mul3A_192 = arith.constant 8 : i32
        %mul3A_193 = arith.muli %scan3A_142, %mul3A_192 : i32
        %add3A_194 = arith.constant 2 : i32
        %add3A_195 = arith.addi %mul3A_193, %add3A_194 : i32
        %add3A_196 = vector.broadcast %add3A_195 : i32 to vector<16xi32>
        %add3A_197 = arith.addi %mul3A_24, %add3A_196 : vector<16xi32>
        %gather3A_198 = tpu.vector_load_idx %arg7[%add3A_197] : memref<8208xi32, #tpu.memory_space<vmem>>[vector<16xi32>], vector<16xi32>,
        %gather3A_199 = tpu.vector_load_idx %arg9[%add3A_197] : memref<8208xi32, #tpu.memory_space<vmem>>[vector<16xi32>], vector<16xi32>,
        %shift_right_logical3A_200 = arith.constant 8 : i32
        %shift_right_logical3A_201 = vector.broadcast %shift_right_logical3A_200 : i32 to vector<16xi32>
        %shift_right_logical3A_202 = arith.shrui %gather3A_198, %shift_right_logical3A_201 : vector<16xi32>
        %and3A_203 = arith.constant 255 : i32
        %and3A_204 = vector.broadcast %and3A_203 : i32 to vector<16xi32>
        %and3A_205 = arith.andi %shift_right_logical3A_202, %and3A_204 : vector<16xi32>
        %mul3A_206 = arith.constant 16 : i32
        %mul3A_207 = vector.broadcast %mul3A_206 : i32 to vector<16xi32>
        %mul3A_208 = arith.muli %and3A_205, %mul3A_207 : vector<16xi32>
        %add3A_209 = arith.addi %mul3A_208, %iota3A : vector<16xi32>
        %gather3A_210 = tpu.vector_load_idx %arg10[%add3A_209] : memref<4096xi32, #tpu.memory_space<vmem>>[vector<16xi32>], vector<16xi32>,
        %shift_right_arithmetic3A_211 = arith.constant 9 : i32
        %shift_right_arithmetic3A_212 = vector.broadcast %shift_right_arithmetic3A_211 : i32 to vector<16xi32>
        %shift_right_arithmetic3A_213 = arith.shrsi %gather3A_210, %shift_right_arithmetic3A_212 : vector<16xi32>
        %add3A_214 = arith.addi %gather3A_210, %shift_right_arithmetic3A_213 : vector<16xi32>
        tpu.vector_store_idx %arg6[%add3A_214], %gather3A_198 : memref<8208xi32, #tpu.memory_space<vmem>>[vector<16xi32>], vector<16xi32>,
        tpu.vector_store_idx %arg8[%add3A_214], %gather3A_199 : memref<8208xi32, #tpu.memory_space<vmem>>[vector<16xi32>], vector<16xi32>,
        %add3A_215 = arith.constant 1 : i32
        %add3A_216 = vector.broadcast %add3A_215 : i32 to vector<16xi32>
        %add3A_217 = arith.addi %gather3A_210, %add3A_216 : vector<16xi32>
        tpu.vector_store_idx %arg10[%add3A_209], %add3A_217 : memref<4096xi32, #tpu.memory_space<vmem>>[vector<16xi32>], vector<16xi32>,
        %mul3A_218 = arith.constant 8 : i32
        %mul3A_219 = arith.muli %scan3A_142, %mul3A_218 : i32
        %add3A_220 = arith.constant 3 : i32
        %add3A_221 = arith.addi %mul3A_219, %add3A_220 : i32
        %add3A_222 = vector.broadcast %add3A_221 : i32 to vector<16xi32>
        %add3A_223 = arith.addi %mul3A_24, %add3A_222 : vector<16xi32>
        %gather3A_224 = tpu.vector_load_idx %arg7[%add3A_223] : memref<8208xi32, #tpu.memory_space<vmem>>[vector<16xi32>], vector<16xi32>,
        %gather3A_225 = tpu.vector_load_idx %arg9[%add3A_223] : memref<8208xi32, #tpu.memory_space<vmem>>[vector<16xi32>], vector<16xi32>,
        %shift_right_logical3A_226 = arith.constant 8 : i32
        %shift_right_logical3A_227 = vector.broadcast %shift_right_logical3A_226 : i32 to vector<16xi32>
        %shift_right_logical3A_228 = arith.shrui %gather3A_224, %shift_right_logical3A_227 : vector<16xi32>
        %and3A_229 = arith.constant 255 : i32
        %and3A_230 = vector.broadcast %and3A_229 : i32 to vector<16xi32>
        %and3A_231 = arith.andi %shift_right_logical3A_228, %and3A_230 : vector<16xi32>
        %mul3A_232 = arith.constant 16 : i32
        %mul3A_233 = vector.broadcast %mul3A_232 : i32 to vector<16xi32>
        %mul3A_234 = arith.muli %and3A_231, %mul3A_233 : vector<16xi32>
        %add3A_235 = arith.addi %mul3A_234, %iota3A : vector<16xi32>
        %gather3A_236 = tpu.vector_load_idx %arg10[%add3A_235] : memref<4096xi32, #tpu.memory_space<vmem>>[vector<16xi32>], vector<16xi32>,
        %shift_right_arithmetic3A_237 = arith.constant 9 : i32
        %shift_right_arithmetic3A_238 = vector.broadcast %shift_right_arithmetic3A_237 : i32 to vector<16xi32>
        %shift_right_arithmetic3A_239 = arith.shrsi %gather3A_236, %shift_right_arithmetic3A_238 : vector<16xi32>
        %add3A_240 = arith.addi %gather3A_236, %shift_right_arithmetic3A_239 : vector<16xi32>
        tpu.vector_store_idx %arg6[%add3A_240], %gather3A_224 : memref<8208xi32, #tpu.memory_space<vmem>>[vector<16xi32>], vector<16xi32>,
        tpu.vector_store_idx %arg8[%add3A_240], %gather3A_225 : memref<8208xi32, #tpu.memory_space<vmem>>[vector<16xi32>], vector<16xi32>,
        %add3A_241 = arith.constant 1 : i32
        %add3A_242 = vector.broadcast %add3A_241 : i32 to vector<16xi32>
        %add3A_243 = arith.addi %gather3A_236, %add3A_242 : vector<16xi32>
        tpu.vector_store_idx %arg10[%add3A_235], %add3A_243 : memref<4096xi32, #tpu.memory_space<vmem>>[vector<16xi32>], vector<16xi32>,
        %mul3A_244 = arith.constant 8 : i32
        %mul3A_245 = arith.muli %scan3A_142, %mul3A_244 : i32
        %add3A_246 = arith.constant 4 : i32
        %add3A_247 = arith.addi %mul3A_245, %add3A_246 : i32
        %add3A_248 = vector.broadcast %add3A_247 : i32 to vector<16xi32>
        %add3A_249 = arith.addi %mul3A_24, %add3A_248 : vector<16xi32>
        %gather3A_250 = tpu.vector_load_idx %arg7[%add3A_249] : memref<8208xi32, #tpu.memory_space<vmem>>[vector<16xi32>], vector<16xi32>,
        %gather3A_251 = tpu.vector_load_idx %arg9[%add3A_249] : memref<8208xi32, #tpu.memory_space<vmem>>[vector<16xi32>], vector<16xi32>,
        %shift_right_logical3A_252 = arith.constant 8 : i32
        %shift_right_logical3A_253 = vector.broadcast %shift_right_logical3A_252 : i32 to vector<16xi32>
        %shift_right_logical3A_254 = arith.shrui %gather3A_250, %shift_right_logical3A_253 : vector<16xi32>
        %and3A_255 = arith.constant 255 : i32
        %and3A_256 = vector.broadcast %and3A_255 : i32 to vector<16xi32>
        %and3A_257 = arith.andi %shift_right_logical3A_254, %and3A_256 : vector<16xi32>
        %mul3A_258 = arith.constant 16 : i32
        %mul3A_259 = vector.broadcast %mul3A_258 : i32 to vector<16xi32>
        %mul3A_260 = arith.muli %and3A_257, %mul3A_259 : vector<16xi32>
        %add3A_261 = arith.addi %mul3A_260, %iota3A : vector<16xi32>
        %gather3A_262 = tpu.vector_load_idx %arg10[%add3A_261] : memref<4096xi32, #tpu.memory_space<vmem>>[vector<16xi32>], vector<16xi32>,
        %shift_right_arithmetic3A_263 = arith.constant 9 : i32
        %shift_right_arithmetic3A_264 = vector.broadcast %shift_right_arithmetic3A_263 : i32 to vector<16xi32>
        %shift_right_arithmetic3A_265 = arith.shrsi %gather3A_262, %shift_right_arithmetic3A_264 : vector<16xi32>
        %add3A_266 = arith.addi %gather3A_262, %shift_right_arithmetic3A_265 : vector<16xi32>
        tpu.vector_store_idx %arg6[%add3A_266], %gather3A_250 : memref<8208xi32, #tpu.memory_space<vmem>>[vector<16xi32>], vector<16xi32>,
        tpu.vector_store_idx %arg8[%add3A_266], %gather3A_251 : memref<8208xi32, #tpu.memory_space<vmem>>[vector<16xi32>], vector<16xi32>,
        %add3A_267 = arith.constant 1 : i32
        %add3A_268 = vector.broadcast %add3A_267 : i32 to vector<16xi32>
        %add3A_269 = arith.addi %gather3A_262, %add3A_268 : vector<16xi32>
        tpu.vector_store_idx %arg10[%add3A_261], %add3A_269 : memref<4096xi32, #tpu.memory_space<vmem>>[vector<16xi32>], vector<16xi32>,
        %mul3A_270 = arith.constant 8 : i32
        %mul3A_271 = arith.muli %scan3A_142, %mul3A_270 : i32
        %add3A_272 = arith.constant 5 : i32
        %add3A_273 = arith.addi %mul3A_271, %add3A_272 : i32
        %add3A_274 = vector.broadcast %add3A_273 : i32 to vector<16xi32>
        %add3A_275 = arith.addi %mul3A_24, %add3A_274 : vector<16xi32>
        %gather3A_276 = tpu.vector_load_idx %arg7[%add3A_275] : memref<8208xi32, #tpu.memory_space<vmem>>[vector<16xi32>], vector<16xi32>,
        %gather3A_277 = tpu.vector_load_idx %arg9[%add3A_275] : memref<8208xi32, #tpu.memory_space<vmem>>[vector<16xi32>], vector<16xi32>,
        %shift_right_logical3A_278 = arith.constant 8 : i32
        %shift_right_logical3A_279 = vector.broadcast %shift_right_logical3A_278 : i32 to vector<16xi32>
        %shift_right_logical3A_280 = arith.shrui %gather3A_276, %shift_right_logical3A_279 : vector<16xi32>
        %and3A_281 = arith.constant 255 : i32
        %and3A_282 = vector.broadcast %and3A_281 : i32 to vector<16xi32>
        %and3A_283 = arith.andi %shift_right_logical3A_280, %and3A_282 : vector<16xi32>
        %mul3A_284 = arith.constant 16 : i32
        %mul3A_285 = vector.broadcast %mul3A_284 : i32 to vector<16xi32>
        %mul3A_286 = arith.muli %and3A_283, %mul3A_285 : vector<16xi32>
        %add3A_287 = arith.addi %mul3A_286, %iota3A : vector<16xi32>
        %gather3A_288 = tpu.vector_load_idx %arg10[%add3A_287] : memref<4096xi32, #tpu.memory_space<vmem>>[vector<16xi32>], vector<16xi32>,
        %shift_right_arithmetic3A_289 = arith.constant 9 : i32
        %shift_right_arithmetic3A_290 = vector.broadcast %shift_right_arithmetic3A_289 : i32 to vector<16xi32>
        %shift_right_arithmetic3A_291 = arith.shrsi %gather3A_288, %shift_right_arithmetic3A_290 : vector<16xi32>
        %add3A_292 = arith.addi %gather3A_288, %shift_right_arithmetic3A_291 : vector<16xi32>
        tpu.vector_store_idx %arg6[%add3A_292], %gather3A_276 : memref<8208xi32, #tpu.memory_space<vmem>>[vector<16xi32>], vector<16xi32>,
        tpu.vector_store_idx %arg8[%add3A_292], %gather3A_277 : memref<8208xi32, #tpu.memory_space<vmem>>[vector<16xi32>], vector<16xi32>,
        %add3A_293 = arith.constant 1 : i32
        %add3A_294 = vector.broadcast %add3A_293 : i32 to vector<16xi32>
        %add3A_295 = arith.addi %gather3A_288, %add3A_294 : vector<16xi32>
        tpu.vector_store_idx %arg10[%add3A_287], %add3A_295 : memref<4096xi32, #tpu.memory_space<vmem>>[vector<16xi32>], vector<16xi32>,
        %mul3A_296 = arith.constant 8 : i32
        %mul3A_297 = arith.muli %scan3A_142, %mul3A_296 : i32
        %add3A_298 = arith.constant 6 : i32
        %add3A_299 = arith.addi %mul3A_297, %add3A_298 : i32
        %add3A_300 = vector.broadcast %add3A_299 : i32 to vector<16xi32>
        %add3A_301 = arith.addi %mul3A_24, %add3A_300 : vector<16xi32>
        %gather3A_302 = tpu.vector_load_idx %arg7[%add3A_301] : memref<8208xi32, #tpu.memory_space<vmem>>[vector<16xi32>], vector<16xi32>,
        %gather3A_303 = tpu.vector_load_idx %arg9[%add3A_301] : memref<8208xi32, #tpu.memory_space<vmem>>[vector<16xi32>], vector<16xi32>,
        %shift_right_logical3A_304 = arith.constant 8 : i32
        %shift_right_logical3A_305 = vector.broadcast %shift_right_logical3A_304 : i32 to vector<16xi32>
        %shift_right_logical3A_306 = arith.shrui %gather3A_302, %shift_right_logical3A_305 : vector<16xi32>
        %and3A_307 = arith.constant 255 : i32
        %and3A_308 = vector.broadcast %and3A_307 : i32 to vector<16xi32>
        %and3A_309 = arith.andi %shift_right_logical3A_306, %and3A_308 : vector<16xi32>
        %mul3A_310 = arith.constant 16 : i32
        %mul3A_311 = vector.broadcast %mul3A_310 : i32 to vector<16xi32>
        %mul3A_312 = arith.muli %and3A_309, %mul3A_311 : vector<16xi32>
        %add3A_313 = arith.addi %mul3A_312, %iota3A : vector<16xi32>
        %gather3A_314 = tpu.vector_load_idx %arg10[%add3A_313] : memref<4096xi32, #tpu.memory_space<vmem>>[vector<16xi32>], vector<16xi32>,
        %shift_right_arithmetic3A_315 = arith.constant 9 : i32
        %shift_right_arithmetic3A_316 = vector.broadcast %shift_right_arithmetic3A_315 : i32 to vector<16xi32>
        %shift_right_arithmetic3A_317 = arith.shrsi %gather3A_314, %shift_right_arithmetic3A_316 : vector<16xi32>
        %add3A_318 = arith.addi %gather3A_314, %shift_right_arithmetic3A_317 : vector<16xi32>
        tpu.vector_store_idx %arg6[%add3A_318], %gather3A_302 : memref<8208xi32, #tpu.memory_space<vmem>>[vector<16xi32>], vector<16xi32>,
        tpu.vector_store_idx %arg8[%add3A_318], %gather3A_303 : memref<8208xi32, #tpu.memory_space<vmem>>[vector<16xi32>], vector<16xi32>,
        %add3A_319 = arith.constant 1 : i32
        %add3A_320 = vector.broadcast %add3A_319 : i32 to vector<16xi32>
        %add3A_321 = arith.addi %gather3A_314, %add3A_320 : vector<16xi32>
        tpu.vector_store_idx %arg10[%add3A_313], %add3A_321 : memref<4096xi32, #tpu.memory_space<vmem>>[vector<16xi32>], vector<16xi32>,
        %mul3A_322 = arith.constant 8 : i32
        %mul3A_323 = arith.muli %scan3A_142, %mul3A_322 : i32
        %add3A_324 = arith.constant 7 : i32
        %add3A_325 = arith.addi %mul3A_323, %add3A_324 : i32
        %add3A_326 = vector.broadcast %add3A_325 : i32 to vector<16xi32>
        %add3A_327 = arith.addi %mul3A_24, %add3A_326 : vector<16xi32>
        %gather3A_328 = tpu.vector_load_idx %arg7[%add3A_327] : memref<8208xi32, #tpu.memory_space<vmem>>[vector<16xi32>], vector<16xi32>,
        %gather3A_329 = tpu.vector_load_idx %arg9[%add3A_327] : memref<8208xi32, #tpu.memory_space<vmem>>[vector<16xi32>], vector<16xi32>,
        %shift_right_logical3A_330 = arith.constant 8 : i32
        %shift_right_logical3A_331 = vector.broadcast %shift_right_logical3A_330 : i32 to vector<16xi32>
        %shift_right_logical3A_332 = arith.shrui %gather3A_328, %shift_right_logical3A_331 : vector<16xi32>
        %and3A_333 = arith.constant 255 : i32
        %and3A_334 = vector.broadcast %and3A_333 : i32 to vector<16xi32>
        %and3A_335 = arith.andi %shift_right_logical3A_332, %and3A_334 : vector<16xi32>
        %mul3A_336 = arith.constant 16 : i32
        %mul3A_337 = vector.broadcast %mul3A_336 : i32 to vector<16xi32>
        %mul3A_338 = arith.muli %and3A_335, %mul3A_337 : vector<16xi32>
        %add3A_339 = arith.addi %mul3A_338, %iota3A : vector<16xi32>
        %gather3A_340 = tpu.vector_load_idx %arg10[%add3A_339] : memref<4096xi32, #tpu.memory_space<vmem>>[vector<16xi32>], vector<16xi32>,
        %shift_right_arithmetic3A_341 = arith.constant 9 : i32
        %shift_right_arithmetic3A_342 = vector.broadcast %shift_right_arithmetic3A_341 : i32 to vector<16xi32>
        %shift_right_arithmetic3A_343 = arith.shrsi %gather3A_340, %shift_right_arithmetic3A_342 : vector<16xi32>
        %add3A_344 = arith.addi %gather3A_340, %shift_right_arithmetic3A_343 : vector<16xi32>
        tpu.vector_store_idx %arg6[%add3A_344], %gather3A_328 : memref<8208xi32, #tpu.memory_space<vmem>>[vector<16xi32>], vector<16xi32>,
        tpu.vector_store_idx %arg8[%add3A_344], %gather3A_329 : memref<8208xi32, #tpu.memory_space<vmem>>[vector<16xi32>], vector<16xi32>,
        %add3A_345 = arith.constant 1 : i32
        %add3A_346 = vector.broadcast %add3A_345 : i32 to vector<16xi32>
        %add3A_347 = arith.addi %gather3A_340, %add3A_346 : vector<16xi32>
        tpu.vector_store_idx %arg10[%add3A_339], %add3A_347 : memref<4096xi32, #tpu.memory_space<vmem>>[vector<16xi32>], vector<16xi32>,
        %scan3A_348 = arith.constant 0 : i32
        scf.yield %scan3A_348 : i32
      }
      %scan3A_83 = arith.constant 64 : i32
      %scan3A_84 = arith.constant 0 : i32
      %scan3A_85 = arith.constant 0 : i32
      %scan3A_86 = arith.constant 64 : i32
      %scan3A_87 = arith.addi %scan3A_85, %scan3A_86 : i32
      %scan3A_88 = arith.constant 1 : i32
      %scan3A_89 = scf.for %scan3A_142 = %scan3A_85 to %scan3A_87 step %scan3A_88 iter_args(%scan3A_143 = %scan3A_84) -> (i32)  : i32 {
        %mul3A_144 = arith.constant 4 : i32
        %mul3A_145 = arith.muli %scan3A_142, %mul3A_144 : i32
        %add3A = arith.constant 0 : i32
        %add3A_146 = arith.addi %mul3A_145, %add3A : i32
        %mul3A_147 = arith.constant 16 : i32
        %mul3A_148 = arith.muli %add3A_146, %mul3A_147 : i32
        %swap3A = arith.index_cast %mul3A_148 : i32 to index
        %swap3A_149 = tpu.vector_load %arg10[%swap3A] {strides = array<i32>} : memref<4096xi32, #tpu.memory_space<vmem>>, vector<16xi32>,
        tpu.vector_store %arg10[%swap3A], %broadcast_in_dim3A_3 {strides = array<i32>} : memref<4096xi32, #tpu.memory_space<vmem>>, vector<16xi32>,
        %mul3A_150 = arith.constant 4 : i32
        %mul3A_151 = arith.muli %scan3A_142, %mul3A_150 : i32
        %add3A_152 = arith.constant 1 : i32
        %add3A_153 = arith.addi %mul3A_151, %add3A_152 : i32
        %mul3A_154 = arith.constant 16 : i32
        %mul3A_155 = arith.muli %add3A_153, %mul3A_154 : i32
        %swap3A_156 = arith.index_cast %mul3A_155 : i32 to index
        %swap3A_157 = tpu.vector_load %arg10[%swap3A_156] {strides = array<i32>} : memref<4096xi32, #tpu.memory_space<vmem>>, vector<16xi32>,
        tpu.vector_store %arg10[%swap3A_156], %broadcast_in_dim3A_3 {strides = array<i32>} : memref<4096xi32, #tpu.memory_space<vmem>>, vector<16xi32>,
        %mul3A_158 = arith.constant 4 : i32
        %mul3A_159 = arith.muli %scan3A_142, %mul3A_158 : i32
        %add3A_160 = arith.constant 2 : i32
        %add3A_161 = arith.addi %mul3A_159, %add3A_160 : i32
        %mul3A_162 = arith.constant 16 : i32
        %mul3A_163 = arith.muli %add3A_161, %mul3A_162 : i32
        %swap3A_164 = arith.index_cast %mul3A_163 : i32 to index
        %swap3A_165 = tpu.vector_load %arg10[%swap3A_164] {strides = array<i32>} : memref<4096xi32, #tpu.memory_space<vmem>>, vector<16xi32>,
        tpu.vector_store %arg10[%swap3A_164], %broadcast_in_dim3A_3 {strides = array<i32>} : memref<4096xi32, #tpu.memory_space<vmem>>, vector<16xi32>,
        %mul3A_166 = arith.constant 4 : i32
        %mul3A_167 = arith.muli %scan3A_142, %mul3A_166 : i32
        %add3A_168 = arith.constant 3 : i32
        %add3A_169 = arith.addi %mul3A_167, %add3A_168 : i32
        %mul3A_170 = arith.constant 16 : i32
        %mul3A_171 = arith.muli %add3A_169, %mul3A_170 : i32
        %swap3A_172 = arith.index_cast %mul3A_171 : i32 to index
        %swap3A_173 = tpu.vector_load %arg10[%swap3A_172] {strides = array<i32>} : memref<4096xi32, #tpu.memory_space<vmem>>, vector<16xi32>,
        tpu.vector_store %arg10[%swap3A_172], %broadcast_in_dim3A_3 {strides = array<i32>} : memref<4096xi32, #tpu.memory_space<vmem>>, vector<16xi32>,
        %scan3A_174 = arith.constant 0 : i32
        scf.yield %scan3A_174 : i32
      }
      %scan3A_90 = arith.constant 64 : i32
      %scan3A_91 = arith.constant 0 : i32
      %scan3A_92 = arith.constant 0 : i32
      %scan3A_93 = arith.constant 64 : i32
      %scan3A_94 = arith.addi %scan3A_92, %scan3A_93 : i32
      %scan3A_95 = arith.constant 1 : i32
      %scan3A_96 = scf.for %scan3A_142 = %scan3A_92 to %scan3A_94 step %scan3A_95 iter_args(%scan3A_143 = %scan3A_91) -> (i32)  : i32 {
        %mul3A_144 = arith.constant 8 : i32
        %mul3A_145 = arith.muli %scan3A_142, %mul3A_144 : i32
        %add3A = arith.constant 0 : i32
        %add3A_146 = arith.addi %mul3A_145, %add3A : i32
        %add3A_147 = vector.broadcast %add3A_146 : i32 to vector<16xi32>
        %add3A_148 = arith.addi %mul3A_24, %add3A_147 : vector<16xi32>
        %gather3A = tpu.vector_load_idx %arg6[%add3A_148] : memref<8208xi32, #tpu.memory_space<vmem>>[vector<16xi32>], vector<16xi32>,
        %shift_right_logical3A = arith.constant 16 : i32
        %shift_right_logical3A_149 = vector.broadcast %shift_right_logical3A : i32 to vector<16xi32>
        %shift_right_logical3A_150 = arith.shrui %gather3A, %shift_right_logical3A_149 : vector<16xi32>
        %and3A_151 = arith.constant 255 : i32
        %and3A_152 = vector.broadcast %and3A_151 : i32 to vector<16xi32>
        %and3A_153 = arith.andi %shift_right_logical3A_150, %and3A_152 : vector<16xi32>
        %mul3A_154 = arith.constant 16 : i32
        %mul3A_155 = vector.broadcast %mul3A_154 : i32 to vector<16xi32>
        %mul3A_156 = arith.muli %and3A_153, %mul3A_155 : vector<16xi32>
        %add3A_157 = arith.addi %mul3A_156, %iota3A : vector<16xi32>
        tpu.vector_store_idx %arg10[%add3A_157], %broadcast_in_dim3A_1 {add = true} : memref<4096xi32, #tpu.memory_space<vmem>>[vector<16xi32>], vector<16xi32>,
        %mul3A_158 = arith.constant 8 : i32
        %mul3A_159 = arith.muli %scan3A_142, %mul3A_158 : i32
        %add3A_160 = arith.constant 1 : i32
        %add3A_161 = arith.addi %mul3A_159, %add3A_160 : i32
        %add3A_162 = vector.broadcast %add3A_161 : i32 to vector<16xi32>
        %add3A_163 = arith.addi %mul3A_24, %add3A_162 : vector<16xi32>
        %gather3A_164 = tpu.vector_load_idx %arg6[%add3A_163] : memref<8208xi32, #tpu.memory_space<vmem>>[vector<16xi32>], vector<16xi32>,
        %shift_right_logical3A_165 = arith.constant 16 : i32
        %shift_right_logical3A_166 = vector.broadcast %shift_right_logical3A_165 : i32 to vector<16xi32>
        %shift_right_logical3A_167 = arith.shrui %gather3A_164, %shift_right_logical3A_166 : vector<16xi32>
        %and3A_168 = arith.constant 255 : i32
        %and3A_169 = vector.broadcast %and3A_168 : i32 to vector<16xi32>
        %and3A_170 = arith.andi %shift_right_logical3A_167, %and3A_169 : vector<16xi32>
        %mul3A_171 = arith.constant 16 : i32
        %mul3A_172 = vector.broadcast %mul3A_171 : i32 to vector<16xi32>
        %mul3A_173 = arith.muli %and3A_170, %mul3A_172 : vector<16xi32>
        %add3A_174 = arith.addi %mul3A_173, %iota3A : vector<16xi32>
        tpu.vector_store_idx %arg10[%add3A_174], %broadcast_in_dim3A_1 {add = true} : memref<4096xi32, #tpu.memory_space<vmem>>[vector<16xi32>], vector<16xi32>,
        %mul3A_175 = arith.constant 8 : i32
        %mul3A_176 = arith.muli %scan3A_142, %mul3A_175 : i32
        %add3A_177 = arith.constant 2 : i32
        %add3A_178 = arith.addi %mul3A_176, %add3A_177 : i32
        %add3A_179 = vector.broadcast %add3A_178 : i32 to vector<16xi32>
        %add3A_180 = arith.addi %mul3A_24, %add3A_179 : vector<16xi32>
        %gather3A_181 = tpu.vector_load_idx %arg6[%add3A_180] : memref<8208xi32, #tpu.memory_space<vmem>>[vector<16xi32>], vector<16xi32>,
        %shift_right_logical3A_182 = arith.constant 16 : i32
        %shift_right_logical3A_183 = vector.broadcast %shift_right_logical3A_182 : i32 to vector<16xi32>
        %shift_right_logical3A_184 = arith.shrui %gather3A_181, %shift_right_logical3A_183 : vector<16xi32>
        %and3A_185 = arith.constant 255 : i32
        %and3A_186 = vector.broadcast %and3A_185 : i32 to vector<16xi32>
        %and3A_187 = arith.andi %shift_right_logical3A_184, %and3A_186 : vector<16xi32>
        %mul3A_188 = arith.constant 16 : i32
        %mul3A_189 = vector.broadcast %mul3A_188 : i32 to vector<16xi32>
        %mul3A_190 = arith.muli %and3A_187, %mul3A_189 : vector<16xi32>
        %add3A_191 = arith.addi %mul3A_190, %iota3A : vector<16xi32>
        tpu.vector_store_idx %arg10[%add3A_191], %broadcast_in_dim3A_1 {add = true} : memref<4096xi32, #tpu.memory_space<vmem>>[vector<16xi32>], vector<16xi32>,
        %mul3A_192 = arith.constant 8 : i32
        %mul3A_193 = arith.muli %scan3A_142, %mul3A_192 : i32
        %add3A_194 = arith.constant 3 : i32
        %add3A_195 = arith.addi %mul3A_193, %add3A_194 : i32
        %add3A_196 = vector.broadcast %add3A_195 : i32 to vector<16xi32>
        %add3A_197 = arith.addi %mul3A_24, %add3A_196 : vector<16xi32>
        %gather3A_198 = tpu.vector_load_idx %arg6[%add3A_197] : memref<8208xi32, #tpu.memory_space<vmem>>[vector<16xi32>], vector<16xi32>,
        %shift_right_logical3A_199 = arith.constant 16 : i32
        %shift_right_logical3A_200 = vector.broadcast %shift_right_logical3A_199 : i32 to vector<16xi32>
        %shift_right_logical3A_201 = arith.shrui %gather3A_198, %shift_right_logical3A_200 : vector<16xi32>
        %and3A_202 = arith.constant 255 : i32
        %and3A_203 = vector.broadcast %and3A_202 : i32 to vector<16xi32>
        %and3A_204 = arith.andi %shift_right_logical3A_201, %and3A_203 : vector<16xi32>
        %mul3A_205 = arith.constant 16 : i32
        %mul3A_206 = vector.broadcast %mul3A_205 : i32 to vector<16xi32>
        %mul3A_207 = arith.muli %and3A_204, %mul3A_206 : vector<16xi32>
        %add3A_208 = arith.addi %mul3A_207, %iota3A : vector<16xi32>
        tpu.vector_store_idx %arg10[%add3A_208], %broadcast_in_dim3A_1 {add = true} : memref<4096xi32, #tpu.memory_space<vmem>>[vector<16xi32>], vector<16xi32>,
        %mul3A_209 = arith.constant 8 : i32
        %mul3A_210 = arith.muli %scan3A_142, %mul3A_209 : i32
        %add3A_211 = arith.constant 4 : i32
        %add3A_212 = arith.addi %mul3A_210, %add3A_211 : i32
        %add3A_213 = vector.broadcast %add3A_212 : i32 to vector<16xi32>
        %add3A_214 = arith.addi %mul3A_24, %add3A_213 : vector<16xi32>
        %gather3A_215 = tpu.vector_load_idx %arg6[%add3A_214] : memref<8208xi32, #tpu.memory_space<vmem>>[vector<16xi32>], vector<16xi32>,
        %shift_right_logical3A_216 = arith.constant 16 : i32
        %shift_right_logical3A_217 = vector.broadcast %shift_right_logical3A_216 : i32 to vector<16xi32>
        %shift_right_logical3A_218 = arith.shrui %gather3A_215, %shift_right_logical3A_217 : vector<16xi32>
        %and3A_219 = arith.constant 255 : i32
        %and3A_220 = vector.broadcast %and3A_219 : i32 to vector<16xi32>
        %and3A_221 = arith.andi %shift_right_logical3A_218, %and3A_220 : vector<16xi32>
        %mul3A_222 = arith.constant 16 : i32
        %mul3A_223 = vector.broadcast %mul3A_222 : i32 to vector<16xi32>
        %mul3A_224 = arith.muli %and3A_221, %mul3A_223 : vector<16xi32>
        %add3A_225 = arith.addi %mul3A_224, %iota3A : vector<16xi32>
        tpu.vector_store_idx %arg10[%add3A_225], %broadcast_in_dim3A_1 {add = true} : memref<4096xi32, #tpu.memory_space<vmem>>[vector<16xi32>], vector<16xi32>,
        %mul3A_226 = arith.constant 8 : i32
        %mul3A_227 = arith.muli %scan3A_142, %mul3A_226 : i32
        %add3A_228 = arith.constant 5 : i32
        %add3A_229 = arith.addi %mul3A_227, %add3A_228 : i32
        %add3A_230 = vector.broadcast %add3A_229 : i32 to vector<16xi32>
        %add3A_231 = arith.addi %mul3A_24, %add3A_230 : vector<16xi32>
        %gather3A_232 = tpu.vector_load_idx %arg6[%add3A_231] : memref<8208xi32, #tpu.memory_space<vmem>>[vector<16xi32>], vector<16xi32>,
        %shift_right_logical3A_233 = arith.constant 16 : i32
        %shift_right_logical3A_234 = vector.broadcast %shift_right_logical3A_233 : i32 to vector<16xi32>
        %shift_right_logical3A_235 = arith.shrui %gather3A_232, %shift_right_logical3A_234 : vector<16xi32>
        %and3A_236 = arith.constant 255 : i32
        %and3A_237 = vector.broadcast %and3A_236 : i32 to vector<16xi32>
        %and3A_238 = arith.andi %shift_right_logical3A_235, %and3A_237 : vector<16xi32>
        %mul3A_239 = arith.constant 16 : i32
        %mul3A_240 = vector.broadcast %mul3A_239 : i32 to vector<16xi32>
        %mul3A_241 = arith.muli %and3A_238, %mul3A_240 : vector<16xi32>
        %add3A_242 = arith.addi %mul3A_241, %iota3A : vector<16xi32>
        tpu.vector_store_idx %arg10[%add3A_242], %broadcast_in_dim3A_1 {add = true} : memref<4096xi32, #tpu.memory_space<vmem>>[vector<16xi32>], vector<16xi32>,
        %mul3A_243 = arith.constant 8 : i32
        %mul3A_244 = arith.muli %scan3A_142, %mul3A_243 : i32
        %add3A_245 = arith.constant 6 : i32
        %add3A_246 = arith.addi %mul3A_244, %add3A_245 : i32
        %add3A_247 = vector.broadcast %add3A_246 : i32 to vector<16xi32>
        %add3A_248 = arith.addi %mul3A_24, %add3A_247 : vector<16xi32>
        %gather3A_249 = tpu.vector_load_idx %arg6[%add3A_248] : memref<8208xi32, #tpu.memory_space<vmem>>[vector<16xi32>], vector<16xi32>,
        %shift_right_logical3A_250 = arith.constant 16 : i32
        %shift_right_logical3A_251 = vector.broadcast %shift_right_logical3A_250 : i32 to vector<16xi32>
        %shift_right_logical3A_252 = arith.shrui %gather3A_249, %shift_right_logical3A_251 : vector<16xi32>
        %and3A_253 = arith.constant 255 : i32
        %and3A_254 = vector.broadcast %and3A_253 : i32 to vector<16xi32>
        %and3A_255 = arith.andi %shift_right_logical3A_252, %and3A_254 : vector<16xi32>
        %mul3A_256 = arith.constant 16 : i32
        %mul3A_257 = vector.broadcast %mul3A_256 : i32 to vector<16xi32>
        %mul3A_258 = arith.muli %and3A_255, %mul3A_257 : vector<16xi32>
        %add3A_259 = arith.addi %mul3A_258, %iota3A : vector<16xi32>
        tpu.vector_store_idx %arg10[%add3A_259], %broadcast_in_dim3A_1 {add = true} : memref<4096xi32, #tpu.memory_space<vmem>>[vector<16xi32>], vector<16xi32>,
        %mul3A_260 = arith.constant 8 : i32
        %mul3A_261 = arith.muli %scan3A_142, %mul3A_260 : i32
        %add3A_262 = arith.constant 7 : i32
        %add3A_263 = arith.addi %mul3A_261, %add3A_262 : i32
        %add3A_264 = vector.broadcast %add3A_263 : i32 to vector<16xi32>
        %add3A_265 = arith.addi %mul3A_24, %add3A_264 : vector<16xi32>
        %gather3A_266 = tpu.vector_load_idx %arg6[%add3A_265] : memref<8208xi32, #tpu.memory_space<vmem>>[vector<16xi32>], vector<16xi32>,
        %shift_right_logical3A_267 = arith.constant 16 : i32
        %shift_right_logical3A_268 = vector.broadcast %shift_right_logical3A_267 : i32 to vector<16xi32>
        %shift_right_logical3A_269 = arith.shrui %gather3A_266, %shift_right_logical3A_268 : vector<16xi32>
        %and3A_270 = arith.constant 255 : i32
        %and3A_271 = vector.broadcast %and3A_270 : i32 to vector<16xi32>
        %and3A_272 = arith.andi %shift_right_logical3A_269, %and3A_271 : vector<16xi32>
        %mul3A_273 = arith.constant 16 : i32
        %mul3A_274 = vector.broadcast %mul3A_273 : i32 to vector<16xi32>
        %mul3A_275 = arith.muli %and3A_272, %mul3A_274 : vector<16xi32>
        %add3A_276 = arith.addi %mul3A_275, %iota3A : vector<16xi32>
        tpu.vector_store_idx %arg10[%add3A_276], %broadcast_in_dim3A_1 {add = true} : memref<4096xi32, #tpu.memory_space<vmem>>[vector<16xi32>], vector<16xi32>,
        %scan3A_277 = arith.constant 0 : i32
        scf.yield %scan3A_277 : i32
      }
      %scan3A_97 = arith.constant 64 : i32
      %scan3A_98 = arith.constant 0 : i32
      %scan3A_99 = arith.constant 0 : i32
      %scan3A_100 = arith.constant 256 : i32
      %scan3A_101 = arith.addi %scan3A_99, %scan3A_100 : i32
      %scan3A_102 = arith.constant 1 : i32
      %scan3A_103 = scf.for %scan3A_142 = %scan3A_99 to %scan3A_101 step %scan3A_102 iter_args(%scan3A_143 = %scan3A_98) -> (i32)  : i32 {
        %mul3A_144 = arith.constant 16 : i32
        %mul3A_145 = arith.muli %scan3A_142, %mul3A_144 : i32
        %get3A = arith.index_cast %mul3A_145 : i32 to index
        %get3A_146 = tpu.vector_load %arg10[%get3A] {strides = array<i32>} : memref<4096xi32, #tpu.memory_space<vmem>>, vector<16xi32>,
        %broadcast_in_dim3A_147 = arith.constant true
        %broadcast_in_dim3A_148 = vector.broadcast %broadcast_in_dim3A_147 : i1 to vector<16xi1>
        %masked_cumsum3A = tpu.scan <sum>, %get3A_146 masked %broadcast_in_dim3A_148 : vector<16xi32>, vector<16xi1> -> vector<16xi32>
        %reduce_sum3A = arith.constant true
        %reduce_sum3A_149 = vector.broadcast %reduce_sum3A : i1 to vector<16xi1>
        %reduce_sum3A_150 = tpu.scan <sum>, %get3A_146 masked %reduce_sum3A_149 : vector<16xi32>, vector<16xi1> -> vector<16xi32>
        %reduce_sum3A_151 = vector.extract %reduce_sum3A_150[15] : i32 from vector<16xi32>
        %sub3A = arith.subi %masked_cumsum3A, %get3A_146 : vector<16xi32>
        %add3A = vector.broadcast %scan3A_143 : i32 to vector<16xi32>
        %add3A_152 = arith.addi %sub3A, %add3A : vector<16xi32>
        %mul3A_153 = arith.constant 16 : i32
        %mul3A_154 = arith.muli %scan3A_142, %mul3A_153 : i32
        %swap3A = arith.index_cast %mul3A_154 : i32 to index
        %swap3A_155 = tpu.vector_load %arg10[%swap3A] {strides = array<i32>} : memref<4096xi32, #tpu.memory_space<vmem>>, vector<16xi32>,
        tpu.vector_store %arg10[%swap3A], %add3A_152 {strides = array<i32>} : memref<4096xi32, #tpu.memory_space<vmem>>, vector<16xi32>,
        %add3A_156 = arith.addi %scan3A_143, %reduce_sum3A_151 : i32
        scf.yield %add3A_156 : i32
      }
      %scan3A_104 = arith.constant 256 : i32
      %scan3A_105 = arith.constant 0 : i32
      %scan3A_106 = arith.constant 0 : i32
      %scan3A_107 = arith.constant 64 : i32
      %scan3A_108 = arith.addi %scan3A_106, %scan3A_107 : i32
      %scan3A_109 = arith.constant 1 : i32
      %scan3A_110 = scf.for %scan3A_142 = %scan3A_106 to %scan3A_108 step %scan3A_109 iter_args(%scan3A_143 = %scan3A_105) -> (i32)  : i32 {
        %mul3A_144 = arith.constant 8 : i32
        %mul3A_145 = arith.muli %scan3A_142, %mul3A_144 : i32
        %add3A = arith.constant 0 : i32
        %add3A_146 = arith.addi %mul3A_145, %add3A : i32
        %add3A_147 = vector.broadcast %add3A_146 : i32 to vector<16xi32>
        %add3A_148 = arith.addi %mul3A_24, %add3A_147 : vector<16xi32>
        %gather3A = tpu.vector_load_idx %arg6[%add3A_148] : memref<8208xi32, #tpu.memory_space<vmem>>[vector<16xi32>], vector<16xi32>,
        %gather3A_149 = tpu.vector_load_idx %arg8[%add3A_148] : memref<8208xi32, #tpu.memory_space<vmem>>[vector<16xi32>], vector<16xi32>,
        %shift_right_logical3A = arith.constant 16 : i32
        %shift_right_logical3A_150 = vector.broadcast %shift_right_logical3A : i32 to vector<16xi32>
        %shift_right_logical3A_151 = arith.shrui %gather3A, %shift_right_logical3A_150 : vector<16xi32>
        %and3A_152 = arith.constant 255 : i32
        %and3A_153 = vector.broadcast %and3A_152 : i32 to vector<16xi32>
        %and3A_154 = arith.andi %shift_right_logical3A_151, %and3A_153 : vector<16xi32>
        %mul3A_155 = arith.constant 16 : i32
        %mul3A_156 = vector.broadcast %mul3A_155 : i32 to vector<16xi32>
        %mul3A_157 = arith.muli %and3A_154, %mul3A_156 : vector<16xi32>
        %add3A_158 = arith.addi %mul3A_157, %iota3A : vector<16xi32>
        %gather3A_159 = tpu.vector_load_idx %arg10[%add3A_158] : memref<4096xi32, #tpu.memory_space<vmem>>[vector<16xi32>], vector<16xi32>,
        %shift_right_arithmetic3A = arith.constant 9 : i32
        %shift_right_arithmetic3A_160 = vector.broadcast %shift_right_arithmetic3A : i32 to vector<16xi32>
        %shift_right_arithmetic3A_161 = arith.shrsi %gather3A_159, %shift_right_arithmetic3A_160 : vector<16xi32>
        %add3A_162 = arith.addi %gather3A_159, %shift_right_arithmetic3A_161 : vector<16xi32>
        tpu.vector_store_idx %arg7[%add3A_162], %gather3A : memref<8208xi32, #tpu.memory_space<vmem>>[vector<16xi32>], vector<16xi32>,
        tpu.vector_store_idx %arg9[%add3A_162], %gather3A_149 : memref<8208xi32, #tpu.memory_space<vmem>>[vector<16xi32>], vector<16xi32>,
        %add3A_163 = arith.constant 1 : i32
        %add3A_164 = vector.broadcast %add3A_163 : i32 to vector<16xi32>
        %add3A_165 = arith.addi %gather3A_159, %add3A_164 : vector<16xi32>
        tpu.vector_store_idx %arg10[%add3A_158], %add3A_165 : memref<4096xi32, #tpu.memory_space<vmem>>[vector<16xi32>], vector<16xi32>,
        %mul3A_166 = arith.constant 8 : i32
        %mul3A_167 = arith.muli %scan3A_142, %mul3A_166 : i32
        %add3A_168 = arith.constant 1 : i32
        %add3A_169 = arith.addi %mul3A_167, %add3A_168 : i32
        %add3A_170 = vector.broadcast %add3A_169 : i32 to vector<16xi32>
        %add3A_171 = arith.addi %mul3A_24, %add3A_170 : vector<16xi32>
        %gather3A_172 = tpu.vector_load_idx %arg6[%add3A_171] : memref<8208xi32, #tpu.memory_space<vmem>>[vector<16xi32>], vector<16xi32>,
        %gather3A_173 = tpu.vector_load_idx %arg8[%add3A_171] : memref<8208xi32, #tpu.memory_space<vmem>>[vector<16xi32>], vector<16xi32>,
        %shift_right_logical3A_174 = arith.constant 16 : i32
        %shift_right_logical3A_175 = vector.broadcast %shift_right_logical3A_174 : i32 to vector<16xi32>
        %shift_right_logical3A_176 = arith.shrui %gather3A_172, %shift_right_logical3A_175 : vector<16xi32>
        %and3A_177 = arith.constant 255 : i32
        %and3A_178 = vector.broadcast %and3A_177 : i32 to vector<16xi32>
        %and3A_179 = arith.andi %shift_right_logical3A_176, %and3A_178 : vector<16xi32>
        %mul3A_180 = arith.constant 16 : i32
        %mul3A_181 = vector.broadcast %mul3A_180 : i32 to vector<16xi32>
        %mul3A_182 = arith.muli %and3A_179, %mul3A_181 : vector<16xi32>
        %add3A_183 = arith.addi %mul3A_182, %iota3A : vector<16xi32>
        %gather3A_184 = tpu.vector_load_idx %arg10[%add3A_183] : memref<4096xi32, #tpu.memory_space<vmem>>[vector<16xi32>], vector<16xi32>,
        %shift_right_arithmetic3A_185 = arith.constant 9 : i32
        %shift_right_arithmetic3A_186 = vector.broadcast %shift_right_arithmetic3A_185 : i32 to vector<16xi32>
        %shift_right_arithmetic3A_187 = arith.shrsi %gather3A_184, %shift_right_arithmetic3A_186 : vector<16xi32>
        %add3A_188 = arith.addi %gather3A_184, %shift_right_arithmetic3A_187 : vector<16xi32>
        tpu.vector_store_idx %arg7[%add3A_188], %gather3A_172 : memref<8208xi32, #tpu.memory_space<vmem>>[vector<16xi32>], vector<16xi32>,
        tpu.vector_store_idx %arg9[%add3A_188], %gather3A_173 : memref<8208xi32, #tpu.memory_space<vmem>>[vector<16xi32>], vector<16xi32>,
        %add3A_189 = arith.constant 1 : i32
        %add3A_190 = vector.broadcast %add3A_189 : i32 to vector<16xi32>
        %add3A_191 = arith.addi %gather3A_184, %add3A_190 : vector<16xi32>
        tpu.vector_store_idx %arg10[%add3A_183], %add3A_191 : memref<4096xi32, #tpu.memory_space<vmem>>[vector<16xi32>], vector<16xi32>,
        %mul3A_192 = arith.constant 8 : i32
        %mul3A_193 = arith.muli %scan3A_142, %mul3A_192 : i32
        %add3A_194 = arith.constant 2 : i32
        %add3A_195 = arith.addi %mul3A_193, %add3A_194 : i32
        %add3A_196 = vector.broadcast %add3A_195 : i32 to vector<16xi32>
        %add3A_197 = arith.addi %mul3A_24, %add3A_196 : vector<16xi32>
        %gather3A_198 = tpu.vector_load_idx %arg6[%add3A_197] : memref<8208xi32, #tpu.memory_space<vmem>>[vector<16xi32>], vector<16xi32>,
        %gather3A_199 = tpu.vector_load_idx %arg8[%add3A_197] : memref<8208xi32, #tpu.memory_space<vmem>>[vector<16xi32>], vector<16xi32>,
        %shift_right_logical3A_200 = arith.constant 16 : i32
        %shift_right_logical3A_201 = vector.broadcast %shift_right_logical3A_200 : i32 to vector<16xi32>
        %shift_right_logical3A_202 = arith.shrui %gather3A_198, %shift_right_logical3A_201 : vector<16xi32>
        %and3A_203 = arith.constant 255 : i32
        %and3A_204 = vector.broadcast %and3A_203 : i32 to vector<16xi32>
        %and3A_205 = arith.andi %shift_right_logical3A_202, %and3A_204 : vector<16xi32>
        %mul3A_206 = arith.constant 16 : i32
        %mul3A_207 = vector.broadcast %mul3A_206 : i32 to vector<16xi32>
        %mul3A_208 = arith.muli %and3A_205, %mul3A_207 : vector<16xi32>
        %add3A_209 = arith.addi %mul3A_208, %iota3A : vector<16xi32>
        %gather3A_210 = tpu.vector_load_idx %arg10[%add3A_209] : memref<4096xi32, #tpu.memory_space<vmem>>[vector<16xi32>], vector<16xi32>,
        %shift_right_arithmetic3A_211 = arith.constant 9 : i32
        %shift_right_arithmetic3A_212 = vector.broadcast %shift_right_arithmetic3A_211 : i32 to vector<16xi32>
        %shift_right_arithmetic3A_213 = arith.shrsi %gather3A_210, %shift_right_arithmetic3A_212 : vector<16xi32>
        %add3A_214 = arith.addi %gather3A_210, %shift_right_arithmetic3A_213 : vector<16xi32>
        tpu.vector_store_idx %arg7[%add3A_214], %gather3A_198 : memref<8208xi32, #tpu.memory_space<vmem>>[vector<16xi32>], vector<16xi32>,
        tpu.vector_store_idx %arg9[%add3A_214], %gather3A_199 : memref<8208xi32, #tpu.memory_space<vmem>>[vector<16xi32>], vector<16xi32>,
        %add3A_215 = arith.constant 1 : i32
        %add3A_216 = vector.broadcast %add3A_215 : i32 to vector<16xi32>
        %add3A_217 = arith.addi %gather3A_210, %add3A_216 : vector<16xi32>
        tpu.vector_store_idx %arg10[%add3A_209], %add3A_217 : memref<4096xi32, #tpu.memory_space<vmem>>[vector<16xi32>], vector<16xi32>,
        %mul3A_218 = arith.constant 8 : i32
        %mul3A_219 = arith.muli %scan3A_142, %mul3A_218 : i32
        %add3A_220 = arith.constant 3 : i32
        %add3A_221 = arith.addi %mul3A_219, %add3A_220 : i32
        %add3A_222 = vector.broadcast %add3A_221 : i32 to vector<16xi32>
        %add3A_223 = arith.addi %mul3A_24, %add3A_222 : vector<16xi32>
        %gather3A_224 = tpu.vector_load_idx %arg6[%add3A_223] : memref<8208xi32, #tpu.memory_space<vmem>>[vector<16xi32>], vector<16xi32>,
        %gather3A_225 = tpu.vector_load_idx %arg8[%add3A_223] : memref<8208xi32, #tpu.memory_space<vmem>>[vector<16xi32>], vector<16xi32>,
        %shift_right_logical3A_226 = arith.constant 16 : i32
        %shift_right_logical3A_227 = vector.broadcast %shift_right_logical3A_226 : i32 to vector<16xi32>
        %shift_right_logical3A_228 = arith.shrui %gather3A_224, %shift_right_logical3A_227 : vector<16xi32>
        %and3A_229 = arith.constant 255 : i32
        %and3A_230 = vector.broadcast %and3A_229 : i32 to vector<16xi32>
        %and3A_231 = arith.andi %shift_right_logical3A_228, %and3A_230 : vector<16xi32>
        %mul3A_232 = arith.constant 16 : i32
        %mul3A_233 = vector.broadcast %mul3A_232 : i32 to vector<16xi32>
        %mul3A_234 = arith.muli %and3A_231, %mul3A_233 : vector<16xi32>
        %add3A_235 = arith.addi %mul3A_234, %iota3A : vector<16xi32>
        %gather3A_236 = tpu.vector_load_idx %arg10[%add3A_235] : memref<4096xi32, #tpu.memory_space<vmem>>[vector<16xi32>], vector<16xi32>,
        %shift_right_arithmetic3A_237 = arith.constant 9 : i32
        %shift_right_arithmetic3A_238 = vector.broadcast %shift_right_arithmetic3A_237 : i32 to vector<16xi32>
        %shift_right_arithmetic3A_239 = arith.shrsi %gather3A_236, %shift_right_arithmetic3A_238 : vector<16xi32>
        %add3A_240 = arith.addi %gather3A_236, %shift_right_arithmetic3A_239 : vector<16xi32>
        tpu.vector_store_idx %arg7[%add3A_240], %gather3A_224 : memref<8208xi32, #tpu.memory_space<vmem>>[vector<16xi32>], vector<16xi32>,
        tpu.vector_store_idx %arg9[%add3A_240], %gather3A_225 : memref<8208xi32, #tpu.memory_space<vmem>>[vector<16xi32>], vector<16xi32>,
        %add3A_241 = arith.constant 1 : i32
        %add3A_242 = vector.broadcast %add3A_241 : i32 to vector<16xi32>
        %add3A_243 = arith.addi %gather3A_236, %add3A_242 : vector<16xi32>
        tpu.vector_store_idx %arg10[%add3A_235], %add3A_243 : memref<4096xi32, #tpu.memory_space<vmem>>[vector<16xi32>], vector<16xi32>,
        %mul3A_244 = arith.constant 8 : i32
        %mul3A_245 = arith.muli %scan3A_142, %mul3A_244 : i32
        %add3A_246 = arith.constant 4 : i32
        %add3A_247 = arith.addi %mul3A_245, %add3A_246 : i32
        %add3A_248 = vector.broadcast %add3A_247 : i32 to vector<16xi32>
        %add3A_249 = arith.addi %mul3A_24, %add3A_248 : vector<16xi32>
        %gather3A_250 = tpu.vector_load_idx %arg6[%add3A_249] : memref<8208xi32, #tpu.memory_space<vmem>>[vector<16xi32>], vector<16xi32>,
        %gather3A_251 = tpu.vector_load_idx %arg8[%add3A_249] : memref<8208xi32, #tpu.memory_space<vmem>>[vector<16xi32>], vector<16xi32>,
        %shift_right_logical3A_252 = arith.constant 16 : i32
        %shift_right_logical3A_253 = vector.broadcast %shift_right_logical3A_252 : i32 to vector<16xi32>
        %shift_right_logical3A_254 = arith.shrui %gather3A_250, %shift_right_logical3A_253 : vector<16xi32>
        %and3A_255 = arith.constant 255 : i32
        %and3A_256 = vector.broadcast %and3A_255 : i32 to vector<16xi32>
        %and3A_257 = arith.andi %shift_right_logical3A_254, %and3A_256 : vector<16xi32>
        %mul3A_258 = arith.constant 16 : i32
        %mul3A_259 = vector.broadcast %mul3A_258 : i32 to vector<16xi32>
        %mul3A_260 = arith.muli %and3A_257, %mul3A_259 : vector<16xi32>
        %add3A_261 = arith.addi %mul3A_260, %iota3A : vector<16xi32>
        %gather3A_262 = tpu.vector_load_idx %arg10[%add3A_261] : memref<4096xi32, #tpu.memory_space<vmem>>[vector<16xi32>], vector<16xi32>,
        %shift_right_arithmetic3A_263 = arith.constant 9 : i32
        %shift_right_arithmetic3A_264 = vector.broadcast %shift_right_arithmetic3A_263 : i32 to vector<16xi32>
        %shift_right_arithmetic3A_265 = arith.shrsi %gather3A_262, %shift_right_arithmetic3A_264 : vector<16xi32>
        %add3A_266 = arith.addi %gather3A_262, %shift_right_arithmetic3A_265 : vector<16xi32>
        tpu.vector_store_idx %arg7[%add3A_266], %gather3A_250 : memref<8208xi32, #tpu.memory_space<vmem>>[vector<16xi32>], vector<16xi32>,
        tpu.vector_store_idx %arg9[%add3A_266], %gather3A_251 : memref<8208xi32, #tpu.memory_space<vmem>>[vector<16xi32>], vector<16xi32>,
        %add3A_267 = arith.constant 1 : i32
        %add3A_268 = vector.broadcast %add3A_267 : i32 to vector<16xi32>
        %add3A_269 = arith.addi %gather3A_262, %add3A_268 : vector<16xi32>
        tpu.vector_store_idx %arg10[%add3A_261], %add3A_269 : memref<4096xi32, #tpu.memory_space<vmem>>[vector<16xi32>], vector<16xi32>,
        %mul3A_270 = arith.constant 8 : i32
        %mul3A_271 = arith.muli %scan3A_142, %mul3A_270 : i32
        %add3A_272 = arith.constant 5 : i32
        %add3A_273 = arith.addi %mul3A_271, %add3A_272 : i32
        %add3A_274 = vector.broadcast %add3A_273 : i32 to vector<16xi32>
        %add3A_275 = arith.addi %mul3A_24, %add3A_274 : vector<16xi32>
        %gather3A_276 = tpu.vector_load_idx %arg6[%add3A_275] : memref<8208xi32, #tpu.memory_space<vmem>>[vector<16xi32>], vector<16xi32>,
        %gather3A_277 = tpu.vector_load_idx %arg8[%add3A_275] : memref<8208xi32, #tpu.memory_space<vmem>>[vector<16xi32>], vector<16xi32>,
        %shift_right_logical3A_278 = arith.constant 16 : i32
        %shift_right_logical3A_279 = vector.broadcast %shift_right_logical3A_278 : i32 to vector<16xi32>
        %shift_right_logical3A_280 = arith.shrui %gather3A_276, %shift_right_logical3A_279 : vector<16xi32>
        %and3A_281 = arith.constant 255 : i32
        %and3A_282 = vector.broadcast %and3A_281 : i32 to vector<16xi32>
        %and3A_283 = arith.andi %shift_right_logical3A_280, %and3A_282 : vector<16xi32>
        %mul3A_284 = arith.constant 16 : i32
        %mul3A_285 = vector.broadcast %mul3A_284 : i32 to vector<16xi32>
        %mul3A_286 = arith.muli %and3A_283, %mul3A_285 : vector<16xi32>
        %add3A_287 = arith.addi %mul3A_286, %iota3A : vector<16xi32>
        %gather3A_288 = tpu.vector_load_idx %arg10[%add3A_287] : memref<4096xi32, #tpu.memory_space<vmem>>[vector<16xi32>], vector<16xi32>,
        %shift_right_arithmetic3A_289 = arith.constant 9 : i32
        %shift_right_arithmetic3A_290 = vector.broadcast %shift_right_arithmetic3A_289 : i32 to vector<16xi32>
        %shift_right_arithmetic3A_291 = arith.shrsi %gather3A_288, %shift_right_arithmetic3A_290 : vector<16xi32>
        %add3A_292 = arith.addi %gather3A_288, %shift_right_arithmetic3A_291 : vector<16xi32>
        tpu.vector_store_idx %arg7[%add3A_292], %gather3A_276 : memref<8208xi32, #tpu.memory_space<vmem>>[vector<16xi32>], vector<16xi32>,
        tpu.vector_store_idx %arg9[%add3A_292], %gather3A_277 : memref<8208xi32, #tpu.memory_space<vmem>>[vector<16xi32>], vector<16xi32>,
        %add3A_293 = arith.constant 1 : i32
        %add3A_294 = vector.broadcast %add3A_293 : i32 to vector<16xi32>
        %add3A_295 = arith.addi %gather3A_288, %add3A_294 : vector<16xi32>
        tpu.vector_store_idx %arg10[%add3A_287], %add3A_295 : memref<4096xi32, #tpu.memory_space<vmem>>[vector<16xi32>], vector<16xi32>,
        %mul3A_296 = arith.constant 8 : i32
        %mul3A_297 = arith.muli %scan3A_142, %mul3A_296 : i32
        %add3A_298 = arith.constant 6 : i32
        %add3A_299 = arith.addi %mul3A_297, %add3A_298 : i32
        %add3A_300 = vector.broadcast %add3A_299 : i32 to vector<16xi32>
        %add3A_301 = arith.addi %mul3A_24, %add3A_300 : vector<16xi32>
        %gather3A_302 = tpu.vector_load_idx %arg6[%add3A_301] : memref<8208xi32, #tpu.memory_space<vmem>>[vector<16xi32>], vector<16xi32>,
        %gather3A_303 = tpu.vector_load_idx %arg8[%add3A_301] : memref<8208xi32, #tpu.memory_space<vmem>>[vector<16xi32>], vector<16xi32>,
        %shift_right_logical3A_304 = arith.constant 16 : i32
        %shift_right_logical3A_305 = vector.broadcast %shift_right_logical3A_304 : i32 to vector<16xi32>
        %shift_right_logical3A_306 = arith.shrui %gather3A_302, %shift_right_logical3A_305 : vector<16xi32>
        %and3A_307 = arith.constant 255 : i32
        %and3A_308 = vector.broadcast %and3A_307 : i32 to vector<16xi32>
        %and3A_309 = arith.andi %shift_right_logical3A_306, %and3A_308 : vector<16xi32>
        %mul3A_310 = arith.constant 16 : i32
        %mul3A_311 = vector.broadcast %mul3A_310 : i32 to vector<16xi32>
        %mul3A_312 = arith.muli %and3A_309, %mul3A_311 : vector<16xi32>
        %add3A_313 = arith.addi %mul3A_312, %iota3A : vector<16xi32>
        %gather3A_314 = tpu.vector_load_idx %arg10[%add3A_313] : memref<4096xi32, #tpu.memory_space<vmem>>[vector<16xi32>], vector<16xi32>,
        %shift_right_arithmetic3A_315 = arith.constant 9 : i32
        %shift_right_arithmetic3A_316 = vector.broadcast %shift_right_arithmetic3A_315 : i32 to vector<16xi32>
        %shift_right_arithmetic3A_317 = arith.shrsi %gather3A_314, %shift_right_arithmetic3A_316 : vector<16xi32>
        %add3A_318 = arith.addi %gather3A_314, %shift_right_arithmetic3A_317 : vector<16xi32>
        tpu.vector_store_idx %arg7[%add3A_318], %gather3A_302 : memref<8208xi32, #tpu.memory_space<vmem>>[vector<16xi32>], vector<16xi32>,
        tpu.vector_store_idx %arg9[%add3A_318], %gather3A_303 : memref<8208xi32, #tpu.memory_space<vmem>>[vector<16xi32>], vector<16xi32>,
        %add3A_319 = arith.constant 1 : i32
        %add3A_320 = vector.broadcast %add3A_319 : i32 to vector<16xi32>
        %add3A_321 = arith.addi %gather3A_314, %add3A_320 : vector<16xi32>
        tpu.vector_store_idx %arg10[%add3A_313], %add3A_321 : memref<4096xi32, #tpu.memory_space<vmem>>[vector<16xi32>], vector<16xi32>,
        %mul3A_322 = arith.constant 8 : i32
        %mul3A_323 = arith.muli %scan3A_142, %mul3A_322 : i32
        %add3A_324 = arith.constant 7 : i32
        %add3A_325 = arith.addi %mul3A_323, %add3A_324 : i32
        %add3A_326 = vector.broadcast %add3A_325 : i32 to vector<16xi32>
        %add3A_327 = arith.addi %mul3A_24, %add3A_326 : vector<16xi32>
        %gather3A_328 = tpu.vector_load_idx %arg6[%add3A_327] : memref<8208xi32, #tpu.memory_space<vmem>>[vector<16xi32>], vector<16xi32>,
        %gather3A_329 = tpu.vector_load_idx %arg8[%add3A_327] : memref<8208xi32, #tpu.memory_space<vmem>>[vector<16xi32>], vector<16xi32>,
        %shift_right_logical3A_330 = arith.constant 16 : i32
        %shift_right_logical3A_331 = vector.broadcast %shift_right_logical3A_330 : i32 to vector<16xi32>
        %shift_right_logical3A_332 = arith.shrui %gather3A_328, %shift_right_logical3A_331 : vector<16xi32>
        %and3A_333 = arith.constant 255 : i32
        %and3A_334 = vector.broadcast %and3A_333 : i32 to vector<16xi32>
        %and3A_335 = arith.andi %shift_right_logical3A_332, %and3A_334 : vector<16xi32>
        %mul3A_336 = arith.constant 16 : i32
        %mul3A_337 = vector.broadcast %mul3A_336 : i32 to vector<16xi32>
        %mul3A_338 = arith.muli %and3A_335, %mul3A_337 : vector<16xi32>
        %add3A_339 = arith.addi %mul3A_338, %iota3A : vector<16xi32>
        %gather3A_340 = tpu.vector_load_idx %arg10[%add3A_339] : memref<4096xi32, #tpu.memory_space<vmem>>[vector<16xi32>], vector<16xi32>,
        %shift_right_arithmetic3A_341 = arith.constant 9 : i32
        %shift_right_arithmetic3A_342 = vector.broadcast %shift_right_arithmetic3A_341 : i32 to vector<16xi32>
        %shift_right_arithmetic3A_343 = arith.shrsi %gather3A_340, %shift_right_arithmetic3A_342 : vector<16xi32>
        %add3A_344 = arith.addi %gather3A_340, %shift_right_arithmetic3A_343 : vector<16xi32>
        tpu.vector_store_idx %arg7[%add3A_344], %gather3A_328 : memref<8208xi32, #tpu.memory_space<vmem>>[vector<16xi32>], vector<16xi32>,
        tpu.vector_store_idx %arg9[%add3A_344], %gather3A_329 : memref<8208xi32, #tpu.memory_space<vmem>>[vector<16xi32>], vector<16xi32>,
        %add3A_345 = arith.constant 1 : i32
        %add3A_346 = vector.broadcast %add3A_345 : i32 to vector<16xi32>
        %add3A_347 = arith.addi %gather3A_340, %add3A_346 : vector<16xi32>
        tpu.vector_store_idx %arg10[%add3A_339], %add3A_347 : memref<4096xi32, #tpu.memory_space<vmem>>[vector<16xi32>], vector<16xi32>,
        %scan3A_348 = arith.constant 0 : i32
        scf.yield %scan3A_348 : i32
      }
      %scan3A_111 = arith.constant 64 : i32
      %scan3A_112 = arith.constant 0 : i32
      %scan3A_113 = arith.constant 0 : i32
      %scan3A_114 = arith.constant 64 : i32
      %scan3A_115 = arith.addi %scan3A_113, %scan3A_114 : i32
      %scan3A_116 = arith.constant 1 : i32
      %scan3A_117 = scf.for %scan3A_142 = %scan3A_113 to %scan3A_115 step %scan3A_116 iter_args(%scan3A_143 = %scan3A_112) -> (i32)  : i32 {
        %mul3A_144 = arith.constant 4 : i32
        %mul3A_145 = arith.muli %scan3A_142, %mul3A_144 : i32
        %add3A = arith.constant 0 : i32
        %add3A_146 = arith.addi %mul3A_145, %add3A : i32
        %mul3A_147 = arith.constant 16 : i32
        %mul3A_148 = arith.muli %add3A_146, %mul3A_147 : i32
        %swap3A = arith.index_cast %mul3A_148 : i32 to index
        %swap3A_149 = tpu.vector_load %arg10[%swap3A] {strides = array<i32>} : memref<4096xi32, #tpu.memory_space<vmem>>, vector<16xi32>,
        tpu.vector_store %arg10[%swap3A], %broadcast_in_dim3A_3 {strides = array<i32>} : memref<4096xi32, #tpu.memory_space<vmem>>, vector<16xi32>,
        %mul3A_150 = arith.constant 4 : i32
        %mul3A_151 = arith.muli %scan3A_142, %mul3A_150 : i32
        %add3A_152 = arith.constant 1 : i32
        %add3A_153 = arith.addi %mul3A_151, %add3A_152 : i32
        %mul3A_154 = arith.constant 16 : i32
        %mul3A_155 = arith.muli %add3A_153, %mul3A_154 : i32
        %swap3A_156 = arith.index_cast %mul3A_155 : i32 to index
        %swap3A_157 = tpu.vector_load %arg10[%swap3A_156] {strides = array<i32>} : memref<4096xi32, #tpu.memory_space<vmem>>, vector<16xi32>,
        tpu.vector_store %arg10[%swap3A_156], %broadcast_in_dim3A_3 {strides = array<i32>} : memref<4096xi32, #tpu.memory_space<vmem>>, vector<16xi32>,
        %mul3A_158 = arith.constant 4 : i32
        %mul3A_159 = arith.muli %scan3A_142, %mul3A_158 : i32
        %add3A_160 = arith.constant 2 : i32
        %add3A_161 = arith.addi %mul3A_159, %add3A_160 : i32
        %mul3A_162 = arith.constant 16 : i32
        %mul3A_163 = arith.muli %add3A_161, %mul3A_162 : i32
        %swap3A_164 = arith.index_cast %mul3A_163 : i32 to index
        %swap3A_165 = tpu.vector_load %arg10[%swap3A_164] {strides = array<i32>} : memref<4096xi32, #tpu.memory_space<vmem>>, vector<16xi32>,
        tpu.vector_store %arg10[%swap3A_164], %broadcast_in_dim3A_3 {strides = array<i32>} : memref<4096xi32, #tpu.memory_space<vmem>>, vector<16xi32>,
        %mul3A_166 = arith.constant 4 : i32
        %mul3A_167 = arith.muli %scan3A_142, %mul3A_166 : i32
        %add3A_168 = arith.constant 3 : i32
        %add3A_169 = arith.addi %mul3A_167, %add3A_168 : i32
        %mul3A_170 = arith.constant 16 : i32
        %mul3A_171 = arith.muli %add3A_169, %mul3A_170 : i32
        %swap3A_172 = arith.index_cast %mul3A_171 : i32 to index
        %swap3A_173 = tpu.vector_load %arg10[%swap3A_172] {strides = array<i32>} : memref<4096xi32, #tpu.memory_space<vmem>>, vector<16xi32>,
        tpu.vector_store %arg10[%swap3A_172], %broadcast_in_dim3A_3 {strides = array<i32>} : memref<4096xi32, #tpu.memory_space<vmem>>, vector<16xi32>,
        %scan3A_174 = arith.constant 0 : i32
        scf.yield %scan3A_174 : i32
      }
      %scan3A_118 = arith.constant 64 : i32
      %scan3A_119 = arith.constant 0 : i32
      %scan3A_120 = arith.constant 0 : i32
      %scan3A_121 = arith.constant 64 : i32
      %scan3A_122 = arith.addi %scan3A_120, %scan3A_121 : i32
      %scan3A_123 = arith.constant 1 : i32
      %scan3A_124 = scf.for %scan3A_142 = %scan3A_120 to %scan3A_122 step %scan3A_123 iter_args(%scan3A_143 = %scan3A_119) -> (i32)  : i32 {
        %mul3A_144 = arith.constant 8 : i32
        %mul3A_145 = arith.muli %scan3A_142, %mul3A_144 : i32
        %add3A = arith.constant 0 : i32
        %add3A_146 = arith.addi %mul3A_145, %add3A : i32
        %add3A_147 = vector.broadcast %add3A_146 : i32 to vector<16xi32>
        %add3A_148 = arith.addi %mul3A_24, %add3A_147 : vector<16xi32>
        %gather3A = tpu.vector_load_idx %arg7[%add3A_148] : memref<8208xi32, #tpu.memory_space<vmem>>[vector<16xi32>], vector<16xi32>,
        %shift_right_logical3A = arith.constant 24 : i32
        %shift_right_logical3A_149 = vector.broadcast %shift_right_logical3A : i32 to vector<16xi32>
        %shift_right_logical3A_150 = arith.shrui %gather3A, %shift_right_logical3A_149 : vector<16xi32>
        %and3A_151 = arith.constant 255 : i32
        %and3A_152 = vector.broadcast %and3A_151 : i32 to vector<16xi32>
        %and3A_153 = arith.andi %shift_right_logical3A_150, %and3A_152 : vector<16xi32>
        %mul3A_154 = arith.constant 16 : i32
        %mul3A_155 = vector.broadcast %mul3A_154 : i32 to vector<16xi32>
        %mul3A_156 = arith.muli %and3A_153, %mul3A_155 : vector<16xi32>
        %add3A_157 = arith.addi %mul3A_156, %iota3A : vector<16xi32>
        tpu.vector_store_idx %arg10[%add3A_157], %broadcast_in_dim3A_1 {add = true} : memref<4096xi32, #tpu.memory_space<vmem>>[vector<16xi32>], vector<16xi32>,
        %mul3A_158 = arith.constant 8 : i32
        %mul3A_159 = arith.muli %scan3A_142, %mul3A_158 : i32
        %add3A_160 = arith.constant 1 : i32
        %add3A_161 = arith.addi %mul3A_159, %add3A_160 : i32
        %add3A_162 = vector.broadcast %add3A_161 : i32 to vector<16xi32>
        %add3A_163 = arith.addi %mul3A_24, %add3A_162 : vector<16xi32>
        %gather3A_164 = tpu.vector_load_idx %arg7[%add3A_163] : memref<8208xi32, #tpu.memory_space<vmem>>[vector<16xi32>], vector<16xi32>,
        %shift_right_logical3A_165 = arith.constant 24 : i32
        %shift_right_logical3A_166 = vector.broadcast %shift_right_logical3A_165 : i32 to vector<16xi32>
        %shift_right_logical3A_167 = arith.shrui %gather3A_164, %shift_right_logical3A_166 : vector<16xi32>
        %and3A_168 = arith.constant 255 : i32
        %and3A_169 = vector.broadcast %and3A_168 : i32 to vector<16xi32>
        %and3A_170 = arith.andi %shift_right_logical3A_167, %and3A_169 : vector<16xi32>
        %mul3A_171 = arith.constant 16 : i32
        %mul3A_172 = vector.broadcast %mul3A_171 : i32 to vector<16xi32>
        %mul3A_173 = arith.muli %and3A_170, %mul3A_172 : vector<16xi32>
        %add3A_174 = arith.addi %mul3A_173, %iota3A : vector<16xi32>
        tpu.vector_store_idx %arg10[%add3A_174], %broadcast_in_dim3A_1 {add = true} : memref<4096xi32, #tpu.memory_space<vmem>>[vector<16xi32>], vector<16xi32>,
        %mul3A_175 = arith.constant 8 : i32
        %mul3A_176 = arith.muli %scan3A_142, %mul3A_175 : i32
        %add3A_177 = arith.constant 2 : i32
        %add3A_178 = arith.addi %mul3A_176, %add3A_177 : i32
        %add3A_179 = vector.broadcast %add3A_178 : i32 to vector<16xi32>
        %add3A_180 = arith.addi %mul3A_24, %add3A_179 : vector<16xi32>
        %gather3A_181 = tpu.vector_load_idx %arg7[%add3A_180] : memref<8208xi32, #tpu.memory_space<vmem>>[vector<16xi32>], vector<16xi32>,
        %shift_right_logical3A_182 = arith.constant 24 : i32
        %shift_right_logical3A_183 = vector.broadcast %shift_right_logical3A_182 : i32 to vector<16xi32>
        %shift_right_logical3A_184 = arith.shrui %gather3A_181, %shift_right_logical3A_183 : vector<16xi32>
        %and3A_185 = arith.constant 255 : i32
        %and3A_186 = vector.broadcast %and3A_185 : i32 to vector<16xi32>
        %and3A_187 = arith.andi %shift_right_logical3A_184, %and3A_186 : vector<16xi32>
        %mul3A_188 = arith.constant 16 : i32
        %mul3A_189 = vector.broadcast %mul3A_188 : i32 to vector<16xi32>
        %mul3A_190 = arith.muli %and3A_187, %mul3A_189 : vector<16xi32>
        %add3A_191 = arith.addi %mul3A_190, %iota3A : vector<16xi32>
        tpu.vector_store_idx %arg10[%add3A_191], %broadcast_in_dim3A_1 {add = true} : memref<4096xi32, #tpu.memory_space<vmem>>[vector<16xi32>], vector<16xi32>,
        %mul3A_192 = arith.constant 8 : i32
        %mul3A_193 = arith.muli %scan3A_142, %mul3A_192 : i32
        %add3A_194 = arith.constant 3 : i32
        %add3A_195 = arith.addi %mul3A_193, %add3A_194 : i32
        %add3A_196 = vector.broadcast %add3A_195 : i32 to vector<16xi32>
        %add3A_197 = arith.addi %mul3A_24, %add3A_196 : vector<16xi32>
        %gather3A_198 = tpu.vector_load_idx %arg7[%add3A_197] : memref<8208xi32, #tpu.memory_space<vmem>>[vector<16xi32>], vector<16xi32>,
        %shift_right_logical3A_199 = arith.constant 24 : i32
        %shift_right_logical3A_200 = vector.broadcast %shift_right_logical3A_199 : i32 to vector<16xi32>
        %shift_right_logical3A_201 = arith.shrui %gather3A_198, %shift_right_logical3A_200 : vector<16xi32>
        %and3A_202 = arith.constant 255 : i32
        %and3A_203 = vector.broadcast %and3A_202 : i32 to vector<16xi32>
        %and3A_204 = arith.andi %shift_right_logical3A_201, %and3A_203 : vector<16xi32>
        %mul3A_205 = arith.constant 16 : i32
        %mul3A_206 = vector.broadcast %mul3A_205 : i32 to vector<16xi32>
        %mul3A_207 = arith.muli %and3A_204, %mul3A_206 : vector<16xi32>
        %add3A_208 = arith.addi %mul3A_207, %iota3A : vector<16xi32>
        tpu.vector_store_idx %arg10[%add3A_208], %broadcast_in_dim3A_1 {add = true} : memref<4096xi32, #tpu.memory_space<vmem>>[vector<16xi32>], vector<16xi32>,
        %mul3A_209 = arith.constant 8 : i32
        %mul3A_210 = arith.muli %scan3A_142, %mul3A_209 : i32
        %add3A_211 = arith.constant 4 : i32
        %add3A_212 = arith.addi %mul3A_210, %add3A_211 : i32
        %add3A_213 = vector.broadcast %add3A_212 : i32 to vector<16xi32>
        %add3A_214 = arith.addi %mul3A_24, %add3A_213 : vector<16xi32>
        %gather3A_215 = tpu.vector_load_idx %arg7[%add3A_214] : memref<8208xi32, #tpu.memory_space<vmem>>[vector<16xi32>], vector<16xi32>,
        %shift_right_logical3A_216 = arith.constant 24 : i32
        %shift_right_logical3A_217 = vector.broadcast %shift_right_logical3A_216 : i32 to vector<16xi32>
        %shift_right_logical3A_218 = arith.shrui %gather3A_215, %shift_right_logical3A_217 : vector<16xi32>
        %and3A_219 = arith.constant 255 : i32
        %and3A_220 = vector.broadcast %and3A_219 : i32 to vector<16xi32>
        %and3A_221 = arith.andi %shift_right_logical3A_218, %and3A_220 : vector<16xi32>
        %mul3A_222 = arith.constant 16 : i32
        %mul3A_223 = vector.broadcast %mul3A_222 : i32 to vector<16xi32>
        %mul3A_224 = arith.muli %and3A_221, %mul3A_223 : vector<16xi32>
        %add3A_225 = arith.addi %mul3A_224, %iota3A : vector<16xi32>
        tpu.vector_store_idx %arg10[%add3A_225], %broadcast_in_dim3A_1 {add = true} : memref<4096xi32, #tpu.memory_space<vmem>>[vector<16xi32>], vector<16xi32>,
        %mul3A_226 = arith.constant 8 : i32
        %mul3A_227 = arith.muli %scan3A_142, %mul3A_226 : i32
        %add3A_228 = arith.constant 5 : i32
        %add3A_229 = arith.addi %mul3A_227, %add3A_228 : i32
        %add3A_230 = vector.broadcast %add3A_229 : i32 to vector<16xi32>
        %add3A_231 = arith.addi %mul3A_24, %add3A_230 : vector<16xi32>
        %gather3A_232 = tpu.vector_load_idx %arg7[%add3A_231] : memref<8208xi32, #tpu.memory_space<vmem>>[vector<16xi32>], vector<16xi32>,
        %shift_right_logical3A_233 = arith.constant 24 : i32
        %shift_right_logical3A_234 = vector.broadcast %shift_right_logical3A_233 : i32 to vector<16xi32>
        %shift_right_logical3A_235 = arith.shrui %gather3A_232, %shift_right_logical3A_234 : vector<16xi32>
        %and3A_236 = arith.constant 255 : i32
        %and3A_237 = vector.broadcast %and3A_236 : i32 to vector<16xi32>
        %and3A_238 = arith.andi %shift_right_logical3A_235, %and3A_237 : vector<16xi32>
        %mul3A_239 = arith.constant 16 : i32
        %mul3A_240 = vector.broadcast %mul3A_239 : i32 to vector<16xi32>
        %mul3A_241 = arith.muli %and3A_238, %mul3A_240 : vector<16xi32>
        %add3A_242 = arith.addi %mul3A_241, %iota3A : vector<16xi32>
        tpu.vector_store_idx %arg10[%add3A_242], %broadcast_in_dim3A_1 {add = true} : memref<4096xi32, #tpu.memory_space<vmem>>[vector<16xi32>], vector<16xi32>,
        %mul3A_243 = arith.constant 8 : i32
        %mul3A_244 = arith.muli %scan3A_142, %mul3A_243 : i32
        %add3A_245 = arith.constant 6 : i32
        %add3A_246 = arith.addi %mul3A_244, %add3A_245 : i32
        %add3A_247 = vector.broadcast %add3A_246 : i32 to vector<16xi32>
        %add3A_248 = arith.addi %mul3A_24, %add3A_247 : vector<16xi32>
        %gather3A_249 = tpu.vector_load_idx %arg7[%add3A_248] : memref<8208xi32, #tpu.memory_space<vmem>>[vector<16xi32>], vector<16xi32>,
        %shift_right_logical3A_250 = arith.constant 24 : i32
        %shift_right_logical3A_251 = vector.broadcast %shift_right_logical3A_250 : i32 to vector<16xi32>
        %shift_right_logical3A_252 = arith.shrui %gather3A_249, %shift_right_logical3A_251 : vector<16xi32>
        %and3A_253 = arith.constant 255 : i32
        %and3A_254 = vector.broadcast %and3A_253 : i32 to vector<16xi32>
        %and3A_255 = arith.andi %shift_right_logical3A_252, %and3A_254 : vector<16xi32>
        %mul3A_256 = arith.constant 16 : i32
        %mul3A_257 = vector.broadcast %mul3A_256 : i32 to vector<16xi32>
        %mul3A_258 = arith.muli %and3A_255, %mul3A_257 : vector<16xi32>
        %add3A_259 = arith.addi %mul3A_258, %iota3A : vector<16xi32>
        tpu.vector_store_idx %arg10[%add3A_259], %broadcast_in_dim3A_1 {add = true} : memref<4096xi32, #tpu.memory_space<vmem>>[vector<16xi32>], vector<16xi32>,
        %mul3A_260 = arith.constant 8 : i32
        %mul3A_261 = arith.muli %scan3A_142, %mul3A_260 : i32
        %add3A_262 = arith.constant 7 : i32
        %add3A_263 = arith.addi %mul3A_261, %add3A_262 : i32
        %add3A_264 = vector.broadcast %add3A_263 : i32 to vector<16xi32>
        %add3A_265 = arith.addi %mul3A_24, %add3A_264 : vector<16xi32>
        %gather3A_266 = tpu.vector_load_idx %arg7[%add3A_265] : memref<8208xi32, #tpu.memory_space<vmem>>[vector<16xi32>], vector<16xi32>,
        %shift_right_logical3A_267 = arith.constant 24 : i32
        %shift_right_logical3A_268 = vector.broadcast %shift_right_logical3A_267 : i32 to vector<16xi32>
        %shift_right_logical3A_269 = arith.shrui %gather3A_266, %shift_right_logical3A_268 : vector<16xi32>
        %and3A_270 = arith.constant 255 : i32
        %and3A_271 = vector.broadcast %and3A_270 : i32 to vector<16xi32>
        %and3A_272 = arith.andi %shift_right_logical3A_269, %and3A_271 : vector<16xi32>
        %mul3A_273 = arith.constant 16 : i32
        %mul3A_274 = vector.broadcast %mul3A_273 : i32 to vector<16xi32>
        %mul3A_275 = arith.muli %and3A_272, %mul3A_274 : vector<16xi32>
        %add3A_276 = arith.addi %mul3A_275, %iota3A : vector<16xi32>
        tpu.vector_store_idx %arg10[%add3A_276], %broadcast_in_dim3A_1 {add = true} : memref<4096xi32, #tpu.memory_space<vmem>>[vector<16xi32>], vector<16xi32>,
        %scan3A_277 = arith.constant 0 : i32
        scf.yield %scan3A_277 : i32
      }
      %scan3A_125 = arith.constant 64 : i32
      %scan3A_126 = arith.constant 0 : i32
      %scan3A_127 = arith.constant 0 : i32
      %scan3A_128 = arith.constant 256 : i32
      %scan3A_129 = arith.addi %scan3A_127, %scan3A_128 : i32
      %scan3A_130 = arith.constant 1 : i32
      %scan3A_131 = scf.for %scan3A_142 = %scan3A_127 to %scan3A_129 step %scan3A_130 iter_args(%scan3A_143 = %scan3A_126) -> (i32)  : i32 {
        %mul3A_144 = arith.constant 16 : i32
        %mul3A_145 = arith.muli %scan3A_142, %mul3A_144 : i32
        %get3A = arith.index_cast %mul3A_145 : i32 to index
        %get3A_146 = tpu.vector_load %arg10[%get3A] {strides = array<i32>} : memref<4096xi32, #tpu.memory_space<vmem>>, vector<16xi32>,
        %broadcast_in_dim3A_147 = arith.constant true
        %broadcast_in_dim3A_148 = vector.broadcast %broadcast_in_dim3A_147 : i1 to vector<16xi1>
        %masked_cumsum3A = tpu.scan <sum>, %get3A_146 masked %broadcast_in_dim3A_148 : vector<16xi32>, vector<16xi1> -> vector<16xi32>
        %reduce_sum3A = arith.constant true
        %reduce_sum3A_149 = vector.broadcast %reduce_sum3A : i1 to vector<16xi1>
        %reduce_sum3A_150 = tpu.scan <sum>, %get3A_146 masked %reduce_sum3A_149 : vector<16xi32>, vector<16xi1> -> vector<16xi32>
        %reduce_sum3A_151 = vector.extract %reduce_sum3A_150[15] : i32 from vector<16xi32>
        %sub3A = arith.subi %masked_cumsum3A, %get3A_146 : vector<16xi32>
        %add3A = vector.broadcast %scan3A_143 : i32 to vector<16xi32>
        %add3A_152 = arith.addi %sub3A, %add3A : vector<16xi32>
        %mul3A_153 = arith.constant 16 : i32
        %mul3A_154 = arith.muli %scan3A_142, %mul3A_153 : i32
        %swap3A = arith.index_cast %mul3A_154 : i32 to index
        %swap3A_155 = tpu.vector_load %arg10[%swap3A] {strides = array<i32>} : memref<4096xi32, #tpu.memory_space<vmem>>, vector<16xi32>,
        tpu.vector_store %arg10[%swap3A], %add3A_152 {strides = array<i32>} : memref<4096xi32, #tpu.memory_space<vmem>>, vector<16xi32>,
        %add3A_156 = arith.addi %scan3A_143, %reduce_sum3A_151 : i32
        scf.yield %add3A_156 : i32
      }
      %scan3A_132 = arith.constant 256 : i32
      %scan3A_133 = arith.constant 0 : i32
      %scan3A_134 = arith.constant 0 : i32
      %scan3A_135 = arith.constant 64 : i32
      %scan3A_136 = arith.addi %scan3A_134, %scan3A_135 : i32
      %scan3A_137 = arith.constant 1 : i32
      %scan3A_138 = scf.for %scan3A_142 = %scan3A_134 to %scan3A_136 step %scan3A_137 iter_args(%scan3A_143 = %scan3A_133) -> (i32)  : i32 {
        %mul3A_144 = arith.constant 8 : i32
        %mul3A_145 = arith.muli %scan3A_142, %mul3A_144 : i32
        %add3A = arith.constant 0 : i32
        %add3A_146 = arith.addi %mul3A_145, %add3A : i32
        %add3A_147 = vector.broadcast %add3A_146 : i32 to vector<16xi32>
        %add3A_148 = arith.addi %mul3A_24, %add3A_147 : vector<16xi32>
        %gather3A = tpu.vector_load_idx %arg7[%add3A_148] : memref<8208xi32, #tpu.memory_space<vmem>>[vector<16xi32>], vector<16xi32>,
        %gather3A_149 = tpu.vector_load_idx %arg9[%add3A_148] : memref<8208xi32, #tpu.memory_space<vmem>>[vector<16xi32>], vector<16xi32>,
        %shift_right_logical3A = arith.constant 24 : i32
        %shift_right_logical3A_150 = vector.broadcast %shift_right_logical3A : i32 to vector<16xi32>
        %shift_right_logical3A_151 = arith.shrui %gather3A, %shift_right_logical3A_150 : vector<16xi32>
        %and3A_152 = arith.constant 255 : i32
        %and3A_153 = vector.broadcast %and3A_152 : i32 to vector<16xi32>
        %and3A_154 = arith.andi %shift_right_logical3A_151, %and3A_153 : vector<16xi32>
        %mul3A_155 = arith.constant 16 : i32
        %mul3A_156 = vector.broadcast %mul3A_155 : i32 to vector<16xi32>
        %mul3A_157 = arith.muli %and3A_154, %mul3A_156 : vector<16xi32>
        %add3A_158 = arith.addi %mul3A_157, %iota3A : vector<16xi32>
        %gather3A_159 = tpu.vector_load_idx %arg10[%add3A_158] : memref<4096xi32, #tpu.memory_space<vmem>>[vector<16xi32>], vector<16xi32>,
        tpu.vector_store_idx %arg6[%gather3A_159], %gather3A : memref<8208xi32, #tpu.memory_space<vmem>>[vector<16xi32>], vector<16xi32>,
        tpu.vector_store_idx %arg8[%gather3A_159], %gather3A_149 : memref<8208xi32, #tpu.memory_space<vmem>>[vector<16xi32>], vector<16xi32>,
        %add3A_160 = arith.constant 1 : i32
        %add3A_161 = vector.broadcast %add3A_160 : i32 to vector<16xi32>
        %add3A_162 = arith.addi %gather3A_159, %add3A_161 : vector<16xi32>
        tpu.vector_store_idx %arg10[%add3A_158], %add3A_162 : memref<4096xi32, #tpu.memory_space<vmem>>[vector<16xi32>], vector<16xi32>,
        %mul3A_163 = arith.constant 8 : i32
        %mul3A_164 = arith.muli %scan3A_142, %mul3A_163 : i32
        %add3A_165 = arith.constant 1 : i32
        %add3A_166 = arith.addi %mul3A_164, %add3A_165 : i32
        %add3A_167 = vector.broadcast %add3A_166 : i32 to vector<16xi32>
        %add3A_168 = arith.addi %mul3A_24, %add3A_167 : vector<16xi32>
        %gather3A_169 = tpu.vector_load_idx %arg7[%add3A_168] : memref<8208xi32, #tpu.memory_space<vmem>>[vector<16xi32>], vector<16xi32>,
        %gather3A_170 = tpu.vector_load_idx %arg9[%add3A_168] : memref<8208xi32, #tpu.memory_space<vmem>>[vector<16xi32>], vector<16xi32>,
        %shift_right_logical3A_171 = arith.constant 24 : i32
        %shift_right_logical3A_172 = vector.broadcast %shift_right_logical3A_171 : i32 to vector<16xi32>
        %shift_right_logical3A_173 = arith.shrui %gather3A_169, %shift_right_logical3A_172 : vector<16xi32>
        %and3A_174 = arith.constant 255 : i32
        %and3A_175 = vector.broadcast %and3A_174 : i32 to vector<16xi32>
        %and3A_176 = arith.andi %shift_right_logical3A_173, %and3A_175 : vector<16xi32>
        %mul3A_177 = arith.constant 16 : i32
        %mul3A_178 = vector.broadcast %mul3A_177 : i32 to vector<16xi32>
        %mul3A_179 = arith.muli %and3A_176, %mul3A_178 : vector<16xi32>
        %add3A_180 = arith.addi %mul3A_179, %iota3A : vector<16xi32>
        %gather3A_181 = tpu.vector_load_idx %arg10[%add3A_180] : memref<4096xi32, #tpu.memory_space<vmem>>[vector<16xi32>], vector<16xi32>,
        tpu.vector_store_idx %arg6[%gather3A_181], %gather3A_169 : memref<8208xi32, #tpu.memory_space<vmem>>[vector<16xi32>], vector<16xi32>,
        tpu.vector_store_idx %arg8[%gather3A_181], %gather3A_170 : memref<8208xi32, #tpu.memory_space<vmem>>[vector<16xi32>], vector<16xi32>,
        %add3A_182 = arith.constant 1 : i32
        %add3A_183 = vector.broadcast %add3A_182 : i32 to vector<16xi32>
        %add3A_184 = arith.addi %gather3A_181, %add3A_183 : vector<16xi32>
        tpu.vector_store_idx %arg10[%add3A_180], %add3A_184 : memref<4096xi32, #tpu.memory_space<vmem>>[vector<16xi32>], vector<16xi32>,
        %mul3A_185 = arith.constant 8 : i32
        %mul3A_186 = arith.muli %scan3A_142, %mul3A_185 : i32
        %add3A_187 = arith.constant 2 : i32
        %add3A_188 = arith.addi %mul3A_186, %add3A_187 : i32
        %add3A_189 = vector.broadcast %add3A_188 : i32 to vector<16xi32>
        %add3A_190 = arith.addi %mul3A_24, %add3A_189 : vector<16xi32>
        %gather3A_191 = tpu.vector_load_idx %arg7[%add3A_190] : memref<8208xi32, #tpu.memory_space<vmem>>[vector<16xi32>], vector<16xi32>,
        %gather3A_192 = tpu.vector_load_idx %arg9[%add3A_190] : memref<8208xi32, #tpu.memory_space<vmem>>[vector<16xi32>], vector<16xi32>,
        %shift_right_logical3A_193 = arith.constant 24 : i32
        %shift_right_logical3A_194 = vector.broadcast %shift_right_logical3A_193 : i32 to vector<16xi32>
        %shift_right_logical3A_195 = arith.shrui %gather3A_191, %shift_right_logical3A_194 : vector<16xi32>
        %and3A_196 = arith.constant 255 : i32
        %and3A_197 = vector.broadcast %and3A_196 : i32 to vector<16xi32>
        %and3A_198 = arith.andi %shift_right_logical3A_195, %and3A_197 : vector<16xi32>
        %mul3A_199 = arith.constant 16 : i32
        %mul3A_200 = vector.broadcast %mul3A_199 : i32 to vector<16xi32>
        %mul3A_201 = arith.muli %and3A_198, %mul3A_200 : vector<16xi32>
        %add3A_202 = arith.addi %mul3A_201, %iota3A : vector<16xi32>
        %gather3A_203 = tpu.vector_load_idx %arg10[%add3A_202] : memref<4096xi32, #tpu.memory_space<vmem>>[vector<16xi32>], vector<16xi32>,
        tpu.vector_store_idx %arg6[%gather3A_203], %gather3A_191 : memref<8208xi32, #tpu.memory_space<vmem>>[vector<16xi32>], vector<16xi32>,
        tpu.vector_store_idx %arg8[%gather3A_203], %gather3A_192 : memref<8208xi32, #tpu.memory_space<vmem>>[vector<16xi32>], vector<16xi32>,
        %add3A_204 = arith.constant 1 : i32
        %add3A_205 = vector.broadcast %add3A_204 : i32 to vector<16xi32>
        %add3A_206 = arith.addi %gather3A_203, %add3A_205 : vector<16xi32>
        tpu.vector_store_idx %arg10[%add3A_202], %add3A_206 : memref<4096xi32, #tpu.memory_space<vmem>>[vector<16xi32>], vector<16xi32>,
        %mul3A_207 = arith.constant 8 : i32
        %mul3A_208 = arith.muli %scan3A_142, %mul3A_207 : i32
        %add3A_209 = arith.constant 3 : i32
        %add3A_210 = arith.addi %mul3A_208, %add3A_209 : i32
        %add3A_211 = vector.broadcast %add3A_210 : i32 to vector<16xi32>
        %add3A_212 = arith.addi %mul3A_24, %add3A_211 : vector<16xi32>
        %gather3A_213 = tpu.vector_load_idx %arg7[%add3A_212] : memref<8208xi32, #tpu.memory_space<vmem>>[vector<16xi32>], vector<16xi32>,
        %gather3A_214 = tpu.vector_load_idx %arg9[%add3A_212] : memref<8208xi32, #tpu.memory_space<vmem>>[vector<16xi32>], vector<16xi32>,
        %shift_right_logical3A_215 = arith.constant 24 : i32
        %shift_right_logical3A_216 = vector.broadcast %shift_right_logical3A_215 : i32 to vector<16xi32>
        %shift_right_logical3A_217 = arith.shrui %gather3A_213, %shift_right_logical3A_216 : vector<16xi32>
        %and3A_218 = arith.constant 255 : i32
        %and3A_219 = vector.broadcast %and3A_218 : i32 to vector<16xi32>
        %and3A_220 = arith.andi %shift_right_logical3A_217, %and3A_219 : vector<16xi32>
        %mul3A_221 = arith.constant 16 : i32
        %mul3A_222 = vector.broadcast %mul3A_221 : i32 to vector<16xi32>
        %mul3A_223 = arith.muli %and3A_220, %mul3A_222 : vector<16xi32>
        %add3A_224 = arith.addi %mul3A_223, %iota3A : vector<16xi32>
        %gather3A_225 = tpu.vector_load_idx %arg10[%add3A_224] : memref<4096xi32, #tpu.memory_space<vmem>>[vector<16xi32>], vector<16xi32>,
        tpu.vector_store_idx %arg6[%gather3A_225], %gather3A_213 : memref<8208xi32, #tpu.memory_space<vmem>>[vector<16xi32>], vector<16xi32>,
        tpu.vector_store_idx %arg8[%gather3A_225], %gather3A_214 : memref<8208xi32, #tpu.memory_space<vmem>>[vector<16xi32>], vector<16xi32>,
        %add3A_226 = arith.constant 1 : i32
        %add3A_227 = vector.broadcast %add3A_226 : i32 to vector<16xi32>
        %add3A_228 = arith.addi %gather3A_225, %add3A_227 : vector<16xi32>
        tpu.vector_store_idx %arg10[%add3A_224], %add3A_228 : memref<4096xi32, #tpu.memory_space<vmem>>[vector<16xi32>], vector<16xi32>,
        %mul3A_229 = arith.constant 8 : i32
        %mul3A_230 = arith.muli %scan3A_142, %mul3A_229 : i32
        %add3A_231 = arith.constant 4 : i32
        %add3A_232 = arith.addi %mul3A_230, %add3A_231 : i32
        %add3A_233 = vector.broadcast %add3A_232 : i32 to vector<16xi32>
        %add3A_234 = arith.addi %mul3A_24, %add3A_233 : vector<16xi32>
        %gather3A_235 = tpu.vector_load_idx %arg7[%add3A_234] : memref<8208xi32, #tpu.memory_space<vmem>>[vector<16xi32>], vector<16xi32>,
        %gather3A_236 = tpu.vector_load_idx %arg9[%add3A_234] : memref<8208xi32, #tpu.memory_space<vmem>>[vector<16xi32>], vector<16xi32>,
        %shift_right_logical3A_237 = arith.constant 24 : i32
        %shift_right_logical3A_238 = vector.broadcast %shift_right_logical3A_237 : i32 to vector<16xi32>
        %shift_right_logical3A_239 = arith.shrui %gather3A_235, %shift_right_logical3A_238 : vector<16xi32>
        %and3A_240 = arith.constant 255 : i32
        %and3A_241 = vector.broadcast %and3A_240 : i32 to vector<16xi32>
        %and3A_242 = arith.andi %shift_right_logical3A_239, %and3A_241 : vector<16xi32>
        %mul3A_243 = arith.constant 16 : i32
        %mul3A_244 = vector.broadcast %mul3A_243 : i32 to vector<16xi32>
        %mul3A_245 = arith.muli %and3A_242, %mul3A_244 : vector<16xi32>
        %add3A_246 = arith.addi %mul3A_245, %iota3A : vector<16xi32>
        %gather3A_247 = tpu.vector_load_idx %arg10[%add3A_246] : memref<4096xi32, #tpu.memory_space<vmem>>[vector<16xi32>], vector<16xi32>,
        tpu.vector_store_idx %arg6[%gather3A_247], %gather3A_235 : memref<8208xi32, #tpu.memory_space<vmem>>[vector<16xi32>], vector<16xi32>,
        tpu.vector_store_idx %arg8[%gather3A_247], %gather3A_236 : memref<8208xi32, #tpu.memory_space<vmem>>[vector<16xi32>], vector<16xi32>,
        %add3A_248 = arith.constant 1 : i32
        %add3A_249 = vector.broadcast %add3A_248 : i32 to vector<16xi32>
        %add3A_250 = arith.addi %gather3A_247, %add3A_249 : vector<16xi32>
        tpu.vector_store_idx %arg10[%add3A_246], %add3A_250 : memref<4096xi32, #tpu.memory_space<vmem>>[vector<16xi32>], vector<16xi32>,
        %mul3A_251 = arith.constant 8 : i32
        %mul3A_252 = arith.muli %scan3A_142, %mul3A_251 : i32
        %add3A_253 = arith.constant 5 : i32
        %add3A_254 = arith.addi %mul3A_252, %add3A_253 : i32
        %add3A_255 = vector.broadcast %add3A_254 : i32 to vector<16xi32>
        %add3A_256 = arith.addi %mul3A_24, %add3A_255 : vector<16xi32>
        %gather3A_257 = tpu.vector_load_idx %arg7[%add3A_256] : memref<8208xi32, #tpu.memory_space<vmem>>[vector<16xi32>], vector<16xi32>,
        %gather3A_258 = tpu.vector_load_idx %arg9[%add3A_256] : memref<8208xi32, #tpu.memory_space<vmem>>[vector<16xi32>], vector<16xi32>,
        %shift_right_logical3A_259 = arith.constant 24 : i32
        %shift_right_logical3A_260 = vector.broadcast %shift_right_logical3A_259 : i32 to vector<16xi32>
        %shift_right_logical3A_261 = arith.shrui %gather3A_257, %shift_right_logical3A_260 : vector<16xi32>
        %and3A_262 = arith.constant 255 : i32
        %and3A_263 = vector.broadcast %and3A_262 : i32 to vector<16xi32>
        %and3A_264 = arith.andi %shift_right_logical3A_261, %and3A_263 : vector<16xi32>
        %mul3A_265 = arith.constant 16 : i32
        %mul3A_266 = vector.broadcast %mul3A_265 : i32 to vector<16xi32>
        %mul3A_267 = arith.muli %and3A_264, %mul3A_266 : vector<16xi32>
        %add3A_268 = arith.addi %mul3A_267, %iota3A : vector<16xi32>
        %gather3A_269 = tpu.vector_load_idx %arg10[%add3A_268] : memref<4096xi32, #tpu.memory_space<vmem>>[vector<16xi32>], vector<16xi32>,
        tpu.vector_store_idx %arg6[%gather3A_269], %gather3A_257 : memref<8208xi32, #tpu.memory_space<vmem>>[vector<16xi32>], vector<16xi32>,
        tpu.vector_store_idx %arg8[%gather3A_269], %gather3A_258 : memref<8208xi32, #tpu.memory_space<vmem>>[vector<16xi32>], vector<16xi32>,
        %add3A_270 = arith.constant 1 : i32
        %add3A_271 = vector.broadcast %add3A_270 : i32 to vector<16xi32>
        %add3A_272 = arith.addi %gather3A_269, %add3A_271 : vector<16xi32>
        tpu.vector_store_idx %arg10[%add3A_268], %add3A_272 : memref<4096xi32, #tpu.memory_space<vmem>>[vector<16xi32>], vector<16xi32>,
        %mul3A_273 = arith.constant 8 : i32
        %mul3A_274 = arith.muli %scan3A_142, %mul3A_273 : i32
        %add3A_275 = arith.constant 6 : i32
        %add3A_276 = arith.addi %mul3A_274, %add3A_275 : i32
        %add3A_277 = vector.broadcast %add3A_276 : i32 to vector<16xi32>
        %add3A_278 = arith.addi %mul3A_24, %add3A_277 : vector<16xi32>
        %gather3A_279 = tpu.vector_load_idx %arg7[%add3A_278] : memref<8208xi32, #tpu.memory_space<vmem>>[vector<16xi32>], vector<16xi32>,
        %gather3A_280 = tpu.vector_load_idx %arg9[%add3A_278] : memref<8208xi32, #tpu.memory_space<vmem>>[vector<16xi32>], vector<16xi32>,
        %shift_right_logical3A_281 = arith.constant 24 : i32
        %shift_right_logical3A_282 = vector.broadcast %shift_right_logical3A_281 : i32 to vector<16xi32>
        %shift_right_logical3A_283 = arith.shrui %gather3A_279, %shift_right_logical3A_282 : vector<16xi32>
        %and3A_284 = arith.constant 255 : i32
        %and3A_285 = vector.broadcast %and3A_284 : i32 to vector<16xi32>
        %and3A_286 = arith.andi %shift_right_logical3A_283, %and3A_285 : vector<16xi32>
        %mul3A_287 = arith.constant 16 : i32
        %mul3A_288 = vector.broadcast %mul3A_287 : i32 to vector<16xi32>
        %mul3A_289 = arith.muli %and3A_286, %mul3A_288 : vector<16xi32>
        %add3A_290 = arith.addi %mul3A_289, %iota3A : vector<16xi32>
        %gather3A_291 = tpu.vector_load_idx %arg10[%add3A_290] : memref<4096xi32, #tpu.memory_space<vmem>>[vector<16xi32>], vector<16xi32>,
        tpu.vector_store_idx %arg6[%gather3A_291], %gather3A_279 : memref<8208xi32, #tpu.memory_space<vmem>>[vector<16xi32>], vector<16xi32>,
        tpu.vector_store_idx %arg8[%gather3A_291], %gather3A_280 : memref<8208xi32, #tpu.memory_space<vmem>>[vector<16xi32>], vector<16xi32>,
        %add3A_292 = arith.constant 1 : i32
        %add3A_293 = vector.broadcast %add3A_292 : i32 to vector<16xi32>
        %add3A_294 = arith.addi %gather3A_291, %add3A_293 : vector<16xi32>
        tpu.vector_store_idx %arg10[%add3A_290], %add3A_294 : memref<4096xi32, #tpu.memory_space<vmem>>[vector<16xi32>], vector<16xi32>,
        %mul3A_295 = arith.constant 8 : i32
        %mul3A_296 = arith.muli %scan3A_142, %mul3A_295 : i32
        %add3A_297 = arith.constant 7 : i32
        %add3A_298 = arith.addi %mul3A_296, %add3A_297 : i32
        %add3A_299 = vector.broadcast %add3A_298 : i32 to vector<16xi32>
        %add3A_300 = arith.addi %mul3A_24, %add3A_299 : vector<16xi32>
        %gather3A_301 = tpu.vector_load_idx %arg7[%add3A_300] : memref<8208xi32, #tpu.memory_space<vmem>>[vector<16xi32>], vector<16xi32>,
        %gather3A_302 = tpu.vector_load_idx %arg9[%add3A_300] : memref<8208xi32, #tpu.memory_space<vmem>>[vector<16xi32>], vector<16xi32>,
        %shift_right_logical3A_303 = arith.constant 24 : i32
        %shift_right_logical3A_304 = vector.broadcast %shift_right_logical3A_303 : i32 to vector<16xi32>
        %shift_right_logical3A_305 = arith.shrui %gather3A_301, %shift_right_logical3A_304 : vector<16xi32>
        %and3A_306 = arith.constant 255 : i32
        %and3A_307 = vector.broadcast %and3A_306 : i32 to vector<16xi32>
        %and3A_308 = arith.andi %shift_right_logical3A_305, %and3A_307 : vector<16xi32>
        %mul3A_309 = arith.constant 16 : i32
        %mul3A_310 = vector.broadcast %mul3A_309 : i32 to vector<16xi32>
        %mul3A_311 = arith.muli %and3A_308, %mul3A_310 : vector<16xi32>
        %add3A_312 = arith.addi %mul3A_311, %iota3A : vector<16xi32>
        %gather3A_313 = tpu.vector_load_idx %arg10[%add3A_312] : memref<4096xi32, #tpu.memory_space<vmem>>[vector<16xi32>], vector<16xi32>,
        tpu.vector_store_idx %arg6[%gather3A_313], %gather3A_301 : memref<8208xi32, #tpu.memory_space<vmem>>[vector<16xi32>], vector<16xi32>,
        tpu.vector_store_idx %arg8[%gather3A_313], %gather3A_302 : memref<8208xi32, #tpu.memory_space<vmem>>[vector<16xi32>], vector<16xi32>,
        %add3A_314 = arith.constant 1 : i32
        %add3A_315 = vector.broadcast %add3A_314 : i32 to vector<16xi32>
        %add3A_316 = arith.addi %gather3A_313, %add3A_315 : vector<16xi32>
        tpu.vector_store_idx %arg10[%add3A_312], %add3A_316 : memref<4096xi32, #tpu.memory_space<vmem>>[vector<16xi32>], vector<16xi32>,
        %scan3A_317 = arith.constant 0 : i32
        scf.yield %scan3A_317 : i32
      }
      %scan3A_139 = arith.constant 64 : i32
      %mul3A_140 = arith.constant 8192 : i32
      %mul3A_141 = arith.muli %arg1, %mul3A_140 : i32
      "tpu.region"() ({
        %run_scoped3A = tpu.sem_alloc : memref<!tpu.dma_semaphore, #tpu.memory_space<semaphore_mem>>
        %dma_start3A = arith.constant 0 : i32
        %dma_start3A_142 = tpu.memref_slice %arg8[%dma_start3A] : memref<8208xi32, #tpu.memory_space<vmem>> -> memref<8192xi32, #tpu.memory_space<vmem>>
        %dma_start3A_143 = tpu.memref_slice %arg24[%mul3A_141] : memref<131072xi32, #tpu.memory_space<vmem_shared>> -> memref<8192xi32, #tpu.memory_space<vmem_shared>>
        %dma_start3A_144 = tpu.memref_slice %arg24[%mul3A_141] : memref<131072xi32, #tpu.memory_space<vmem_shared>> -> memref<8192xi32, #tpu.memory_space<vmem_shared>>
        %dma_start3A_145 = arith.constant 0 : i32
        %dma_start3A_146 = tpu.memref_slice %arg8[%dma_start3A_145] : memref<8208xi32, #tpu.memory_space<vmem>> -> memref<8192xi32, #tpu.memory_space<vmem>>
        tpu.enqueue_dma source(%dma_start3A_146 : memref<8192xi32, #tpu.memory_space<vmem>>) target(%dma_start3A_144 : memref<8192xi32, #tpu.memory_space<vmem_shared>>) target_semaphore(%run_scoped3A : memref<!tpu.dma_semaphore, #tpu.memory_space<semaphore_mem>>)
        %dma_wait3A = arith.constant 0 : i32
        %dma_wait3A_147 = tpu.memref_slice %arg8[%dma_wait3A] : memref<8208xi32, #tpu.memory_space<vmem>> -> memref<8192xi32, #tpu.memory_space<vmem>>
        %dma_wait3A_148 = tpu.memref_slice %arg24[%mul3A_141] : memref<131072xi32, #tpu.memory_space<vmem_shared>> -> memref<8192xi32, #tpu.memory_space<vmem_shared>>
        %dma_wait3A_149 = tpu.memref_slice %arg24[%mul3A_141] : memref<131072xi32, #tpu.memory_space<vmem_shared>> -> memref<8192xi32, #tpu.memory_space<vmem_shared>>
        %dma_wait3A_150 = arith.constant 0 : i32
        %dma_wait3A_151 = tpu.memref_slice %arg8[%dma_wait3A_150] : memref<8208xi32, #tpu.memory_space<vmem>> -> memref<8192xi32, #tpu.memory_space<vmem>>
        tpu.wait_dma2 semaphore(%run_scoped3A : memref<!tpu.dma_semaphore, #tpu.memory_space<semaphore_mem>>) src(%dma_wait3A_151 : memref<8192xi32, #tpu.memory_space<vmem>>) dst(%dma_wait3A_149 : memref<8192xi32, #tpu.memory_space<vmem_shared>>)
        tpu.yield
      }) : () -> ()
      "tpu.trace_stop"() : () -> ()
    } else {
    }
    %barrier3A = arith.constant 0 : index
    tpu.barrier barrier_id(%barrier3A)
    %eq3A_8 = arith.constant 0 : i32
    %eq3A_9 = arith.cmpi eq, %arg1, %eq3A_8 : i32
    %and3A = arith.andi %eq3A_0, %eq3A_9 : i1
    %convert_element_type3A_10 = arith.extui %and3A : i1 to i32
    %cond3A_11 = arith.constant 0 : i32
    %cond3A_12 = arith.cmpi ne, %convert_element_type3A_10, %cond3A_11 : i32
    scf.if %cond3A_12 {
      "tpu.trace_start"() <{level = 10 : i32, message = "phase_walk"}> : () -> ()
      %scan3A = arith.constant 0 : i32
      %scan3A_17 = arith.constant 0 : i32
      %scan3A_18 = arith.constant 128 : i32
      %scan3A_19 = arith.addi %scan3A_17, %scan3A_18 : i32
      %scan3A_20 = arith.constant 1 : i32
      %scan3A_21 = scf.for %scan3A_33 = %scan3A_17 to %scan3A_19 step %scan3A_20 iter_args(%scan3A_34 = %scan3A) -> (i32)  : i32 {
        %mul3A = arith.constant 4 : i32
        %mul3A_35 = arith.muli %scan3A_33, %mul3A : i32
        %add3A = arith.constant 0 : i32
        %add3A_36 = arith.addi %mul3A_35, %add3A : i32
        %mul3A_37 = arith.constant 16 : i32
        %mul3A_38 = arith.muli %add3A_36, %mul3A_37 : i32
        %swap3A = arith.index_cast %mul3A_38 : i32 to index
        %swap3A_39 = tpu.vector_load %arg12[%swap3A] {strides = array<i32>} : memref<8192xi32, #tpu.memory_space<vmem>>, vector<16xi32>,
        tpu.vector_store %arg12[%swap3A], %broadcast_in_dim3A_3 {strides = array<i32>} : memref<8192xi32, #tpu.memory_space<vmem>>, vector<16xi32>,
        %mul3A_40 = arith.constant 4 : i32
        %mul3A_41 = arith.muli %scan3A_33, %mul3A_40 : i32
        %add3A_42 = arith.constant 1 : i32
        %add3A_43 = arith.addi %mul3A_41, %add3A_42 : i32
        %mul3A_44 = arith.constant 16 : i32
        %mul3A_45 = arith.muli %add3A_43, %mul3A_44 : i32
        %swap3A_46 = arith.index_cast %mul3A_45 : i32 to index
        %swap3A_47 = tpu.vector_load %arg12[%swap3A_46] {strides = array<i32>} : memref<8192xi32, #tpu.memory_space<vmem>>, vector<16xi32>,
        tpu.vector_store %arg12[%swap3A_46], %broadcast_in_dim3A_3 {strides = array<i32>} : memref<8192xi32, #tpu.memory_space<vmem>>, vector<16xi32>,
        %mul3A_48 = arith.constant 4 : i32
        %mul3A_49 = arith.muli %scan3A_33, %mul3A_48 : i32
        %add3A_50 = arith.constant 2 : i32
        %add3A_51 = arith.addi %mul3A_49, %add3A_50 : i32
        %mul3A_52 = arith.constant 16 : i32
        %mul3A_53 = arith.muli %add3A_51, %mul3A_52 : i32
        %swap3A_54 = arith.index_cast %mul3A_53 : i32 to index
        %swap3A_55 = tpu.vector_load %arg12[%swap3A_54] {strides = array<i32>} : memref<8192xi32, #tpu.memory_space<vmem>>, vector<16xi32>,
        tpu.vector_store %arg12[%swap3A_54], %broadcast_in_dim3A_3 {strides = array<i32>} : memref<8192xi32, #tpu.memory_space<vmem>>, vector<16xi32>,
        %mul3A_56 = arith.constant 4 : i32
        %mul3A_57 = arith.muli %scan3A_33, %mul3A_56 : i32
        %add3A_58 = arith.constant 3 : i32
        %add3A_59 = arith.addi %mul3A_57, %add3A_58 : i32
        %mul3A_60 = arith.constant 16 : i32
        %mul3A_61 = arith.muli %add3A_59, %mul3A_60 : i32
        %swap3A_62 = arith.index_cast %mul3A_61 : i32 to index
        %swap3A_63 = tpu.vector_load %arg12[%swap3A_62] {strides = array<i32>} : memref<8192xi32, #tpu.memory_space<vmem>>, vector<16xi32>,
        tpu.vector_store %arg12[%swap3A_62], %broadcast_in_dim3A_3 {strides = array<i32>} : memref<8192xi32, #tpu.memory_space<vmem>>, vector<16xi32>,
        %scan3A_64 = arith.constant 0 : i32
        scf.yield %scan3A_64 : i32
      }
      %scan3A_22 = arith.constant 128 : i32
      %dma_start3A = arith.constant 0 : i32
      %dma_start3A_23 = tpu.memref_slice %arg24[%dma_start3A] : memref<131072xi32, #tpu.memory_space<vmem_shared>> -> memref<8192xi32, #tpu.memory_space<vmem_shared>>
      %dma_start3A_24 = arith.constant 0 : i32
      %dma_start3A_25 = tpu.memref_slice %arg24[%dma_start3A_24] : memref<131072xi32, #tpu.memory_space<vmem_shared>> -> memref<8192xi32, #tpu.memory_space<vmem_shared>>
      tpu.enqueue_dma source(%dma_start3A_25 : memref<8192xi32, #tpu.memory_space<vmem_shared>>) target(%arg13 : memref<8192xi32, #tpu.memory_space<vmem>>) target_semaphore(%arg22 : memref<!tpu.dma_semaphore, #tpu.memory_space<semaphore_mem>>)
      %scan3A_26 = arith.constant 0 : i32
      %scan3A_27 = arith.constant 0 : i32
      %scan3A_28 = arith.constant 8 : i32
      %scan3A_29 = arith.addi %scan3A_27, %scan3A_28 : i32
      %scan3A_30 = arith.constant 1 : i32
      %scan3A_31 = scf.for %scan3A_33 = %scan3A_27 to %scan3A_29 step %scan3A_30 iter_args(%scan3A_34 = %scan3A_26) -> (i32)  : i32 {
        %mul3A = arith.constant 2 : i32
        %mul3A_35 = arith.muli %mul3A, %scan3A_33 : i32
        %dma_wait3A = arith.constant 0 : i32
        %dma_wait3A_36 = tpu.memref_slice %arg24[%dma_wait3A] : memref<131072xi32, #tpu.memory_space<vmem_shared>> -> memref<8192xi32, #tpu.memory_space<vmem_shared>>
        %dma_wait3A_37 = arith.constant 0 : i32
        %dma_wait3A_38 = tpu.memref_slice %arg24[%dma_wait3A_37] : memref<131072xi32, #tpu.memory_space<vmem_shared>> -> memref<8192xi32, #tpu.memory_space<vmem_shared>>
        tpu.wait_dma2 semaphore(%arg22 : memref<!tpu.dma_semaphore, #tpu.memory_space<semaphore_mem>>) src(%dma_wait3A_38 : memref<8192xi32, #tpu.memory_space<vmem_shared>>) dst(%arg13 : memref<8192xi32, #tpu.memory_space<vmem>>)
        %add3A = arith.constant 1 : i32
        %add3A_39 = arith.addi %mul3A_35, %add3A : i32
        %mul3A_40 = arith.constant 8192 : i32
        %mul3A_41 = arith.muli %add3A_39, %mul3A_40 : i32
        %dma_start3A_42 = tpu.memref_slice %arg24[%mul3A_41] : memref<131072xi32, #tpu.memory_space<vmem_shared>> -> memref<8192xi32, #tpu.memory_space<vmem_shared>>
        %dma_start3A_43 = tpu.memref_slice %arg24[%mul3A_41] : memref<131072xi32, #tpu.memory_space<vmem_shared>> -> memref<8192xi32, #tpu.memory_space<vmem_shared>>
        tpu.enqueue_dma source(%dma_start3A_43 : memref<8192xi32, #tpu.memory_space<vmem_shared>>) target(%arg14 : memref<8192xi32, #tpu.memory_space<vmem>>) target_semaphore(%arg23 : memref<!tpu.dma_semaphore, #tpu.memory_space<semaphore_mem>>)
        %while3A = arith.constant 0 : i32
        %while3A_44 = arith.constant 0 : i32
        %while3A_45:2 = scf.while (%while3A_64 = %while3A, %while3A_65 = %while3A_44) : (i32, i32) -> (i32, i32) {
          %lt3A_66 = arith.constant 512 : i32
          %lt3A_67 = arith.cmpi slt, %while3A_65, %lt3A_66 : i32
          %lt3A_68 = arith.constant 16 : i32
          %lt3A_69 = arith.cmpi slt, %while3A_64, %lt3A_68 : i32
          %and3A_70 = arith.andi %lt3A_67, %lt3A_69 : i1
          scf.condition(%and3A_70) %while3A_64, %while3A_65 : i32, i32
        } do {
        ^bb0(%while3A_64: i32, %while3A_65: i32):
          %mul3A_66 = arith.constant 512 : i32
          %mul3A_67 = arith.muli %while3A_64, %mul3A_66 : i32
          %scan3A_68 = arith.constant 0 : i32
          %scan3A_69 = arith.constant 0 : i32
          %scan3A_70 = arith.constant 8 : i32
          %scan3A_71 = arith.addi %scan3A_69, %scan3A_70 : i32
          %scan3A_72 = arith.constant 1 : i32
          %scan3A_73 = scf.for %scan3A_108 = %scan3A_69 to %scan3A_71 step %scan3A_72 iter_args(%scan3A_109 = %scan3A_68) -> (i32)  : i32 {
            %mul3A_110 = arith.constant 4 : i32
            %mul3A_111 = arith.muli %scan3A_108, %mul3A_110 : i32
            %add3A_112 = arith.constant 0 : i32
            %add3A_113 = arith.addi %mul3A_111, %add3A_112 : i32
            %mul3A_114 = arith.constant 16 : i32
            %mul3A_115 = arith.muli %add3A_113, %mul3A_114 : i32
            %add3A_116 = arith.addi %mul3A_67, %mul3A_115 : i32
            %get3A_117 = arith.index_cast %add3A_116 : i32 to index
            %get3A_118 = tpu.vector_load %arg13[%get3A_117] {strides = array<i32>} : memref<8192xi32, #tpu.memory_space<vmem>>, vector<16xi32>,
            %gather3A = tpu.vector_load_idx %arg12[%get3A_118] : memref<8192xi32, #tpu.memory_space<vmem>>[vector<16xi32>], vector<16xi32>,
            %eq3A_119 = arith.constant 0 : i32
            %eq3A_120 = vector.broadcast %eq3A_119 : i32 to vector<16xi32>
            %eq3A_121 = arith.cmpi eq, %gather3A, %eq3A_120 : vector<16xi32>
            %jit3A = arith.constant 1 : i32
            %jit3A_122 = arith.constant 0 : i32
            %broadcast_in_dim3A_123 = vector.broadcast %jit3A : i32 to vector<16xi32>
            %broadcast_in_dim3A_124 = vector.broadcast %jit3A_122 : i32 to vector<16xi32>
            %select_n3A = arith.select %eq3A_121, %broadcast_in_dim3A_123, %broadcast_in_dim3A_124 : vector<16xi1>, vector<16xi32>
            %mul3A_125 = arith.constant 16 : i32
            %mul3A_126 = arith.muli %add3A_113, %mul3A_125 : i32
            %swap3A_127 = arith.index_cast %mul3A_126 : i32 to index
            %swap3A_128 = tpu.vector_load %arg16[%swap3A_127] {strides = array<i32>} : memref<512xi32, #tpu.memory_space<vmem>>, vector<16xi32>,
            tpu.vector_store %arg16[%swap3A_127], %select_n3A {strides = array<i32>} : memref<512xi32, #tpu.memory_space<vmem>>, vector<16xi32>,
            %all_reduce_population_count3A = tpu.all_reduce %eq3A_121 {dim = 0 : i64, kind = #tpu.reduction_kind<sum>} : vector<16xi1> -> vector<16xi32>
            %mul3A_129 = arith.constant 0 : i32
            %mul3A_130 = vector.broadcast %mul3A_129 : i32 to vector<16xi32>
            %mul3A_131 = arith.muli %iota3A, %mul3A_130 : vector<16xi32>
            %add3A_132 = vector.broadcast %add3A_113 : i32 to vector<16xi32>
            %add3A_133 = arith.addi %mul3A_131, %add3A_132 : vector<16xi32>
            tpu.vector_store_idx %arg18[%add3A_133], %all_reduce_population_count3A masked %eq3A_6 : memref<32xi32, #tpu.memory_space<vmem>>[vector<16xi32>], vector<16xi32>, vector<16xi1>
            %mul3A_134 = arith.constant 4 : i32
            %mul3A_135 = arith.muli %scan3A_108, %mul3A_134 : i32
            %add3A_136 = arith.constant 1 : i32
            %add3A_137 = arith.addi %mul3A_135, %add3A_136 : i32
            %mul3A_138 = arith.constant 16 : i32
            %mul3A_139 = arith.muli %add3A_137, %mul3A_138 : i32
            %add3A_140 = arith.addi %mul3A_67, %mul3A_139 : i32
            %get3A_141 = arith.index_cast %add3A_140 : i32 to index
            %get3A_142 = tpu.vector_load %arg13[%get3A_141] {strides = array<i32>} : memref<8192xi32, #tpu.memory_space<vmem>>, vector<16xi32>,
            %gather3A_143 = tpu.vector_load_idx %arg12[%get3A_142] : memref<8192xi32, #tpu.memory_space<vmem>>[vector<16xi32>], vector<16xi32>,
            %eq3A_144 = arith.constant 0 : i32
            %eq3A_145 = vector.broadcast %eq3A_144 : i32 to vector<16xi32>
            %eq3A_146 = arith.cmpi eq, %gather3A_143, %eq3A_145 : vector<16xi32>
            %jit3A_147 = arith.constant 1 : i32
            %jit3A_148 = arith.constant 0 : i32
            %broadcast_in_dim3A_149 = vector.broadcast %jit3A_147 : i32 to vector<16xi32>
            %broadcast_in_dim3A_150 = vector.broadcast %jit3A_148 : i32 to vector<16xi32>
            %select_n3A_151 = arith.select %eq3A_146, %broadcast_in_dim3A_149, %broadcast_in_dim3A_150 : vector<16xi1>, vector<16xi32>
            %mul3A_152 = arith.constant 16 : i32
            %mul3A_153 = arith.muli %add3A_137, %mul3A_152 : i32
            %swap3A_154 = arith.index_cast %mul3A_153 : i32 to index
            %swap3A_155 = tpu.vector_load %arg16[%swap3A_154] {strides = array<i32>} : memref<512xi32, #tpu.memory_space<vmem>>, vector<16xi32>,
            tpu.vector_store %arg16[%swap3A_154], %select_n3A_151 {strides = array<i32>} : memref<512xi32, #tpu.memory_space<vmem>>, vector<16xi32>,
            %all_reduce_population_count3A_156 = tpu.all_reduce %eq3A_146 {dim = 0 : i64, kind = #tpu.reduction_kind<sum>} : vector<16xi1> -> vector<16xi32>
            %mul3A_157 = arith.constant 0 : i32
            %mul3A_158 = vector.broadcast %mul3A_157 : i32 to vector<16xi32>
            %mul3A_159 = arith.muli %iota3A, %mul3A_158 : vector<16xi32>
            %add3A_160 = vector.broadcast %add3A_137 : i32 to vector<16xi32>
            %add3A_161 = arith.addi %mul3A_159, %add3A_160 : vector<16xi32>
            tpu.vector_store_idx %arg18[%add3A_161], %all_reduce_population_count3A_156 masked %eq3A_6 : memref<32xi32, #tpu.memory_space<vmem>>[vector<16xi32>], vector<16xi32>, vector<16xi1>
            %mul3A_162 = arith.constant 4 : i32
            %mul3A_163 = arith.muli %scan3A_108, %mul3A_162 : i32
            %add3A_164 = arith.constant 2 : i32
            %add3A_165 = arith.addi %mul3A_163, %add3A_164 : i32
            %mul3A_166 = arith.constant 16 : i32
            %mul3A_167 = arith.muli %add3A_165, %mul3A_166 : i32
            %add3A_168 = arith.addi %mul3A_67, %mul3A_167 : i32
            %get3A_169 = arith.index_cast %add3A_168 : i32 to index
            %get3A_170 = tpu.vector_load %arg13[%get3A_169] {strides = array<i32>} : memref<8192xi32, #tpu.memory_space<vmem>>, vector<16xi32>,
            %gather3A_171 = tpu.vector_load_idx %arg12[%get3A_170] : memref<8192xi32, #tpu.memory_space<vmem>>[vector<16xi32>], vector<16xi32>,
            %eq3A_172 = arith.constant 0 : i32
            %eq3A_173 = vector.broadcast %eq3A_172 : i32 to vector<16xi32>
            %eq3A_174 = arith.cmpi eq, %gather3A_171, %eq3A_173 : vector<16xi32>
            %jit3A_175 = arith.constant 1 : i32
            %jit3A_176 = arith.constant 0 : i32
            %broadcast_in_dim3A_177 = vector.broadcast %jit3A_175 : i32 to vector<16xi32>
            %broadcast_in_dim3A_178 = vector.broadcast %jit3A_176 : i32 to vector<16xi32>
            %select_n3A_179 = arith.select %eq3A_174, %broadcast_in_dim3A_177, %broadcast_in_dim3A_178 : vector<16xi1>, vector<16xi32>
            %mul3A_180 = arith.constant 16 : i32
            %mul3A_181 = arith.muli %add3A_165, %mul3A_180 : i32
            %swap3A_182 = arith.index_cast %mul3A_181 : i32 to index
            %swap3A_183 = tpu.vector_load %arg16[%swap3A_182] {strides = array<i32>} : memref<512xi32, #tpu.memory_space<vmem>>, vector<16xi32>,
            tpu.vector_store %arg16[%swap3A_182], %select_n3A_179 {strides = array<i32>} : memref<512xi32, #tpu.memory_space<vmem>>, vector<16xi32>,
            %all_reduce_population_count3A_184 = tpu.all_reduce %eq3A_174 {dim = 0 : i64, kind = #tpu.reduction_kind<sum>} : vector<16xi1> -> vector<16xi32>
            %mul3A_185 = arith.constant 0 : i32
            %mul3A_186 = vector.broadcast %mul3A_185 : i32 to vector<16xi32>
            %mul3A_187 = arith.muli %iota3A, %mul3A_186 : vector<16xi32>
            %add3A_188 = vector.broadcast %add3A_165 : i32 to vector<16xi32>
            %add3A_189 = arith.addi %mul3A_187, %add3A_188 : vector<16xi32>
            tpu.vector_store_idx %arg18[%add3A_189], %all_reduce_population_count3A_184 masked %eq3A_6 : memref<32xi32, #tpu.memory_space<vmem>>[vector<16xi32>], vector<16xi32>, vector<16xi1>
            %mul3A_190 = arith.constant 4 : i32
            %mul3A_191 = arith.muli %scan3A_108, %mul3A_190 : i32
            %add3A_192 = arith.constant 3 : i32
            %add3A_193 = arith.addi %mul3A_191, %add3A_192 : i32
            %mul3A_194 = arith.constant 16 : i32
            %mul3A_195 = arith.muli %add3A_193, %mul3A_194 : i32
            %add3A_196 = arith.addi %mul3A_67, %mul3A_195 : i32
            %get3A_197 = arith.index_cast %add3A_196 : i32 to index
            %get3A_198 = tpu.vector_load %arg13[%get3A_197] {strides = array<i32>} : memref<8192xi32, #tpu.memory_space<vmem>>, vector<16xi32>,
            %gather3A_199 = tpu.vector_load_idx %arg12[%get3A_198] : memref<8192xi32, #tpu.memory_space<vmem>>[vector<16xi32>], vector<16xi32>,
            %eq3A_200 = arith.constant 0 : i32
            %eq3A_201 = vector.broadcast %eq3A_200 : i32 to vector<16xi32>
            %eq3A_202 = arith.cmpi eq, %gather3A_199, %eq3A_201 : vector<16xi32>
            %jit3A_203 = arith.constant 1 : i32
            %jit3A_204 = arith.constant 0 : i32
            %broadcast_in_dim3A_205 = vector.broadcast %jit3A_203 : i32 to vector<16xi32>
            %broadcast_in_dim3A_206 = vector.broadcast %jit3A_204 : i32 to vector<16xi32>
            %select_n3A_207 = arith.select %eq3A_202, %broadcast_in_dim3A_205, %broadcast_in_dim3A_206 : vector<16xi1>, vector<16xi32>
            %mul3A_208 = arith.constant 16 : i32
            %mul3A_209 = arith.muli %add3A_193, %mul3A_208 : i32
            %swap3A_210 = arith.index_cast %mul3A_209 : i32 to index
            %swap3A_211 = tpu.vector_load %arg16[%swap3A_210] {strides = array<i32>} : memref<512xi32, #tpu.memory_space<vmem>>, vector<16xi32>,
            tpu.vector_store %arg16[%swap3A_210], %select_n3A_207 {strides = array<i32>} : memref<512xi32, #tpu.memory_space<vmem>>, vector<16xi32>,
            %all_reduce_population_count3A_212 = tpu.all_reduce %eq3A_202 {dim = 0 : i64, kind = #tpu.reduction_kind<sum>} : vector<16xi1> -> vector<16xi32>
            %mul3A_213 = arith.constant 0 : i32
            %mul3A_214 = vector.broadcast %mul3A_213 : i32 to vector<16xi32>
            %mul3A_215 = arith.muli %iota3A, %mul3A_214 : vector<16xi32>
            %add3A_216 = vector.broadcast %add3A_193 : i32 to vector<16xi32>
            %add3A_217 = arith.addi %mul3A_215, %add3A_216 : vector<16xi32>
            tpu.vector_store_idx %arg18[%add3A_217], %all_reduce_population_count3A_212 masked %eq3A_6 : memref<32xi32, #tpu.memory_space<vmem>>[vector<16xi32>], vector<16xi32>, vector<16xi1>
            %scan3A_218 = arith.constant 0 : i32
            scf.yield %scan3A_218 : i32
          }
          %scan3A_74 = arith.constant 8 : i32
          %get3A = arith.constant 0 : index
          %get3A_75 = tpu.vector_load %arg18[%get3A] {strides = array<i32>} : memref<32xi32, #tpu.memory_space<vmem>>, vector<16xi32>,
          %get3A_76 = arith.constant 16 : index
          %get3A_77 = tpu.vector_load %arg18[%get3A_76] {strides = array<i32>} : memref<32xi32, #tpu.memory_space<vmem>>, vector<16xi32>,
          %reduce_sum3A = arith.constant true
          %reduce_sum3A_78 = vector.broadcast %reduce_sum3A : i1 to vector<16xi1>
          %reduce_sum3A_79 = tpu.scan <sum>, %get3A_75 masked %reduce_sum3A_78 : vector<16xi32>, vector<16xi1> -> vector<16xi32>
          %reduce_sum3A_80 = vector.extract %reduce_sum3A_79[15] : i32 from vector<16xi32>
          %broadcast_in_dim3A_81 = arith.constant true
          %broadcast_in_dim3A_82 = vector.broadcast %broadcast_in_dim3A_81 : i1 to vector<16xi1>
          %masked_cumsum3A = tpu.scan <sum>, %get3A_75 masked %broadcast_in_dim3A_82 : vector<16xi32>, vector<16xi1> -> vector<16xi32>
          %sub3A = arith.subi %masked_cumsum3A, %get3A_75 : vector<16xi32>
          %swap3A = arith.constant 0 : index
          %swap3A_83 = tpu.vector_load %arg19[%swap3A] {strides = array<i32>} : memref<48xi32, #tpu.memory_space<vmem>>, vector<16xi32>,
          tpu.vector_store %arg19[%swap3A], %sub3A {strides = array<i32>} : memref<48xi32, #tpu.memory_space<vmem>>, vector<16xi32>,
          %broadcast_in_dim3A_84 = arith.constant true
          %broadcast_in_dim3A_85 = vector.broadcast %broadcast_in_dim3A_84 : i1 to vector<16xi1>
          %masked_cumsum3A_86 = tpu.scan <sum>, %get3A_77 masked %broadcast_in_dim3A_85 : vector<16xi32>, vector<16xi1> -> vector<16xi32>
          %sub3A_87 = arith.subi %masked_cumsum3A_86, %get3A_77 : vector<16xi32>
          %add3A_88 = vector.broadcast %reduce_sum3A_80 : i32 to vector<16xi32>
          %add3A_89 = arith.addi %sub3A_87, %add3A_88 : vector<16xi32>
          %swap3A_90 = arith.constant 16 : index
          %swap3A_91 = tpu.vector_load %arg19[%swap3A_90] {strides = array<i32>} : memref<48xi32, #tpu.memory_space<vmem>>, vector<16xi32>,
          tpu.vector_store %arg19[%swap3A_90], %add3A_89 {strides = array<i32>} : memref<48xi32, #tpu.memory_space<vmem>>, vector<16xi32>,
          %reduce_sum3A_92 = arith.constant true
          %reduce_sum3A_93 = vector.broadcast %reduce_sum3A_92 : i1 to vector<16xi1>
          %reduce_sum3A_94 = tpu.scan <sum>, %get3A_77 masked %reduce_sum3A_93 : vector<16xi32>, vector<16xi1> -> vector<16xi32>
          %reduce_sum3A_95 = vector.extract %reduce_sum3A_94[15] : i32 from vector<16xi32>
          %add3A_96 = arith.addi %reduce_sum3A_80, %reduce_sum3A_95 : i32
          %scan3A_97 = arith.constant 0 : i32
          %scan3A_98 = arith.constant 0 : i32
          %scan3A_99 = arith.constant 8 : i32
          %scan3A_100 = arith.addi %scan3A_98, %scan3A_99 : i32
          %scan3A_101 = arith.constant 1 : i32
          %scan3A_102 = scf.for %scan3A_108 = %scan3A_98 to %scan3A_100 step %scan3A_101 iter_args(%scan3A_109 = %scan3A_97) -> (i32)  : i32 {
            %mul3A_110 = arith.constant 4 : i32
            %mul3A_111 = arith.muli %scan3A_108, %mul3A_110 : i32
            %add3A_112 = arith.constant 0 : i32
            %add3A_113 = arith.addi %mul3A_111, %add3A_112 : i32
            %mul3A_114 = arith.constant 16 : i32
            %mul3A_115 = arith.muli %add3A_113, %mul3A_114 : i32
            %add3A_116 = arith.addi %mul3A_67, %mul3A_115 : i32
            %get3A_117 = arith.index_cast %add3A_116 : i32 to index
            %get3A_118 = tpu.vector_load %arg13[%get3A_117] {strides = array<i32>} : memref<8192xi32, #tpu.memory_space<vmem>>, vector<16xi32>,
            %mul3A_119 = arith.constant 16 : i32
            %mul3A_120 = arith.muli %add3A_113, %mul3A_119 : i32
            %get3A_121 = arith.index_cast %mul3A_120 : i32 to index
            %get3A_122 = tpu.vector_load %arg16[%get3A_121] {strides = array<i32>} : memref<512xi32, #tpu.memory_space<vmem>>, vector<16xi32>,
            %broadcast_in_dim3A_123 = arith.constant true
            %broadcast_in_dim3A_124 = vector.broadcast %broadcast_in_dim3A_123 : i1 to vector<16xi1>
            %masked_cumsum3A_125 = tpu.scan <sum>, %get3A_122 masked %broadcast_in_dim3A_124 : vector<16xi32>, vector<16xi1> -> vector<16xi32>
            %mul3A_126 = arith.constant 0 : i32
            %mul3A_127 = vector.broadcast %mul3A_126 : i32 to vector<16xi32>
            %mul3A_128 = arith.muli %iota3A, %mul3A_127 : vector<16xi32>
            %add3A_129 = vector.broadcast %add3A_113 : i32 to vector<16xi32>
            %add3A_130 = arith.addi %mul3A_128, %add3A_129 : vector<16xi32>
            %gather3A = tpu.vector_load_idx %arg19[%add3A_130] : memref<48xi32, #tpu.memory_space<vmem>>[vector<16xi32>], vector<16xi32>,
            %add3A_131 = vector.broadcast %while3A_65 : i32 to vector<16xi32>
            %add3A_132 = arith.addi %add3A_131, %gather3A : vector<16xi32>
            %add3A_133 = arith.addi %add3A_132, %masked_cumsum3A_125 : vector<16xi32>
            %sub3A_134 = arith.constant 1 : i32
            %sub3A_135 = vector.broadcast %sub3A_134 : i32 to vector<16xi32>
            %sub3A_136 = arith.subi %add3A_133, %sub3A_135 : vector<16xi32>
            %eq3A_137 = arith.constant 1 : i32
            %eq3A_138 = vector.broadcast %eq3A_137 : i32 to vector<16xi32>
            %eq3A_139 = arith.cmpi eq, %get3A_122, %eq3A_138 : vector<16xi32>
            %lt3A_140 = arith.constant 512 : i32
            %lt3A_141 = vector.broadcast %lt3A_140 : i32 to vector<16xi32>
            %lt3A_142 = arith.cmpi slt, %sub3A_136, %lt3A_141 : vector<16xi32>
            %and3A_143 = arith.andi %eq3A_139, %lt3A_142 : vector<16xi1>
            tpu.vector_store_idx %arg15[%sub3A_136], %get3A_118 masked %and3A_143 : memref<512xi32, #tpu.memory_space<vmem>>[vector<16xi32>], vector<16xi32>, vector<16xi1>
            tpu.vector_store_idx %arg12[%get3A_118], %broadcast_in_dim3A_1 masked %and3A_143 : memref<8192xi32, #tpu.memory_space<vmem>>[vector<16xi32>], vector<16xi32>, vector<16xi1>
            %mul3A_144 = arith.constant 4 : i32
            %mul3A_145 = arith.muli %scan3A_108, %mul3A_144 : i32
            %add3A_146 = arith.constant 1 : i32
            %add3A_147 = arith.addi %mul3A_145, %add3A_146 : i32
            %mul3A_148 = arith.constant 16 : i32
            %mul3A_149 = arith.muli %add3A_147, %mul3A_148 : i32
            %add3A_150 = arith.addi %mul3A_67, %mul3A_149 : i32
            %get3A_151 = arith.index_cast %add3A_150 : i32 to index
            %get3A_152 = tpu.vector_load %arg13[%get3A_151] {strides = array<i32>} : memref<8192xi32, #tpu.memory_space<vmem>>, vector<16xi32>,
            %mul3A_153 = arith.constant 16 : i32
            %mul3A_154 = arith.muli %add3A_147, %mul3A_153 : i32
            %get3A_155 = arith.index_cast %mul3A_154 : i32 to index
            %get3A_156 = tpu.vector_load %arg16[%get3A_155] {strides = array<i32>} : memref<512xi32, #tpu.memory_space<vmem>>, vector<16xi32>,
            %broadcast_in_dim3A_157 = arith.constant true
            %broadcast_in_dim3A_158 = vector.broadcast %broadcast_in_dim3A_157 : i1 to vector<16xi1>
            %masked_cumsum3A_159 = tpu.scan <sum>, %get3A_156 masked %broadcast_in_dim3A_158 : vector<16xi32>, vector<16xi1> -> vector<16xi32>
            %mul3A_160 = arith.constant 0 : i32
            %mul3A_161 = vector.broadcast %mul3A_160 : i32 to vector<16xi32>
            %mul3A_162 = arith.muli %iota3A, %mul3A_161 : vector<16xi32>
            %add3A_163 = vector.broadcast %add3A_147 : i32 to vector<16xi32>
            %add3A_164 = arith.addi %mul3A_162, %add3A_163 : vector<16xi32>
            %gather3A_165 = tpu.vector_load_idx %arg19[%add3A_164] : memref<48xi32, #tpu.memory_space<vmem>>[vector<16xi32>], vector<16xi32>,
            %add3A_166 = vector.broadcast %while3A_65 : i32 to vector<16xi32>
            %add3A_167 = arith.addi %add3A_166, %gather3A_165 : vector<16xi32>
            %add3A_168 = arith.addi %add3A_167, %masked_cumsum3A_159 : vector<16xi32>
            %sub3A_169 = arith.constant 1 : i32
            %sub3A_170 = vector.broadcast %sub3A_169 : i32 to vector<16xi32>
            %sub3A_171 = arith.subi %add3A_168, %sub3A_170 : vector<16xi32>
            %eq3A_172 = arith.constant 1 : i32
            %eq3A_173 = vector.broadcast %eq3A_172 : i32 to vector<16xi32>
            %eq3A_174 = arith.cmpi eq, %get3A_156, %eq3A_173 : vector<16xi32>
            %lt3A_175 = arith.constant 512 : i32
            %lt3A_176 = vector.broadcast %lt3A_175 : i32 to vector<16xi32>
            %lt3A_177 = arith.cmpi slt, %sub3A_171, %lt3A_176 : vector<16xi32>
            %and3A_178 = arith.andi %eq3A_174, %lt3A_177 : vector<16xi1>
            tpu.vector_store_idx %arg15[%sub3A_171], %get3A_152 masked %and3A_178 : memref<512xi32, #tpu.memory_space<vmem>>[vector<16xi32>], vector<16xi32>, vector<16xi1>
            tpu.vector_store_idx %arg12[%get3A_152], %broadcast_in_dim3A_1 masked %and3A_178 : memref<8192xi32, #tpu.memory_space<vmem>>[vector<16xi32>], vector<16xi32>, vector<16xi1>
            %mul3A_179 = arith.constant 4 : i32
            %mul3A_180 = arith.muli %scan3A_108, %mul3A_179 : i32
            %add3A_181 = arith.constant 2 : i32
            %add3A_182 = arith.addi %mul3A_180, %add3A_181 : i32
            %mul3A_183 = arith.constant 16 : i32
            %mul3A_184 = arith.muli %add3A_182, %mul3A_183 : i32
            %add3A_185 = arith.addi %mul3A_67, %mul3A_184 : i32
            %get3A_186 = arith.index_cast %add3A_185 : i32 to index
            %get3A_187 = tpu.vector_load %arg13[%get3A_186] {strides = array<i32>} : memref<8192xi32, #tpu.memory_space<vmem>>, vector<16xi32>,
            %mul3A_188 = arith.constant 16 : i32
            %mul3A_189 = arith.muli %add3A_182, %mul3A_188 : i32
            %get3A_190 = arith.index_cast %mul3A_189 : i32 to index
            %get3A_191 = tpu.vector_load %arg16[%get3A_190] {strides = array<i32>} : memref<512xi32, #tpu.memory_space<vmem>>, vector<16xi32>,
            %broadcast_in_dim3A_192 = arith.constant true
            %broadcast_in_dim3A_193 = vector.broadcast %broadcast_in_dim3A_192 : i1 to vector<16xi1>
            %masked_cumsum3A_194 = tpu.scan <sum>, %get3A_191 masked %broadcast_in_dim3A_193 : vector<16xi32>, vector<16xi1> -> vector<16xi32>
            %mul3A_195 = arith.constant 0 : i32
            %mul3A_196 = vector.broadcast %mul3A_195 : i32 to vector<16xi32>
            %mul3A_197 = arith.muli %iota3A, %mul3A_196 : vector<16xi32>
            %add3A_198 = vector.broadcast %add3A_182 : i32 to vector<16xi32>
            %add3A_199 = arith.addi %mul3A_197, %add3A_198 : vector<16xi32>
            %gather3A_200 = tpu.vector_load_idx %arg19[%add3A_199] : memref<48xi32, #tpu.memory_space<vmem>>[vector<16xi32>], vector<16xi32>,
            %add3A_201 = vector.broadcast %while3A_65 : i32 to vector<16xi32>
            %add3A_202 = arith.addi %add3A_201, %gather3A_200 : vector<16xi32>
            %add3A_203 = arith.addi %add3A_202, %masked_cumsum3A_194 : vector<16xi32>
            %sub3A_204 = arith.constant 1 : i32
            %sub3A_205 = vector.broadcast %sub3A_204 : i32 to vector<16xi32>
            %sub3A_206 = arith.subi %add3A_203, %sub3A_205 : vector<16xi32>
            %eq3A_207 = arith.constant 1 : i32
            %eq3A_208 = vector.broadcast %eq3A_207 : i32 to vector<16xi32>
            %eq3A_209 = arith.cmpi eq, %get3A_191, %eq3A_208 : vector<16xi32>
            %lt3A_210 = arith.constant 512 : i32
            %lt3A_211 = vector.broadcast %lt3A_210 : i32 to vector<16xi32>
            %lt3A_212 = arith.cmpi slt, %sub3A_206, %lt3A_211 : vector<16xi32>
            %and3A_213 = arith.andi %eq3A_209, %lt3A_212 : vector<16xi1>
            tpu.vector_store_idx %arg15[%sub3A_206], %get3A_187 masked %and3A_213 : memref<512xi32, #tpu.memory_space<vmem>>[vector<16xi32>], vector<16xi32>, vector<16xi1>
            tpu.vector_store_idx %arg12[%get3A_187], %broadcast_in_dim3A_1 masked %and3A_213 : memref<8192xi32, #tpu.memory_space<vmem>>[vector<16xi32>], vector<16xi32>, vector<16xi1>
            %mul3A_214 = arith.constant 4 : i32
            %mul3A_215 = arith.muli %scan3A_108, %mul3A_214 : i32
            %add3A_216 = arith.constant 3 : i32
            %add3A_217 = arith.addi %mul3A_215, %add3A_216 : i32
            %mul3A_218 = arith.constant 16 : i32
            %mul3A_219 = arith.muli %add3A_217, %mul3A_218 : i32
            %add3A_220 = arith.addi %mul3A_67, %mul3A_219 : i32
            %get3A_221 = arith.index_cast %add3A_220 : i32 to index
            %get3A_222 = tpu.vector_load %arg13[%get3A_221] {strides = array<i32>} : memref<8192xi32, #tpu.memory_space<vmem>>, vector<16xi32>,
            %mul3A_223 = arith.constant 16 : i32
            %mul3A_224 = arith.muli %add3A_217, %mul3A_223 : i32
            %get3A_225 = arith.index_cast %mul3A_224 : i32 to index
            %get3A_226 = tpu.vector_load %arg16[%get3A_225] {strides = array<i32>} : memref<512xi32, #tpu.memory_space<vmem>>, vector<16xi32>,
            %broadcast_in_dim3A_227 = arith.constant true
            %broadcast_in_dim3A_228 = vector.broadcast %broadcast_in_dim3A_227 : i1 to vector<16xi1>
            %masked_cumsum3A_229 = tpu.scan <sum>, %get3A_226 masked %broadcast_in_dim3A_228 : vector<16xi32>, vector<16xi1> -> vector<16xi32>
            %mul3A_230 = arith.constant 0 : i32
            %mul3A_231 = vector.broadcast %mul3A_230 : i32 to vector<16xi32>
            %mul3A_232 = arith.muli %iota3A, %mul3A_231 : vector<16xi32>
            %add3A_233 = vector.broadcast %add3A_217 : i32 to vector<16xi32>
            %add3A_234 = arith.addi %mul3A_232, %add3A_233 : vector<16xi32>
            %gather3A_235 = tpu.vector_load_idx %arg19[%add3A_234] : memref<48xi32, #tpu.memory_space<vmem>>[vector<16xi32>], vector<16xi32>,
            %add3A_236 = vector.broadcast %while3A_65 : i32 to vector<16xi32>
            %add3A_237 = arith.addi %add3A_236, %gather3A_235 : vector<16xi32>
            %add3A_238 = arith.addi %add3A_237, %masked_cumsum3A_229 : vector<16xi32>
            %sub3A_239 = arith.constant 1 : i32
            %sub3A_240 = vector.broadcast %sub3A_239 : i32 to vector<16xi32>
            %sub3A_241 = arith.subi %add3A_238, %sub3A_240 : vector<16xi32>
            %eq3A_242 = arith.constant 1 : i32
            %eq3A_243 = vector.broadcast %eq3A_242 : i32 to vector<16xi32>
            %eq3A_244 = arith.cmpi eq, %get3A_226, %eq3A_243 : vector<16xi32>
            %lt3A_245 = arith.constant 512 : i32
            %lt3A_246 = vector.broadcast %lt3A_245 : i32 to vector<16xi32>
            %lt3A_247 = arith.cmpi slt, %sub3A_241, %lt3A_246 : vector<16xi32>
            %and3A_248 = arith.andi %eq3A_244, %lt3A_247 : vector<16xi1>
            tpu.vector_store_idx %arg15[%sub3A_241], %get3A_222 masked %and3A_248 : memref<512xi32, #tpu.memory_space<vmem>>[vector<16xi32>], vector<16xi32>, vector<16xi1>
            tpu.vector_store_idx %arg12[%get3A_222], %broadcast_in_dim3A_1 masked %and3A_248 : memref<8192xi32, #tpu.memory_space<vmem>>[vector<16xi32>], vector<16xi32>, vector<16xi1>
            %scan3A_249 = arith.constant 0 : i32
            scf.yield %scan3A_249 : i32
          }
          %scan3A_103 = arith.constant 8 : i32
          %add3A_104 = arith.constant 1 : i32
          %add3A_105 = arith.addi %while3A_64, %add3A_104 : i32
          %add3A_106 = arith.addi %while3A_65, %add3A_96 : i32
          %min3A = arith.constant 512 : i32
          %min3A_107 = arith.minsi %add3A_106, %min3A : i32
          scf.yield %add3A_105, %min3A_107 : i32, i32
        }
        "tpu.region"() ({
          %run_scoped3A = tpu.sem_alloc : memref<!tpu.dma_semaphore, #tpu.memory_space<semaphore_mem>>
          %dma_start3A_64 = arith.constant 0 : i32
          %dma_start3A_65 = tpu.memref_slice %arg3[%mul3A_35, %dma_start3A_64] : memref<16x512xi32, #tpu.memory_space<hbm>> -> memref<1x512xi32, #tpu.memory_space<hbm>>
          %dma_start3A_66 = tpu.memref_squeeze %dma_start3A_65 : memref<1x512xi32, #tpu.memory_space<hbm>> -> memref<512xi32, #tpu.memory_space<hbm>>
          %dma_start3A_67 = arith.constant 0 : i32
          %dma_start3A_68 = tpu.memref_slice %arg3[%mul3A_35, %dma_start3A_67] : memref<16x512xi32, #tpu.memory_space<hbm>> -> memref<1x512xi32, #tpu.memory_space<hbm>>
          %dma_start3A_69 = tpu.memref_squeeze %dma_start3A_68 : memref<1x512xi32, #tpu.memory_space<hbm>> -> memref<512xi32, #tpu.memory_space<hbm>>
          tpu.enqueue_dma source(%arg15 : memref<512xi32, #tpu.memory_space<vmem>>) target(%dma_start3A_69 : memref<512xi32, #tpu.memory_space<hbm>>) target_semaphore(%run_scoped3A : memref<!tpu.dma_semaphore, #tpu.memory_space<semaphore_mem>>)
          %dma_wait3A_70 = arith.constant 0 : i32
          %dma_wait3A_71 = tpu.memref_slice %arg3[%mul3A_35, %dma_wait3A_70] : memref<16x512xi32, #tpu.memory_space<hbm>> -> memref<1x512xi32, #tpu.memory_space<hbm>>
          %dma_wait3A_72 = tpu.memref_squeeze %dma_wait3A_71 : memref<1x512xi32, #tpu.memory_space<hbm>> -> memref<512xi32, #tpu.memory_space<hbm>>
          %dma_wait3A_73 = arith.constant 0 : i32
          %dma_wait3A_74 = tpu.memref_slice %arg3[%mul3A_35, %dma_wait3A_73] : memref<16x512xi32, #tpu.memory_space<hbm>> -> memref<1x512xi32, #tpu.memory_space<hbm>>
          %dma_wait3A_75 = tpu.memref_squeeze %dma_wait3A_74 : memref<1x512xi32, #tpu.memory_space<hbm>> -> memref<512xi32, #tpu.memory_space<hbm>>
          tpu.wait_dma2 semaphore(%run_scoped3A : memref<!tpu.dma_semaphore, #tpu.memory_space<semaphore_mem>>) src(%arg15 : memref<512xi32, #tpu.memory_space<vmem>>) dst(%dma_wait3A_75 : memref<512xi32, #tpu.memory_space<hbm>>)
          tpu.yield
        }) : () -> ()
        %mul3A_46 = arith.constant 512 : i32
        %mul3A_47 = arith.muli %mul3A_35, %mul3A_46 : i32
        "tpu.region"() ({
          %run_scoped3A = tpu.sem_alloc : memref<!tpu.dma_semaphore, #tpu.memory_space<semaphore_mem>>
          %dma_start3A_64 = tpu.memref_slice %arg25[%mul3A_47] : memref<8192xi32, #tpu.memory_space<vmem_shared>> -> memref<512xi32, #tpu.memory_space<vmem_shared>>
          %dma_start3A_65 = tpu.memref_slice %arg25[%mul3A_47] : memref<8192xi32, #tpu.memory_space<vmem_shared>> -> memref<512xi32, #tpu.memory_space<vmem_shared>>
          tpu.enqueue_dma source(%arg15 : memref<512xi32, #tpu.memory_space<vmem>>) target(%dma_start3A_65 : memref<512xi32, #tpu.memory_space<vmem_shared>>) target_semaphore(%run_scoped3A : memref<!tpu.dma_semaphore, #tpu.memory_space<semaphore_mem>>)
          %dma_wait3A_66 = tpu.memref_slice %arg25[%mul3A_47] : memref<8192xi32, #tpu.memory_space<vmem_shared>> -> memref<512xi32, #tpu.memory_space<vmem_shared>>
          %dma_wait3A_67 = tpu.memref_slice %arg25[%mul3A_47] : memref<8192xi32, #tpu.memory_space<vmem_shared>> -> memref<512xi32, #tpu.memory_space<vmem_shared>>
          tpu.wait_dma2 semaphore(%run_scoped3A : memref<!tpu.dma_semaphore, #tpu.memory_space<semaphore_mem>>) src(%arg15 : memref<512xi32, #tpu.memory_space<vmem>>) dst(%dma_wait3A_67 : memref<512xi32, #tpu.memory_space<vmem_shared>>)
          tpu.yield
        }) : () -> ()
        %dma_wait3A_48 = arith.constant 0 : i32
        %dma_wait3A_49 = tpu.memref_slice %arg24[%dma_wait3A_48] : memref<131072xi32, #tpu.memory_space<vmem_shared>> -> memref<8192xi32, #tpu.memory_space<vmem_shared>>
        %dma_wait3A_50 = arith.constant 0 : i32
        %dma_wait3A_51 = tpu.memref_slice %arg24[%dma_wait3A_50] : memref<131072xi32, #tpu.memory_space<vmem_shared>> -> memref<8192xi32, #tpu.memory_space<vmem_shared>>
        tpu.wait_dma2 semaphore(%arg23 : memref<!tpu.dma_semaphore, #tpu.memory_space<semaphore_mem>>) src(%dma_wait3A_51 : memref<8192xi32, #tpu.memory_space<vmem_shared>>) dst(%arg14 : memref<8192xi32, #tpu.memory_space<vmem>>)
        %lt3A = arith.constant 7 : i32
        %lt3A_52 = arith.cmpi slt, %scan3A_33, %lt3A : i32
        %convert_element_type3A_53 = arith.extui %lt3A_52 : i1 to i32
        %cond3A_54 = arith.constant 0 : i32
        %cond3A_55 = arith.cmpi ne, %convert_element_type3A_53, %cond3A_54 : i32
        scf.if %cond3A_55 {
          %add3A_64 = arith.constant 2 : i32
          %add3A_65 = arith.addi %mul3A_35, %add3A_64 : i32
          %mul3A_66 = arith.constant 8192 : i32
          %mul3A_67 = arith.muli %add3A_65, %mul3A_66 : i32
          %dma_start3A_68 = tpu.memref_slice %arg24[%mul3A_67] : memref<131072xi32, #tpu.memory_space<vmem_shared>> -> memref<8192xi32, #tpu.memory_space<vmem_shared>>
          %dma_start3A_69 = tpu.memref_slice %arg24[%mul3A_67] : memref<131072xi32, #tpu.memory_space<vmem_shared>> -> memref<8192xi32, #tpu.memory_space<vmem_shared>>
          tpu.enqueue_dma source(%dma_start3A_69 : memref<8192xi32, #tpu.memory_space<vmem_shared>>) target(%arg13 : memref<8192xi32, #tpu.memory_space<vmem>>) target_semaphore(%arg22 : memref<!tpu.dma_semaphore, #tpu.memory_space<semaphore_mem>>)
        } else {
        }
        %add3A_56 = arith.constant 1 : i32
        %add3A_57 = arith.addi %mul3A_35, %add3A_56 : i32
        %while3A_58 = arith.constant 0 : i32
        %while3A_59 = arith.constant 0 : i32
        %while3A_60:2 = scf.while (%while3A_64 = %while3A_58, %while3A_65 = %while3A_59) : (i32, i32) -> (i32, i32) {
          %lt3A_66 = arith.constant 512 : i32
          %lt3A_67 = arith.cmpi slt, %while3A_65, %lt3A_66 : i32
          %lt3A_68 = arith.constant 16 : i32
          %lt3A_69 = arith.cmpi slt, %while3A_64, %lt3A_68 : i32
          %and3A_70 = arith.andi %lt3A_67, %lt3A_69 : i1
          scf.condition(%and3A_70) %while3A_64, %while3A_65 : i32, i32
        } do {
        ^bb0(%while3A_64: i32, %while3A_65: i32):
          %mul3A_66 = arith.constant 512 : i32
          %mul3A_67 = arith.muli %while3A_64, %mul3A_66 : i32
          %scan3A_68 = arith.constant 0 : i32
          %scan3A_69 = arith.constant 0 : i32
          %scan3A_70 = arith.constant 8 : i32
          %scan3A_71 = arith.addi %scan3A_69, %scan3A_70 : i32
          %scan3A_72 = arith.constant 1 : i32
          %scan3A_73 = scf.for %scan3A_108 = %scan3A_69 to %scan3A_71 step %scan3A_72 iter_args(%scan3A_109 = %scan3A_68) -> (i32)  : i32 {
            %mul3A_110 = arith.constant 4 : i32
            %mul3A_111 = arith.muli %scan3A_108, %mul3A_110 : i32
            %add3A_112 = arith.constant 0 : i32
            %add3A_113 = arith.addi %mul3A_111, %add3A_112 : i32
            %mul3A_114 = arith.constant 16 : i32
            %mul3A_115 = arith.muli %add3A_113, %mul3A_114 : i32
            %add3A_116 = arith.addi %mul3A_67, %mul3A_115 : i32
            %get3A_117 = arith.index_cast %add3A_116 : i32 to index
            %get3A_118 = tpu.vector_load %arg14[%get3A_117] {strides = array<i32>} : memref<8192xi32, #tpu.memory_space<vmem>>, vector<16xi32>,
            %gather3A = tpu.vector_load_idx %arg12[%get3A_118] : memref<8192xi32, #tpu.memory_space<vmem>>[vector<16xi32>], vector<16xi32>,
            %eq3A_119 = arith.constant 0 : i32
            %eq3A_120 = vector.broadcast %eq3A_119 : i32 to vector<16xi32>
            %eq3A_121 = arith.cmpi eq, %gather3A, %eq3A_120 : vector<16xi32>
            %jit3A = arith.constant 1 : i32
            %jit3A_122 = arith.constant 0 : i32
            %broadcast_in_dim3A_123 = vector.broadcast %jit3A : i32 to vector<16xi32>
            %broadcast_in_dim3A_124 = vector.broadcast %jit3A_122 : i32 to vector<16xi32>
            %select_n3A = arith.select %eq3A_121, %broadcast_in_dim3A_123, %broadcast_in_dim3A_124 : vector<16xi1>, vector<16xi32>
            %mul3A_125 = arith.constant 16 : i32
            %mul3A_126 = arith.muli %add3A_113, %mul3A_125 : i32
            %swap3A_127 = arith.index_cast %mul3A_126 : i32 to index
            %swap3A_128 = tpu.vector_load %arg16[%swap3A_127] {strides = array<i32>} : memref<512xi32, #tpu.memory_space<vmem>>, vector<16xi32>,
            tpu.vector_store %arg16[%swap3A_127], %select_n3A {strides = array<i32>} : memref<512xi32, #tpu.memory_space<vmem>>, vector<16xi32>,
            %all_reduce_population_count3A = tpu.all_reduce %eq3A_121 {dim = 0 : i64, kind = #tpu.reduction_kind<sum>} : vector<16xi1> -> vector<16xi32>
            %mul3A_129 = arith.constant 0 : i32
            %mul3A_130 = vector.broadcast %mul3A_129 : i32 to vector<16xi32>
            %mul3A_131 = arith.muli %iota3A, %mul3A_130 : vector<16xi32>
            %add3A_132 = vector.broadcast %add3A_113 : i32 to vector<16xi32>
            %add3A_133 = arith.addi %mul3A_131, %add3A_132 : vector<16xi32>
            tpu.vector_store_idx %arg18[%add3A_133], %all_reduce_population_count3A masked %eq3A_6 : memref<32xi32, #tpu.memory_space<vmem>>[vector<16xi32>], vector<16xi32>, vector<16xi1>
            %mul3A_134 = arith.constant 4 : i32
            %mul3A_135 = arith.muli %scan3A_108, %mul3A_134 : i32
            %add3A_136 = arith.constant 1 : i32
            %add3A_137 = arith.addi %mul3A_135, %add3A_136 : i32
            %mul3A_138 = arith.constant 16 : i32
            %mul3A_139 = arith.muli %add3A_137, %mul3A_138 : i32
            %add3A_140 = arith.addi %mul3A_67, %mul3A_139 : i32
            %get3A_141 = arith.index_cast %add3A_140 : i32 to index
            %get3A_142 = tpu.vector_load %arg14[%get3A_141] {strides = array<i32>} : memref<8192xi32, #tpu.memory_space<vmem>>, vector<16xi32>,
            %gather3A_143 = tpu.vector_load_idx %arg12[%get3A_142] : memref<8192xi32, #tpu.memory_space<vmem>>[vector<16xi32>], vector<16xi32>,
            %eq3A_144 = arith.constant 0 : i32
            %eq3A_145 = vector.broadcast %eq3A_144 : i32 to vector<16xi32>
            %eq3A_146 = arith.cmpi eq, %gather3A_143, %eq3A_145 : vector<16xi32>
            %jit3A_147 = arith.constant 1 : i32
            %jit3A_148 = arith.constant 0 : i32
            %broadcast_in_dim3A_149 = vector.broadcast %jit3A_147 : i32 to vector<16xi32>
            %broadcast_in_dim3A_150 = vector.broadcast %jit3A_148 : i32 to vector<16xi32>
            %select_n3A_151 = arith.select %eq3A_146, %broadcast_in_dim3A_149, %broadcast_in_dim3A_150 : vector<16xi1>, vector<16xi32>
            %mul3A_152 = arith.constant 16 : i32
            %mul3A_153 = arith.muli %add3A_137, %mul3A_152 : i32
            %swap3A_154 = arith.index_cast %mul3A_153 : i32 to index
            %swap3A_155 = tpu.vector_load %arg16[%swap3A_154] {strides = array<i32>} : memref<512xi32, #tpu.memory_space<vmem>>, vector<16xi32>,
            tpu.vector_store %arg16[%swap3A_154], %select_n3A_151 {strides = array<i32>} : memref<512xi32, #tpu.memory_space<vmem>>, vector<16xi32>,
            %all_reduce_population_count3A_156 = tpu.all_reduce %eq3A_146 {dim = 0 : i64, kind = #tpu.reduction_kind<sum>} : vector<16xi1> -> vector<16xi32>
            %mul3A_157 = arith.constant 0 : i32
            %mul3A_158 = vector.broadcast %mul3A_157 : i32 to vector<16xi32>
            %mul3A_159 = arith.muli %iota3A, %mul3A_158 : vector<16xi32>
            %add3A_160 = vector.broadcast %add3A_137 : i32 to vector<16xi32>
            %add3A_161 = arith.addi %mul3A_159, %add3A_160 : vector<16xi32>
            tpu.vector_store_idx %arg18[%add3A_161], %all_reduce_population_count3A_156 masked %eq3A_6 : memref<32xi32, #tpu.memory_space<vmem>>[vector<16xi32>], vector<16xi32>, vector<16xi1>
            %mul3A_162 = arith.constant 4 : i32
            %mul3A_163 = arith.muli %scan3A_108, %mul3A_162 : i32
            %add3A_164 = arith.constant 2 : i32
            %add3A_165 = arith.addi %mul3A_163, %add3A_164 : i32
            %mul3A_166 = arith.constant 16 : i32
            %mul3A_167 = arith.muli %add3A_165, %mul3A_166 : i32
            %add3A_168 = arith.addi %mul3A_67, %mul3A_167 : i32
            %get3A_169 = arith.index_cast %add3A_168 : i32 to index
            %get3A_170 = tpu.vector_load %arg14[%get3A_169] {strides = array<i32>} : memref<8192xi32, #tpu.memory_space<vmem>>, vector<16xi32>,
            %gather3A_171 = tpu.vector_load_idx %arg12[%get3A_170] : memref<8192xi32, #tpu.memory_space<vmem>>[vector<16xi32>], vector<16xi32>,
            %eq3A_172 = arith.constant 0 : i32
            %eq3A_173 = vector.broadcast %eq3A_172 : i32 to vector<16xi32>
            %eq3A_174 = arith.cmpi eq, %gather3A_171, %eq3A_173 : vector<16xi32>
            %jit3A_175 = arith.constant 1 : i32
            %jit3A_176 = arith.constant 0 : i32
            %broadcast_in_dim3A_177 = vector.broadcast %jit3A_175 : i32 to vector<16xi32>
            %broadcast_in_dim3A_178 = vector.broadcast %jit3A_176 : i32 to vector<16xi32>
            %select_n3A_179 = arith.select %eq3A_174, %broadcast_in_dim3A_177, %broadcast_in_dim3A_178 : vector<16xi1>, vector<16xi32>
            %mul3A_180 = arith.constant 16 : i32
            %mul3A_181 = arith.muli %add3A_165, %mul3A_180 : i32
            %swap3A_182 = arith.index_cast %mul3A_181 : i32 to index
            %swap3A_183 = tpu.vector_load %arg16[%swap3A_182] {strides = array<i32>} : memref<512xi32, #tpu.memory_space<vmem>>, vector<16xi32>,
            tpu.vector_store %arg16[%swap3A_182], %select_n3A_179 {strides = array<i32>} : memref<512xi32, #tpu.memory_space<vmem>>, vector<16xi32>,
            %all_reduce_population_count3A_184 = tpu.all_reduce %eq3A_174 {dim = 0 : i64, kind = #tpu.reduction_kind<sum>} : vector<16xi1> -> vector<16xi32>
            %mul3A_185 = arith.constant 0 : i32
            %mul3A_186 = vector.broadcast %mul3A_185 : i32 to vector<16xi32>
            %mul3A_187 = arith.muli %iota3A, %mul3A_186 : vector<16xi32>
            %add3A_188 = vector.broadcast %add3A_165 : i32 to vector<16xi32>
            %add3A_189 = arith.addi %mul3A_187, %add3A_188 : vector<16xi32>
            tpu.vector_store_idx %arg18[%add3A_189], %all_reduce_population_count3A_184 masked %eq3A_6 : memref<32xi32, #tpu.memory_space<vmem>>[vector<16xi32>], vector<16xi32>, vector<16xi1>
            %mul3A_190 = arith.constant 4 : i32
            %mul3A_191 = arith.muli %scan3A_108, %mul3A_190 : i32
            %add3A_192 = arith.constant 3 : i32
            %add3A_193 = arith.addi %mul3A_191, %add3A_192 : i32
            %mul3A_194 = arith.constant 16 : i32
            %mul3A_195 = arith.muli %add3A_193, %mul3A_194 : i32
            %add3A_196 = arith.addi %mul3A_67, %mul3A_195 : i32
            %get3A_197 = arith.index_cast %add3A_196 : i32 to index
            %get3A_198 = tpu.vector_load %arg14[%get3A_197] {strides = array<i32>} : memref<8192xi32, #tpu.memory_space<vmem>>, vector<16xi32>,
            %gather3A_199 = tpu.vector_load_idx %arg12[%get3A_198] : memref<8192xi32, #tpu.memory_space<vmem>>[vector<16xi32>], vector<16xi32>,
            %eq3A_200 = arith.constant 0 : i32
            %eq3A_201 = vector.broadcast %eq3A_200 : i32 to vector<16xi32>
            %eq3A_202 = arith.cmpi eq, %gather3A_199, %eq3A_201 : vector<16xi32>
            %jit3A_203 = arith.constant 1 : i32
            %jit3A_204 = arith.constant 0 : i32
            %broadcast_in_dim3A_205 = vector.broadcast %jit3A_203 : i32 to vector<16xi32>
            %broadcast_in_dim3A_206 = vector.broadcast %jit3A_204 : i32 to vector<16xi32>
            %select_n3A_207 = arith.select %eq3A_202, %broadcast_in_dim3A_205, %broadcast_in_dim3A_206 : vector<16xi1>, vector<16xi32>
            %mul3A_208 = arith.constant 16 : i32
            %mul3A_209 = arith.muli %add3A_193, %mul3A_208 : i32
            %swap3A_210 = arith.index_cast %mul3A_209 : i32 to index
            %swap3A_211 = tpu.vector_load %arg16[%swap3A_210] {strides = array<i32>} : memref<512xi32, #tpu.memory_space<vmem>>, vector<16xi32>,
            tpu.vector_store %arg16[%swap3A_210], %select_n3A_207 {strides = array<i32>} : memref<512xi32, #tpu.memory_space<vmem>>, vector<16xi32>,
            %all_reduce_population_count3A_212 = tpu.all_reduce %eq3A_202 {dim = 0 : i64, kind = #tpu.reduction_kind<sum>} : vector<16xi1> -> vector<16xi32>
            %mul3A_213 = arith.constant 0 : i32
            %mul3A_214 = vector.broadcast %mul3A_213 : i32 to vector<16xi32>
            %mul3A_215 = arith.muli %iota3A, %mul3A_214 : vector<16xi32>
            %add3A_216 = vector.broadcast %add3A_193 : i32 to vector<16xi32>
            %add3A_217 = arith.addi %mul3A_215, %add3A_216 : vector<16xi32>
            tpu.vector_store_idx %arg18[%add3A_217], %all_reduce_population_count3A_212 masked %eq3A_6 : memref<32xi32, #tpu.memory_space<vmem>>[vector<16xi32>], vector<16xi32>, vector<16xi1>
            %scan3A_218 = arith.constant 0 : i32
            scf.yield %scan3A_218 : i32
          }
          %scan3A_74 = arith.constant 8 : i32
          %get3A = arith.constant 0 : index
          %get3A_75 = tpu.vector_load %arg18[%get3A] {strides = array<i32>} : memref<32xi32, #tpu.memory_space<vmem>>, vector<16xi32>,
          %get3A_76 = arith.constant 16 : index
          %get3A_77 = tpu.vector_load %arg18[%get3A_76] {strides = array<i32>} : memref<32xi32, #tpu.memory_space<vmem>>, vector<16xi32>,
          %reduce_sum3A = arith.constant true
          %reduce_sum3A_78 = vector.broadcast %reduce_sum3A : i1 to vector<16xi1>
          %reduce_sum3A_79 = tpu.scan <sum>, %get3A_75 masked %reduce_sum3A_78 : vector<16xi32>, vector<16xi1> -> vector<16xi32>
          %reduce_sum3A_80 = vector.extract %reduce_sum3A_79[15] : i32 from vector<16xi32>
          %broadcast_in_dim3A_81 = arith.constant true
          %broadcast_in_dim3A_82 = vector.broadcast %broadcast_in_dim3A_81 : i1 to vector<16xi1>
          %masked_cumsum3A = tpu.scan <sum>, %get3A_75 masked %broadcast_in_dim3A_82 : vector<16xi32>, vector<16xi1> -> vector<16xi32>
          %sub3A = arith.subi %masked_cumsum3A, %get3A_75 : vector<16xi32>
          %swap3A = arith.constant 0 : index
          %swap3A_83 = tpu.vector_load %arg19[%swap3A] {strides = array<i32>} : memref<48xi32, #tpu.memory_space<vmem>>, vector<16xi32>,
          tpu.vector_store %arg19[%swap3A], %sub3A {strides = array<i32>} : memref<48xi32, #tpu.memory_space<vmem>>, vector<16xi32>,
          %broadcast_in_dim3A_84 = arith.constant true
          %broadcast_in_dim3A_85 = vector.broadcast %broadcast_in_dim3A_84 : i1 to vector<16xi1>
          %masked_cumsum3A_86 = tpu.scan <sum>, %get3A_77 masked %broadcast_in_dim3A_85 : vector<16xi32>, vector<16xi1> -> vector<16xi32>
          %sub3A_87 = arith.subi %masked_cumsum3A_86, %get3A_77 : vector<16xi32>
          %add3A_88 = vector.broadcast %reduce_sum3A_80 : i32 to vector<16xi32>
          %add3A_89 = arith.addi %sub3A_87, %add3A_88 : vector<16xi32>
          %swap3A_90 = arith.constant 16 : index
          %swap3A_91 = tpu.vector_load %arg19[%swap3A_90] {strides = array<i32>} : memref<48xi32, #tpu.memory_space<vmem>>, vector<16xi32>,
          tpu.vector_store %arg19[%swap3A_90], %add3A_89 {strides = array<i32>} : memref<48xi32, #tpu.memory_space<vmem>>, vector<16xi32>,
          %reduce_sum3A_92 = arith.constant true
          %reduce_sum3A_93 = vector.broadcast %reduce_sum3A_92 : i1 to vector<16xi1>
          %reduce_sum3A_94 = tpu.scan <sum>, %get3A_77 masked %reduce_sum3A_93 : vector<16xi32>, vector<16xi1> -> vector<16xi32>
          %reduce_sum3A_95 = vector.extract %reduce_sum3A_94[15] : i32 from vector<16xi32>
          %add3A_96 = arith.addi %reduce_sum3A_80, %reduce_sum3A_95 : i32
          %scan3A_97 = arith.constant 0 : i32
          %scan3A_98 = arith.constant 0 : i32
          %scan3A_99 = arith.constant 8 : i32
          %scan3A_100 = arith.addi %scan3A_98, %scan3A_99 : i32
          %scan3A_101 = arith.constant 1 : i32
          %scan3A_102 = scf.for %scan3A_108 = %scan3A_98 to %scan3A_100 step %scan3A_101 iter_args(%scan3A_109 = %scan3A_97) -> (i32)  : i32 {
            %mul3A_110 = arith.constant 4 : i32
            %mul3A_111 = arith.muli %scan3A_108, %mul3A_110 : i32
            %add3A_112 = arith.constant 0 : i32
            %add3A_113 = arith.addi %mul3A_111, %add3A_112 : i32
            %mul3A_114 = arith.constant 16 : i32
            %mul3A_115 = arith.muli %add3A_113, %mul3A_114 : i32
            %add3A_116 = arith.addi %mul3A_67, %mul3A_115 : i32
            %get3A_117 = arith.index_cast %add3A_116 : i32 to index
            %get3A_118 = tpu.vector_load %arg14[%get3A_117] {strides = array<i32>} : memref<8192xi32, #tpu.memory_space<vmem>>, vector<16xi32>,
            %mul3A_119 = arith.constant 16 : i32
            %mul3A_120 = arith.muli %add3A_113, %mul3A_119 : i32
            %get3A_121 = arith.index_cast %mul3A_120 : i32 to index
            %get3A_122 = tpu.vector_load %arg16[%get3A_121] {strides = array<i32>} : memref<512xi32, #tpu.memory_space<vmem>>, vector<16xi32>,
            %broadcast_in_dim3A_123 = arith.constant true
            %broadcast_in_dim3A_124 = vector.broadcast %broadcast_in_dim3A_123 : i1 to vector<16xi1>
            %masked_cumsum3A_125 = tpu.scan <sum>, %get3A_122 masked %broadcast_in_dim3A_124 : vector<16xi32>, vector<16xi1> -> vector<16xi32>
            %mul3A_126 = arith.constant 0 : i32
            %mul3A_127 = vector.broadcast %mul3A_126 : i32 to vector<16xi32>
            %mul3A_128 = arith.muli %iota3A, %mul3A_127 : vector<16xi32>
            %add3A_129 = vector.broadcast %add3A_113 : i32 to vector<16xi32>
            %add3A_130 = arith.addi %mul3A_128, %add3A_129 : vector<16xi32>
            %gather3A = tpu.vector_load_idx %arg19[%add3A_130] : memref<48xi32, #tpu.memory_space<vmem>>[vector<16xi32>], vector<16xi32>,
            %add3A_131 = vector.broadcast %while3A_65 : i32 to vector<16xi32>
            %add3A_132 = arith.addi %add3A_131, %gather3A : vector<16xi32>
            %add3A_133 = arith.addi %add3A_132, %masked_cumsum3A_125 : vector<16xi32>
            %sub3A_134 = arith.constant 1 : i32
            %sub3A_135 = vector.broadcast %sub3A_134 : i32 to vector<16xi32>
            %sub3A_136 = arith.subi %add3A_133, %sub3A_135 : vector<16xi32>
            %eq3A_137 = arith.constant 1 : i32
            %eq3A_138 = vector.broadcast %eq3A_137 : i32 to vector<16xi32>
            %eq3A_139 = arith.cmpi eq, %get3A_122, %eq3A_138 : vector<16xi32>
            %lt3A_140 = arith.constant 512 : i32
            %lt3A_141 = vector.broadcast %lt3A_140 : i32 to vector<16xi32>
            %lt3A_142 = arith.cmpi slt, %sub3A_136, %lt3A_141 : vector<16xi32>
            %and3A_143 = arith.andi %eq3A_139, %lt3A_142 : vector<16xi1>
            tpu.vector_store_idx %arg15[%sub3A_136], %get3A_118 masked %and3A_143 : memref<512xi32, #tpu.memory_space<vmem>>[vector<16xi32>], vector<16xi32>, vector<16xi1>
            tpu.vector_store_idx %arg12[%get3A_118], %broadcast_in_dim3A_1 masked %and3A_143 : memref<8192xi32, #tpu.memory_space<vmem>>[vector<16xi32>], vector<16xi32>, vector<16xi1>
            %mul3A_144 = arith.constant 4 : i32
            %mul3A_145 = arith.muli %scan3A_108, %mul3A_144 : i32
            %add3A_146 = arith.constant 1 : i32
            %add3A_147 = arith.addi %mul3A_145, %add3A_146 : i32
            %mul3A_148 = arith.constant 16 : i32
            %mul3A_149 = arith.muli %add3A_147, %mul3A_148 : i32
            %add3A_150 = arith.addi %mul3A_67, %mul3A_149 : i32
            %get3A_151 = arith.index_cast %add3A_150 : i32 to index
            %get3A_152 = tpu.vector_load %arg14[%get3A_151] {strides = array<i32>} : memref<8192xi32, #tpu.memory_space<vmem>>, vector<16xi32>,
            %mul3A_153 = arith.constant 16 : i32
            %mul3A_154 = arith.muli %add3A_147, %mul3A_153 : i32
            %get3A_155 = arith.index_cast %mul3A_154 : i32 to index
            %get3A_156 = tpu.vector_load %arg16[%get3A_155] {strides = array<i32>} : memref<512xi32, #tpu.memory_space<vmem>>, vector<16xi32>,
            %broadcast_in_dim3A_157 = arith.constant true
            %broadcast_in_dim3A_158 = vector.broadcast %broadcast_in_dim3A_157 : i1 to vector<16xi1>
            %masked_cumsum3A_159 = tpu.scan <sum>, %get3A_156 masked %broadcast_in_dim3A_158 : vector<16xi32>, vector<16xi1> -> vector<16xi32>
            %mul3A_160 = arith.constant 0 : i32
            %mul3A_161 = vector.broadcast %mul3A_160 : i32 to vector<16xi32>
            %mul3A_162 = arith.muli %iota3A, %mul3A_161 : vector<16xi32>
            %add3A_163 = vector.broadcast %add3A_147 : i32 to vector<16xi32>
            %add3A_164 = arith.addi %mul3A_162, %add3A_163 : vector<16xi32>
            %gather3A_165 = tpu.vector_load_idx %arg19[%add3A_164] : memref<48xi32, #tpu.memory_space<vmem>>[vector<16xi32>], vector<16xi32>,
            %add3A_166 = vector.broadcast %while3A_65 : i32 to vector<16xi32>
            %add3A_167 = arith.addi %add3A_166, %gather3A_165 : vector<16xi32>
            %add3A_168 = arith.addi %add3A_167, %masked_cumsum3A_159 : vector<16xi32>
            %sub3A_169 = arith.constant 1 : i32
            %sub3A_170 = vector.broadcast %sub3A_169 : i32 to vector<16xi32>
            %sub3A_171 = arith.subi %add3A_168, %sub3A_170 : vector<16xi32>
            %eq3A_172 = arith.constant 1 : i32
            %eq3A_173 = vector.broadcast %eq3A_172 : i32 to vector<16xi32>
            %eq3A_174 = arith.cmpi eq, %get3A_156, %eq3A_173 : vector<16xi32>
            %lt3A_175 = arith.constant 512 : i32
            %lt3A_176 = vector.broadcast %lt3A_175 : i32 to vector<16xi32>
            %lt3A_177 = arith.cmpi slt, %sub3A_171, %lt3A_176 : vector<16xi32>
            %and3A_178 = arith.andi %eq3A_174, %lt3A_177 : vector<16xi1>
            tpu.vector_store_idx %arg15[%sub3A_171], %get3A_152 masked %and3A_178 : memref<512xi32, #tpu.memory_space<vmem>>[vector<16xi32>], vector<16xi32>, vector<16xi1>
            tpu.vector_store_idx %arg12[%get3A_152], %broadcast_in_dim3A_1 masked %and3A_178 : memref<8192xi32, #tpu.memory_space<vmem>>[vector<16xi32>], vector<16xi32>, vector<16xi1>
            %mul3A_179 = arith.constant 4 : i32
            %mul3A_180 = arith.muli %scan3A_108, %mul3A_179 : i32
            %add3A_181 = arith.constant 2 : i32
            %add3A_182 = arith.addi %mul3A_180, %add3A_181 : i32
            %mul3A_183 = arith.constant 16 : i32
            %mul3A_184 = arith.muli %add3A_182, %mul3A_183 : i32
            %add3A_185 = arith.addi %mul3A_67, %mul3A_184 : i32
            %get3A_186 = arith.index_cast %add3A_185 : i32 to index
            %get3A_187 = tpu.vector_load %arg14[%get3A_186] {strides = array<i32>} : memref<8192xi32, #tpu.memory_space<vmem>>, vector<16xi32>,
            %mul3A_188 = arith.constant 16 : i32
            %mul3A_189 = arith.muli %add3A_182, %mul3A_188 : i32
            %get3A_190 = arith.index_cast %mul3A_189 : i32 to index
            %get3A_191 = tpu.vector_load %arg16[%get3A_190] {strides = array<i32>} : memref<512xi32, #tpu.memory_space<vmem>>, vector<16xi32>,
            %broadcast_in_dim3A_192 = arith.constant true
            %broadcast_in_dim3A_193 = vector.broadcast %broadcast_in_dim3A_192 : i1 to vector<16xi1>
            %masked_cumsum3A_194 = tpu.scan <sum>, %get3A_191 masked %broadcast_in_dim3A_193 : vector<16xi32>, vector<16xi1> -> vector<16xi32>
            %mul3A_195 = arith.constant 0 : i32
            %mul3A_196 = vector.broadcast %mul3A_195 : i32 to vector<16xi32>
            %mul3A_197 = arith.muli %iota3A, %mul3A_196 : vector<16xi32>
            %add3A_198 = vector.broadcast %add3A_182 : i32 to vector<16xi32>
            %add3A_199 = arith.addi %mul3A_197, %add3A_198 : vector<16xi32>
            %gather3A_200 = tpu.vector_load_idx %arg19[%add3A_199] : memref<48xi32, #tpu.memory_space<vmem>>[vector<16xi32>], vector<16xi32>,
            %add3A_201 = vector.broadcast %while3A_65 : i32 to vector<16xi32>
            %add3A_202 = arith.addi %add3A_201, %gather3A_200 : vector<16xi32>
            %add3A_203 = arith.addi %add3A_202, %masked_cumsum3A_194 : vector<16xi32>
            %sub3A_204 = arith.constant 1 : i32
            %sub3A_205 = vector.broadcast %sub3A_204 : i32 to vector<16xi32>
            %sub3A_206 = arith.subi %add3A_203, %sub3A_205 : vector<16xi32>
            %eq3A_207 = arith.constant 1 : i32
            %eq3A_208 = vector.broadcast %eq3A_207 : i32 to vector<16xi32>
            %eq3A_209 = arith.cmpi eq, %get3A_191, %eq3A_208 : vector<16xi32>
            %lt3A_210 = arith.constant 512 : i32
            %lt3A_211 = vector.broadcast %lt3A_210 : i32 to vector<16xi32>
            %lt3A_212 = arith.cmpi slt, %sub3A_206, %lt3A_211 : vector<16xi32>
            %and3A_213 = arith.andi %eq3A_209, %lt3A_212 : vector<16xi1>
            tpu.vector_store_idx %arg15[%sub3A_206], %get3A_187 masked %and3A_213 : memref<512xi32, #tpu.memory_space<vmem>>[vector<16xi32>], vector<16xi32>, vector<16xi1>
            tpu.vector_store_idx %arg12[%get3A_187], %broadcast_in_dim3A_1 masked %and3A_213 : memref<8192xi32, #tpu.memory_space<vmem>>[vector<16xi32>], vector<16xi32>, vector<16xi1>
            %mul3A_214 = arith.constant 4 : i32
            %mul3A_215 = arith.muli %scan3A_108, %mul3A_214 : i32
            %add3A_216 = arith.constant 3 : i32
            %add3A_217 = arith.addi %mul3A_215, %add3A_216 : i32
            %mul3A_218 = arith.constant 16 : i32
            %mul3A_219 = arith.muli %add3A_217, %mul3A_218 : i32
            %add3A_220 = arith.addi %mul3A_67, %mul3A_219 : i32
            %get3A_221 = arith.index_cast %add3A_220 : i32 to index
            %get3A_222 = tpu.vector_load %arg14[%get3A_221] {strides = array<i32>} : memref<8192xi32, #tpu.memory_space<vmem>>, vector<16xi32>,
            %mul3A_223 = arith.constant 16 : i32
            %mul3A_224 = arith.muli %add3A_217, %mul3A_223 : i32
            %get3A_225 = arith.index_cast %mul3A_224 : i32 to index
            %get3A_226 = tpu.vector_load %arg16[%get3A_225] {strides = array<i32>} : memref<512xi32, #tpu.memory_space<vmem>>, vector<16xi32>,
            %broadcast_in_dim3A_227 = arith.constant true
            %broadcast_in_dim3A_228 = vector.broadcast %broadcast_in_dim3A_227 : i1 to vector<16xi1>
            %masked_cumsum3A_229 = tpu.scan <sum>, %get3A_226 masked %broadcast_in_dim3A_228 : vector<16xi32>, vector<16xi1> -> vector<16xi32>
            %mul3A_230 = arith.constant 0 : i32
            %mul3A_231 = vector.broadcast %mul3A_230 : i32 to vector<16xi32>
            %mul3A_232 = arith.muli %iota3A, %mul3A_231 : vector<16xi32>
            %add3A_233 = vector.broadcast %add3A_217 : i32 to vector<16xi32>
            %add3A_234 = arith.addi %mul3A_232, %add3A_233 : vector<16xi32>
            %gather3A_235 = tpu.vector_load_idx %arg19[%add3A_234] : memref<48xi32, #tpu.memory_space<vmem>>[vector<16xi32>], vector<16xi32>,
            %add3A_236 = vector.broadcast %while3A_65 : i32 to vector<16xi32>
            %add3A_237 = arith.addi %add3A_236, %gather3A_235 : vector<16xi32>
            %add3A_238 = arith.addi %add3A_237, %masked_cumsum3A_229 : vector<16xi32>
            %sub3A_239 = arith.constant 1 : i32
            %sub3A_240 = vector.broadcast %sub3A_239 : i32 to vector<16xi32>
            %sub3A_241 = arith.subi %add3A_238, %sub3A_240 : vector<16xi32>
            %eq3A_242 = arith.constant 1 : i32
            %eq3A_243 = vector.broadcast %eq3A_242 : i32 to vector<16xi32>
            %eq3A_244 = arith.cmpi eq, %get3A_226, %eq3A_243 : vector<16xi32>
            %lt3A_245 = arith.constant 512 : i32
            %lt3A_246 = vector.broadcast %lt3A_245 : i32 to vector<16xi32>
            %lt3A_247 = arith.cmpi slt, %sub3A_241, %lt3A_246 : vector<16xi32>
            %and3A_248 = arith.andi %eq3A_244, %lt3A_247 : vector<16xi1>
            tpu.vector_store_idx %arg15[%sub3A_241], %get3A_222 masked %and3A_248 : memref<512xi32, #tpu.memory_space<vmem>>[vector<16xi32>], vector<16xi32>, vector<16xi1>
            tpu.vector_store_idx %arg12[%get3A_222], %broadcast_in_dim3A_1 masked %and3A_248 : memref<8192xi32, #tpu.memory_space<vmem>>[vector<16xi32>], vector<16xi32>, vector<16xi1>
            %scan3A_249 = arith.constant 0 : i32
            scf.yield %scan3A_249 : i32
          }
          %scan3A_103 = arith.constant 8 : i32
          %add3A_104 = arith.constant 1 : i32
          %add3A_105 = arith.addi %while3A_64, %add3A_104 : i32
          %add3A_106 = arith.addi %while3A_65, %add3A_96 : i32
          %min3A = arith.constant 512 : i32
          %min3A_107 = arith.minsi %add3A_106, %min3A : i32
          scf.yield %add3A_105, %min3A_107 : i32, i32
        }
        "tpu.region"() ({
          %run_scoped3A = tpu.sem_alloc : memref<!tpu.dma_semaphore, #tpu.memory_space<semaphore_mem>>
          %dma_start3A_64 = arith.constant 0 : i32
          %dma_start3A_65 = tpu.memref_slice %arg3[%add3A_57, %dma_start3A_64] : memref<16x512xi32, #tpu.memory_space<hbm>> -> memref<1x512xi32, #tpu.memory_space<hbm>>
          %dma_start3A_66 = tpu.memref_squeeze %dma_start3A_65 : memref<1x512xi32, #tpu.memory_space<hbm>> -> memref<512xi32, #tpu.memory_space<hbm>>
          %dma_start3A_67 = arith.constant 0 : i32
          %dma_start3A_68 = tpu.memref_slice %arg3[%add3A_57, %dma_start3A_67] : memref<16x512xi32, #tpu.memory_space<hbm>> -> memref<1x512xi32, #tpu.memory_space<hbm>>
          %dma_start3A_69 = tpu.memref_squeeze %dma_start3A_68 : memref<1x512xi32, #tpu.memory_space<hbm>> -> memref<512xi32, #tpu.memory_space<hbm>>
          tpu.enqueue_dma source(%arg15 : memref<512xi32, #tpu.memory_space<vmem>>) target(%dma_start3A_69 : memref<512xi32, #tpu.memory_space<hbm>>) target_semaphore(%run_scoped3A : memref<!tpu.dma_semaphore, #tpu.memory_space<semaphore_mem>>)
          %dma_wait3A_70 = arith.constant 0 : i32
          %dma_wait3A_71 = tpu.memref_slice %arg3[%add3A_57, %dma_wait3A_70] : memref<16x512xi32, #tpu.memory_space<hbm>> -> memref<1x512xi32, #tpu.memory_space<hbm>>
          %dma_wait3A_72 = tpu.memref_squeeze %dma_wait3A_71 : memref<1x512xi32, #tpu.memory_space<hbm>> -> memref<512xi32, #tpu.memory_space<hbm>>
          %dma_wait3A_73 = arith.constant 0 : i32
          %dma_wait3A_74 = tpu.memref_slice %arg3[%add3A_57, %dma_wait3A_73] : memref<16x512xi32, #tpu.memory_space<hbm>> -> memref<1x512xi32, #tpu.memory_space<hbm>>
          %dma_wait3A_75 = tpu.memref_squeeze %dma_wait3A_74 : memref<1x512xi32, #tpu.memory_space<hbm>> -> memref<512xi32, #tpu.memory_space<hbm>>
          tpu.wait_dma2 semaphore(%run_scoped3A : memref<!tpu.dma_semaphore, #tpu.memory_space<semaphore_mem>>) src(%arg15 : memref<512xi32, #tpu.memory_space<vmem>>) dst(%dma_wait3A_75 : memref<512xi32, #tpu.memory_space<hbm>>)
          tpu.yield
        }) : () -> ()
        %mul3A_61 = arith.constant 512 : i32
        %mul3A_62 = arith.muli %add3A_57, %mul3A_61 : i32
        "tpu.region"() ({
          %run_scoped3A = tpu.sem_alloc : memref<!tpu.dma_semaphore, #tpu.memory_space<semaphore_mem>>
          %dma_start3A_64 = tpu.memref_slice %arg25[%mul3A_62] : memref<8192xi32, #tpu.memory_space<vmem_shared>> -> memref<512xi32, #tpu.memory_space<vmem_shared>>
          %dma_start3A_65 = tpu.memref_slice %arg25[%mul3A_62] : memref<8192xi32, #tpu.memory_space<vmem_shared>> -> memref<512xi32, #tpu.memory_space<vmem_shared>>
          tpu.enqueue_dma source(%arg15 : memref<512xi32, #tpu.memory_space<vmem>>) target(%dma_start3A_65 : memref<512xi32, #tpu.memory_space<vmem_shared>>) target_semaphore(%run_scoped3A : memref<!tpu.dma_semaphore, #tpu.memory_space<semaphore_mem>>)
          %dma_wait3A_66 = tpu.memref_slice %arg25[%mul3A_62] : memref<8192xi32, #tpu.memory_space<vmem_shared>> -> memref<512xi32, #tpu.memory_space<vmem_shared>>
          %dma_wait3A_67 = tpu.memref_slice %arg25[%mul3A_62] : memref<8192xi32, #tpu.memory_space<vmem_shared>> -> memref<512xi32, #tpu.memory_space<vmem_shared>>
          tpu.wait_dma2 semaphore(%run_scoped3A : memref<!tpu.dma_semaphore, #tpu.memory_space<semaphore_mem>>) src(%arg15 : memref<512xi32, #tpu.memory_space<vmem>>) dst(%dma_wait3A_67 : memref<512xi32, #tpu.memory_space<vmem_shared>>)
          tpu.yield
        }) : () -> ()
        %scan3A_63 = arith.constant 0 : i32
        scf.yield %scan3A_63 : i32
      }
      %scan3A_32 = arith.constant 8 : i32
      "tpu.trace_stop"() : () -> ()
    } else {
    }
    %barrier3A_13 = arith.constant 0 : index
    tpu.barrier barrier_id(%barrier3A_13)
    %convert_element_type3A_14 = arith.extui %eq3A_0 : i1 to i32
    %cond3A_15 = arith.constant 0 : i32
    %cond3A_16 = arith.cmpi ne, %convert_element_type3A_14, %cond3A_15 : i32
    scf.if %cond3A_16 {
      "tpu.trace_start"() <{level = 10 : i32, message = "phase_emit"}> : () -> ()
      %mul3A = arith.constant 512 : i32
      %mul3A_17 = arith.muli %arg1, %mul3A : i32
      "tpu.region"() ({
        %run_scoped3A = tpu.sem_alloc : memref<!tpu.dma_semaphore, #tpu.memory_space<semaphore_mem>>
        %dma_start3A = tpu.memref_slice %arg25[%mul3A_17] : memref<8192xi32, #tpu.memory_space<vmem_shared>> -> memref<512xi32, #tpu.memory_space<vmem_shared>>
        %dma_start3A_24 = tpu.memref_slice %arg25[%mul3A_17] : memref<8192xi32, #tpu.memory_space<vmem_shared>> -> memref<512xi32, #tpu.memory_space<vmem_shared>>
        tpu.enqueue_dma source(%dma_start3A_24 : memref<512xi32, #tpu.memory_space<vmem_shared>>) target(%arg20 : memref<512xi32, #tpu.memory_space<vmem>>) target_semaphore(%run_scoped3A : memref<!tpu.dma_semaphore, #tpu.memory_space<semaphore_mem>>)
        %dma_wait3A = tpu.memref_slice %arg25[%mul3A_17] : memref<8192xi32, #tpu.memory_space<vmem_shared>> -> memref<512xi32, #tpu.memory_space<vmem_shared>>
        %dma_wait3A_25 = tpu.memref_slice %arg25[%mul3A_17] : memref<8192xi32, #tpu.memory_space<vmem_shared>> -> memref<512xi32, #tpu.memory_space<vmem_shared>>
        tpu.wait_dma2 semaphore(%run_scoped3A : memref<!tpu.dma_semaphore, #tpu.memory_space<semaphore_mem>>) src(%dma_wait3A_25 : memref<512xi32, #tpu.memory_space<vmem_shared>>) dst(%arg20 : memref<512xi32, #tpu.memory_space<vmem>>)
        tpu.yield
      }) : () -> ()
      %scan3A = arith.constant 0 : i32
      %scan3A_18 = arith.constant 0 : i32
      %scan3A_19 = arith.constant 8 : i32
      %scan3A_20 = arith.addi %scan3A_18, %scan3A_19 : i32
      %scan3A_21 = arith.constant 1 : i32
      %scan3A_22 = scf.for %scan3A_24 = %scan3A_18 to %scan3A_20 step %scan3A_21 iter_args(%scan3A_25 = %scan3A) -> (i32)  : i32 {
        %mul3A_26 = arith.constant 4 : i32
        %mul3A_27 = arith.muli %scan3A_24, %mul3A_26 : i32
        %add3A = arith.constant 0 : i32
        %add3A_28 = arith.addi %mul3A_27, %add3A : i32
        %mul3A_29 = arith.constant 16 : i32
        %mul3A_30 = arith.muli %add3A_28, %mul3A_29 : i32
        %get3A = arith.index_cast %mul3A_30 : i32 to index
        %get3A_31 = tpu.vector_load %arg20[%get3A] {strides = array<i32>} : memref<512xi32, #tpu.memory_space<vmem>>, vector<16xi32>,
        %gather3A = tpu.vector_load_idx %arg5[%get3A_31] : memref<8192xf32, #tpu.memory_space<vmem>>[vector<16xi32>], vector<16xf32>,
        %swap3A = arith.index_cast %mul3A_30 : i32 to index
        %swap3A_32 = tpu.vector_load %arg21[%swap3A] {strides = array<i32>} : memref<512xf32, #tpu.memory_space<vmem>>, vector<16xf32>,
        tpu.vector_store %arg21[%swap3A], %gather3A {strides = array<i32>} : memref<512xf32, #tpu.memory_space<vmem>>, vector<16xf32>,
        %mul3A_33 = arith.constant 4 : i32
        %mul3A_34 = arith.muli %scan3A_24, %mul3A_33 : i32
        %add3A_35 = arith.constant 1 : i32
        %add3A_36 = arith.addi %mul3A_34, %add3A_35 : i32
        %mul3A_37 = arith.constant 16 : i32
        %mul3A_38 = arith.muli %add3A_36, %mul3A_37 : i32
        %get3A_39 = arith.index_cast %mul3A_38 : i32 to index
        %get3A_40 = tpu.vector_load %arg20[%get3A_39] {strides = array<i32>} : memref<512xi32, #tpu.memory_space<vmem>>, vector<16xi32>,
        %gather3A_41 = tpu.vector_load_idx %arg5[%get3A_40] : memref<8192xf32, #tpu.memory_space<vmem>>[vector<16xi32>], vector<16xf32>,
        %swap3A_42 = arith.index_cast %mul3A_38 : i32 to index
        %swap3A_43 = tpu.vector_load %arg21[%swap3A_42] {strides = array<i32>} : memref<512xf32, #tpu.memory_space<vmem>>, vector<16xf32>,
        tpu.vector_store %arg21[%swap3A_42], %gather3A_41 {strides = array<i32>} : memref<512xf32, #tpu.memory_space<vmem>>, vector<16xf32>,
        %mul3A_44 = arith.constant 4 : i32
        %mul3A_45 = arith.muli %scan3A_24, %mul3A_44 : i32
        %add3A_46 = arith.constant 2 : i32
        %add3A_47 = arith.addi %mul3A_45, %add3A_46 : i32
        %mul3A_48 = arith.constant 16 : i32
        %mul3A_49 = arith.muli %add3A_47, %mul3A_48 : i32
        %get3A_50 = arith.index_cast %mul3A_49 : i32 to index
        %get3A_51 = tpu.vector_load %arg20[%get3A_50] {strides = array<i32>} : memref<512xi32, #tpu.memory_space<vmem>>, vector<16xi32>,
        %gather3A_52 = tpu.vector_load_idx %arg5[%get3A_51] : memref<8192xf32, #tpu.memory_space<vmem>>[vector<16xi32>], vector<16xf32>,
        %swap3A_53 = arith.index_cast %mul3A_49 : i32 to index
        %swap3A_54 = tpu.vector_load %arg21[%swap3A_53] {strides = array<i32>} : memref<512xf32, #tpu.memory_space<vmem>>, vector<16xf32>,
        tpu.vector_store %arg21[%swap3A_53], %gather3A_52 {strides = array<i32>} : memref<512xf32, #tpu.memory_space<vmem>>, vector<16xf32>,
        %mul3A_55 = arith.constant 4 : i32
        %mul3A_56 = arith.muli %scan3A_24, %mul3A_55 : i32
        %add3A_57 = arith.constant 3 : i32
        %add3A_58 = arith.addi %mul3A_56, %add3A_57 : i32
        %mul3A_59 = arith.constant 16 : i32
        %mul3A_60 = arith.muli %add3A_58, %mul3A_59 : i32
        %get3A_61 = arith.index_cast %mul3A_60 : i32 to index
        %get3A_62 = tpu.vector_load %arg20[%get3A_61] {strides = array<i32>} : memref<512xi32, #tpu.memory_space<vmem>>, vector<16xi32>,
        %gather3A_63 = tpu.vector_load_idx %arg5[%get3A_62] : memref<8192xf32, #tpu.memory_space<vmem>>[vector<16xi32>], vector<16xf32>,
        %swap3A_64 = arith.index_cast %mul3A_60 : i32 to index
        %swap3A_65 = tpu.vector_load %arg21[%swap3A_64] {strides = array<i32>} : memref<512xf32, #tpu.memory_space<vmem>>, vector<16xf32>,
        tpu.vector_store %arg21[%swap3A_64], %gather3A_63 {strides = array<i32>} : memref<512xf32, #tpu.memory_space<vmem>>, vector<16xf32>,
        %scan3A_66 = arith.constant 0 : i32
        scf.yield %scan3A_66 : i32
      }
      %scan3A_23 = arith.constant 8 : i32
      "tpu.region"() ({
        %run_scoped3A = tpu.sem_alloc : memref<!tpu.dma_semaphore, #tpu.memory_space<semaphore_mem>>
        %dma_start3A = arith.constant 0 : i32
        %dma_start3A_24 = tpu.memref_slice %arg4[%arg1, %dma_start3A] : memref<16x512xf32, #tpu.memory_space<hbm>> -> memref<1x512xf32, #tpu.memory_space<hbm>>
        %dma_start3A_25 = tpu.memref_squeeze %dma_start3A_24 : memref<1x512xf32, #tpu.memory_space<hbm>> -> memref<512xf32, #tpu.memory_space<hbm>>
        %dma_start3A_26 = arith.constant 0 : i32
        %dma_start3A_27 = tpu.memref_slice %arg4[%arg1, %dma_start3A_26] : memref<16x512xf32, #tpu.memory_space<hbm>> -> memref<1x512xf32, #tpu.memory_space<hbm>>
        %dma_start3A_28 = tpu.memref_squeeze %dma_start3A_27 : memref<1x512xf32, #tpu.memory_space<hbm>> -> memref<512xf32, #tpu.memory_space<hbm>>
        tpu.enqueue_dma source(%arg21 : memref<512xf32, #tpu.memory_space<vmem>>) target(%dma_start3A_28 : memref<512xf32, #tpu.memory_space<hbm>>) target_semaphore(%run_scoped3A : memref<!tpu.dma_semaphore, #tpu.memory_space<semaphore_mem>>)
        %dma_wait3A = arith.constant 0 : i32
        %dma_wait3A_29 = tpu.memref_slice %arg4[%arg1, %dma_wait3A] : memref<16x512xf32, #tpu.memory_space<hbm>> -> memref<1x512xf32, #tpu.memory_space<hbm>>
        %dma_wait3A_30 = tpu.memref_squeeze %dma_wait3A_29 : memref<1x512xf32, #tpu.memory_space<hbm>> -> memref<512xf32, #tpu.memory_space<hbm>>
        %dma_wait3A_31 = arith.constant 0 : i32
        %dma_wait3A_32 = tpu.memref_slice %arg4[%arg1, %dma_wait3A_31] : memref<16x512xf32, #tpu.memory_space<hbm>> -> memref<1x512xf32, #tpu.memory_space<hbm>>
        %dma_wait3A_33 = tpu.memref_squeeze %dma_wait3A_32 : memref<1x512xf32, #tpu.memory_space<hbm>> -> memref<512xf32, #tpu.memory_space<hbm>>
        tpu.wait_dma2 semaphore(%run_scoped3A : memref<!tpu.dma_semaphore, #tpu.memory_space<semaphore_mem>>) src(%arg21 : memref<512xf32, #tpu.memory_space<vmem>>) dst(%dma_wait3A_33 : memref<512xf32, #tpu.memory_space<hbm>>)
        tpu.yield
      }) : () -> ()
      "tpu.trace_stop"() : () -> ()
    } else {
    }
    return
  }
}

module attributes {stable_mosaic.version = 14 : i64} {
  func.func @_affin_body(%arg0: i32, %arg1: memref<16x2048xf32, #tpu.memory_space<vmem>>, %arg2: memref<1024x2048xf32, #tpu.memory_space<vmem>>, %arg3: memref<16x1024xf32, #tpu.memory_space<vmem>>) attributes {dimension_semantics = [#tpu.dimension_semantics<arbitrary>], iteration_bounds = array<i64: 8>, scalar_prefetch = 0 : i64, scratch_operands = 0 : i64, tpu.core_type = #tpu.core_type<tc>, window_params = [{pipeline_mode = #tpu.pipeline_mode<synchronous>, transform_indices = @transform_0, window_bounds = array<i64: 16, 2048>}, {transform_indices = @transform_1, window_bounds = array<i64: 1024, 2048>}, {transform_indices = @transform_2, window_bounds = array<i64: 16, 1024>}]} {
    %get3A = arith.constant 0 : index
    %get3A_0 = arith.constant 0 : index
    %get3A_1 = vector.load %arg1[%get3A, %get3A_0] : memref<16x2048xf32, #tpu.memory_space<vmem>>, vector<16x2048xf32>
    %get3A_2 = arith.constant 0 : index
    %get3A_3 = arith.constant 0 : index
    %get3A_4 = vector.load %arg2[%get3A_2, %get3A_3] : memref<1024x2048xf32, #tpu.memory_space<vmem>>, vector<1024x2048xf32>
    %dot_general3A = arith.constant dense<0.000000e+00> : vector<16x1024xf32>
    %dot_general3A_5 = tpu.matmul %get3A_1, %get3A_4, %dot_general3A {dimension_numbers = #tpu.dot_dimension_numbers<[1], [1], [0], [0], [0, 0, 1, 0], [], []>, transpose_lhs_hint = false} : vector<16x2048xf32>, vector<1024x2048xf32>, vector<16x1024xf32> -> vector<16x1024xf32>
    %swap3A = arith.constant 0 : index
    %swap3A_6 = arith.constant 0 : index
    %swap3A_7 = vector.load %arg3[%swap3A, %swap3A_6] : memref<16x1024xf32, #tpu.memory_space<vmem>>, vector<16x1024xf32>
    tpu.vector_store %arg3[%swap3A, %swap3A_6], %dot_general3A_5 {strides = array<i32>} : memref<16x1024xf32, #tpu.memory_space<vmem>>, vector<16x1024xf32>,
    return
  }
  func.func @transform_0(%arg0: i32) -> (i32, i32) {
    %c0_i32 = arith.constant 0 : i32
    %c0_i32_0 = arith.constant 0 : i32
    %c0_i32_1 = arith.constant 0 : i32
    return %c0_i32, %c0_i32_0 : i32, i32
  }
  func.func @transform_1(%arg0: i32) -> (i32, i32) {
    %c0_i32 = arith.constant 0 : i32
    %c0_i32_0 = arith.constant 0 : i32
    return %arg0, %c0_i32 : i32, i32
  }
  func.func @transform_2(%arg0: i32) -> (i32, i32) {
    %c0_i32 = arith.constant 0 : i32
    %c0_i32_0 = arith.constant 0 : i32
    return %c0_i32, %arg0 : i32, i32
  }
}

</mosaic_0001>

<sc_bundles>
// kernel: kernel.4.cloned.1.call-start
scs
__scs_entry_jumppad:
0x0: {  	(pc) =	sbr.rel $0x88, $3  }
0x1: {  	(tag) =	ssettag $0x0;
	lr =	simm.s32 $0x1  }
0x2: {  	[smem:$0x3F9F] =	sst lr;
	_ =	strace $0xD0000000  }
0x3: {  	_ = 	snop  }
0x4: {  	_ = 	snop  }
0x5: {  	_ = 	snop  }
0x6: {  	_ = 	snop  }
0x7: {  	_ = 	snop  }
__scs_overlays_trampoline_lowered:
0x8: {  	[smem:$0x3FAE] =	sst s0  }
0x9: {  	[smem:$0x3FAF] =	sst s1  }
0xa: {  	[smem:$0x3FB0] =	sst s2  }
0xb: {  	[smem:$0x3FB1] =	sst s3  }
0xc: {  	[smem:$0x3FB2] =	sst s4  }
0xd: {  	[smem:$0x3FB3] =	sst s5  }
0xe: {  	[smem:$0x3FB4] =	sst s6  }
0xf: {  	[smem:$0x3FB5] =	sst s7  }
0x10: {  	[smem:$0x3FB6] =	sst s8  }
0x11: {  	[smem:$0x3FB7] =	sst s9;
	s0 =	simm.s32 @!p0 $0x0  }
0x12: {  	s1 =	sld [smem:$0x3F9D];
	s0 =	simm.s32 @p0 $0x1  }
0x13: {  	[smem:$0x3FB8] =	sst s0;
	s0 =	simm.s32 @!p1 $0x0  }
0x14: {  	s2 =	sld [smem:$0x3F9C];
	s0 =	simm.s32 @p1 $0x1  }
0x15: {  	[smem:$0x3FB9] =	sst s0;
	s0 =	simm.s32 @!p2 $0x0  }
0x16: {  	s3 =	sld [smem:$0x3FDB];
	s0 =	simm.s32 @p2 $0x1  }
0x17: {  	s4 =	simm.s32 $0x1BF5;
	[smem:$0x3FBB] =	sst s0  }
0x18: {  	s0 =	sld [smem:$0x3F9E];
	_ =	swait.ge [sflag:s4], $0x0  }
0x19: {  	s7 =	sld [smem:$0x3F9F]  }
0x1a: {  	s8 =	sadd.s32 $0xFFFFE003, lr  }
0x1b: {  	s9 =	sadd.s32 $0xFFFFFEF7, lr;
	s5 =	simm.s32 $0xFFFFFFFF;
	p2 =	slt.u32 s8, $0xFFFFF086  }
0x1c: {  	p1 =	slt.u32 s9, $0xF7A;
	s5 =	simm.s32 @!p2 $0x0  }
0x1d: {  	s5 =	simm.s32 @p1 $0x1;
	p0 =	seq.s32 s7, s2  }
0x1e: {  	s7 =	smul.u32 @!p0 $0xF7A, s2;
	p2 =	seq.s32 @!p0 s5, $0x0  }
0x1f: {  	s9 =	smul.u32 $0xF7A, s1;
	s8 =	simm.s32 @!p0 $0x1BF5;
	p2 =	por !p2, p0  }
0x20: {  	[sflag:s8] =	ssyncset.s32 @!p0 $0xFFFFF086;
	s6 =	sadd.s32 @!p0 s3, s7;
	s7 =	simm.s32 @!p0 $0x108  }
0x21: {  	s3 =	sadd.s32 s3, s9;
	s6 =	sadd.s32 @!p0 $0x88, s6;
	s7 =	simm.s32 @p2 $0x1082  }
0x22: {  	[simem:s7], [sflag:s8] =	dma.local @!p0 [hbm:s6], $0xF7A  }
0x23: {  	s9 =	sor.u32 $0xD0000000, s2;
	s6 =	simm.s32 $0x108;
	_ =	swait.ge @!p0 [sflag:s8], $0x0  }
0x24: {  	s3 =	sadd.s32 $0x88, s3;
	s6 =	simm.s32 @!p1 $0x1082;
	[sflag:s4] =	ssyncset.s32 $0xFFFFF086  }
0x25: {  	[simem:s6], [sflag:s4] =	dma.local [hbm:s3], $0xF7A  }
0x26: {  	[smem:$0x3F9F] =	sst s1;
	(tag) =	ssettag s2;
	_ =	strace s9  }
0x27: {  	s1 =	sld [smem:$0x3FAF]  }
0x28: {  	s2 =	sld [smem:$0x3FB0]  }
0x29: {  	s4 =	sld [smem:$0x3FB2]  }
0x2a: {  	p0 =	seq.s32 s5, $0x0;
	s5 =	sld [smem:$0x3FB3]  }
0x2b: {  	s6 =	sld [smem:$0x3FB4]  }
0x2c: {  	s7 =	sld [smem:$0x3FB5]  }
0x2d: {  	s3 =	simm.s32 $0x108;
	s8 =	sld [smem:$0x3FB6]  }
0x2e: {  	s3 =	simm.s32 @!p0 $0x1082;
	s9 =	sld [smem:$0x3FB7]  }
0x2f: {  	lr =	sadd.s32 s0, s3;
	s0 =	sld [smem:$0x3FAE]  }
0x30: {  	s3 =	sld [smem:$0x3FB1]  }
0x31: {  	[smem:$0x3FBA] =	sst s10  }
0x32: {  	s10 =	sld [smem:$0x3FB8];
	_ =	sdelay $0x3  }
0x33: {  	p0 =	seq.s32 s10, $0x1;
	s10 =	sld [smem:$0x3FBA];
	_ =	sdelay $0x3  }
0x34: {  	[smem:$0x3FBA] =	sst s10  }
0x35: {  	s10 =	sld [smem:$0x3FB9];
	_ =	sdelay $0x3  }
0x36: {  	p1 =	seq.s32 s10, $0x1;
	s10 =	sld [smem:$0x3FBA];
	_ =	sdelay $0x3  }
0x37: {  	[smem:$0x3FBA] =	sst s10  }
0x38: {  	s10 =	sld [smem:$0x3FBB]  }
0x39: {  	_ = 	snop;
	(pc) =	sbr.ind lr, $3  }
0x3a: {  	_ = 	snop  }
0x3b: {  	_ = 	snop  }
0x3c: {  	p2 =	seq.s32 s10, $0x1;
	s10 =	sld [smem:$0x3FBA]  }
0x3d: {  	_ =	shalt  }
0x3e: {  	_ =	shalt  }
0x3f: {  	_ =	shalt  }
0x40: {  	_ =	shalt  }
0x41: {  	_ =	shalt  }
0x42: {  	_ =	shalt  }
0x43: {  	_ =	shalt  }
0x44: {  	_ =	shalt  }
0x45: {  	_ =	shalt  }
0x46: {  	_ =	shalt  }
0x47: {  	_ =	shalt  }
0x48: {  	_ =	shalt  }
0x49: {  	_ =	shalt  }
0x4a: {  	_ =	shalt  }
0x4b: {  	_ =	shalt  }
0x4c: {  	_ =	shalt  }
0x4d: {  	_ =	shalt  }
0x4e: {  	_ =	shalt  }
0x4f: {  	_ =	shalt  }
0x50: {  	_ =	shalt  }
0x51: {  	_ =	shalt  }
0x52: {  	_ =	shalt  }
0x53: {  	_ =	shalt  }
0x54: {  	_ =	shalt  }
0x55: {  	_ =	shalt  }
0x56: {  	_ =	shalt  }
0x57: {  	_ =	shalt  }
0x58: {  	_ =	shalt  }
0x59: {  	_ =	shalt  }
0x5a: {  	_ =	shalt  }
0x5b: {  	_ =	shalt  }
0x5c: {  	_ =	shalt  }
0x5d: {  	_ =	shalt  }
0x5e: {  	_ =	shalt  }
0x5f: {  	_ =	shalt  }
0x60: {  	_ =	shalt  }
0x61: {  	_ =	shalt  }
0x62: {  	_ =	shalt  }
0x63: {  	_ =	shalt  }
0x64: {  	_ =	shalt  }
0x65: {  	_ =	shalt  }
0x66: {  	_ =	shalt  }
0x67: {  	_ =	shalt  }
0x68: {  	_ =	shalt  }
0x69: {  	_ =	shalt  }
0x6a: {  	_ =	shalt  }
0x6b: {  	_ =	shalt  }
0x6c: {  	_ =	shalt  }
0x6d: {  	_ =	shalt  }
0x6e: {  	_ =	shalt  }
0x6f: {  	_ =	shalt  }
0x70: {  	_ =	shalt  }
0x71: {  	_ =	shalt  }
0x72: {  	_ =	shalt  }
0x73: {  	_ =	shalt  }
0x74: {  	_ =	shalt  }
0x75: {  	_ =	shalt  }
0x76: {  	_ =	shalt  }
0x77: {  	_ =	shalt  }
0x78: {  	_ =	shalt  }
0x79: {  	_ =	shalt  }
0x7a: {  	_ =	shalt  }
0x7b: {  	_ =	shalt  }
0x7c: {  	_ =	shalt  }
0x7d: {  	_ =	shalt  }
0x7e: {  	_ =	shalt  }
0x7f: {  	_ =	shalt  }
0x80: {  	_ =	shalt  }
0x81: {  	_ =	shalt  }
0x82: {  	_ =	shalt  }
0x83: {  	_ =	shalt  }
0x84: {  	_ =	shalt  }
0x85: {  	_ =	shalt  }
0x86: {  	_ =	shalt  }
0x87: {  	_ =	shalt  }
.Lfunc_end0:
.L_simem_size_0:
called_computation_lowered:
.L_overlay_start_0:
0x88: {  	s2 =	sld [smem:$0x3FD9]  }
0x89: {  	s3 =	sld [smem:$0x3FFE];
	_ =	sdelay $0x1  }
0x8a: {  	s1 =	srdreg.scid  }
0x8b: {  	s0 =	sand.u32 $0x1, s1  }
0x8c: {  	s14 =	sshll.u32 s0, $0xA;
	s2 =	sadd.s32 s3, s2  }
0x8d: {  	s2 =	sadd.s32 s2, s14  }
0x8e: {  	[smem:$0x3FC6] =	sst s2  }
0x8f: {  	_ = 	snop  }
0x90: {  	s2 =	sld [smem:$0x3FD0];
	_ =	sdelay $0x2  }
0x91: {  	s15 =	simm.s32 $0xA;
	s4 =	simm.s32 $0x10  }
0x92: {  	[smem:s4], [sflag:s15] =	dma.local [hbm:s2], $0x1  }
0x93: {  	_ =	swait.eq [sflag:s15], $0x1  }
0x94: {  	[sflag:s15] =	ssyncset.done $0x0  }
0x95: {  	s16 =	sld [smem:$0x10];
	[sflag:s15] =	ssyncadd.s32 $0xFFFFFFFF  }
0x96: {  	s17 =	sld [smem:$0x11];
	(tm) =	ssettm $0x1  }
0x97: {  	s18 =	sld [smem:$0x3FFB];
	_ =	sdelay $0x3  }
0x98: {  	_ =	strace s18  }
0x99: {  	s4 =	sld [smem:$0x3FFC];
	_ =	sdelay $0x3  }
0x9a: {  	_ =	strace s4  }
0x9b: {  	s4 =	sld [smem:$0x3FFD];
	_ =	sdelay $0x3  }
0x9c: {  	_ =	strace s4  }
0x9d: {  	_ =	strace $0x8FFFFFFF  }
0x9e: {  	s19 =	sld [smem:$0x3FDB];
	_ =	sdelay $0x1  }
0x9f: {  	s5 =	simm.s32 $_scs_section_size  }
0xa0: {  	s6 =	simm.s32 $_size__tile_overlayer_lowered;
	s7 =	simm.s32 $_tile_overlayer_lowered  }
0xa1: {  	s22 =	simm.s32 $0x1BFF;
	s21 =	sshll.u32 s7, $0x1;
	s4 =	sadd.s32 s5, s19  }
0xa2: {  	s8 =	simm.s32 $0x0;
	s20 =	sshll.u32 s6, $0x1;
	s6 =	sadd.s32 s21, s4  }
0xa3: {  	[timem:s8], [sflag:s22] =	dma.local [hbm:s6], s20  }
0xa4: {  	_ =	swait.ge [sflag:s22], s20  }
0xa5: {  	s5 =	ssub.s32 $0x0, s20;
	[sflag:s22] =	ssyncset.done $0x0  }
0xa6: {  	[sflag:s22] =	ssyncadd.s32 s5;
	_ =	sdelay $0x1  }
0xa7: {  	s23 =	simm.s32 $0x1B8B  }
0xa8: {  	_ =	swait.ge [sflag:s23], $0x1  }
0xa9: {  	[sflag:s23] =	ssyncset.done $0x0  }
0xaa: {  	s25 =	simm.s32 $0x1B8E;
	s24 =	sld [smem:$0x3FFE];
	[sflag:s23] =	ssyncadd.s32 $0xFFFFFFFF  }
0xab: {  	s26 =	simm.s32 $execute0_lowered;
	[smem:$0x3FD2] =	sst s25  }
0xac: {  	s6 =	sshll.u32 s26, $0x1;
	_ =	strace $0x80000046;
	[dreg:$0x1] =	wrdreg $0xFFFFFFFF  }
0xad: {  	s28 =	simm.s32 $_size_execute0_lowered;
	s4 =	sadd.s32 s4, s6;
	[dreg:$0x0] =	wrdreg $0x0  }
0xae: {  	s6 =	sshll.u32 s28, $0x1;
	[dreg:$0x2] =	wrdreg s4  }
0xaf: {  	[dreg:$0x3] =	wrdreg s6  }
0xb0: {  	[dreg:$0x4] =	wrdreg $0xC0  }
0xb1: {  	_ =	task [dreg:s8], $0x5FFFF  }
0xb2: {  	[dreg:$0x1] =	wrdreg $0xFFFFFFFF  }
0xb3: {  	[dreg:$0x0] =	wrdreg $0x60  }
0xb4: {  	[dreg:$0x2] =	wrdreg s24  }
0xb5: {  	[dreg:$0x3] =	wrdreg s16  }
0xb6: {  	[dreg:$0x4] =	wrdreg s17  }
0xb7: {  	[dreg:$0x5] =	wrdreg $0x11B000  }
0xb8: {  	[dreg:$0x6] =	wrdreg $0x13B000  }
0xb9: {  	[dreg:$0x7] =	wrdreg $0x9  }
0xba: {  	_ =	task.clear_ibuf [dreg:s8], $0x8FFFF;
	_ =	strace $0x90000046  }
0xbb: {  	s29 =	simm.s32 $0x9;
	_ =	strace $0x8000004B  }
0xbc: {  	_ =	swait.ge [sflag:s29], $0x1  }
0xbd: {  	[sflag:s29] =	ssyncadd.s32 $0xFFFFFFFF  }
0xbe: {  	_ =	strace $0x9000004B  }
0xbf: {  	_ =	sfence  }
0xc0: {  	s30 =	sld [smem:$0x0];
	_ =	sdelay $0x2  }
0xc1: {  	s31 =	sshll.u32 s1, $0xD;
	s1 =	sshrl.u32 s1, $0x2  }
0xc2: {  	s3 =	sand.u32 $0x4000, s31;
	s1 =	sadd.s32 s1, s30  }
0xc3: {  	s0 =	sor.u32 s3, s0;
	s1 =	sshll.u32 s1, $0x11  }
0xc4: {  	s0 =	sor.u32 s1, s0  }
0xc5: {  	s0 =	sadd.s32 $0x8F2B, s0  }
0xc6: {  	[sflag:s0] =	ssyncadd.remote.s32 $0x1  }
0xc7: {  	_ =	sfence.sel $0xFFFF  }
0xc8: {  	[dreg:$0x0] =	wrdreg $0xFFFFFFFF;
	(pc) =	sbr.abs _section_cstart, $3  }
0xc9: {  	[dreg:$0x1] =	wrdreg $0xFFFFFFFF  }
0xca: {  	_ =	task.clear_ibuf [dreg:s8], $0x2FFFF;
	_ =	strace $0x9FFFFFFF  }
0xcb: {  	(tm) =	ssettm $0x7FFFFFFF  }
tec
execute0_lowered:
.L_overlay_start_1:
0x0: {  	(tag) =	ssettag $0x1  }
0x1: {  	s0 =	rddreg [dreg:$0x0]  }
0x2: {  	s1 =	rddreg [dreg:$0x1]  }
0x3: {  	s2 =	rddreg [dreg:$0x2]  }
0x4: {  	s3 =	rddreg [dreg:$0x3]  }
0x5: {  	s4 =	rddreg [dreg:$0x4];
	s5 =	simm.s32 $0x0;
	s11 =	stileid.u32  }
0x6: {  	s7 =	srdreg.scid;
	s12 =	simm.s32 $0x400;
	s13 =	simm.s32 $0x3  }
0x7: {  	s14 =	simm.s32 $0x2000;
	s15 =	simm.s32 $0xA200;
	s16 =	simm.s32 $0x4080  }
0x8: {  	s17 =	simm.s32 $0x8180;
	s18 =	simm.s32 $0x6100;
	s20 =	simm.s32 $0x1  }
0x9: {  	s21 =	simm.s32 $0xF200;
	s22 =	simm.s32 $0xB200;
	s23 =	simm.s32 $0x11600  }
0xa: {  	s30 =	simm.s32 $0x0;
	[smem:$0x7FF] =	sst s5;
	s6 =	sshll.u32 s11, $0x4  }
0xb: {  	s7 =	sand.u32 $0x1, s7;
	s8 =	sshll.u32 s11, $0xA;
	s25 =	sshll.u32 s11, $0xD  }
0xc: {  	s28 =	sshll.u32 s11, $0x6;
	s29 =	sshll.u32 s11, $0x9;
	s6 =	sand.u32 $0x70, s6  }
0xd: {  	s9 =	ssub.s32 $0x2, s7;
	s8 =	sand.u32 $0x2000, s8;
	_ =	strace $0x80000047  }
0xe: {  	s26 =	sor.u32 s11, s7;
	s31 =	sadd.s32 s29, s4;
	p0 =	sne.s32 s7, $0x0  }
0xf: {  	s0 =	sadd.s32 s6, s0;
	s10 =	sshrl.u32 s9, $0x1;
	s2 =	sadd.s32 s2, s6  }
0x10: {  	[dreg:$0x8] =	wrdreg s31;
	s0 =	sadd.s32 s8, s0;
	s24 =	ssub.s32 s9, s10  }
.Ltmp0:
0x11: {  	s9 =	sand.u32 $0x200, s28;
	s0 =	sadd.s32 $0xA00, s0;
	(pc) =	sbr.rel .LBB2_1-.Ltmp0, $4  }
0x12: {  	s11 =	simm.s32 $0x80;
	s2 =	sadd.s32 s9, s2;
	[dreg:$0x6] =	wrdreg s0  }
0x13: {  	p1 =	sne.s32 s26, $0x0;
	s9 =	smax.u32 s24, $0x1;
	[dreg:$0x9] =	wrdreg s2  }
0x14: {  	v0 =	vlaneseq.u32;
	v1 =	vimm.s32 $0x0;
	v3 =	vimm.s32 $0x1;
	s26 =	simm.s32 $0x2;
	s0 =	sadd.s32 s25, s3;
	[dreg:$0xa] =	wrdreg s9  }
0x15: {  	vm0 =	vcmask $0x3F3C;
	v2 =	vmul.u32 $0x201, v0;
	v4 =	vmul.u32 $0x200, v0;
	s24 =	simm.s32 $0x11680;
	s25 =	simm.s32 $0x11200;
	[dreg:$0x7] =	wrdreg s0  }
.LBB2_57:
0x16: {  	s30 =	sadd.s32 $0x1, s30  }
0x17: {  	p2 =	sne.s32 s30, s9  }
.Ltmp1:
0x18: {  	_ = 	snop;
	(pc) =	sbr.rel @!p2 .LBB2_58-.Ltmp1, $1  }
0x19: {  	_ =	sdelay $0x3  }
.LBB2_1:
.Ltmp2:
0x1a: {  	(pc) =	sbr.rel @p0 .LBB2_37-.Ltmp2, $1  }
0x1b: {  	_ =	sdelay $0x3  }
0x1c: {  	_ =	strace $0x80000048  }
0x1d: {  	s0 =	simm.s32 $0x0;
	s2 =	rddreg [dreg:$0x6]  }
0x1e: {  	[tilespmem:s0], [sflag:$0x3] =	stream.strided.gather [hbm4b:s2+s11], $0x2000, s12, s11, $0x200038;
	[tilespmem:$0x13D00] =	vst v63  }
0x1f: {  	_ =	swait.ge [sflag:s13], $0x2000  }
0x20: {  	[sflag:s13] =	ssyncset.done $0x0  }
0x21: {  	s31 =	simm.s32 $0x0;
	[sflag:s13] =	ssyncadd.s32 $0xFFFFE000  }
0x22: {  	v5 =	vld [tilespmem:s31+$0x0];
	_ =	sdelay $0x4  }
0x23: {  	v6 =	vshra.s32 v5, $0x1F  }
0x24: {  	v6 =	vor.u32 $0x80000000, v6  }
0x25: {  	v5 =	vxor.u32 v6, v5  }
0x26: {  	s6 =	simm.s32 $0x0;
	v5 =	vxor.u32 $0xFFFFFFFF, v5  }
0x27: {  	[tilespmem:s6+$0x2000] =	vst v5  }
0x28: {  	v5 =	vld [tilespmem:s31+$0x10];
	_ =	sdelay $0x4  }
0x29: {  	v6 =	vshra.s32 v5, $0x1F  }
0x2a: {  	v6 =	vor.u32 $0x80000000, v6  }
0x2b: {  	v5 =	vxor.u32 v6, v5  }
0x2c: {  	v5 =	vxor.u32 $0xFFFFFFFF, v5  }
0x2d: {  	[tilespmem:s6+$0x2010] =	vst v5  }
0x2e: {  	v5 =	vld [tilespmem:s31+$0x20];
	_ =	sdelay $0x4  }
0x2f: {  	v6 =	vshra.s32 v5, $0x1F  }
0x30: {  	v6 =	vor.u32 $0x80000000, v6  }
0x31: {  	v5 =	vxor.u32 v6, v5  }
0x32: {  	v5 =	vxor.u32 $0xFFFFFFFF, v5  }
0x33: {  	[tilespmem:s6+$0x2020] =	vst v5  }
0x34: {  	v5 =	vld [tilespmem:s31+$0x30];
	_ =	sdelay $0x4  }
0x35: {  	v6 =	vshra.s32 v5, $0x1F  }
0x36: {  	v6 =	vor.u32 $0x80000000, v6  }
0x37: {  	v5 =	vxor.u32 v6, v5  }
0x38: {  	v5 =	vxor.u32 $0xFFFFFFFF, v5  }
0x39: {  	s7 =	simm.s32 $0x200;
	s2 =	simm.s32 $0x40;
	[tilespmem:s6+$0x2030] =	vst v5;
	s6 =	simm.s32 $0x0  }
.LBB2_3:
0x3a: {  	p2 =	sne.s32 s7, $0x7F00;
	v5 =	vld [tilespmem:s2+$0x0];
	_ =	sdelay $0x4  }
0x3b: {  	v6 =	vshra.s32 v5, $0x1F  }
0x3c: {  	s6 =	sadd.s32 $0x1, s6;
	v6 =	vor.u32 $0x80000000, v6  }
0x3d: {  	s8 =	sshrl.u32 s6, $0x3;
	v5 =	vxor.u32 v6, v5  }
0x3e: {  	s8 =	sadd.s32 s2, s8;
	v5 =	vxor.u32 $0xFFFFFFFF, v5  }
0x3f: {  	[tilespmem:s8+$0x2000] =	vst v5  }
0x40: {  	v5 =	vld [tilespmem:s2+$0x10];
	_ =	sdelay $0x4  }
0x41: {  	v6 =	vshra.s32 v5, $0x1F  }
0x42: {  	v6 =	vor.u32 $0x80000000, v6  }
0x43: {  	v5 =	vxor.u32 v6, v5  }
0x44: {  	v5 =	vxor.u32 $0xFFFFFFFF, v5  }
0x45: {  	[tilespmem:s8+$0x2010] =	vst v5  }
0x46: {  	v5 =	vld [tilespmem:s2+$0x20];
	_ =	sdelay $0x4  }
0x47: {  	v6 =	vshra.s32 v5, $0x1F  }
0x48: {  	v6 =	vor.u32 $0x80000000, v6  }
0x49: {  	v5 =	vxor.u32 v6, v5  }
0x4a: {  	v5 =	vxor.u32 $0xFFFFFFFF, v5  }
0x4b: {  	[tilespmem:s8+$0x2020] =	vst v5  }
0x4c: {  	v5 =	vld [tilespmem:s2+$0x30];
	_ =	sdelay $0x4  }
.Ltmp3:
0x4d: {  	v6 =	vshra.s32 v5, $0x1F;
	(pc) =	sbr.rel @p2 .LBB2_3-.Ltmp3, $4  }
0x4e: {  	v6 =	vor.u32 $0x80000000, v6  }
0x4f: {  	v5 =	vxor.u32 v6, v5  }
0x50: {  	v5 =	vxor.u32 $0xFFFFFFFF, v5  }
0x51: {  	s2 =	sshra.s32 s7, $0x2;
	s7 =	sadd.s32 $0x100, s7;
	[tilespmem:s8+$0x2030] =	vst v5  }
0x52: {  	v5 =	vld [tilespmem:s2+$0x0];
	_ =	sdelay $0x4  }
0x53: {  	v6 =	vshra.s32 v5, $0x1F  }
0x54: {  	s6 =	sadd.s32 $0x1, s6;
	v6 =	vor.u32 $0x80000000, v6  }
0x55: {  	s6 =	sshrl.u32 s6, $0x3;
	v5 =	vxor.u32 v6, v5  }
0x56: {  	s6 =	sadd.s32 s2, s6;
	v5 =	vxor.u32 $0xFFFFFFFF, v5  }
0x57: {  	[tilespmem:s6+$0x2000] =	vst v5  }
0x58: {  	v5 =	vld [tilespmem:s2+$0x10];
	_ =	sdelay $0x4  }
0x59: {  	v6 =	vshra.s32 v5, $0x1F  }
0x5a: {  	v6 =	vor.u32 $0x80000000, v6  }
0x5b: {  	v5 =	vxor.u32 v6, v5  }
0x5c: {  	v5 =	vxor.u32 $0xFFFFFFFF, v5  }
0x5d: {  	[tilespmem:s6+$0x2010] =	vst v5  }
0x5e: {  	v5 =	vld [tilespmem:s2+$0x20];
	_ =	sdelay $0x4  }
0x5f: {  	v6 =	vshra.s32 v5, $0x1F  }
0x60: {  	v6 =	vor.u32 $0x80000000, v6  }
0x61: {  	v5 =	vxor.u32 v6, v5  }
0x62: {  	v5 =	vxor.u32 $0xFFFFFFFF, v5  }
0x63: {  	[tilespmem:s6+$0x2020] =	vst v5  }
0x64: {  	v5 =	vld [tilespmem:s2+$0x30];
	_ =	sdelay $0x4  }
0x65: {  	v6 =	vshra.s32 v5, $0x1F  }
0x66: {  	v6 =	vor.u32 $0x80000000, v6  }
0x67: {  	v5 =	vxor.u32 v6, v5  }
0x68: {  	v5 =	vxor.u32 $0xFFFFFFFF, v5  }
0x69: {  	[tilespmem:s6+$0x2030] =	vst v5  }
.LBB2_5:
0x6a: {  	p2 =	sne.s32 s0, $0x3F00  }
.Ltmp4:
0x6b: {  	s2 =	sshra.s32 s0, $0x2;
	(pc) =	sbr.rel @p2 .LBB2_5-.Ltmp4, $4  }
0x6c: {  	[tilespmem:s2+$0xA200] =	vst v1  }
0x6d: {  	[tilespmem:s2+$0xA210] =	vst v1  }
0x6e: {  	[tilespmem:s2+$0xA220] =	vst v1  }
0x6f: {  	s0 =	sadd.s32 $0x100, s0;
	[tilespmem:s2+$0xA230] =	vst v1  }
0x70: {  	s0 =	simm.s32 $0x7  }
.LBB2_7:
0x71: {  	s2 =	sadd.s32 $0xFFFFFFF9, s0  }
0x72: {  	v5 =	vadd.s32 s2, v2;
	_ =	sdelay $0x4  }
0x73: {  	v5 =	vld.idx.msk [tilespmem:v5+s14+$0x0], $0xffff;
	_ =	sdelay $0x4  }
0x74: {  	v5 =	vshll.u32 v5, $0x4  }
0x75: {  	v5 =	vor.u32 v0, v5  }
0x76: {  	s8 =	sadd.s32 $0xFFFFFFFA, s0;
	v5 =	vand.u32 $0xFFF, v5  }
0x77: {  	v6 =	vadd.s32 s8, v2;
	_ =	sdelay $0x3  }
0x78: {  	[tilespmem:v5+s15+$0x0] =	vst.idx.add.s32.msk $0xffff, v3  }
0x79: {  	v5 =	vld.idx.msk [tilespmem:v6+s14+$0x0], $0xffff;
	_ =	sdelay $0x4  }
0x7a: {  	v5 =	vshll.u32 v5, $0x4  }
0x7b: {  	v5 =	vor.u32 v0, v5  }
0x7c: {  	s10 =	sadd.s32 $0xFFFFFFFB, s0;
	v5 =	vand.u32 $0xFFF, v5  }
0x7d: {  	v6 =	vadd.s32 s10, v2;
	_ =	sdelay $0x3  }
0x7e: {  	[tilespmem:v5+s15+$0x0] =	vst.idx.add.s32.msk $0xffff, v3  }
0x7f: {  	v5 =	vld.idx.msk [tilespmem:v6+s14+$0x0], $0xffff;
	_ =	sdelay $0x4  }
0x80: {  	v5 =	vshll.u32 v5, $0x4  }
0x81: {  	v5 =	vor.u32 v0, v5  }
0x82: {  	s19 =	sadd.s32 $0xFFFFFFFC, s0;
	v5 =	vand.u32 $0xFFF, v5  }
0x83: {  	v6 =	vadd.s32 s19, v2;
	_ =	sdelay $0x3  }
0x84: {  	[tilespmem:v5+s15+$0x0] =	vst.idx.add.s32.msk $0xffff, v3  }
0x85: {  	v5 =	vld.idx.msk [tilespmem:v6+s14+$0x0], $0xffff;
	_ =	sdelay $0x4  }
0x86: {  	v5 =	vshll.u32 v5, $0x4  }
0x87: {  	v5 =	vor.u32 v0, v5  }
0x88: {  	s28 =	sadd.s32 $0xFFFFFFFD, s0;
	v5 =	vand.u32 $0xFFF, v5  }
0x89: {  	v6 =	vadd.s32 s28, v2;
	_ =	sdelay $0x3  }
0x8a: {  	[tilespmem:v5+s15+$0x0] =	vst.idx.add.s32.msk $0xffff, v3  }
0x8b: {  	v5 =	vld.idx.msk [tilespmem:v6+s14+$0x0], $0xffff;
	_ =	sdelay $0x4  }
0x8c: {  	v5 =	vshll.u32 v5, $0x4  }
0x8d: {  	v5 =	vor.u32 v0, v5  }
0x8e: {  	s29 =	sadd.s32 $0xFFFFFFFE, s0;
	v5 =	vand.u32 $0xFFF, v5  }
0x8f: {  	v6 =	vadd.s32 s29, v2;
	_ =	sdelay $0x3  }
0x90: {  	[tilespmem:v5+s15+$0x0] =	vst.idx.add.s32.msk $0xffff, v3  }
0x91: {  	v5 =	vld.idx.msk [tilespmem:v6+s14+$0x0], $0xffff;
	_ =	sdelay $0x4  }
0x92: {  	v5 =	vshll.u32 v5, $0x4  }
0x93: {  	v5 =	vor.u32 v0, v5  }
0x94: {  	s31 =	sadd.s32 $0xFFFFFFFF, s0;
	v5 =	vand.u32 $0xFFF, v5  }
0x95: {  	v6 =	vadd.s32 s31, v2;
	_ =	sdelay $0x3  }
0x96: {  	[tilespmem:v5+s15+$0x0] =	vst.idx.add.s32.msk $0xffff, v3  }
0x97: {  	v5 =	vld.idx.msk [tilespmem:v6+s14+$0x0], $0xffff;
	_ =	sdelay $0x4  }
0x98: {  	v5 =	vshll.u32 v5, $0x4  }
0x99: {  	v5 =	vor.u32 v0, v5  }
0x9a: {  	v5 =	vand.u32 $0xFFF, v5  }
0x9b: {  	v6 =	vadd.s32 s0, v2;
	_ =	sdelay $0x3  }
0x9c: {  	[tilespmem:v5+s15+$0x0] =	vst.idx.add.s32.msk $0xffff, v3  }
0x9d: {  	v5 =	vld.idx.msk [tilespmem:v6+s14+$0x0], $0xffff;
	_ =	sdelay $0x4  }
0x9e: {  	v5 =	vshll.u32 v5, $0x4  }
0x9f: {  	v5 =	vor.u32 v0, v5  }
0xa0: {  	p2 =	sne.s32 s0, $0x1FF;
	v5 =	vand.u32 $0xFFF, v5  }
.Ltmp5:
0xa1: {  	_ = 	snop;
	(pc) =	sbr.rel @p2 .LBB2_7-.Ltmp5, $2  }
0xa2: {  	_ =	sdelay $0x2  }
0xa3: {  	s0 =	sadd.s32 $0x8, s0;
	[tilespmem:v5+s15+$0x0] =	vst.idx.add.s32.msk $0xffff, v3  }
0xa4: {  	s7 =	simm.s32 $0x0  }
0xa5: {  	v5 =	vld [tilespmem:s7+$0xA200];
	_ =	sdelay $0x4  }
0xa6: {  	(xrf0) =	vadd.scan.msk.s32 $0xffff, v5;
	_ =	sdelay $0x5  }
0xa7: {  	v6, _, _ =	vpop (xrf0)  }
0xa8: {  	s0 =	simm.s32 $0x0;
	(v2sf) =	vpush v6, $0xF  }
0xa9: {  	v5 =	vsub.s32 s0, v5  }
0xaa: {  	v5 =	vadd.s32 v6, v5  }
0xab: {  	s2 =	simm.s32 $0x10;
	s6 =	simm.s32 $0x80;
	[tilespmem:s7+$0xA200] =	vst v5  }
.LBB2_9:
0xac: {  	p2 =	sne.s32 s6, $0x3FC0;
	v5 =	vld [tilespmem:s2+$0xA200];
	_ =	sdelay $0x4  }
0xad: {  	(xrf0) =	vadd.scan.msk.s32 $0xffff, v5;
	_ =	sdelay $0x5  }
.Ltmp6:
0xae: {  	v6, _, _ =	vpop (xrf0);
	s7 =	spop (v2sf);
	(pc) =	sbr.rel @p2 .LBB2_9-.Ltmp6, $4  }
0xaf: {  	(v2sf) =	vpush v6, $0xF;
	s0 =	sadd.s32 s0, s7  }
0xb0: {  	v5 =	vsub.s32 s0, v5  }
0xb1: {  	v5 =	vadd.s32 v6, v5  }
0xb2: {  	[tilespmem:s2+$0xA200] =	vst v5;
	s2 =	sshra.s32 s6, $0x2;
	s6 =	sadd.s32 $0x40, s6  }
0xb3: {  	v5 =	vld [tilespmem:s2+$0xA200];
	_ =	sdelay $0x4  }
0xb4: {  	(xrf0) =	vadd.scan.msk.s32 $0xffff, v5;
	_ =	sdelay $0x5  }
0xb5: {  	v6, _, _ =	vpop (xrf0)  }
0xb6: {  	(v2sf) =	vpush v6, $0xF;
	_ =	sdelay $0xa  }
0xb7: {  	s6 =	spop (v2sf)  }
0xb8: {  	s0 =	sadd.s32 s0, s6  }
0xb9: {  	v5 =	vsub.s32 s0, v5  }
0xba: {  	v5 =	vadd.s32 v6, v5  }
0xbb: {  	s0 =	simm.s32 $0x7;
	[tilespmem:s2+$0xA200] =	vst v5;
	s31 =	spop (v2sf)  }
.LBB2_11:
0xbc: {  	s2 =	sadd.s32 $0xFFFFFFF9, s0  }
0xbd: {  	v5 =	vadd.s32 s2, v2;
	_ =	sdelay $0x4  }
0xbe: {  	v5 =	vld.idx.msk [tilespmem:v5+s14+$0x0], $0xffff;
	_ =	sdelay $0x4  }
0xbf: {  	v6 =	vshll.u32 v5, $0x4  }
0xc0: {  	v6 =	vor.u32 v0, v6  }
0xc1: {  	v6 =	vand.u32 $0xFFF, v6;
	_ =	sdelay $0x4  }
0xc2: {  	v7 =	vld.idx.msk [tilespmem:v6+s15+$0x0], $0xffff;
	_ =	sdelay $0x4  }
0xc3: {  	v8 =	vshra.s32 v7, $0x9  }
0xc4: {  	v8 =	vadd.s32 v7, v8;
	_ =	sdelay $0x1  }
0xc5: {  	s6 =	sadd.s32 $0xFFFFFFFA, s0  }
0xc6: {  	v9 =	vadd.s32 s6, v2;
	_ =	sdelay $0x1  }
0xc7: {  	v10 =	vor.u32 s2, v4;
	[tilespmem:v8+s16+$0x0] =	vst.idx.msk $0xffff, v5  }
0xc8: {  	v5 =	vadd.s32 $0x1, v7;
	[tilespmem:v8+s17+$0x0] =	vst.idx.msk $0xffff, v10  }
0xc9: {  	[tilespmem:v6+s15+$0x0] =	vst.idx.msk $0xffff, v5  }
0xca: {  	v5 =	vld.idx.msk [tilespmem:v9+s14+$0x0], $0xffff;
	_ =	sdelay $0x4  }
0xcb: {  	v6 =	vshll.u32 v5, $0x4  }
0xcc: {  	v6 =	vor.u32 v0, v6  }
0xcd: {  	v6 =	vand.u32 $0xFFF, v6;
	_ =	sdelay $0x4  }
0xce: {  	v7 =	vld.idx.msk [tilespmem:v6+s15+$0x0], $0xffff;
	_ =	sdelay $0x4  }
0xcf: {  	v45 =	vshra.s32 v7, $0x9  }
0xd0: {  	v8 =	vadd.s32 v7, v45;
	_ =	sdelay $0x1  }
0xd1: {  	s10 =	sadd.s32 $0xFFFFFFFB, s0  }
0xd2: {  	v46 =	vadd.s32 s10, v2;
	_ =	sdelay $0x1  }
0xd3: {  	v47 =	vor.u32 s6, v4;
	[tilespmem:v8+s16+$0x0] =	vst.idx.msk $0xffff, v5  }
0xd4: {  	v5 =	vadd.s32 $0x1, v7;
	[tilespmem:v8+s17+$0x0] =	vst.idx.msk $0xffff, v47  }
0xd5: {  	[tilespmem:v6+s15+$0x0] =	vst.idx.msk $0xffff, v5  }
0xd6: {  	v5 =	vld.idx.msk [tilespmem:v46+s14+$0x0], $0xffff;
	_ =	sdelay $0x4  }
0xd7: {  	v6 =	vshll.u32 v5, $0x4  }
0xd8: {  	v6 =	vor.u32 v0, v6  }
0xd9: {  	v6 =	vand.u32 $0xFFF, v6;
	_ =	sdelay $0x4  }
0xda: {  	v7 =	vld.idx.msk [tilespmem:v6+s15+$0x0], $0xffff;
	_ =	sdelay $0x4  }
0xdb: {  	v48 =	vshra.s32 v7, $0x9  }
0xdc: {  	v8 =	vadd.s32 v7, v48;
	_ =	sdelay $0x1  }
0xdd: {  	s19 =	sadd.s32 $0xFFFFFFFC, s0  }
0xde: {  	v49 =	vadd.s32 s19, v2;
	_ =	sdelay $0x1  }
0xdf: {  	v50 =	vor.u32 s10, v4;
	[tilespmem:v8+s16+$0x0] =	vst.idx.msk $0xffff, v5  }
0xe0: {  	v5 =	vadd.s32 $0x1, v7;
	[tilespmem:v8+s17+$0x0] =	vst.idx.msk $0xffff, v50  }
0xe1: {  	[tilespmem:v6+s15+$0x0] =	vst.idx.msk $0xffff, v5  }
0xe2: {  	v5 =	vld.idx.msk [tilespmem:v49+s14+$0x0], $0xffff;
	_ =	sdelay $0x4  }
0xe3: {  	v6 =	vshll.u32 v5, $0x4  }
0xe4: {  	v6 =	vor.u32 v0, v6  }
0xe5: {  	v6 =	vand.u32 $0xFFF, v6;
	_ =	sdelay $0x4  }
0xe6: {  	v7 =	vld.idx.msk [tilespmem:v6+s15+$0x0], $0xffff;
	_ =	sdelay $0x4  }
0xe7: {  	v51 =	vshra.s32 v7, $0x9  }
0xe8: {  	v8 =	vadd.s32 v7, v51;
	_ =	sdelay $0x1  }
0xe9: {  	s28 =	sadd.s32 $0xFFFFFFFD, s0  }
0xea: {  	v52 =	vadd.s32 s28, v2;
	_ =	sdelay $0x1  }
0xeb: {  	v53 =	vor.u32 s19, v4;
	[tilespmem:v8+s16+$0x0] =	vst.idx.msk $0xffff, v5  }
0xec: {  	v5 =	vadd.s32 $0x1, v7;
	[tilespmem:v8+s17+$0x0] =	vst.idx.msk $0xffff, v53  }
0xed: {  	[tilespmem:v6+s15+$0x0] =	vst.idx.msk $0xffff, v5  }
0xee: {  	v5 =	vld.idx.msk [tilespmem:v52+s14+$0x0], $0xffff;
	_ =	sdelay $0x4  }
0xef: {  	v6 =	vshll.u32 v5, $0x4  }
0xf0: {  	v6 =	vor.u32 v0, v6  }
0xf1: {  	v6 =	vand.u32 $0xFFF, v6;
	_ =	sdelay $0x4  }
0xf2: {  	v7 =	vld.idx.msk [tilespmem:v6+s15+$0x0], $0xffff;
	_ =	sdelay $0x4  }
0xf3: {  	v54 =	vshra.s32 v7, $0x9  }
0xf4: {  	v8 =	vadd.s32 v7, v54;
	_ =	sdelay $0x1  }
0xf5: {  	s29 =	sadd.s32 $0xFFFFFFFE, s0  }
0xf6: {  	v55 =	vadd.s32 s29, v2;
	_ =	sdelay $0x1  }
0xf7: {  	v56 =	vor.u32 s28, v4;
	[tilespmem:v8+s16+$0x0] =	vst.idx.msk $0xffff, v5  }
0xf8: {  	v5 =	vadd.s32 $0x1, v7;
	[tilespmem:v8+s17+$0x0] =	vst.idx.msk $0xffff, v56  }
0xf9: {  	[tilespmem:v6+s15+$0x0] =	vst.idx.msk $0xffff, v5  }
0xfa: {  	v5 =	vld.idx.msk [tilespmem:v55+s14+$0x0], $0xffff;
	_ =	sdelay $0x4  }
0xfb: {  	v6 =	vshll.u32 v5, $0x4  }
0xfc: {  	v6 =	vor.u32 v0, v6  }
0xfd: {  	v6 =	vand.u32 $0xFFF, v6;
	_ =	sdelay $0x4  }
0xfe: {  	v7 =	vld.idx.msk [tilespmem:v6+s15+$0x0], $0xffff;
	_ =	sdelay $0x4  }
0xff: {  	v57 =	vshra.s32 v7, $0x9  }
0x100: {  	v8 =	vadd.s32 v7, v57;
	_ =	sdelay $0x1  }
0x101: {  	s31 =	sadd.s32 $0xFFFFFFFF, s0  }
0x102: {  	v58 =	vadd.s32 s31, v2;
	_ =	sdelay $0x1  }
0x103: {  	v59 =	vor.u32 s29, v4;
	[tilespmem:v8+s16+$0x0] =	vst.idx.msk $0xffff, v5  }
0x104: {  	v5 =	vadd.s32 $0x1, v7;
	[tilespmem:v8+s17+$0x0] =	vst.idx.msk $0xffff, v59  }
0x105: {  	[tilespmem:v6+s15+$0x0] =	vst.idx.msk $0xffff, v5  }
0x106: {  	v5 =	vld.idx.msk [tilespmem:v58+s14+$0x0], $0xffff;
	_ =	sdelay $0x4  }
0x107: {  	v6 =	vshll.u32 v5, $0x4  }
0x108: {  	v6 =	vor.u32 v0, v6  }
0x109: {  	v6 =	vand.u32 $0xFFF, v6;
	_ =	sdelay $0x4  }
0x10a: {  	v7 =	vld.idx.msk [tilespmem:v6+s15+$0x0], $0xffff;
	_ =	sdelay $0x4  }
0x10b: {  	v60 =	vshra.s32 v7, $0x9  }
0x10c: {  	v8 =	vadd.s32 v7, v60;
	_ =	sdelay $0x2  }
0x10d: {  	v61 =	vadd.s32 s0, v2;
	_ =	sdelay $0x1  }
0x10e: {  	[tilespmem:v8+s16+$0x0] =	vst.idx.msk $0xffff, v5;
	v5 =	vor.u32 s31, v4  }
0x10f: {  	[tilespmem:v8+s17+$0x0] =	vst.idx.msk $0xffff, v5;
	v5 =	vadd.s32 $0x1, v7  }
0x110: {  	[tilespmem:v6+s15+$0x0] =	vst.idx.msk $0xffff, v5  }
0x111: {  	v5 =	vld.idx.msk [tilespmem:v61+s14+$0x0], $0xffff;
	_ =	sdelay $0x4  }
0x112: {  	v6 =	vshll.u32 v5, $0x4  }
0x113: {  	v6 =	vor.u32 v0, v6  }
0x114: {  	v6 =	vand.u32 $0xFFF, v6;
	_ =	sdelay $0x4  }
0x115: {  	v7 =	vld.idx.msk [tilespmem:v6+s15+$0x0], $0xffff;
	_ =	sdelay $0x4  }
0x116: {  	v62 =	vshra.s32 v7, $0x9  }
0x117: {  	v8 =	vadd.s32 v7, v62;
	_ =	sdelay $0x1  }
0x118: {  	p2 =	sne.s32 s0, $0x1FF  }
.Ltmp7:
0x119: {  	_ = 	snop;
	(pc) =	sbr.rel @p2 .LBB2_11-.Ltmp7, $4  }
0x11a: {  	_ = 	snop  }
0x11b: {  	v63 =	vor.u32 s0, v4;
	[tilespmem:v8+s16+$0x0] =	vst.idx.msk $0xffff, v5  }
0x11c: {  	v5 =	vadd.s32 $0x1, v7;
	[tilespmem:v8+s17+$0x0] =	vst.idx.msk $0xffff, v63  }
0x11d: {  	s0 =	sadd.s32 $0x8, s0;
	[tilespmem:v6+s15+$0x0] =	vst.idx.msk $0xffff, v5  }
0x11e: {  	s0 =	simm.s32 $0x0  }
.LBB2_13:
0x11f: {  	p2 =	sne.s32 s0, $0x3F00  }
.Ltmp8:
0x120: {  	s2 =	sshra.s32 s0, $0x2;
	(pc) =	sbr.rel @p2 .LBB2_13-.Ltmp8, $4  }
0x121: {  	[tilespmem:s2+$0xA200] =	vst v1  }
0x122: {  	[tilespmem:s2+$0xA210] =	vst v1  }
0x123: {  	[tilespmem:s2+$0xA220] =	vst v1  }
0x124: {  	s0 =	sadd.s32 $0x100, s0;
	[tilespmem:s2+$0xA230] =	vst v1  }
0x125: {  	s0 =	simm.s32 $0x7  }
.LBB2_15:
0x126: {  	s2 =	sadd.s32 $0xFFFFFFF9, s0  }
0x127: {  	v5 =	vadd.s32 s2, v2;
	_ =	sdelay $0x4  }
0x128: {  	v5 =	vld.idx.msk [tilespmem:v5+s16+$0x0], $0xffff;
	_ =	sdelay $0x4  }
0x129: {  	v5 =	vshrl.u32 v5, $0x4  }
0x12a: {  	v5 =	vand.u32 $0xFF0, v5  }
0x12b: {  	s8 =	sadd.s32 $0xFFFFFFFA, s0;
	v5 =	vor.u32 v0, v5  }
0x12c: {  	v6 =	vadd.s32 s8, v2;
	_ =	sdelay $0x3  }
0x12d: {  	[tilespmem:v5+s15+$0x0] =	vst.idx.add.s32.msk $0xffff, v3  }
0x12e: {  	v5 =	vld.idx.msk [tilespmem:v6+s16+$0x0], $0xffff;
	_ =	sdelay $0x4  }
0x12f: {  	v5 =	vshrl.u32 v5, $0x4  }
0x130: {  	v5 =	vand.u32 $0xFF0, v5  }
0x131: {  	s10 =	sadd.s32 $0xFFFFFFFB, s0;
	v5 =	vor.u32 v0, v5  }
0x132: {  	v6 =	vadd.s32 s10, v2;
	_ =	sdelay $0x3  }
0x133: {  	[tilespmem:v5+s15+$0x0] =	vst.idx.add.s32.msk $0xffff, v3  }
0x134: {  	v5 =	vld.idx.msk [tilespmem:v6+s16+$0x0], $0xffff;
	_ =	sdelay $0x4  }
0x135: {  	v5 =	vshrl.u32 v5, $0x4  }
0x136: {  	v5 =	vand.u32 $0xFF0, v5  }
0x137: {  	s19 =	sadd.s32 $0xFFFFFFFC, s0;
	v5 =	vor.u32 v0, v5  }
0x138: {  	v6 =	vadd.s32 s19, v2;
	_ =	sdelay $0x3  }
0x139: {  	[tilespmem:v5+s15+$0x0] =	vst.idx.add.s32.msk $0xffff, v3  }
0x13a: {  	v5 =	vld.idx.msk [tilespmem:v6+s16+$0x0], $0xffff;
	_ =	sdelay $0x4  }
0x13b: {  	v5 =	vshrl.u32 v5, $0x4  }
0x13c: {  	v5 =	vand.u32 $0xFF0, v5  }
0x13d: {  	s28 =	sadd.s32 $0xFFFFFFFD, s0;
	v5 =	vor.u32 v0, v5  }
0x13e: {  	v6 =	vadd.s32 s28, v2;
	_ =	sdelay $0x3  }
0x13f: {  	[tilespmem:v5+s15+$0x0] =	vst.idx.add.s32.msk $0xffff, v3  }
0x140: {  	v5 =	vld.idx.msk [tilespmem:v6+s16+$0x0], $0xffff;
	_ =	sdelay $0x4  }
0x141: {  	v5 =	vshrl.u32 v5, $0x4  }
0x142: {  	v5 =	vand.u32 $0xFF0, v5  }
0x143: {  	s29 =	sadd.s32 $0xFFFFFFFE, s0;
	v5 =	vor.u32 v0, v5  }
0x144: {  	v6 =	vadd.s32 s29, v2;
	_ =	sdelay $0x3  }
0x145: {  	[tilespmem:v5+s15+$0x0] =	vst.idx.add.s32.msk $0xffff, v3  }
0x146: {  	v5 =	vld.idx.msk [tilespmem:v6+s16+$0x0], $0xffff;
	_ =	sdelay $0x4  }
0x147: {  	v5 =	vshrl.u32 v5, $0x4  }
0x148: {  	v5 =	vand.u32 $0xFF0, v5  }
0x149: {  	s31 =	sadd.s32 $0xFFFFFFFF, s0;
	v5 =	vor.u32 v0, v5  }
0x14a: {  	v6 =	vadd.s32 s31, v2;
	_ =	sdelay $0x3  }
0x14b: {  	[tilespmem:v5+s15+$0x0] =	vst.idx.add.s32.msk $0xffff, v3  }
0x14c: {  	v5 =	vld.idx.msk [tilespmem:v6+s16+$0x0], $0xffff;
	_ =	sdelay $0x4  }
0x14d: {  	v5 =	vshrl.u32 v5, $0x4  }
0x14e: {  	v5 =	vand.u32 $0xFF0, v5  }
0x14f: {  	v5 =	vor.u32 v0, v5  }
0x150: {  	v6 =	vadd.s32 s0, v2;
	_ =	sdelay $0x3  }
0x151: {  	[tilespmem:v5+s15+$0x0] =	vst.idx.add.s32.msk $0xffff, v3  }
0x152: {  	v5 =	vld.idx.msk [tilespmem:v6+s16+$0x0], $0xffff;
	_ =	sdelay $0x4  }
0x153: {  	v5 =	vshrl.u32 v5, $0x4  }
0x154: {  	v5 =	vand.u32 $0xFF0, v5  }
0x155: {  	p2 =	sne.s32 s0, $0x1FF;
	v5 =	vor.u32 v0, v5  }
.Ltmp9:
0x156: {  	_ = 	snop;
	(pc) =	sbr.rel @p2 .LBB2_15-.Ltmp9, $2  }
0x157: {  	_ =	sdelay $0x2  }
0x158: {  	s0 =	sadd.s32 $0x8, s0;
	[tilespmem:v5+s15+$0x0] =	vst.idx.add.s32.msk $0xffff, v3  }
0x159: {  	s7 =	simm.s32 $0x0  }
0x15a: {  	v5 =	vld [tilespmem:s7+$0xA200];
	_ =	sdelay $0x4  }
0x15b: {  	(xrf0) =	vadd.scan.msk.s32 $0xffff, v5;
	_ =	sdelay $0x5  }
0x15c: {  	v6, _, _ =	vpop (xrf0)  }
0x15d: {  	s0 =	simm.s32 $0x0;
	(v2sf) =	vpush v6, $0xF  }
0x15e: {  	v5 =	vsub.s32 s0, v5  }
0x15f: {  	v5 =	vadd.s32 v6, v5  }
0x160: {  	s2 =	simm.s32 $0x10;
	s6 =	simm.s32 $0x80;
	[tilespmem:s7+$0xA200] =	vst v5  }
.LBB2_17:
0x161: {  	p2 =	sne.s32 s6, $0x3FC0;
	v5 =	vld [tilespmem:s2+$0xA200];
	_ =	sdelay $0x4  }
0x162: {  	(xrf0) =	vadd.scan.msk.s32 $0xffff, v5;
	_ =	sdelay $0x5  }
.Ltmp10:
0x163: {  	v6, _, _ =	vpop (xrf0);
	s7 =	spop (v2sf);
	(pc) =	sbr.rel @p2 .LBB2_17-.Ltmp10, $4  }
0x164: {  	(v2sf) =	vpush v6, $0xF;
	s0 =	sadd.s32 s0, s7  }
0x165: {  	v5 =	vsub.s32 s0, v5  }
0x166: {  	v5 =	vadd.s32 v6, v5  }
0x167: {  	[tilespmem:s2+$0xA200] =	vst v5;
	s2 =	sshra.s32 s6, $0x2;
	s6 =	sadd.s32 $0x40, s6  }
0x168: {  	v5 =	vld [tilespmem:s2+$0xA200];
	_ =	sdelay $0x4  }
0x169: {  	(xrf0) =	vadd.scan.msk.s32 $0xffff, v5;
	_ =	sdelay $0x5  }
0x16a: {  	v6, _, _ =	vpop (xrf0)  }
0x16b: {  	(v2sf) =	vpush v6, $0xF;
	_ =	sdelay $0xa  }
0x16c: {  	s6 =	spop (v2sf)  }
0x16d: {  	s0 =	sadd.s32 s0, s6  }
0x16e: {  	v5 =	vsub.s32 s0, v5  }
0x16f: {  	v5 =	vadd.s32 v6, v5  }
0x170: {  	s0 =	simm.s32 $0x7;
	[tilespmem:s2+$0xA200] =	vst v5;
	s31 =	spop (v2sf)  }
.LBB2_19:
0x171: {  	s2 =	sadd.s32 $0xFFFFFFF9, s0  }
0x172: {  	v5 =	vadd.s32 s2, v2;
	_ =	sdelay $0x4  }
0x173: {  	v6 =	vld.idx.msk [tilespmem:v5+s16+$0x0], $0xffff;
	_ =	sdelay $0x4  }
0x174: {  	v7 =	vshrl.u32 v6, $0x4  }
0x175: {  	v7 =	vand.u32 $0xFF0, v7  }
0x176: {  	v7 =	vor.u32 v0, v7;
	_ =	sdelay $0x4  }
0x177: {  	v8 =	vld.idx.msk [tilespmem:v7+s15+$0x0], $0xffff;
	_ =	sdelay $0x4  }
0x178: {  	v9 =	vshra.s32 v8, $0x9  }
0x179: {  	v9 =	vadd.s32 v8, v9  }
0x17a: {  	v5 =	vld.idx.msk [tilespmem:v5+s17+$0x0], $0xffff  }
0x17b: {  	s8 =	sadd.s32 $0xFFFFFFFA, s0  }
0x17c: {  	v10 =	vadd.s32 s8, v2;
	_ =	sdelay $0x1  }
0x17d: {  	[tilespmem:v9+s14+$0x0] =	vst.idx.msk $0xffff, v6  }
0x17e: {  	[tilespmem:v9+s18+$0x0] =	vst.idx.msk $0xffff, v5;
	v5 =	vadd.s32 $0x1, v8  }
0x17f: {  	[tilespmem:v7+s15+$0x0] =	vst.idx.msk $0xffff, v5  }
0x180: {  	v5 =	vld.idx.msk [tilespmem:v10+s16+$0x0], $0xffff;
	_ =	sdelay $0x4  }
0x181: {  	v6 =	vshrl.u32 v5, $0x4  }
0x182: {  	v6 =	vand.u32 $0xFF0, v6  }
0x183: {  	v6 =	vor.u32 v0, v6;
	_ =	sdelay $0x4  }
0x184: {  	v7 =	vld.idx.msk [tilespmem:v6+s15+$0x0], $0xffff;
	_ =	sdelay $0x4  }
0x185: {  	v51 =	vshra.s32 v7, $0x9  }
0x186: {  	v8 =	vadd.s32 v7, v51  }
0x187: {  	v9 =	vld.idx.msk [tilespmem:v10+s17+$0x0], $0xffff  }
0x188: {  	s10 =	sadd.s32 $0xFFFFFFFB, s0  }
0x189: {  	v52 =	vadd.s32 s10, v2;
	_ =	sdelay $0x1  }
0x18a: {  	[tilespmem:v8+s14+$0x0] =	vst.idx.msk $0xffff, v5  }
0x18b: {  	v5 =	vadd.s32 $0x1, v7;
	[tilespmem:v8+s18+$0x0] =	vst.idx.msk $0xffff, v9  }
0x18c: {  	[tilespmem:v6+s15+$0x0] =	vst.idx.msk $0xffff, v5  }
0x18d: {  	v5 =	vld.idx.msk [tilespmem:v52+s16+$0x0], $0xffff;
	_ =	sdelay $0x4  }
0x18e: {  	v6 =	vshrl.u32 v5, $0x4  }
0x18f: {  	v6 =	vand.u32 $0xFF0, v6  }
0x190: {  	v6 =	vor.u32 v0, v6;
	_ =	sdelay $0x4  }
0x191: {  	v7 =	vld.idx.msk [tilespmem:v6+s15+$0x0], $0xffff;
	_ =	sdelay $0x4  }
0x192: {  	v53 =	vshra.s32 v7, $0x9  }
0x193: {  	v8 =	vadd.s32 v7, v53  }
0x194: {  	v9 =	vld.idx.msk [tilespmem:v52+s17+$0x0], $0xffff  }
0x195: {  	s19 =	sadd.s32 $0xFFFFFFFC, s0  }
0x196: {  	v54 =	vadd.s32 s19, v2;
	_ =	sdelay $0x1  }
0x197: {  	[tilespmem:v8+s14+$0x0] =	vst.idx.msk $0xffff, v5  }
0x198: {  	v5 =	vadd.s32 $0x1, v7;
	[tilespmem:v8+s18+$0x0] =	vst.idx.msk $0xffff, v9  }
0x199: {  	[tilespmem:v6+s15+$0x0] =	vst.idx.msk $0xffff, v5  }
0x19a: {  	v5 =	vld.idx.msk [tilespmem:v54+s16+$0x0], $0xffff;
	_ =	sdelay $0x4  }
0x19b: {  	v6 =	vshrl.u32 v5, $0x4  }
0x19c: {  	v6 =	vand.u32 $0xFF0, v6  }
0x19d: {  	v6 =	vor.u32 v0, v6;
	_ =	sdelay $0x4  }
0x19e: {  	v7 =	vld.idx.msk [tilespmem:v6+s15+$0x0], $0xffff;
	_ =	sdelay $0x4  }
0x19f: {  	v55 =	vshra.s32 v7, $0x9  }
0x1a0: {  	v8 =	vadd.s32 v7, v55  }
0x1a1: {  	v9 =	vld.idx.msk [tilespmem:v54+s17+$0x0], $0xffff  }
0x1a2: {  	s28 =	sadd.s32 $0xFFFFFFFD, s0  }
0x1a3: {  	v56 =	vadd.s32 s28, v2;
	_ =	sdelay $0x1  }
0x1a4: {  	[tilespmem:v8+s14+$0x0] =	vst.idx.msk $0xffff, v5  }
0x1a5: {  	v5 =	vadd.s32 $0x1, v7;
	[tilespmem:v8+s18+$0x0] =	vst.idx.msk $0xffff, v9  }
0x1a6: {  	[tilespmem:v6+s15+$0x0] =	vst.idx.msk $0xffff, v5  }
0x1a7: {  	v5 =	vld.idx.msk [tilespmem:v56+s16+$0x0], $0xffff;
	_ =	sdelay $0x4  }
0x1a8: {  	v6 =	vshrl.u32 v5, $0x4  }
0x1a9: {  	v6 =	vand.u32 $0xFF0, v6  }
0x1aa: {  	v6 =	vor.u32 v0, v6;
	_ =	sdelay $0x4  }
0x1ab: {  	v7 =	vld.idx.msk [tilespmem:v6+s15+$0x0], $0xffff;
	_ =	sdelay $0x4  }
0x1ac: {  	v57 =	vshra.s32 v7, $0x9  }
0x1ad: {  	v8 =	vadd.s32 v7, v57  }
0x1ae: {  	v9 =	vld.idx.msk [tilespmem:v56+s17+$0x0], $0xffff  }
0x1af: {  	s29 =	sadd.s32 $0xFFFFFFFE, s0  }
0x1b0: {  	v58 =	vadd.s32 s29, v2;
	_ =	sdelay $0x1  }
0x1b1: {  	[tilespmem:v8+s14+$0x0] =	vst.idx.msk $0xffff, v5  }
0x1b2: {  	v5 =	vadd.s32 $0x1, v7;
	[tilespmem:v8+s18+$0x0] =	vst.idx.msk $0xffff, v9  }
0x1b3: {  	[tilespmem:v6+s15+$0x0] =	vst.idx.msk $0xffff, v5  }
0x1b4: {  	v5 =	vld.idx.msk [tilespmem:v58+s16+$0x0], $0xffff;
	_ =	sdelay $0x4  }
0x1b5: {  	v6 =	vshrl.u32 v5, $0x4  }
0x1b6: {  	v6 =	vand.u32 $0xFF0, v6  }
0x1b7: {  	v6 =	vor.u32 v0, v6;
	_ =	sdelay $0x4  }
0x1b8: {  	v7 =	vld.idx.msk [tilespmem:v6+s15+$0x0], $0xffff;
	_ =	sdelay $0x4  }
0x1b9: {  	v59 =	vshra.s32 v7, $0x9  }
0x1ba: {  	v8 =	vadd.s32 v7, v59  }
0x1bb: {  	v9 =	vld.idx.msk [tilespmem:v58+s17+$0x0], $0xffff  }
0x1bc: {  	s31 =	sadd.s32 $0xFFFFFFFF, s0  }
0x1bd: {  	v60 =	vadd.s32 s31, v2;
	_ =	sdelay $0x1  }
0x1be: {  	[tilespmem:v8+s14+$0x0] =	vst.idx.msk $0xffff, v5  }
0x1bf: {  	v5 =	vadd.s32 $0x1, v7;
	[tilespmem:v8+s18+$0x0] =	vst.idx.msk $0xffff, v9  }
0x1c0: {  	[tilespmem:v6+s15+$0x0] =	vst.idx.msk $0xffff, v5  }
0x1c1: {  	v5 =	vld.idx.msk [tilespmem:v60+s16+$0x0], $0xffff;
	_ =	sdelay $0x4  }
0x1c2: {  	v6 =	vshrl.u32 v5, $0x4  }
0x1c3: {  	v6 =	vand.u32 $0xFF0, v6  }
0x1c4: {  	v6 =	vor.u32 v0, v6;
	_ =	sdelay $0x4  }
0x1c5: {  	v7 =	vld.idx.msk [tilespmem:v6+s15+$0x0], $0xffff;
	_ =	sdelay $0x4  }
0x1c6: {  	v61 =	vshra.s32 v7, $0x9  }
0x1c7: {  	v8 =	vadd.s32 v7, v61  }
0x1c8: {  	v9 =	vld.idx.msk [tilespmem:v60+s17+$0x0], $0xffff;
	_ =	sdelay $0x1  }
0x1c9: {  	v62 =	vadd.s32 s0, v2;
	_ =	sdelay $0x1  }
0x1ca: {  	[tilespmem:v8+s14+$0x0] =	vst.idx.msk $0xffff, v5  }
0x1cb: {  	v5 =	vadd.s32 $0x1, v7;
	[tilespmem:v8+s18+$0x0] =	vst.idx.msk $0xffff, v9  }
0x1cc: {  	[tilespmem:v6+s15+$0x0] =	vst.idx.msk $0xffff, v5  }
0x1cd: {  	v5 =	vld.idx.msk [tilespmem:v62+s16+$0x0], $0xffff;
	_ =	sdelay $0x4  }
0x1ce: {  	v6 =	vshrl.u32 v5, $0x4  }
0x1cf: {  	v6 =	vand.u32 $0xFF0, v6  }
0x1d0: {  	v6 =	vor.u32 v0, v6;
	_ =	sdelay $0x4  }
0x1d1: {  	v7 =	vld.idx.msk [tilespmem:v6+s15+$0x0], $0xffff;
	_ =	sdelay $0x4  }
0x1d2: {  	v63 =	vshra.s32 v7, $0x9  }
0x1d3: {  	v8 =	vadd.s32 v7, v63  }
0x1d4: {  	v9 =	vld.idx.msk [tilespmem:v62+s17+$0x0], $0xffff  }
0x1d5: {  	p2 =	sne.s32 s0, $0x1FF  }
.Ltmp11:
0x1d6: {  	_ = 	snop;
	(pc) =	sbr.rel @p2 .LBB2_19-.Ltmp11, $4  }
0x1d7: {  	_ = 	snop  }
0x1d8: {  	[tilespmem:v8+s14+$0x0] =	vst.idx.msk $0xffff, v5  }
0x1d9: {  	v5 =	vadd.s32 $0x1, v7;
	[tilespmem:v8+s18+$0x0] =	vst.idx.msk $0xffff, v9  }
0x1da: {  	s0 =	sadd.s32 $0x8, s0;
	[tilespmem:v6+s15+$0x0] =	vst.idx.msk $0xffff, v5  }
0x1db: {  	s0 =	simm.s32 $0x0  }
.LBB2_21:
0x1dc: {  	p2 =	sne.s32 s0, $0x3F00  }
.Ltmp12:
0x1dd: {  	s2 =	sshra.s32 s0, $0x2;
	(pc) =	sbr.rel @p2 .LBB2_21-.Ltmp12, $4  }
0x1de: {  	[tilespmem:s2+$0xA200] =	vst v1  }
0x1df: {  	[tilespmem:s2+$0xA210] =	vst v1  }
0x1e0: {  	[tilespmem:s2+$0xA220] =	vst v1  }
0x1e1: {  	s0 =	sadd.s32 $0x100, s0;
	[tilespmem:s2+$0xA230] =	vst v1  }
0x1e2: {  	s0 =	simm.s32 $0x7  }
.LBB2_23:
0x1e3: {  	s2 =	sadd.s32 $0xFFFFFFF9, s0  }
0x1e4: {  	v5 =	vadd.s32 s2, v2;
	_ =	sdelay $0x4  }
0x1e5: {  	v5 =	vld.idx.msk [tilespmem:v5+s14+$0x0], $0xffff;
	_ =	sdelay $0x4  }
0x1e6: {  	v5 =	vshrl.u32 v5, $0xC  }
0x1e7: {  	v5 =	vand.u32 $0xFF0, v5  }
0x1e8: {  	s8 =	sadd.s32 $0xFFFFFFFA, s0;
	v5 =	vor.u32 v0, v5  }
0x1e9: {  	v6 =	vadd.s32 s8, v2;
	_ =	sdelay $0x3  }
0x1ea: {  	[tilespmem:v5+s15+$0x0] =	vst.idx.add.s32.msk $0xffff, v3  }
0x1eb: {  	v5 =	vld.idx.msk [tilespmem:v6+s14+$0x0], $0xffff;
	_ =	sdelay $0x4  }
0x1ec: {  	v5 =	vshrl.u32 v5, $0xC  }
0x1ed: {  	v5 =	vand.u32 $0xFF0, v5  }
0x1ee: {  	s10 =	sadd.s32 $0xFFFFFFFB, s0;
	v5 =	vor.u32 v0, v5  }
0x1ef: {  	v6 =	vadd.s32 s10, v2;
	_ =	sdelay $0x3  }
0x1f0: {  	[tilespmem:v5+s15+$0x0] =	vst.idx.add.s32.msk $0xffff, v3  }
0x1f1: {  	v5 =	vld.idx.msk [tilespmem:v6+s14+$0x0], $0xffff;
	_ =	sdelay $0x4  }
0x1f2: {  	v5 =	vshrl.u32 v5, $0xC  }
0x1f3: {  	v5 =	vand.u32 $0xFF0, v5  }
0x1f4: {  	s19 =	sadd.s32 $0xFFFFFFFC, s0;
	v5 =	vor.u32 v0, v5  }
0x1f5: {  	v6 =	vadd.s32 s19, v2;
	_ =	sdelay $0x3  }
0x1f6: {  	[tilespmem:v5+s15+$0x0] =	vst.idx.add.s32.msk $0xffff, v3  }
0x1f7: {  	v5 =	vld.idx.msk [tilespmem:v6+s14+$0x0], $0xffff;
	_ =	sdelay $0x4  }
0x1f8: {  	v5 =	vshrl.u32 v5, $0xC  }
0x1f9: {  	v5 =	vand.u32 $0xFF0, v5  }
0x1fa: {  	s28 =	sadd.s32 $0xFFFFFFFD, s0;
	v5 =	vor.u32 v0, v5  }
0x1fb: {  	v6 =	vadd.s32 s28, v2;
	_ =	sdelay $0x3  }
0x1fc: {  	[tilespmem:v5+s15+$0x0] =	vst.idx.add.s32.msk $0xffff, v3  }
0x1fd: {  	v5 =	vld.idx.msk [tilespmem:v6+s14+$0x0], $0xffff;
	_ =	sdelay $0x4  }
0x1fe: {  	v5 =	vshrl.u32 v5, $0xC  }
0x1ff: {  	v5 =	vand.u32 $0xFF0, v5  }
0x200: {  	s29 =	sadd.s32 $0xFFFFFFFE, s0;
	v5 =	vor.u32 v0, v5  }
0x201: {  	v6 =	vadd.s32 s29, v2;
	_ =	sdelay $0x3  }
0x202: {  	[tilespmem:v5+s15+$0x0] =	vst.idx.add.s32.msk $0xffff, v3  }
0x203: {  	v5 =	vld.idx.msk [tilespmem:v6+s14+$0x0], $0xffff;
	_ =	sdelay $0x4  }
0x204: {  	v5 =	vshrl.u32 v5, $0xC  }
0x205: {  	v5 =	vand.u32 $0xFF0, v5  }
0x206: {  	s31 =	sadd.s32 $0xFFFFFFFF, s0;
	v5 =	vor.u32 v0, v5  }
0x207: {  	v6 =	vadd.s32 s31, v2;
	_ =	sdelay $0x3  }
0x208: {  	[tilespmem:v5+s15+$0x0] =	vst.idx.add.s32.msk $0xffff, v3  }
0x209: {  	v5 =	vld.idx.msk [tilespmem:v6+s14+$0x0], $0xffff;
	_ =	sdelay $0x4  }
0x20a: {  	v5 =	vshrl.u32 v5, $0xC  }
0x20b: {  	v5 =	vand.u32 $0xFF0, v5  }
0x20c: {  	v5 =	vor.u32 v0, v5  }
0x20d: {  	v6 =	vadd.s32 s0, v2;
	_ =	sdelay $0x3  }
0x20e: {  	[tilespmem:v5+s15+$0x0] =	vst.idx.add.s32.msk $0xffff, v3  }
0x20f: {  	v5 =	vld.idx.msk [tilespmem:v6+s14+$0x0], $0xffff;
	_ =	sdelay $0x4  }
0x210: {  	v5 =	vshrl.u32 v5, $0xC  }
0x211: {  	v5 =	vand.u32 $0xFF0, v5  }
0x212: {  	p2 =	sne.s32 s0, $0x1FF;
	v5 =	vor.u32 v0, v5  }
.Ltmp13:
0x213: {  	_ = 	snop;
	(pc) =	sbr.rel @p2 .LBB2_23-.Ltmp13, $2  }
0x214: {  	_ =	sdelay $0x2  }
0x215: {  	s0 =	sadd.s32 $0x8, s0;
	[tilespmem:v5+s15+$0x0] =	vst.idx.add.s32.msk $0xffff, v3  }
0x216: {  	s7 =	simm.s32 $0x0  }
0x217: {  	v5 =	vld [tilespmem:s7+$0xA200];
	_ =	sdelay $0x4  }
0x218: {  	(xrf0) =	vadd.scan.msk.s32 $0xffff, v5;
	_ =	sdelay $0x5  }
0x219: {  	v6, _, _ =	vpop (xrf0)  }
0x21a: {  	s0 =	simm.s32 $0x0;
	(v2sf) =	vpush v6, $0xF  }
0x21b: {  	v5 =	vsub.s32 s0, v5  }
0x21c: {  	v5 =	vadd.s32 v6, v5  }
0x21d: {  	s2 =	simm.s32 $0x10;
	s6 =	simm.s32 $0x80;
	[tilespmem:s7+$0xA200] =	vst v5  }
.LBB2_25:
0x21e: {  	p2 =	sne.s32 s6, $0x3FC0;
	v5 =	vld [tilespmem:s2+$0xA200];
	_ =	sdelay $0x4  }
0x21f: {  	(xrf0) =	vadd.scan.msk.s32 $0xffff, v5;
	_ =	sdelay $0x5  }
.Ltmp14:
0x220: {  	v6, _, _ =	vpop (xrf0);
	s7 =	spop (v2sf);
	(pc) =	sbr.rel @p2 .LBB2_25-.Ltmp14, $4  }
0x221: {  	(v2sf) =	vpush v6, $0xF;
	s0 =	sadd.s32 s0, s7  }
0x222: {  	v5 =	vsub.s32 s0, v5  }
0x223: {  	v5 =	vadd.s32 v6, v5  }
0x224: {  	[tilespmem:s2+$0xA200] =	vst v5;
	s2 =	sshra.s32 s6, $0x2;
	s6 =	sadd.s32 $0x40, s6  }
0x225: {  	v5 =	vld [tilespmem:s2+$0xA200];
	_ =	sdelay $0x4  }
0x226: {  	(xrf0) =	vadd.scan.msk.s32 $0xffff, v5;
	_ =	sdelay $0x5  }
0x227: {  	v6, _, _ =	vpop (xrf0)  }
0x228: {  	(v2sf) =	vpush v6, $0xF;
	_ =	sdelay $0xa  }
0x229: {  	s6 =	spop (v2sf)  }
0x22a: {  	s0 =	sadd.s32 s0, s6  }
0x22b: {  	v5 =	vsub.s32 s0, v5  }
0x22c: {  	v5 =	vadd.s32 v6, v5  }
0x22d: {  	s0 =	simm.s32 $0x7;
	[tilespmem:s2+$0xA200] =	vst v5;
	s31 =	spop (v2sf)  }
.LBB2_27:
0x22e: {  	s2 =	sadd.s32 $0xFFFFFFF9, s0  }
0x22f: {  	v5 =	vadd.s32 s2, v2;
	_ =	sdelay $0x4  }
0x230: {  	v6 =	vld.idx.msk [tilespmem:v5+s14+$0x0], $0xffff;
	_ =	sdelay $0x4  }
0x231: {  	v7 =	vshrl.u32 v6, $0xC  }
0x232: {  	v7 =	vand.u32 $0xFF0, v7  }
0x233: {  	v7 =	vor.u32 v0, v7;
	_ =	sdelay $0x4  }
0x234: {  	v8 =	vld.idx.msk [tilespmem:v7+s15+$0x0], $0xffff;
	_ =	sdelay $0x4  }
0x235: {  	v9 =	vshra.s32 v8, $0x9  }
0x236: {  	v9 =	vadd.s32 v8, v9  }
0x237: {  	v5 =	vld.idx.msk [tilespmem:v5+s18+$0x0], $0xffff  }
0x238: {  	s8 =	sadd.s32 $0xFFFFFFFA, s0  }
0x239: {  	v10 =	vadd.s32 s8, v2;
	_ =	sdelay $0x1  }
0x23a: {  	[tilespmem:v9+s16+$0x0] =	vst.idx.msk $0xffff, v6  }
0x23b: {  	[tilespmem:v9+s17+$0x0] =	vst.idx.msk $0xffff, v5;
	v5 =	vadd.s32 $0x1, v8  }
0x23c: {  	[tilespmem:v7+s15+$0x0] =	vst.idx.msk $0xffff, v5  }
0x23d: {  	v5 =	vld.idx.msk [tilespmem:v10+s14+$0x0], $0xffff;
	_ =	sdelay $0x4  }
0x23e: {  	v6 =	vshrl.u32 v5, $0xC  }
0x23f: {  	v6 =	vand.u32 $0xFF0, v6  }
0x240: {  	v6 =	vor.u32 v0, v6;
	_ =	sdelay $0x4  }
0x241: {  	v7 =	vld.idx.msk [tilespmem:v6+s15+$0x0], $0xffff;
	_ =	sdelay $0x4  }
0x242: {  	v51 =	vshra.s32 v7, $0x9  }
0x243: {  	v8 =	vadd.s32 v7, v51  }
0x244: {  	v9 =	vld.idx.msk [tilespmem:v10+s18+$0x0], $0xffff  }
0x245: {  	s10 =	sadd.s32 $0xFFFFFFFB, s0  }
0x246: {  	v52 =	vadd.s32 s10, v2;
	_ =	sdelay $0x1  }
0x247: {  	[tilespmem:v8+s16+$0x0] =	vst.idx.msk $0xffff, v5  }
0x248: {  	v5 =	vadd.s32 $0x1, v7;
	[tilespmem:v8+s17+$0x0] =	vst.idx.msk $0xffff, v9  }
0x249: {  	[tilespmem:v6+s15+$0x0] =	vst.idx.msk $0xffff, v5  }
0x24a: {  	v5 =	vld.idx.msk [tilespmem:v52+s14+$0x0], $0xffff;
	_ =	sdelay $0x4  }
0x24b: {  	v6 =	vshrl.u32 v5, $0xC  }
0x24c: {  	v6 =	vand.u32 $0xFF0, v6  }
0x24d: {  	v6 =	vor.u32 v0, v6;
	_ =	sdelay $0x4  }
0x24e: {  	v7 =	vld.idx.msk [tilespmem:v6+s15+$0x0], $0xffff;
	_ =	sdelay $0x4  }
0x24f: {  	v53 =	vshra.s32 v7, $0x9  }
0x250: {  	v8 =	vadd.s32 v7, v53  }
0x251: {  	v9 =	vld.idx.msk [tilespmem:v52+s18+$0x0], $0xffff  }
0x252: {  	s19 =	sadd.s32 $0xFFFFFFFC, s0  }
0x253: {  	v54 =	vadd.s32 s19, v2;
	_ =	sdelay $0x1  }
0x254: {  	[tilespmem:v8+s16+$0x0] =	vst.idx.msk $0xffff, v5  }
0x255: {  	v5 =	vadd.s32 $0x1, v7;
	[tilespmem:v8+s17+$0x0] =	vst.idx.msk $0xffff, v9  }
0x256: {  	[tilespmem:v6+s15+$0x0] =	vst.idx.msk $0xffff, v5  }
0x257: {  	v5 =	vld.idx.msk [tilespmem:v54+s14+$0x0], $0xffff;
	_ =	sdelay $0x4  }
0x258: {  	v6 =	vshrl.u32 v5, $0xC  }
0x259: {  	v6 =	vand.u32 $0xFF0, v6  }
0x25a: {  	v6 =	vor.u32 v0, v6;
	_ =	sdelay $0x4  }
0x25b: {  	v7 =	vld.idx.msk [tilespmem:v6+s15+$0x0], $0xffff;
	_ =	sdelay $0x4  }
0x25c: {  	v55 =	vshra.s32 v7, $0x9  }
0x25d: {  	v8 =	vadd.s32 v7, v55  }
0x25e: {  	v9 =	vld.idx.msk [tilespmem:v54+s18+$0x0], $0xffff  }
0x25f: {  	s28 =	sadd.s32 $0xFFFFFFFD, s0  }
0x260: {  	v56 =	vadd.s32 s28, v2;
	_ =	sdelay $0x1  }
0x261: {  	[tilespmem:v8+s16+$0x0] =	vst.idx.msk $0xffff, v5  }
0x262: {  	v5 =	vadd.s32 $0x1, v7;
	[tilespmem:v8+s17+$0x0] =	vst.idx.msk $0xffff, v9  }
0x263: {  	[tilespmem:v6+s15+$0x0] =	vst.idx.msk $0xffff, v5  }
0x264: {  	v5 =	vld.idx.msk [tilespmem:v56+s14+$0x0], $0xffff;
	_ =	sdelay $0x4  }
0x265: {  	v6 =	vshrl.u32 v5, $0xC  }
0x266: {  	v6 =	vand.u32 $0xFF0, v6  }
0x267: {  	v6 =	vor.u32 v0, v6;
	_ =	sdelay $0x4  }
0x268: {  	v7 =	vld.idx.msk [tilespmem:v6+s15+$0x0], $0xffff;
	_ =	sdelay $0x4  }
0x269: {  	v57 =	vshra.s32 v7, $0x9  }
0x26a: {  	v8 =	vadd.s32 v7, v57  }
0x26b: {  	v9 =	vld.idx.msk [tilespmem:v56+s18+$0x0], $0xffff  }
0x26c: {  	s29 =	sadd.s32 $0xFFFFFFFE, s0  }
0x26d: {  	v58 =	vadd.s32 s29, v2;
	_ =	sdelay $0x1  }
0x26e: {  	[tilespmem:v8+s16+$0x0] =	vst.idx.msk $0xffff, v5  }
0x26f: {  	v5 =	vadd.s32 $0x1, v7;
	[tilespmem:v8+s17+$0x0] =	vst.idx.msk $0xffff, v9  }
0x270: {  	[tilespmem:v6+s15+$0x0] =	vst.idx.msk $0xffff, v5  }
0x271: {  	v5 =	vld.idx.msk [tilespmem:v58+s14+$0x0], $0xffff;
	_ =	sdelay $0x4  }
0x272: {  	v6 =	vshrl.u32 v5, $0xC  }
0x273: {  	v6 =	vand.u32 $0xFF0, v6  }
0x274: {  	v6 =	vor.u32 v0, v6;
	_ =	sdelay $0x4  }
0x275: {  	v7 =	vld.idx.msk [tilespmem:v6+s15+$0x0], $0xffff;
	_ =	sdelay $0x4  }
0x276: {  	v59 =	vshra.s32 v7, $0x9  }
0x277: {  	v8 =	vadd.s32 v7, v59  }
0x278: {  	v9 =	vld.idx.msk [tilespmem:v58+s18+$0x0], $0xffff  }
0x279: {  	s31 =	sadd.s32 $0xFFFFFFFF, s0  }
0x27a: {  	v60 =	vadd.s32 s31, v2;
	_ =	sdelay $0x1  }
0x27b: {  	[tilespmem:v8+s16+$0x0] =	vst.idx.msk $0xffff, v5  }
0x27c: {  	v5 =	vadd.s32 $0x1, v7;
	[tilespmem:v8+s17+$0x0] =	vst.idx.msk $0xffff, v9  }
0x27d: {  	[tilespmem:v6+s15+$0x0] =	vst.idx.msk $0xffff, v5  }
0x27e: {  	v5 =	vld.idx.msk [tilespmem:v60+s14+$0x0], $0xffff;
	_ =	sdelay $0x4  }
0x27f: {  	v6 =	vshrl.u32 v5, $0xC  }
0x280: {  	v6 =	vand.u32 $0xFF0, v6  }
0x281: {  	v6 =	vor.u32 v0, v6;
	_ =	sdelay $0x4  }
0x282: {  	v7 =	vld.idx.msk [tilespmem:v6+s15+$0x0], $0xffff;
	_ =	sdelay $0x4  }
0x283: {  	v61 =	vshra.s32 v7, $0x9  }
0x284: {  	v8 =	vadd.s32 v7, v61  }
0x285: {  	v9 =	vld.idx.msk [tilespmem:v60+s18+$0x0], $0xffff;
	_ =	sdelay $0x1  }
0x286: {  	v62 =	vadd.s32 s0, v2;
	_ =	sdelay $0x1  }
0x287: {  	[tilespmem:v8+s16+$0x0] =	vst.idx.msk $0xffff, v5  }
0x288: {  	v5 =	vadd.s32 $0x1, v7;
	[tilespmem:v8+s17+$0x0] =	vst.idx.msk $0xffff, v9  }
0x289: {  	[tilespmem:v6+s15+$0x0] =	vst.idx.msk $0xffff, v5  }
0x28a: {  	v5 =	vld.idx.msk [tilespmem:v62+s14+$0x0], $0xffff;
	_ =	sdelay $0x4  }
0x28b: {  	v6 =	vshrl.u32 v5, $0xC  }
0x28c: {  	v6 =	vand.u32 $0xFF0, v6  }
0x28d: {  	v6 =	vor.u32 v0, v6;
	_ =	sdelay $0x4  }
0x28e: {  	v7 =	vld.idx.msk [tilespmem:v6+s15+$0x0], $0xffff;
	_ =	sdelay $0x4  }
0x28f: {  	v63 =	vshra.s32 v7, $0x9  }
0x290: {  	v8 =	vadd.s32 v7, v63  }
0x291: {  	v9 =	vld.idx.msk [tilespmem:v62+s18+$0x0], $0xffff  }
0x292: {  	p2 =	sne.s32 s0, $0x1FF  }
.Ltmp15:
0x293: {  	_ = 	snop;
	(pc) =	sbr.rel @p2 .LBB2_27-.Ltmp15, $4  }
0x294: {  	_ = 	snop  }
0x295: {  	[tilespmem:v8+s16+$0x0] =	vst.idx.msk $0xffff, v5  }
0x296: {  	v5 =	vadd.s32 $0x1, v7;
	[tilespmem:v8+s17+$0x0] =	vst.idx.msk $0xffff, v9  }
0x297: {  	s0 =	sadd.s32 $0x8, s0;
	[tilespmem:v6+s15+$0x0] =	vst.idx.msk $0xffff, v5  }
0x298: {  	s0 =	simm.s32 $0x0  }
.LBB2_29:
0x299: {  	p2 =	sne.s32 s0, $0x3F00  }
.Ltmp16:
0x29a: {  	s2 =	sshra.s32 s0, $0x2;
	(pc) =	sbr.rel @p2 .LBB2_29-.Ltmp16, $4  }
0x29b: {  	[tilespmem:s2+$0xA200] =	vst v1  }
0x29c: {  	[tilespmem:s2+$0xA210] =	vst v1  }
0x29d: {  	[tilespmem:s2+$0xA220] =	vst v1  }
0x29e: {  	s0 =	sadd.s32 $0x100, s0;
	[tilespmem:s2+$0xA230] =	vst v1  }
0x29f: {  	s0 =	simm.s32 $0x7  }
.LBB2_31:
0x2a0: {  	s2 =	sadd.s32 $0xFFFFFFF9, s0  }
0x2a1: {  	v5 =	vadd.s32 s2, v2;
	_ =	sdelay $0x4  }
0x2a2: {  	v5 =	vld.idx.msk [tilespmem:v5+s16+$0x0], $0xffff;
	_ =	sdelay $0x4  }
0x2a3: {  	v5 =	vshrl.u32 v5, $0x14  }
0x2a4: {  	v5 =	vand.u32 $0xFF0, v5  }
0x2a5: {  	s8 =	sadd.s32 $0xFFFFFFFA, s0;
	v5 =	vor.u32 v0, v5  }
0x2a6: {  	v6 =	vadd.s32 s8, v2;
	_ =	sdelay $0x3  }
0x2a7: {  	[tilespmem:v5+s15+$0x0] =	vst.idx.add.s32.msk $0xffff, v3  }
0x2a8: {  	v5 =	vld.idx.msk [tilespmem:v6+s16+$0x0], $0xffff;
	_ =	sdelay $0x4  }
0x2a9: {  	v5 =	vshrl.u32 v5, $0x14  }
0x2aa: {  	v5 =	vand.u32 $0xFF0, v5  }
0x2ab: {  	s10 =	sadd.s32 $0xFFFFFFFB, s0;
	v5 =	vor.u32 v0, v5  }
0x2ac: {  	v6 =	vadd.s32 s10, v2;
	_ =	sdelay $0x3  }
0x2ad: {  	[tilespmem:v5+s15+$0x0] =	vst.idx.add.s32.msk $0xffff, v3  }
0x2ae: {  	v5 =	vld.idx.msk [tilespmem:v6+s16+$0x0], $0xffff;
	_ =	sdelay $0x4  }
0x2af: {  	v5 =	vshrl.u32 v5, $0x14  }
0x2b0: {  	v5 =	vand.u32 $0xFF0, v5  }
0x2b1: {  	s19 =	sadd.s32 $0xFFFFFFFC, s0;
	v5 =	vor.u32 v0, v5  }
0x2b2: {  	v6 =	vadd.s32 s19, v2;
	_ =	sdelay $0x3  }
0x2b3: {  	[tilespmem:v5+s15+$0x0] =	vst.idx.add.s32.msk $0xffff, v3  }
0x2b4: {  	v5 =	vld.idx.msk [tilespmem:v6+s16+$0x0], $0xffff;
	_ =	sdelay $0x4  }
0x2b5: {  	v5 =	vshrl.u32 v5, $0x14  }
0x2b6: {  	v5 =	vand.u32 $0xFF0, v5  }
0x2b7: {  	s28 =	sadd.s32 $0xFFFFFFFD, s0;
	v5 =	vor.u32 v0, v5  }
0x2b8: {  	v6 =	vadd.s32 s28, v2;
	_ =	sdelay $0x3  }
0x2b9: {  	[tilespmem:v5+s15+$0x0] =	vst.idx.add.s32.msk $0xffff, v3  }
0x2ba: {  	v5 =	vld.idx.msk [tilespmem:v6+s16+$0x0], $0xffff;
	_ =	sdelay $0x4  }
0x2bb: {  	v5 =	vshrl.u32 v5, $0x14  }
0x2bc: {  	v5 =	vand.u32 $0xFF0, v5  }
0x2bd: {  	s29 =	sadd.s32 $0xFFFFFFFE, s0;
	v5 =	vor.u32 v0, v5  }
0x2be: {  	v6 =	vadd.s32 s29, v2;
	_ =	sdelay $0x3  }
0x2bf: {  	[tilespmem:v5+s15+$0x0] =	vst.idx.add.s32.msk $0xffff, v3  }
0x2c0: {  	v5 =	vld.idx.msk [tilespmem:v6+s16+$0x0], $0xffff;
	_ =	sdelay $0x4  }
0x2c1: {  	v5 =	vshrl.u32 v5, $0x14  }
0x2c2: {  	v5 =	vand.u32 $0xFF0, v5  }
0x2c3: {  	s31 =	sadd.s32 $0xFFFFFFFF, s0;
	v5 =	vor.u32 v0, v5  }
0x2c4: {  	v6 =	vadd.s32 s31, v2;
	_ =	sdelay $0x3  }
0x2c5: {  	[tilespmem:v5+s15+$0x0] =	vst.idx.add.s32.msk $0xffff, v3  }
0x2c6: {  	v5 =	vld.idx.msk [tilespmem:v6+s16+$0x0], $0xffff;
	_ =	sdelay $0x4  }
0x2c7: {  	v5 =	vshrl.u32 v5, $0x14  }
0x2c8: {  	v5 =	vand.u32 $0xFF0, v5  }
0x2c9: {  	v5 =	vor.u32 v0, v5  }
0x2ca: {  	v6 =	vadd.s32 s0, v2;
	_ =	sdelay $0x3  }
0x2cb: {  	[tilespmem:v5+s15+$0x0] =	vst.idx.add.s32.msk $0xffff, v3  }
0x2cc: {  	v5 =	vld.idx.msk [tilespmem:v6+s16+$0x0], $0xffff;
	_ =	sdelay $0x4  }
0x2cd: {  	v5 =	vshrl.u32 v5, $0x14  }
0x2ce: {  	v5 =	vand.u32 $0xFF0, v5  }
0x2cf: {  	p2 =	sne.s32 s0, $0x1FF;
	v5 =	vor.u32 v0, v5  }
.Ltmp17:
0x2d0: {  	_ = 	snop;
	(pc) =	sbr.rel @p2 .LBB2_31-.Ltmp17, $2  }
0x2d1: {  	_ =	sdelay $0x2  }
0x2d2: {  	s0 =	sadd.s32 $0x8, s0;
	[tilespmem:v5+s15+$0x0] =	vst.idx.add.s32.msk $0xffff, v3  }
0x2d3: {  	s7 =	simm.s32 $0x0  }
0x2d4: {  	v5 =	vld [tilespmem:s7+$0xA200];
	_ =	sdelay $0x4  }
0x2d5: {  	(xrf0) =	vadd.scan.msk.s32 $0xffff, v5;
	_ =	sdelay $0x5  }
0x2d6: {  	v6, _, _ =	vpop (xrf0)  }
0x2d7: {  	s0 =	simm.s32 $0x0;
	(v2sf) =	vpush v6, $0xF  }
0x2d8: {  	v5 =	vsub.s32 s0, v5  }
0x2d9: {  	v5 =	vadd.s32 v6, v5  }
0x2da: {  	s2 =	simm.s32 $0x10;
	s6 =	simm.s32 $0x80;
	[tilespmem:s7+$0xA200] =	vst v5  }
.LBB2_33:
0x2db: {  	p2 =	sne.s32 s6, $0x3FC0;
	v5 =	vld [tilespmem:s2+$0xA200];
	_ =	sdelay $0x4  }
0x2dc: {  	(xrf0) =	vadd.scan.msk.s32 $0xffff, v5;
	_ =	sdelay $0x5  }
.Ltmp18:
0x2dd: {  	v6, _, _ =	vpop (xrf0);
	s7 =	spop (v2sf);
	(pc) =	sbr.rel @p2 .LBB2_33-.Ltmp18, $4  }
0x2de: {  	(v2sf) =	vpush v6, $0xF;
	s0 =	sadd.s32 s0, s7  }
0x2df: {  	v5 =	vsub.s32 s0, v5  }
0x2e0: {  	v5 =	vadd.s32 v6, v5  }
0x2e1: {  	[tilespmem:s2+$0xA200] =	vst v5;
	s2 =	sshra.s32 s6, $0x2;
	s6 =	sadd.s32 $0x40, s6  }
0x2e2: {  	v5 =	vld [tilespmem:s2+$0xA200];
	_ =	sdelay $0x4  }
0x2e3: {  	(xrf0) =	vadd.scan.msk.s32 $0xffff, v5;
	_ =	sdelay $0x5  }
0x2e4: {  	v6, _, _ =	vpop (xrf0)  }
0x2e5: {  	(v2sf) =	vpush v6, $0xF;
	_ =	sdelay $0xa  }
0x2e6: {  	s6 =	spop (v2sf)  }
0x2e7: {  	s0 =	sadd.s32 s0, s6  }
0x2e8: {  	v5 =	vsub.s32 s0, v5  }
0x2e9: {  	v5 =	vadd.s32 v6, v5  }
0x2ea: {  	s0 =	simm.s32 $0x7;
	[tilespmem:s2+$0xA200] =	vst v5;
	s31 =	spop (v2sf)  }
.LBB2_35:
0x2eb: {  	s2 =	sadd.s32 $0xFFFFFFF9, s0  }
0x2ec: {  	v5 =	vadd.s32 s2, v2;
	_ =	sdelay $0x4  }
0x2ed: {  	v6 =	vld.idx.msk [tilespmem:v5+s16+$0x0], $0xffff;
	_ =	sdelay $0x4  }
0x2ee: {  	v7 =	vshrl.u32 v6, $0x14  }
0x2ef: {  	v7 =	vand.u32 $0xFF0, v7  }
0x2f0: {  	v7 =	vor.u32 v0, v7;
	_ =	sdelay $0x4  }
0x2f1: {  	v8 =	vld.idx.msk [tilespmem:v7+s15+$0x0], $0xffff;
	_ =	sdelay $0x3  }
0x2f2: {  	v5 =	vld.idx.msk [tilespmem:v5+s17+$0x0], $0xffff  }
0x2f3: {  	s8 =	sadd.s32 $0xFFFFFFFA, s0  }
0x2f4: {  	v9 =	vadd.s32 s8, v2;
	_ =	sdelay $0x1  }
0x2f5: {  	[tilespmem:v8+s14+$0x0] =	vst.idx.msk $0xffff, v6  }
0x2f6: {  	[tilespmem:v8+s18+$0x0] =	vst.idx.msk $0xffff, v5;
	v5 =	vadd.s32 $0x1, v8  }
0x2f7: {  	[tilespmem:v7+s15+$0x0] =	vst.idx.msk $0xffff, v5  }
0x2f8: {  	v5 =	vld.idx.msk [tilespmem:v9+s16+$0x0], $0xffff;
	_ =	sdelay $0x4  }
0x2f9: {  	v6 =	vshrl.u32 v5, $0x14  }
0x2fa: {  	v6 =	vand.u32 $0xFF0, v6  }
0x2fb: {  	v6 =	vor.u32 v0, v6;
	_ =	sdelay $0x4  }
0x2fc: {  	v7 =	vld.idx.msk [tilespmem:v6+s15+$0x0], $0xffff;
	_ =	sdelay $0x3  }
0x2fd: {  	v57 =	vld.idx.msk [tilespmem:v9+s17+$0x0], $0xffff  }
0x2fe: {  	s10 =	sadd.s32 $0xFFFFFFFB, s0  }
0x2ff: {  	v58 =	vadd.s32 s10, v2;
	_ =	sdelay $0x1  }
0x300: {  	[tilespmem:v7+s14+$0x0] =	vst.idx.msk $0xffff, v5  }
0x301: {  	v5 =	vadd.s32 $0x1, v7;
	[tilespmem:v7+s18+$0x0] =	vst.idx.msk $0xffff, v57  }
0x302: {  	[tilespmem:v6+s15+$0x0] =	vst.idx.msk $0xffff, v5  }
0x303: {  	v5 =	vld.idx.msk [tilespmem:v58+s16+$0x0], $0xffff;
	_ =	sdelay $0x4  }
0x304: {  	v6 =	vshrl.u32 v5, $0x14  }
0x305: {  	v6 =	vand.u32 $0xFF0, v6  }
0x306: {  	v6 =	vor.u32 v0, v6;
	_ =	sdelay $0x4  }
0x307: {  	v7 =	vld.idx.msk [tilespmem:v6+s15+$0x0], $0xffff;
	_ =	sdelay $0x3  }
0x308: {  	v8 =	vld.idx.msk [tilespmem:v58+s17+$0x0], $0xffff  }
0x309: {  	s19 =	sadd.s32 $0xFFFFFFFC, s0  }
0x30a: {  	v59 =	vadd.s32 s19, v2;
	_ =	sdelay $0x1  }
0x30b: {  	[tilespmem:v7+s14+$0x0] =	vst.idx.msk $0xffff, v5  }
0x30c: {  	v5 =	vadd.s32 $0x1, v7;
	[tilespmem:v7+s18+$0x0] =	vst.idx.msk $0xffff, v8  }
0x30d: {  	[tilespmem:v6+s15+$0x0] =	vst.idx.msk $0xffff, v5  }
0x30e: {  	v5 =	vld.idx.msk [tilespmem:v59+s16+$0x0], $0xffff;
	_ =	sdelay $0x4  }
0x30f: {  	v6 =	vshrl.u32 v5, $0x14  }
0x310: {  	v6 =	vand.u32 $0xFF0, v6  }
0x311: {  	v6 =	vor.u32 v0, v6;
	_ =	sdelay $0x4  }
0x312: {  	v7 =	vld.idx.msk [tilespmem:v6+s15+$0x0], $0xffff;
	_ =	sdelay $0x3  }
0x313: {  	v8 =	vld.idx.msk [tilespmem:v59+s17+$0x0], $0xffff  }
0x314: {  	s28 =	sadd.s32 $0xFFFFFFFD, s0  }
0x315: {  	v60 =	vadd.s32 s28, v2;
	_ =	sdelay $0x1  }
0x316: {  	[tilespmem:v7+s14+$0x0] =	vst.idx.msk $0xffff, v5  }
0x317: {  	v5 =	vadd.s32 $0x1, v7;
	[tilespmem:v7+s18+$0x0] =	vst.idx.msk $0xffff, v8  }
0x318: {  	[tilespmem:v6+s15+$0x0] =	vst.idx.msk $0xffff, v5  }
0x319: {  	v5 =	vld.idx.msk [tilespmem:v60+s16+$0x0], $0xffff;
	_ =	sdelay $0x4  }
0x31a: {  	v6 =	vshrl.u32 v5, $0x14  }
0x31b: {  	v6 =	vand.u32 $0xFF0, v6  }
0x31c: {  	v6 =	vor.u32 v0, v6;
	_ =	sdelay $0x4  }
0x31d: {  	v7 =	vld.idx.msk [tilespmem:v6+s15+$0x0], $0xffff;
	_ =	sdelay $0x3  }
0x31e: {  	v8 =	vld.idx.msk [tilespmem:v60+s17+$0x0], $0xffff  }
0x31f: {  	s29 =	sadd.s32 $0xFFFFFFFE, s0  }
0x320: {  	v61 =	vadd.s32 s29, v2;
	_ =	sdelay $0x1  }
0x321: {  	[tilespmem:v7+s14+$0x0] =	vst.idx.msk $0xffff, v5  }
0x322: {  	v5 =	vadd.s32 $0x1, v7;
	[tilespmem:v7+s18+$0x0] =	vst.idx.msk $0xffff, v8  }
0x323: {  	[tilespmem:v6+s15+$0x0] =	vst.idx.msk $0xffff, v5  }
0x324: {  	v5 =	vld.idx.msk [tilespmem:v61+s16+$0x0], $0xffff;
	_ =	sdelay $0x4  }
0x325: {  	v6 =	vshrl.u32 v5, $0x14  }
0x326: {  	v6 =	vand.u32 $0xFF0, v6  }
0x327: {  	v6 =	vor.u32 v0, v6;
	_ =	sdelay $0x4  }
0x328: {  	v7 =	vld.idx.msk [tilespmem:v6+s15+$0x0], $0xffff;
	_ =	sdelay $0x3  }
0x329: {  	v8 =	vld.idx.msk [tilespmem:v61+s17+$0x0], $0xffff  }
0x32a: {  	s31 =	sadd.s32 $0xFFFFFFFF, s0  }
0x32b: {  	v62 =	vadd.s32 s31, v2;
	_ =	sdelay $0x1  }
0x32c: {  	[tilespmem:v7+s14+$0x0] =	vst.idx.msk $0xffff, v5  }
0x32d: {  	v5 =	vadd.s32 $0x1, v7;
	[tilespmem:v7+s18+$0x0] =	vst.idx.msk $0xffff, v8  }
0x32e: {  	[tilespmem:v6+s15+$0x0] =	vst.idx.msk $0xffff, v5  }
0x32f: {  	v5 =	vld.idx.msk [tilespmem:v62+s16+$0x0], $0xffff;
	_ =	sdelay $0x4  }
0x330: {  	v6 =	vshrl.u32 v5, $0x14  }
0x331: {  	v6 =	vand.u32 $0xFF0, v6  }
0x332: {  	v6 =	vor.u32 v0, v6;
	_ =	sdelay $0x4  }
0x333: {  	v7 =	vld.idx.msk [tilespmem:v6+s15+$0x0], $0xffff;
	_ =	sdelay $0x3  }
0x334: {  	v8 =	vld.idx.msk [tilespmem:v62+s17+$0x0], $0xffff;
	_ =	sdelay $0x1  }
0x335: {  	v63 =	vadd.s32 s0, v2;
	_ =	sdelay $0x1  }
0x336: {  	[tilespmem:v7+s14+$0x0] =	vst.idx.msk $0xffff, v5  }
0x337: {  	v5 =	vadd.s32 $0x1, v7;
	[tilespmem:v7+s18+$0x0] =	vst.idx.msk $0xffff, v8  }
0x338: {  	[tilespmem:v6+s15+$0x0] =	vst.idx.msk $0xffff, v5  }
0x339: {  	v5 =	vld.idx.msk [tilespmem:v63+s16+$0x0], $0xffff;
	_ =	sdelay $0x4  }
0x33a: {  	v6 =	vshrl.u32 v5, $0x14  }
0x33b: {  	v6 =	vand.u32 $0xFF0, v6  }
0x33c: {  	v6 =	vor.u32 v0, v6;
	_ =	sdelay $0x4  }
0x33d: {  	v7 =	vld.idx.msk [tilespmem:v6+s15+$0x0], $0xffff;
	_ =	sdelay $0x3  }
0x33e: {  	v8 =	vld.idx.msk [tilespmem:v63+s17+$0x0], $0xffff  }
0x33f: {  	p2 =	sne.s32 s0, $0x1FF  }
.Ltmp19:
0x340: {  	_ = 	snop;
	(pc) =	sbr.rel @p2 .LBB2_35-.Ltmp19, $4  }
0x341: {  	_ = 	snop  }
0x342: {  	[tilespmem:v7+s14+$0x0] =	vst.idx.msk $0xffff, v5  }
0x343: {  	v5 =	vadd.s32 $0x1, v7;
	[tilespmem:v7+s18+$0x0] =	vst.idx.msk $0xffff, v8  }
0x344: {  	s0 =	sadd.s32 $0x8, s0;
	[tilespmem:v6+s15+$0x0] =	vst.idx.msk $0xffff, v5  }
0x345: {  	s0 =	rddreg [dreg:$0x7]  }
0x346: {  	[spmem:s0] =	stream.linear.scatter [tilespmem:s18], [sflag:$0x3], $0x2000, $0x200038;
	[tilespmem:$0x13D00] =	vst v63  }
0x347: {  	_ =	swait.ge [sflag:s13], $0x2000  }
0x348: {  	[sflag:s13] =	ssyncset.done $0x0  }
0x349: {  	[sflag:s13] =	ssyncadd.s32 $0xFFFFE000  }
0x34a: {  	_ =	strace $0x90000048  }
.LBB2_37:
.Ltmp20:
0x34b: {  	(pc) =	sbr.rel @p1 .LBB2_55-.Ltmp20, $2  }
0x34c: {  	_ =	sdelay $0x1  }
0x34d: {  	[bflag:$0x0] =	sbarrier.arrive $0xFFFF;
	_ =	sdelay $0x1  }
0x34e: {  	_ =	strace $0x80000049;
	s2 =	simm.s32 $0x100;
	s0 =	simm.s32 $0x0  }
.LBB2_39:
0x34f: {  	p2 =	sne.s32 s2, $0x7F00;
	[tilespmem:s0+$0xB230] =	vst v1;
	s6 =	smov.u32 s2;
	s2 =	sadd.s32 $0x100, s2  }
.Ltmp21:
0x350: {  	[tilespmem:s0+$0xB220] =	vst v1;
	(pc) =	sbr.rel @p2 .LBB2_39-.Ltmp21, $3  }
0x351: {  	[tilespmem:s0+$0xB200] =	vst v1  }
0x352: {  	[tilespmem:s0+$0xB210] =	vst v1;
	_ =	sdelay $0x1  }
0x353: {  	s0 =	sshra.s32 s6, $0x2  }
0x354: {  	[tilespmem:s0+$0xB230] =	vst v1  }
0x355: {  	[tilespmem:s0+$0xB220] =	vst v1  }
0x356: {  	[tilespmem:s0+$0xB200] =	vst v1  }
0x357: {  	[tilespmem:s0+$0xB210] =	vst v1;
	s29 =	simm.s32 $0xD200;
	s31 =	simm.s32 $0x0  }
0x358: {  	[tilespmem:s29], [sflag:$0x1] =	stream.linear.gather [spmem:s3], $0x2000, $0x200038;
	[tilespmem:$0x13D00] =	vst v63  }
.LBB2_41:
0x359: {  	s0 =	sshllo.u32 s31, $0x1  }
0x35a: {  	_ =	swait.ge [sflag:s20], $0x2000;
	s2 =	sshll.u32 s0, $0xD  }
0x35b: {  	[sflag:s20] =	ssyncset.done $0x0;
	s2 =	sand.u32 $0x3FFFE000, s2  }
0x35c: {  	[sflag:s20] =	ssyncadd.s32 $0xFFFFE000;
	s2 =	sadd.s32 s2, s3  }
0x35d: {  	[tilespmem:s21], [sflag:$0x2] =	stream.linear.gather [spmem:s2], $0x2000, $0x200038;
	[tilespmem:$0x13D00] =	vst v63  }
0x35e: {  	s19 =	simm.s32 $0x0;
	s2 =	simm.s32 $0x0  }
.LBB2_42:
0x35f: {  	s6 =	sshll.u32 s19, $0x9  }
0x360: {  	s7 =	simm.s32 $0x11420;
	s6 =	sand.u32 $0x3FFFFE00, s6  }
0x361: {  	s8 =	simm.s32 $0x0;
	s28 =	sadd.s32 $0xD200, s6;
	s6 =	simm.s32 $0x0  }
.LBB2_43:
0x362: {  	s29 =	sand.u32 $0x180, s8  }
0x363: {  	s9 =	sand.u32 $0x40, s8;
	s29 =	sadd.s32 s29, s28  }
0x364: {  	s9 =	sadd.s32 s9, s29  }
0x365: {  	v5 =	vld [tilespmem:s9+$0x0];
	_ =	sdelay $0x7  }
0x366: {  	v6 =	vmov s6;
	v5 =	vld.idx.msk [tilespmem:v5+s22+$0x0], $0xffff  }
0x367: {  	v6 =	vand.u32 $0xFFFFFFFC, v6  }
0x368: {  	v6 =	vbroadcast v6, $0x0;
	_ =	sdelay $0x2  }
0x369: {  	s9 =	sadd.s32 $0x10, s8;
	vm1 =	veq.s32 v5, $0x0  }
0x36a: {  	s10 =	sand.u32 $0x180, s9;
	v5 =	vsel vm1, $0x1, v1;
	v7 =	vmpcnt.ones.xlane vm1  }
0x36b: {  	s9 =	sand.u32 $0x50, s9;
	s29 =	sadd.s32 s10, s28;
	[tilespmem:s7+$0xFFFFFFE0] =	vst v5  }
0x36c: {  	s9 =	sadd.s32 s9, s29;
	[tilespmem:v6+s23+$0x0] =	vst.idx.msk vm0, v7  }
0x36d: {  	v5 =	vld [tilespmem:s9+$0x0];
	_ =	sdelay $0x6  }
0x36e: {  	s29 =	sadd.s32 $0x1, s6  }
0x36f: {  	v6 =	vmov s29;
	v5 =	vld.idx.msk [tilespmem:v5+s22+$0x0], $0xffff  }
0x370: {  	v6 =	vand.u32 $0xFFFFFFFD, v6  }
0x371: {  	v6 =	vbroadcast v6, $0x0;
	_ =	sdelay $0x2  }
0x372: {  	s9 =	sadd.s32 $0x20, s8;
	vm1 =	veq.s32 v5, $0x0  }
0x373: {  	s10 =	sand.u32 $0x180, s9;
	v5 =	vsel vm1, $0x1, v1;
	v7 =	vmpcnt.ones.xlane vm1  }
0x374: {  	s9 =	sand.u32 $0x60, s9;
	s29 =	sadd.s32 s10, s28;
	[tilespmem:s7+$0xFFFFFFF0] =	vst v5  }
0x375: {  	s9 =	sadd.s32 s9, s29;
	[tilespmem:v6+s23+$0x0] =	vst.idx.msk vm0, v7  }
0x376: {  	v5 =	vld [tilespmem:s9+$0x0];
	_ =	sdelay $0x6  }
0x377: {  	s29 =	sadd.s32 $0x2, s6  }
0x378: {  	v6 =	vmov s29;
	v5 =	vld.idx.msk [tilespmem:v5+s22+$0x0], $0xffff  }
0x379: {  	v6 =	vand.u32 $0xFFFFFFFE, v6  }
0x37a: {  	v6 =	vbroadcast v6, $0x0;
	_ =	sdelay $0x2  }
0x37b: {  	s9 =	sadd.s32 $0x30, s8;
	vm1 =	veq.s32 v5, $0x0  }
0x37c: {  	s10 =	sand.u32 $0x180, s9;
	v5 =	vsel vm1, $0x1, v1;
	v7 =	vmpcnt.ones.xlane vm1  }
0x37d: {  	s9 =	sand.u32 $0x70, s9;
	s29 =	sadd.s32 s10, s28;
	[tilespmem:s7+$0x0] =	vst v5  }
0x37e: {  	s9 =	sadd.s32 s9, s29;
	[tilespmem:v6+s23+$0x0] =	vst.idx.msk vm0, v7  }
0x37f: {  	v5 =	vld [tilespmem:s9+$0x0];
	_ =	sdelay $0x7  }
0x380: {  	v5 =	vld.idx.msk [tilespmem:v5+s22+$0x0], $0xffff;
	_ =	sdelay $0x1  }
0x381: {  	s29 =	sadd.s32 $0x3, s6  }
0x382: {  	p2 =	sne.s32 s8, $0x1C0;
	v6 =	vmov s29  }
.Ltmp22:
0x383: {  	_ = 	snop;
	(pc) =	sbr.rel @p2 .LBB2_43-.Ltmp22, $4  }
0x384: {  	vm1 =	veq.s32 v5, $0x0  }
0x385: {  	v5 =	vsel vm1, $0x1, v1;
	v7 =	vmpcnt.ones.xlane vm1  }
0x386: {  	[tilespmem:s7+$0x10] =	vst v5  }
0x387: {  	s8 =	sadd.s32 $0x40, s8;
	s6 =	sadd.s32 $0x4, s6;
	s7 =	sadd.s32 $0x40, s7;
	[tilespmem:v6+s23+$0x0] =	vst.idx.msk vm0, v7  }
0x388: {  	v7 =	vld [tilespmem:$0x11600]  }
0x389: {  	v8 =	vld [tilespmem:$0x11610];
	_ =	sdelay $0x3  }
0x38a: {  	(xrf0) =	vadd.scan.msk.s32 $0xffff, v7  }
0x38b: {  	(xrf0) =	vadd.scan.msk.s32 $0xffff, v8;
	_ =	sdelay $0x4  }
0x38c: {  	v5, _, _ =	vpop (xrf0)  }
0x38d: {  	v6, _, _ =	vpop (xrf0);
	v9 =	vbroadcast v5, $0xF  }
0x38e: {  	v10 =	vmov s2;
	v7 =	vsub.s32 v5, v7;
	v8 =	vsub.s32 v6, v8  }
0x38f: {  	[tilespmem:$0x11680] =	vst v7;
	v7 =	vadd.s32 v9, v8;
	v8 =	vadd.s32 $0xFFFFFFFF, v10  }
0x390: {  	s29 =	simm.s32 $0x0;
	s6 =	simm.s32 $0x11420;
	s7 =	simm.s32 $0x0;
	[tilespmem:$0x11690] =	vst v7;
	v7 =	vbroadcast v8, $0x0  }
.LBB2_45:
0x391: {  	v8 =	vmov s29  }
0x392: {  	v8 =	vand.u32 $0xFFFFFFFC, v8  }
0x393: {  	v9 =	vld [tilespmem:s6+$0xFFFFFFE0];
	v8 =	vbroadcast v8, $0x0;
	_ =	sdelay $0x4  }
0x394: {  	(xrf0) =	vadd.scan.msk.s32 $0xffff, v9  }
0x395: {  	v8 =	vld.idx.msk [tilespmem:v8+s24+$0x0], $0xffff;
	_ =	sdelay $0x3  }
0x396: {  	s8 =	sand.u32 $0x180, s7  }
0x397: {  	s9 =	sand.u32 $0x40, s7;
	s8 =	sadd.s32 s8, s28;
	v10, _, _ =	vpop (xrf0);
	v8 =	vadd.s32 v8, v7  }
0x398: {  	s8 =	sadd.s32 s9, s8;
	v8 =	vadd.s32 v10, v8  }
0x399: {  	v54 =	vld [tilespmem:s8+$0x0];
	vm1 =	veq.s32 v9, $0x1;
	vm2 =	vlt.s32 v8, $0x200  }
0x39a: {  	vm1 =	vmand vm1, vm2;
	_ =	sdelay $0x4  }
0x39b: {  	s10 =	sadd.s32 $0x1, s29  }
0x39c: {  	[tilespmem:v8+s25+$0x0] =	vst.idx.msk vm1, v54;
	v8 =	vmov s10  }
0x39d: {  	[tilespmem:v54+s22+$0x0] =	vst.idx.msk vm1, v3;
	v8 =	vand.u32 $0xFFFFFFFD, v8  }
0x39e: {  	v55 =	vld [tilespmem:s6+$0xFFFFFFF0];
	v8 =	vbroadcast v8, $0x0;
	_ =	sdelay $0x4  }
0x39f: {  	(xrf0) =	vadd.scan.msk.s32 $0xffff, v55  }
0x3a0: {  	v8 =	vld.idx.msk [tilespmem:v8+s24+$0x0], $0xffff;
	_ =	sdelay $0x2  }
0x3a1: {  	s9 =	sadd.s32 $0x10, s7  }
0x3a2: {  	s10 =	sand.u32 $0x180, s9  }
0x3a3: {  	s8 =	sand.u32 $0x50, s9;
	s9 =	sadd.s32 s10, s28;
	v56, _, _ =	vpop (xrf0);
	v8 =	vadd.s32 v8, v7  }
0x3a4: {  	s8 =	sadd.s32 s8, s9;
	v8 =	vadd.s32 v56, v8  }
0x3a5: {  	v57 =	vld [tilespmem:s8+$0x0];
	vm1 =	veq.s32 v55, $0x1;
	vm2 =	vlt.s32 v8, $0x200  }
0x3a6: {  	vm1 =	vmand vm1, vm2;
	_ =	sdelay $0x4  }
0x3a7: {  	s10 =	sadd.s32 $0x2, s29  }
0x3a8: {  	[tilespmem:v8+s25+$0x0] =	vst.idx.msk vm1, v57;
	v8 =	vmov s10  }
0x3a9: {  	[tilespmem:v57+s22+$0x0] =	vst.idx.msk vm1, v3;
	v8 =	vand.u32 $0xFFFFFFFE, v8  }
0x3aa: {  	v58 =	vld [tilespmem:s6+$0x0];
	v8 =	vbroadcast v8, $0x0;
	_ =	sdelay $0x4  }
0x3ab: {  	(xrf0) =	vadd.scan.msk.s32 $0xffff, v58  }
0x3ac: {  	v8 =	vld.idx.msk [tilespmem:v8+s24+$0x0], $0xffff;
	_ =	sdelay $0x2  }
0x3ad: {  	s9 =	sadd.s32 $0x20, s7  }
0x3ae: {  	s10 =	sand.u32 $0x180, s9  }
0x3af: {  	s8 =	sand.u32 $0x60, s9;
	s9 =	sadd.s32 s10, s28;
	v59, _, _ =	vpop (xrf0);
	v8 =	vadd.s32 v8, v7  }
0x3b0: {  	s8 =	sadd.s32 s8, s9;
	v8 =	vadd.s32 v59, v8  }
0x3b1: {  	v60 =	vld [tilespmem:s8+$0x0];
	vm1 =	veq.s32 v58, $0x1;
	vm2 =	vlt.s32 v8, $0x200  }
0x3b2: {  	vm1 =	vmand vm1, vm2;
	_ =	sdelay $0x5  }
0x3b3: {  	[tilespmem:v8+s25+$0x0] =	vst.idx.msk vm1, v60  }
0x3b4: {  	[tilespmem:v60+s22+$0x0] =	vst.idx.msk vm1, v3  }
0x3b5: {  	s10 =	sadd.s32 $0x3, s29;
	v8 =	vld [tilespmem:s6+$0x10]  }
0x3b6: {  	v61 =	vmov s10;
	_ =	sdelay $0x3  }
0x3b7: {  	(xrf0) =	vadd.scan.msk.s32 $0xffff, v8  }
0x3b8: {  	v9 =	vld.idx.msk [tilespmem:v61+s24+$0x0], $0xffff;
	_ =	sdelay $0x2  }
0x3b9: {  	s9 =	sadd.s32 $0x30, s7  }
0x3ba: {  	s10 =	sand.u32 $0x180, s9  }
0x3bb: {  	s8 =	sand.u32 $0x70, s9;
	s9 =	sadd.s32 s10, s28;
	v9 =	vadd.s32 v9, v7;
	v62, _, _ =	vpop (xrf0)  }
0x3bc: {  	s8 =	sadd.s32 s8, s9;
	v9 =	vadd.s32 v62, v9  }
0x3bd: {  	v63 =	vld [tilespmem:s8+$0x0];
	vm1 =	veq.s32 v8, $0x1;
	vm2 =	vlt.s32 v9, $0x200  }
0x3be: {  	vm1 =	vmand vm1, vm2;
	_ =	sdelay $0x1  }
0x3bf: {  	p2 =	sne.s32 s7, $0x1C0  }
.Ltmp23:
0x3c0: {  	_ = 	snop;
	(pc) =	sbr.rel @p2 .LBB2_45-.Ltmp23, $3  }
0x3c1: {  	_ =	sdelay $0x1  }
0x3c2: {  	[tilespmem:v9+s25+$0x0] =	vst.idx.msk vm1, v63  }
0x3c3: {  	s29 =	sadd.s32 $0x4, s29;
	s7 =	sadd.s32 $0x40, s7;
	s6 =	sadd.s32 $0x40, s6;
	[tilespmem:v63+s22+$0x0] =	vst.idx.msk vm1, v3  }
0x3c4: {  	(v2sf) =	vpush v5, $0xF  }
0x3c5: {  	(v2sf) =	vpush v6, $0xF;
	_ =	sdelay $0xd  }
0x3c6: {  	s6 =	spop (v2sf)  }
0x3c7: {  	s7 =	spop (v2sf);
	s2 =	sadd.s32 s2, s6  }
0x3c8: {  	p2 =	sgt.u32 s19, $0xE;
	s2 =	sadd.s32 s7, s2  }
0x3c9: {  	p3 =	slt.s32 @!p2 s2, $0x200  }
0x3ca: {  	p2 =	por p2, !p3  }
.Ltmp24:
0x3cb: {  	_ = 	snop;
	(pc) =	sbr.rel @!p2 .LBB2_42-.Ltmp24, $2  }
0x3cc: {  	_ =	sdelay $0x2  }
0x3cd: {  	s19 =	sadd.s32 $0x1, s19  }
0x3ce: {  	s2 =	sshll.u32 s31, $0x5  }
0x3cf: {  	s6 =	sshll.u32 s31, $0x7;
	s7 =	sand.u32 $0x60, s2  }
0x3d0: {  	s2 =	sand.u32 $0x200, s6;
	s19 =	sadd.s32 s1, s7  }
0x3d1: {  	s6 =	sadd.s32 s2, s19  }
0x3d2: {  	[hbm4b:s6+s11] =	stream.strided.scatter [tilespmem:s25], [sflag:$0x3], $0x200, s12, s11, $0x200038;
	[tilespmem:$0x13D00] =	vst v63  }
0x3d3: {  	s29 =	sshll.u32 s31, $0xA;
	_ =	swait.ge [sflag:s13], $0x200  }
0x3d4: {  	s6 =	sand.u32 $0x3FFFFC00, s29;
	[sflag:s13] =	ssyncset.done $0x0  }
0x3d5: {  	s6 =	sadd.s32 s6, s4;
	[sflag:s13] =	ssyncadd.s32 $0xFFFFFE00  }
0x3d6: {  	[spmem:s6] =	stream.linear.scatter [tilespmem:s25], [sflag:$0x3], $0x200, $0x200038;
	[tilespmem:$0x13D00] =	vst v63  }
0x3d7: {  	_ =	swait.ge [sflag:s13], $0x200  }
0x3d8: {  	p2 =	seq.s32 s31, $0x7;
	[sflag:s13] =	ssyncset.done $0x0  }
0x3d9: {  	s6 =	sshll.u32 @!p2 s31, $0xE;
	[sflag:s13] =	ssyncadd.s32 $0xFFFFFE00  }
0x3da: {  	s28 =	simm.s32 $0x0;
	s6 =	sand.u32 @!p2 $0x3FFFC000, s6;
	_ =	swait.ge [sflag:s26], $0x2000  }
0x3db: {  	s7 =	simm.s32 @!p2 $0xD200;
	s6 =	sadd.s32 @!p2 s6, s3;
	[sflag:s26] =	ssyncset.done $0x0  }
0x3dc: {  	s19 =	simm.s32 $0x0;
	s6 =	sadd.s32 @!p2 $0x4000, s6;
	[sflag:s26] =	ssyncadd.s32 $0xFFFFE000  }
0x3dd: {  	[tilespmem:s7], [sflag:$0x1] =	stream.linear.gather @!p2 [spmem:s6], $0x2000, $0x200038;
	[tilespmem:$0x13D00] =	vst v63  }
.LBB2_48:
0x3de: {  	s6 =	sshll.u32 s28, $0x9  }
0x3df: {  	s7 =	simm.s32 $0x0;
	s6 =	sand.u32 $0x3FFFFE00, s6  }
0x3e0: {  	s8 =	simm.s32 $0x0;
	s29 =	sadd.s32 $0xF200, s6;
	s6 =	simm.s32 $0x11420  }
.LBB2_49:
0x3e1: {  	s9 =	sand.u32 $0x180, s8  }
0x3e2: {  	s10 =	sand.u32 $0x40, s8;
	s9 =	sadd.s32 s9, s29  }
0x3e3: {  	s9 =	sadd.s32 s10, s9  }
0x3e4: {  	v5 =	vld [tilespmem:s9+$0x0];
	_ =	sdelay $0x7  }
0x3e5: {  	v6 =	vmov s7;
	v5 =	vld.idx.msk [tilespmem:v5+s22+$0x0], $0xffff  }
0x3e6: {  	v6 =	vand.u32 $0xFFFFFFFC, v6  }
0x3e7: {  	v6 =	vbroadcast v6, $0x0;
	_ =	sdelay $0x2  }
0x3e8: {  	s9 =	sadd.s32 $0x10, s8;
	vm1 =	veq.s32 v5, $0x0  }
0x3e9: {  	s10 =	sand.u32 $0x180, s9;
	v5 =	vsel vm1, $0x1, v1;
	v7 =	vmpcnt.ones.xlane vm1  }
0x3ea: {  	s9 =	sand.u32 $0x50, s9;
	s10 =	sadd.s32 s10, s29;
	[tilespmem:s6+$0xFFFFFFE0] =	vst v5  }
0x3eb: {  	s9 =	sadd.s32 s9, s10;
	[tilespmem:v6+s23+$0x0] =	vst.idx.msk vm0, v7  }
0x3ec: {  	v5 =	vld [tilespmem:s9+$0x0];
	_ =	sdelay $0x6  }
0x3ed: {  	s10 =	sadd.s32 $0x1, s7  }
0x3ee: {  	v6 =	vmov s10;
	v5 =	vld.idx.msk [tilespmem:v5+s22+$0x0], $0xffff  }
0x3ef: {  	v6 =	vand.u32 $0xFFFFFFFD, v6  }
0x3f0: {  	v6 =	vbroadcast v6, $0x0;
	_ =	sdelay $0x2  }
0x3f1: {  	s9 =	sadd.s32 $0x20, s8;
	vm1 =	veq.s32 v5, $0x0  }
0x3f2: {  	s10 =	sand.u32 $0x180, s9;
	v5 =	vsel vm1, $0x1, v1;
	v7 =	vmpcnt.ones.xlane vm1  }
0x3f3: {  	s9 =	sand.u32 $0x60, s9;
	s10 =	sadd.s32 s10, s29;
	[tilespmem:s6+$0xFFFFFFF0] =	vst v5  }
0x3f4: {  	s9 =	sadd.s32 s9, s10;
	[tilespmem:v6+s23+$0x0] =	vst.idx.msk vm0, v7  }
0x3f5: {  	v5 =	vld [tilespmem:s9+$0x0];
	_ =	sdelay $0x6  }
0x3f6: {  	s10 =	sadd.s32 $0x2, s7  }
0x3f7: {  	v6 =	vmov s10;
	v5 =	vld.idx.msk [tilespmem:v5+s22+$0x0], $0xffff  }
0x3f8: {  	v6 =	vand.u32 $0xFFFFFFFE, v6  }
0x3f9: {  	v6 =	vbroadcast v6, $0x0;
	_ =	sdelay $0x2  }
0x3fa: {  	s9 =	sadd.s32 $0x30, s8;
	vm1 =	veq.s32 v5, $0x0  }
0x3fb: {  	s10 =	sand.u32 $0x180, s9;
	v5 =	vsel vm1, $0x1, v1;
	v7 =	vmpcnt.ones.xlane vm1  }
0x3fc: {  	s9 =	sand.u32 $0x70, s9;
	s10 =	sadd.s32 s10, s29;
	[tilespmem:s6+$0x0] =	vst v5  }
0x3fd: {  	s9 =	sadd.s32 s9, s10;
	[tilespmem:v6+s23+$0x0] =	vst.idx.msk vm0, v7  }
0x3fe: {  	v5 =	vld [tilespmem:s9+$0x0];
	_ =	sdelay $0x7  }
0x3ff: {  	v5 =	vld.idx.msk [tilespmem:v5+s22+$0x0], $0xffff;
	_ =	sdelay $0x1  }
0x400: {  	s10 =	sadd.s32 $0x3, s7  }
0x401: {  	p2 =	sne.s32 s8, $0x1C0;
	v6 =	vmov s10  }
.Ltmp25:
0x402: {  	_ = 	snop;
	(pc) =	sbr.rel @p2 .LBB2_49-.Ltmp25, $4  }
0x403: {  	vm1 =	veq.s32 v5, $0x0  }
0x404: {  	v5 =	vsel vm1, $0x1, v1;
	v7 =	vmpcnt.ones.xlane vm1  }
0x405: {  	[tilespmem:s6+$0x10] =	vst v5  }
0x406: {  	s8 =	sadd.s32 $0x40, s8;
	s7 =	sadd.s32 $0x4, s7;
	s6 =	sadd.s32 $0x40, s6;
	[tilespmem:v6+s23+$0x0] =	vst.idx.msk vm0, v7  }
0x407: {  	v7 =	vld [tilespmem:$0x11600]  }
0x408: {  	v8 =	vld [tilespmem:$0x11610];
	_ =	sdelay $0x3  }
0x409: {  	(xrf0) =	vadd.scan.msk.s32 $0xffff, v7  }
0x40a: {  	(xrf0) =	vadd.scan.msk.s32 $0xffff, v8;
	_ =	sdelay $0x4  }
0x40b: {  	v5, _, _ =	vpop (xrf0)  }
0x40c: {  	v6, _, _ =	vpop (xrf0);
	v9 =	vbroadcast v5, $0xF  }
0x40d: {  	v10 =	vmov s19;
	v7 =	vsub.s32 v5, v7;
	v8 =	vsub.s32 v6, v8  }
0x40e: {  	[tilespmem:$0x11680] =	vst v7;
	v7 =	vadd.s32 v9, v8;
	v8 =	vadd.s32 $0xFFFFFFFF, v10  }
0x40f: {  	s6 =	simm.s32 $0x0;
	s7 =	simm.s32 $0x11420;
	s8 =	simm.s32 $0x0;
	[tilespmem:$0x11690] =	vst v7;
	v7 =	vbroadcast v8, $0x0  }
.LBB2_51:
0x410: {  	v8 =	vmov s6  }
0x411: {  	v8 =	vand.u32 $0xFFFFFFFC, v8  }
0x412: {  	v9 =	vld [tilespmem:s7+$0xFFFFFFE0];
	v8 =	vbroadcast v8, $0x0;
	_ =	sdelay $0x4  }
0x413: {  	(xrf0) =	vadd.scan.msk.s32 $0xffff, v9  }
0x414: {  	v8 =	vld.idx.msk [tilespmem:v8+s24+$0x0], $0xffff;
	_ =	sdelay $0x3  }
0x415: {  	s9 =	sand.u32 $0x180, s8  }
0x416: {  	s10 =	sand.u32 $0x40, s8;
	s9 =	sadd.s32 s9, s29;
	v10, _, _ =	vpop (xrf0);
	v8 =	vadd.s32 v8, v7  }
0x417: {  	s9 =	sadd.s32 s10, s9;
	v8 =	vadd.s32 v10, v8  }
0x418: {  	v54 =	vld [tilespmem:s9+$0x0];
	vm1 =	veq.s32 v9, $0x1;
	vm2 =	vlt.s32 v8, $0x200  }
0x419: {  	vm1 =	vmand vm1, vm2;
	_ =	sdelay $0x4  }
0x41a: {  	s10 =	sadd.s32 $0x1, s6  }
0x41b: {  	[tilespmem:v8+s25+$0x0] =	vst.idx.msk vm1, v54;
	v8 =	vmov s10  }
0x41c: {  	[tilespmem:v54+s22+$0x0] =	vst.idx.msk vm1, v3;
	v8 =	vand.u32 $0xFFFFFFFD, v8  }
0x41d: {  	v55 =	vld [tilespmem:s7+$0xFFFFFFF0];
	v8 =	vbroadcast v8, $0x0;
	_ =	sdelay $0x4  }
0x41e: {  	(xrf0) =	vadd.scan.msk.s32 $0xffff, v55  }
0x41f: {  	v8 =	vld.idx.msk [tilespmem:v8+s24+$0x0], $0xffff;
	_ =	sdelay $0x2  }
0x420: {  	s9 =	sadd.s32 $0x10, s8  }
0x421: {  	s10 =	sand.u32 $0x180, s9  }
0x422: {  	s9 =	sand.u32 $0x50, s9;
	s10 =	sadd.s32 s10, s29;
	v56, _, _ =	vpop (xrf0);
	v8 =	vadd.s32 v8, v7  }
0x423: {  	s9 =	sadd.s32 s9, s10;
	v8 =	vadd.s32 v56, v8  }
0x424: {  	v57 =	vld [tilespmem:s9+$0x0];
	vm1 =	veq.s32 v55, $0x1;
	vm2 =	vlt.s32 v8, $0x200  }
0x425: {  	vm1 =	vmand vm1, vm2;
	_ =	sdelay $0x4  }
0x426: {  	s10 =	sadd.s32 $0x2, s6  }
0x427: {  	[tilespmem:v8+s25+$0x0] =	vst.idx.msk vm1, v57;
	v8 =	vmov s10  }
0x428: {  	[tilespmem:v57+s22+$0x0] =	vst.idx.msk vm1, v3;
	v8 =	vand.u32 $0xFFFFFFFE, v8  }
0x429: {  	v58 =	vld [tilespmem:s7+$0x0];
	v8 =	vbroadcast v8, $0x0;
	_ =	sdelay $0x4  }
0x42a: {  	(xrf0) =	vadd.scan.msk.s32 $0xffff, v58  }
0x42b: {  	v8 =	vld.idx.msk [tilespmem:v8+s24+$0x0], $0xffff;
	_ =	sdelay $0x2  }
0x42c: {  	s9 =	sadd.s32 $0x20, s8  }
0x42d: {  	s10 =	sand.u32 $0x180, s9  }
0x42e: {  	s9 =	sand.u32 $0x60, s9;
	s10 =	sadd.s32 s10, s29;
	v59, _, _ =	vpop (xrf0);
	v8 =	vadd.s32 v8, v7  }
0x42f: {  	s9 =	sadd.s32 s9, s10;
	v8 =	vadd.s32 v59, v8  }
0x430: {  	v60 =	vld [tilespmem:s9+$0x0];
	vm1 =	veq.s32 v58, $0x1;
	vm2 =	vlt.s32 v8, $0x200  }
0x431: {  	vm1 =	vmand vm1, vm2;
	_ =	sdelay $0x5  }
0x432: {  	[tilespmem:v8+s25+$0x0] =	vst.idx.msk vm1, v60  }
0x433: {  	[tilespmem:v60+s22+$0x0] =	vst.idx.msk vm1, v3  }
0x434: {  	s10 =	sadd.s32 $0x3, s6;
	v8 =	vld [tilespmem:s7+$0x10]  }
0x435: {  	v61 =	vmov s10;
	_ =	sdelay $0x3  }
0x436: {  	(xrf0) =	vadd.scan.msk.s32 $0xffff, v8  }
0x437: {  	v9 =	vld.idx.msk [tilespmem:v61+s24+$0x0], $0xffff;
	_ =	sdelay $0x2  }
0x438: {  	s9 =	sadd.s32 $0x30, s8  }
0x439: {  	s10 =	sand.u32 $0x180, s9  }
0x43a: {  	s9 =	sand.u32 $0x70, s9;
	s10 =	sadd.s32 s10, s29;
	v9 =	vadd.s32 v9, v7;
	v62, _, _ =	vpop (xrf0)  }
0x43b: {  	s9 =	sadd.s32 s9, s10;
	v9 =	vadd.s32 v62, v9  }
0x43c: {  	v63 =	vld [tilespmem:s9+$0x0];
	vm1 =	veq.s32 v8, $0x1;
	vm2 =	vlt.s32 v9, $0x200  }
0x43d: {  	vm1 =	vmand vm1, vm2;
	_ =	sdelay $0x1  }
0x43e: {  	p2 =	sne.s32 s8, $0x1C0  }
.Ltmp26:
0x43f: {  	_ = 	snop;
	(pc) =	sbr.rel @p2 .LBB2_51-.Ltmp26, $3  }
0x440: {  	_ =	sdelay $0x1  }
0x441: {  	[tilespmem:v9+s25+$0x0] =	vst.idx.msk vm1, v63  }
0x442: {  	s6 =	sadd.s32 $0x4, s6;
	s8 =	sadd.s32 $0x40, s8;
	s7 =	sadd.s32 $0x40, s7;
	[tilespmem:v63+s22+$0x0] =	vst.idx.msk vm1, v3  }
0x443: {  	(v2sf) =	vpush v5, $0xF  }
0x444: {  	(v2sf) =	vpush v6, $0xF;
	_ =	sdelay $0xd  }
0x445: {  	s6 =	spop (v2sf)  }
0x446: {  	s7 =	spop (v2sf);
	s6 =	sadd.s32 s19, s6  }
0x447: {  	p2 =	sgt.u32 s28, $0xE;
	s19 =	sadd.s32 s7, s6  }
0x448: {  	p3 =	slt.s32 @!p2 s19, $0x200  }
0x449: {  	p2 =	por p2, !p3  }
.Ltmp27:
0x44a: {  	_ = 	snop;
	(pc) =	sbr.rel @!p2 .LBB2_48-.Ltmp27, $2  }
0x44b: {  	_ =	sdelay $0x2  }
0x44c: {  	s28 =	sadd.s32 $0x1, s28  }
0x44d: {  	s6 =	sshll.u32 s0, $0x4  }
0x44e: {  	s2 =	sadd.s32 s1, s2;
	s6 =	sand.u32 $0x70, s6  }
0x44f: {  	s2 =	sadd.s32 s6, s2  }
0x450: {  	[hbm4b:s2+s11] =	stream.strided.scatter [tilespmem:s25], [sflag:$0x3], $0x200, s12, s11, $0x200038;
	[tilespmem:$0x13D00] =	vst v63  }
0x451: {  	s29 =	sshll.u32 s0, $0x9;
	s31 =	sadd.s32 $0x1, s31;
	_ =	swait.ge [sflag:s13], $0x200  }
0x452: {  	s0 =	sand.u32 $0x3FFFFE00, s29;
	p2 =	sne.s32 s31, $0x8;
	[sflag:s13] =	ssyncset.done $0x0  }
.Ltmp28:
0x453: {  	s0 =	sadd.s32 s0, s4;
	[sflag:s13] =	ssyncadd.s32 $0xFFFFFE00;
	(pc) =	sbr.rel @p2 .LBB2_41-.Ltmp28, $4  }
0x454: {  	[spmem:s0] =	stream.linear.scatter [tilespmem:s25], [sflag:$0x3], $0x200, $0x200038;
	[tilespmem:$0x13D00] =	vst v63  }
0x455: {  	_ =	swait.ge [sflag:s13], $0x200  }
0x456: {  	[sflag:s13] =	ssyncset.done $0x0  }
0x457: {  	[sflag:s13] =	ssyncadd.s32 $0xFFFFFE00  }
0x458: {  	_ =	strace $0x90000049  }
0x459: {  	s9 =	rddreg [dreg:$0xa]  }
.LBB2_55:
.Ltmp29:
0x45a: {  	(pc) =	sbr.rel @p0 .LBB2_57-.Ltmp29, $2  }
0x45b: {  	_ =	sdelay $0x1  }
0x45c: {  	[bflag:$0x0] =	sbarrier.arrive $0xFFFF;
	_ =	sdelay $0x1  }
0x45d: {  	_ =	strace $0x8000004A  }
0x45e: {  	s2 =	simm.s32 $0x11700;
	s0 =	rddreg [dreg:$0x8]  }
0x45f: {  	[tilespmem:s2], [sflag:$0x3] =	stream.linear.gather [spmem:s0], $0x200, $0x200038;
	[tilespmem:$0x13D00] =	vst v63  }
0x460: {  	_ =	swait.ge [sflag:s13], $0x200  }
0x461: {  	[sflag:s13] =	ssyncset.done $0x0  }
0x462: {  	[sflag:s13] =	ssyncadd.s32 $0xFFFFFE00  }
0x463: {  	v5 =	vld [tilespmem:$0x11700];
	_ =	sdelay $0x5  }
0x464: {  	v6 =	vld [tilespmem:$0x11710];
	_ =	sdelay $0x1  }
0x465: {  	v5 =	vld.idx.msk [tilespmem:v5+s5+$0x0], $0xffff;
	_ =	sdelay $0x3  }
0x466: {  	v7 =	vld [tilespmem:$0x11720]  }
0x467: {  	[tilespmem:$0x11900] =	vst v5  }
0x468: {  	v5 =	vld.idx.msk [tilespmem:v6+s5+$0x0], $0xffff;
	_ =	sdelay $0x3  }
0x469: {  	v6 =	vld [tilespmem:$0x11730]  }
0x46a: {  	[tilespmem:$0x11910] =	vst v5  }
0x46b: {  	v5 =	vld.idx.msk [tilespmem:v7+s5+$0x0], $0xffff;
	_ =	sdelay $0x3  }
0x46c: {  	v7 =	vld [tilespmem:$0x11740]  }
0x46d: {  	[tilespmem:$0x11920] =	vst v5  }
0x46e: {  	v5 =	vld.idx.msk [tilespmem:v6+s5+$0x0], $0xffff;
	_ =	sdelay $0x3  }
0x46f: {  	v6 =	vld [tilespmem:$0x11750]  }
0x470: {  	[tilespmem:$0x11930] =	vst v5  }
0x471: {  	v5 =	vld.idx.msk [tilespmem:v7+s5+$0x0], $0xffff;
	_ =	sdelay $0x3  }
0x472: {  	v7 =	vld [tilespmem:$0x11760]  }
0x473: {  	[tilespmem:$0x11940] =	vst v5  }
0x474: {  	v5 =	vld.idx.msk [tilespmem:v6+s5+$0x0], $0xffff;
	_ =	sdelay $0x3  }
0x475: {  	v6 =	vld [tilespmem:$0x11770]  }
0x476: {  	[tilespmem:$0x11950] =	vst v5  }
0x477: {  	v5 =	vld.idx.msk [tilespmem:v7+s5+$0x0], $0xffff;
	_ =	sdelay $0x3  }
0x478: {  	v7 =	vld [tilespmem:$0x11780]  }
0x479: {  	[tilespmem:$0x11960] =	vst v5  }
0x47a: {  	v5 =	vld.idx.msk [tilespmem:v6+s5+$0x0], $0xffff;
	_ =	sdelay $0x3  }
0x47b: {  	v6 =	vld [tilespmem:$0x11790]  }
0x47c: {  	[tilespmem:$0x11970] =	vst v5  }
0x47d: {  	v5 =	vld.idx.msk [tilespmem:v7+s5+$0x0], $0xffff;
	_ =	sdelay $0x3  }
0x47e: {  	v7 =	vld [tilespmem:$0x117A0]  }
0x47f: {  	[tilespmem:$0x11980] =	vst v5  }
0x480: {  	v5 =	vld.idx.msk [tilespmem:v6+s5+$0x0], $0xffff;
	_ =	sdelay $0x3  }
0x481: {  	v6 =	vld [tilespmem:$0x117B0]  }
0x482: {  	[tilespmem:$0x11990] =	vst v5  }
0x483: {  	v5 =	vld.idx.msk [tilespmem:v7+s5+$0x0], $0xffff;
	_ =	sdelay $0x3  }
0x484: {  	v7 =	vld [tilespmem:$0x117C0]  }
0x485: {  	[tilespmem:$0x119A0] =	vst v5  }
0x486: {  	v5 =	vld.idx.msk [tilespmem:v6+s5+$0x0], $0xffff;
	_ =	sdelay $0x3  }
0x487: {  	v6 =	vld [tilespmem:$0x117D0]  }
0x488: {  	[tilespmem:$0x119B0] =	vst v5  }
0x489: {  	v5 =	vld.idx.msk [tilespmem:v7+s5+$0x0], $0xffff;
	_ =	sdelay $0x3  }
0x48a: {  	v7 =	vld [tilespmem:$0x117E0]  }
0x48b: {  	[tilespmem:$0x119C0] =	vst v5  }
0x48c: {  	v5 =	vld.idx.msk [tilespmem:v6+s5+$0x0], $0xffff;
	_ =	sdelay $0x3  }
0x48d: {  	v6 =	vld [tilespmem:$0x117F0]  }
0x48e: {  	[tilespmem:$0x119D0] =	vst v5  }
0x48f: {  	v5 =	vld.idx.msk [tilespmem:v7+s5+$0x0], $0xffff;
	_ =	sdelay $0x3  }
0x490: {  	v7 =	vld [tilespmem:$0x11800]  }
0x491: {  	[tilespmem:$0x119E0] =	vst v5  }
0x492: {  	v5 =	vld.idx.msk [tilespmem:v6+s5+$0x0], $0xffff;
	_ =	sdelay $0x3  }
0x493: {  	v6 =	vld [tilespmem:$0x11810]  }
0x494: {  	[tilespmem:$0x119F0] =	vst v5  }
0x495: {  	v5 =	vld.idx.msk [tilespmem:v7+s5+$0x0], $0xffff;
	_ =	sdelay $0x3  }
0x496: {  	v7 =	vld [tilespmem:$0x11820]  }
0x497: {  	[tilespmem:$0x11A00] =	vst v5  }
0x498: {  	v5 =	vld.idx.msk [tilespmem:v6+s5+$0x0], $0xffff;
	_ =	sdelay $0x3  }
0x499: {  	v6 =	vld [tilespmem:$0x11830]  }
0x49a: {  	[tilespmem:$0x11A10] =	vst v5  }
0x49b: {  	v5 =	vld.idx.msk [tilespmem:v7+s5+$0x0], $0xffff;
	_ =	sdelay $0x3  }
0x49c: {  	v7 =	vld [tilespmem:$0x11840]  }
0x49d: {  	[tilespmem:$0x11A20] =	vst v5  }
0x49e: {  	v5 =	vld.idx.msk [tilespmem:v6+s5+$0x0], $0xffff;
	_ =	sdelay $0x3  }
0x49f: {  	v6 =	vld [tilespmem:$0x11850]  }
0x4a0: {  	[tilespmem:$0x11A30] =	vst v5  }
0x4a1: {  	v5 =	vld.idx.msk [tilespmem:v7+s5+$0x0], $0xffff;
	_ =	sdelay $0x3  }
0x4a2: {  	v7 =	vld [tilespmem:$0x11860]  }
0x4a3: {  	[tilespmem:$0x11A40] =	vst v5  }
0x4a4: {  	v5 =	vld.idx.msk [tilespmem:v6+s5+$0x0], $0xffff;
	_ =	sdelay $0x3  }
0x4a5: {  	v6 =	vld [tilespmem:$0x11870]  }
0x4a6: {  	[tilespmem:$0x11A50] =	vst v5  }
0x4a7: {  	v5 =	vld.idx.msk [tilespmem:v7+s5+$0x0], $0xffff;
	_ =	sdelay $0x3  }
0x4a8: {  	v7 =	vld [tilespmem:$0x11880]  }
0x4a9: {  	[tilespmem:$0x11A60] =	vst v5  }
0x4aa: {  	v5 =	vld.idx.msk [tilespmem:v6+s5+$0x0], $0xffff;
	_ =	sdelay $0x3  }
0x4ab: {  	v6 =	vld [tilespmem:$0x11890]  }
0x4ac: {  	[tilespmem:$0x11A70] =	vst v5  }
0x4ad: {  	v5 =	vld.idx.msk [tilespmem:v7+s5+$0x0], $0xffff;
	_ =	sdelay $0x3  }
0x4ae: {  	v7 =	vld [tilespmem:$0x118A0]  }
0x4af: {  	[tilespmem:$0x11A80] =	vst v5  }
0x4b0: {  	v5 =	vld.idx.msk [tilespmem:v6+s5+$0x0], $0xffff;
	_ =	sdelay $0x3  }
0x4b1: {  	v6 =	vld [tilespmem:$0x118B0]  }
0x4b2: {  	[tilespmem:$0x11A90] =	vst v5  }
0x4b3: {  	v5 =	vld.idx.msk [tilespmem:v7+s5+$0x0], $0xffff;
	_ =	sdelay $0x3  }
0x4b4: {  	v7 =	vld [tilespmem:$0x118C0]  }
0x4b5: {  	[tilespmem:$0x11AA0] =	vst v5  }
0x4b6: {  	v5 =	vld.idx.msk [tilespmem:v6+s5+$0x0], $0xffff;
	_ =	sdelay $0x3  }
0x4b7: {  	v6 =	vld [tilespmem:$0x118D0]  }
0x4b8: {  	[tilespmem:$0x11AB0] =	vst v5  }
0x4b9: {  	v5 =	vld.idx.msk [tilespmem:v7+s5+$0x0], $0xffff;
	_ =	sdelay $0x3  }
0x4ba: {  	v7 =	vld [tilespmem:$0x118E0]  }
0x4bb: {  	[tilespmem:$0x11AC0] =	vst v5  }
0x4bc: {  	v5 =	vld.idx.msk [tilespmem:v6+s5+$0x0], $0xffff;
	_ =	sdelay $0x3  }
0x4bd: {  	v6 =	vld [tilespmem:$0x118F0]  }
0x4be: {  	[tilespmem:$0x11AD0] =	vst v5  }
0x4bf: {  	v5 =	vld.idx.msk [tilespmem:v7+s5+$0x0], $0xffff;
	_ =	sdelay $0x4  }
0x4c0: {  	[tilespmem:$0x11AE0] =	vst v5  }
0x4c1: {  	v5 =	vld.idx.msk [tilespmem:v6+s5+$0x0], $0xffff;
	_ =	sdelay $0x4  }
0x4c2: {  	s31 =	simm.s32 $0x11900;
	s29 =	rddreg [dreg:$0x9];
	[tilespmem:$0x11AF0] =	vst v5  }
0x4c3: {  	[hbm4b:s29+s11] =	stream.strided.scatter [tilespmem:s31], [sflag:$0x3], $0x200, s12, s11, $0x200038;
	[tilespmem:$0x13D00] =	vst v63  }
.Ltmp30:
0x4c4: {  	_ = 	snop;
	(pc) =	sbr.rel .LBB2_57-.Ltmp30, $4  }
0x4c5: {  	_ =	swait.ge [sflag:s13], $0x200  }
0x4c6: {  	[sflag:s13] =	ssyncset.done $0x0  }
0x4c7: {  	[sflag:s13] =	ssyncadd.s32 $0xFFFFFE00  }
0x4c8: {  	_ =	strace $0x9000004A  }
.LBB2_58:
0x4c9: {  	_ =	sfence.sel $0x180000  }
0x4ca: {  	[bflag:$0x0] =	sbarrier.arrive $0xFFFF  }
0x4cb: {  	_ =	strace $0x90000047  }
0x4cc: {  	s0 =	stileid.u32;
	[bflag:$0x2] =	sbarrier.arrive $0xFFFF  }
0x4cd: {  	p0 =	sne.s32 s0, $0x0;
	s0 =	rddreg [dreg:$0x5]  }
0x4ce: {  	s0 =	sadd.s32 @!p0 $0x100000, s0  }
0x4cf: {  	[sflag:s0] =	ssyncadd.tile.s32 @!p0 $0x1;
	_ =	shalt  }
.Lfunc_end2:
_tile_overlayer_lowered:
.L_overlay_start_2:
0x4d0: {  	(tag) =	ssettag $0x2  }
0x4d1: {  	s0 =	rddreg [dreg:$0x0];
	s2 =	stileid.u32  }
0x4d2: {  	s1 =	rddreg [dreg:$0x1];
	p0 =	sne.s32 s2, $0x0  }
0x4d3: {  	s3 =	rddreg [dreg:$0x2];
	[bflag:$0x3] =	sbarrier.arrive $0xFFFF;
	s2 =	simm.s32 @!p0 $0x1C03  }
0x4d4: {  	[timem:s3], [sflag:s2] =	dma.local @!p0 [hbm:s0], s1  }
0x4d5: {  	s0 =	simm.s32 @!p0 $0x3  }
0x4d6: {  	_ =	swait.ge @!p0 [sflag:s0], s1  }
0x4d7: {  	s1 =	ssub.s32 @!p0 $0x0, s1;
	[sflag:s0] =	ssyncset.done @!p0 $0x0  }
0x4d8: {  	[sflag:s0] =	ssyncadd.s32 @!p0 s1  }
0x4d9: {  	[bflag:$0x3] =	sbarrier.arrive $0xFFFF  }
0x4da: {  	_ =	shalt  }

</sc_bundles>
